<compile_context>
chip_gen: v7x
topology: tpu7x:2x2x1
jax: 0.10.2.dev20260603
libtpu: 0.0.44.dev20260713+nightly
codegen_flags: <defaults>
</compile_context>

<pallas_src>
import functools

import jax
import jax.numpy as jnp
from jax import lax
from jax.experimental import pallas as pl
from jax.experimental.pallas import tpu as pltpu
from jax.experimental.pallas import tpu_sc as plsc

D = 2048
MIN_CUTOFF = D // 4
N_OCT = 3
LANES = 16

_OCTS = []
for _o in range(1, N_OCT + 1):
    _s = 2 ** _o
    _sstart = MIN_CUTOFF // _s
    _send = min(MIN_CUTOFF, D // _s)
    _OCTS.append((_sstart, _s, _send - _sstart))

_LO = MIN_CUTOFF
_HI = D - _LO

_R = 8
_NBUF = 4


@functools.cache
def _make_kernel(batch: int, seq: int):
    info = plsc.get_sparse_core_info()
    nc, ns = info.num_cores, info.num_subcores
    nw = nc * ns
    n_tokens = batch * seq
    assert n_tokens % (nw * _R) == 0 and nw % batch == 0
    rows_per_w = n_tokens // nw
    wpb = nw // batch
    g_chunks = rows_per_w // _R
    assert g_chunks % _NBUF == 0

    mesh = plsc.VectorSubcoreMesh(core_axis_name="c", subcore_axis_name="s")

    @functools.partial(
        pl.kernel,
        mesh=mesh,
        out_type=jax.ShapeDtypeStruct((batch, seq, D), jnp.float32),
        scratch_types=(
            [pltpu.VMEM((_R, _LO), jnp.float32) for _ in range(_NBUF)]
            + [pltpu.VMEM((_R, _HI), jnp.float32) for _ in range(_NBUF)]
            + [pltpu.VMEM((N_OCT * LANES,), jnp.float32)]
            + [pltpu.SemaphoreType.DMA for _ in range(4 * _NBUF)]
        ),
        compiler_params=pltpu.CompilerParams(
            needs_layout_passes=False,
            skip_device_barrier=True,
            disable_bounds_checks=True,
        ),
    )
    def k(x_hbm, w_hbm, out_hbm, *scratch):
        los = scratch[:_NBUF]
        his = scratch[_NBUF : 2 * _NBUF]
        wbuf = scratch[2 * _NBUF]
        sems = scratch[2 * _NBUF + 1 :]
        ld_lo = sems[:_NBUF]
        ld_hi = sems[_NBUF : 2 * _NBUF]
        st_lo = sems[2 * _NBUF : 3 * _NBUF]
        st_hi = sems[3 * _NBUF :]

        wid = lax.axis_index("s") * nc + lax.axis_index("c")
        b = wid // wpb
        row0 = (wid % wpb) * rows_per_w

        pltpu.sync_copy(w_hbm, wbuf)
        iota = lax.iota(jnp.int32, LANES)
        wvecs = []
        for o in range(N_OCT):
            v = wbuf[pl.ds(LANES * o, LANES)]
            wvecs.append(1.0 / (1.0 + jnp.exp(-v)))

        def loads(g, bi):
            rows = pl.ds(row0 + g * _R, _R)
            return (
                pltpu.make_async_copy(
                    x_hbm.at[b, rows, pl.ds(0, _LO)], los[bi], ld_lo[bi]),
                pltpu.make_async_copy(
                    x_hbm.at[b, rows, pl.ds(_LO, _HI)], his[bi], ld_hi[bi]),
            )

        def stores(g, bi):
            rows = pl.ds(row0 + g * _R, _R)
            return (
                pltpu.make_async_copy(
                    los[bi], out_hbm.at[b, rows, pl.ds(0, _LO)], st_lo[bi]),
                pltpu.make_async_copy(
                    his[bi], out_hbm.at[b, rows, pl.ds(_LO, _HI)], st_hi[bi]),
            )

        def start(copies):
            for c in copies:
                c.start()

        def wait(copies):
            for c in copies:
                c.wait()

        def compute(lo, hi):
            @plsc.parallel_loop(0, _R, unroll=4)
            def _(r):
                ridx = jnp.full((LANES,), 0, jnp.int32) + r
                for (sbase, stride, cnt), sv in zip(_OCTS, wvecs):
                    n = cnt // LANES
                    vals = [
                        lo[r, pl.ds(sbase + LANES * i, LANES)] * sv
                        for i in range(n)
                    ]
                    for i in range(n):
                        tgt = stride * LANES * i + stride * iota
                        plsc.addupdate_scatter(hi, [ridx, tgt], vals[i])

        start(loads(0, 0))
        start(loads(1, 1))

        def outer(j, carry):
            for bi in range(_NBUF):
                g = _NBUF * j + bi
                nbi = (bi + 2) % _NBUF

                @pl.when(g + 2 < g_chunks)
                def _():
                    @pl.when(g >= 2)
                    def _():
                        wait(stores(g - 2, nbi))

                    start(loads(g + 2, nbi))

                wait(loads(g, bi))
                compute(los[bi], his[bi])
                start(stores(g, bi))
            return carry

        lax.fori_loop(0, g_chunks // _NBUF, outer, 0)
        for gg in range(g_chunks - _NBUF, g_chunks):
            wait(stores(gg, gg % _NBUF))

    return k


def kernel(x, weights):
    batch, seq, _ = x.shape
    wr = jnp.repeat(weights, LANES)
    return _make_kernel(batch, seq)(x, wr)

# --- scband reference (transcript-rebuilt; emitter-appended) ---
"""Pipeline reference for scband-matryoshka-harmonic-mixing-53824530154176 (READ-ONLY COPY).

The authoritative reference and input builder live on the scoring server;
editing this copy changes nothing except your own understanding.
"""

import jax, jax.numpy as jnp
import numpy as np

D_MODEL = 2048
N_OCTAVES = 3
MIN_BANDWIDTH = 0.25
MIN_CUTOFF = int(D_MODEL * MIN_BANDWIDTH)


def _build_index_maps(d_model, n_octaves, min_cutoff):
    maps = []
    for octave in range(1, n_octaves + 1):
        stride = 2 ** octave
        i = np.arange(min_cutoff)
        tgt = i * stride
        mask = (tgt < d_model) & (tgt >= min_cutoff)
        src_idx = i[mask]
        tgt_idx = tgt[mask]
        if src_idx.size > 0:
            maps.append((jnp.asarray(src_idx, dtype=jnp.int32), jnp.asarray(tgt_idx, dtype=jnp.int32)))
        else:
            maps.append(None)
    return maps


def setup_inputs(seed: int = 0) -> dict:
    key = jax.random.key(seed)
    kx, _ = jax.random.split(key)
    x = jax.random.normal(kx, (4, 2048, D_MODEL), dtype=jnp.float32)
    weights = jnp.ones((N_OCTAVES,), dtype=jnp.float32) * 0.1
    return {"x": x, "weights": weights}


def reference(x, weights):
    maps = _build_index_maps(D_MODEL, N_OCTAVES, MIN_CUTOFF)
    out = x
    for octave in range(N_OCTAVES):
        m = maps[octave]
        if m is None:
            continue
        src, tgt = m
        w = jax.nn.sigmoid(weights[octave])
        contribution = w * x[..., src]
        out = out.at[..., tgt].add(contribution)
    return out

if __name__ == "__main__":
    import jax
    _d = setup_inputs()
    print(jax.jit(kernel)(*tuple(_d.values())))

</pallas_src>

<mosaic_0001>
#map = affine_map<(d0, d1) -> (0, 0, 0)>
#map1 = affine_map<(d0, d1) -> (0)>
module attributes {stable_mosaic.version = 14 : i64} {
  func.func @k(%arg0: i32, %arg1: i32, %arg2: memref<4x2048x2048xf32, #tpu.memory_space<hbm>>, %arg3: memref<48xf32, #tpu.memory_space<hbm>>, %arg4: memref<4x2048x2048xf32, #tpu.memory_space<hbm>>, %arg5: memref<8x512xf32, #tpu.memory_space<vmem>>, %arg6: memref<8x512xf32, #tpu.memory_space<vmem>>, %arg7: memref<8x512xf32, #tpu.memory_space<vmem>>, %arg8: memref<8x512xf32, #tpu.memory_space<vmem>>, %arg9: memref<8x1536xf32, #tpu.memory_space<vmem>>, %arg10: memref<8x1536xf32, #tpu.memory_space<vmem>>, %arg11: memref<8x1536xf32, #tpu.memory_space<vmem>>, %arg12: memref<8x1536xf32, #tpu.memory_space<vmem>>, %arg13: memref<48xf32, #tpu.memory_space<vmem>>, %arg14: memref<!tpu.dma_semaphore, #tpu.memory_space<semaphore_mem>>, %arg15: memref<!tpu.dma_semaphore, #tpu.memory_space<semaphore_mem>>, %arg16: memref<!tpu.dma_semaphore, #tpu.memory_space<semaphore_mem>>, %arg17: memref<!tpu.dma_semaphore, #tpu.memory_space<semaphore_mem>>, %arg18: memref<!tpu.dma_semaphore, #tpu.memory_space<semaphore_mem>>, %arg19: memref<!tpu.dma_semaphore, #tpu.memory_space<semaphore_mem>>, %arg20: memref<!tpu.dma_semaphore, #tpu.memory_space<semaphore_mem>>, %arg21: memref<!tpu.dma_semaphore, #tpu.memory_space<semaphore_mem>>, %arg22: memref<!tpu.dma_semaphore, #tpu.memory_space<semaphore_mem>>, %arg23: memref<!tpu.dma_semaphore, #tpu.memory_space<semaphore_mem>>, %arg24: memref<!tpu.dma_semaphore, #tpu.memory_space<semaphore_mem>>, %arg25: memref<!tpu.dma_semaphore, #tpu.memory_space<semaphore_mem>>, %arg26: memref<!tpu.dma_semaphore, #tpu.memory_space<semaphore_mem>>, %arg27: memref<!tpu.dma_semaphore, #tpu.memory_space<semaphore_mem>>, %arg28: memref<!tpu.dma_semaphore, #tpu.memory_space<semaphore_mem>>, %arg29: memref<!tpu.dma_semaphore, #tpu.memory_space<semaphore_mem>>) attributes {dimension_semantics = [#tpu.dimension_semantics<core_parallel>, #tpu.dimension_semantics<subcore_parallel>], iteration_bounds = array<i64: 2, 16>, scalar_prefetch = 0 : i64, scratch_operands = 25 : i64, tpu.core_type = #tpu.core_type<sc_vector_subcore>, window_params = [{transform_indices = #map}, {transform_indices = #map1}, {transform_indices = #map}]} {
    %mul3A = arith.constant 2 : i32
    %mul3A_0 = arith.muli %arg1, %mul3A : i32
    %add3A = arith.addi %mul3A_0, %arg0 : i32
    %jit3A = arith.constant 8 : i32
    %div3A = arith.divsi %add3A, %jit3A : i32
    %sign3A = arith.constant 0 : i32
    %sign3A_1 = arith.cmpi sgt, %add3A, %sign3A : i32
    %sign3A_2 = arith.extui %sign3A_1 : i1 to i32
    %sign3A_3 = arith.constant 0 : i32
    %sign3A_4 = arith.cmpi slt, %add3A, %sign3A_3 : i32
    %sign3A_5 = arith.extui %sign3A_4 : i1 to i32
    %sign3A_6 = arith.subi %sign3A_2, %sign3A_5 : i32
    %sign3A_7 = arith.constant 0 : i32
    %sign3A_8 = arith.cmpi sgt, %jit3A, %sign3A_7 : i32
    %sign3A_9 = arith.extui %sign3A_8 : i1 to i32
    %sign3A_10 = arith.constant 0 : i32
    %sign3A_11 = arith.cmpi slt, %jit3A, %sign3A_10 : i32
    %sign3A_12 = arith.extui %sign3A_11 : i1 to i32
    %sign3A_13 = arith.subi %sign3A_9, %sign3A_12 : i32
    %ne3A = arith.cmpi ne, %sign3A_6, %sign3A_13 : i32
    %rem3A = arith.remsi %add3A, %jit3A : i32
    %ne3A_14 = arith.constant 0 : i32
    %ne3A_15 = arith.cmpi ne, %rem3A, %ne3A_14 : i32
    %and3A = arith.andi %ne3A, %ne3A_15 : i1
    %sub3A = arith.constant 1 : i32
    %sub3A_16 = arith.subi %div3A, %sub3A : i32
    %select_n3A = arith.select %and3A, %sub3A_16, %div3A : i32
    %jit3A_17 = arith.constant 8 : i32
    %eq3A = arith.constant 0 : i32
    %eq3A_18 = arith.cmpi eq, %jit3A_17, %eq3A : i32
    %jit3A_19 = arith.constant 1 : i32
    %select_n3A_20 = arith.select %eq3A_18, %jit3A_19, %jit3A_17 : i32
    %rem3A_21 = arith.remsi %add3A, %select_n3A_20 : i32
    %ne3A_22 = arith.constant 0 : i32
    %ne3A_23 = arith.cmpi ne, %rem3A_21, %ne3A_22 : i32
    %lt3A = arith.constant 0 : i32
    %lt3A_24 = arith.cmpi slt, %rem3A_21, %lt3A : i32
    %lt3A_25 = arith.constant 0 : i32
    %lt3A_26 = arith.cmpi slt, %select_n3A_20, %lt3A_25 : i32
    %ne3A_27 = arith.xori %lt3A_24, %lt3A_26 : i1
    %and3A_28 = arith.andi %ne3A_27, %ne3A_23 : i1
    %add3A_29 = arith.addi %rem3A_21, %select_n3A_20 : i32
    %select_n3A_30 = arith.select %and3A_28, %add3A_29, %rem3A_21 : i32
    %mul3A_31 = arith.constant 256 : i32
    %mul3A_32 = arith.muli %select_n3A_30, %mul3A_31 : i32
    "tpu.region"() ({
      %run_scoped3A = tpu.sem_alloc : memref<!tpu.dma_semaphore, #tpu.memory_space<semaphore_mem>>
      tpu.enqueue_dma source(%arg3 : memref<48xf32, #tpu.memory_space<hbm>>) target(%arg13 : memref<48xf32, #tpu.memory_space<vmem>>) target_semaphore(%run_scoped3A : memref<!tpu.dma_semaphore, #tpu.memory_space<semaphore_mem>>)
      tpu.wait_dma2 semaphore(%run_scoped3A : memref<!tpu.dma_semaphore, #tpu.memory_space<semaphore_mem>>) src(%arg3 : memref<48xf32, #tpu.memory_space<hbm>>) dst(%arg13 : memref<48xf32, #tpu.memory_space<vmem>>)
      tpu.yield
    }) : () -> ()
    %iota3A = tpu.iota {dimensions = array<i32: 0>} : vector<16xi32>
    %get3A = arith.constant 0 : index
    %get3A_33 = tpu.vector_load %arg13[%get3A] {strides = array<i32>} : memref<48xf32, #tpu.memory_space<vmem>>, vector<16xf32>,
    %neg3A = arith.constant 0.000000e+00 : f32
    %neg3A_34 = vector.broadcast %neg3A : f32 to vector<16xf32>
    %neg3A_35 = arith.subf %neg3A_34, %get3A_33 : vector<16xf32>
    %exp3A = math.exp %neg3A_35 : vector<16xf32>
    %add3A_36 = arith.constant 1.000000e+00 : f32
    %add3A_37 = vector.broadcast %add3A_36 : f32 to vector<16xf32>
    %add3A_38 = arith.addf %add3A_37, %exp3A : vector<16xf32>
    %div3A_39 = arith.constant 1.000000e+00 : f32
    %div3A_40 = vector.broadcast %div3A_39 : f32 to vector<16xf32>
    %div3A_41 = arith.divf %div3A_40, %add3A_38 : vector<16xf32>
    %get3A_42 = arith.constant 16 : index
    %get3A_43 = tpu.vector_load %arg13[%get3A_42] {strides = array<i32>} : memref<48xf32, #tpu.memory_space<vmem>>, vector<16xf32>,
    %neg3A_44 = arith.constant 0.000000e+00 : f32
    %neg3A_45 = vector.broadcast %neg3A_44 : f32 to vector<16xf32>
    %neg3A_46 = arith.subf %neg3A_45, %get3A_43 : vector<16xf32>
    %exp3A_47 = math.exp %neg3A_46 : vector<16xf32>
    %add3A_48 = arith.constant 1.000000e+00 : f32
    %add3A_49 = vector.broadcast %add3A_48 : f32 to vector<16xf32>
    %add3A_50 = arith.addf %add3A_49, %exp3A_47 : vector<16xf32>
    %div3A_51 = arith.constant 1.000000e+00 : f32
    %div3A_52 = vector.broadcast %div3A_51 : f32 to vector<16xf32>
    %div3A_53 = arith.divf %div3A_52, %add3A_50 : vector<16xf32>
    %get3A_54 = arith.constant 32 : index
    %get3A_55 = tpu.vector_load %arg13[%get3A_54] {strides = array<i32>} : memref<48xf32, #tpu.memory_space<vmem>>, vector<16xf32>,
    %neg3A_56 = arith.constant 0.000000e+00 : f32
    %neg3A_57 = vector.broadcast %neg3A_56 : f32 to vector<16xf32>
    %neg3A_58 = arith.subf %neg3A_57, %get3A_55 : vector<16xf32>
    %exp3A_59 = math.exp %neg3A_58 : vector<16xf32>
    %add3A_60 = arith.constant 1.000000e+00 : f32
    %add3A_61 = vector.broadcast %add3A_60 : f32 to vector<16xf32>
    %add3A_62 = arith.addf %add3A_61, %exp3A_59 : vector<16xf32>
    %div3A_63 = arith.constant 1.000000e+00 : f32
    %div3A_64 = vector.broadcast %div3A_63 : f32 to vector<16xf32>
    %div3A_65 = arith.divf %div3A_64, %add3A_62 : vector<16xf32>
    %add3A_66 = arith.constant 0 : i32
    %add3A_67 = arith.addi %mul3A_32, %add3A_66 : i32
    %dma_start3A = arith.constant 0 : i32
    %dma_start3A_68 = tpu.memref_slice %arg2[%select_n3A, %add3A_67, %dma_start3A] : memref<4x2048x2048xf32, #tpu.memory_space<hbm>> -> memref<1x8x512xf32, #tpu.memory_space<hbm>>
    %dma_start3A_69 = tpu.memref_squeeze %dma_start3A_68 : memref<1x8x512xf32, #tpu.memory_space<hbm>> -> memref<8x512xf32, #tpu.memory_space<hbm>>
    %dma_start3A_70 = arith.constant 0 : i32
    %dma_start3A_71 = tpu.memref_slice %arg2[%select_n3A, %add3A_67, %dma_start3A_70] : memref<4x2048x2048xf32, #tpu.memory_space<hbm>> -> memref<1x8x512xf32, #tpu.memory_space<hbm>>
    %dma_start3A_72 = tpu.memref_squeeze %dma_start3A_71 : memref<1x8x512xf32, #tpu.memory_space<hbm>> -> memref<8x512xf32, #tpu.memory_space<hbm>>
    tpu.enqueue_dma source(%dma_start3A_72 : memref<8x512xf32, #tpu.memory_space<hbm>>) target(%arg5 : memref<8x512xf32, #tpu.memory_space<vmem>>) target_semaphore(%arg14 : memref<!tpu.dma_semaphore, #tpu.memory_space<semaphore_mem>>)
    %dma_start3A_73 = arith.constant 512 : i32
    %dma_start3A_74 = tpu.memref_slice %arg2[%select_n3A, %add3A_67, %dma_start3A_73] : memref<4x2048x2048xf32, #tpu.memory_space<hbm>> -> memref<1x8x1536xf32, #tpu.memory_space<hbm>>
    %dma_start3A_75 = tpu.memref_squeeze %dma_start3A_74 : memref<1x8x1536xf32, #tpu.memory_space<hbm>> -> memref<8x1536xf32, #tpu.memory_space<hbm>>
    %dma_start3A_76 = arith.constant 512 : i32
    %dma_start3A_77 = tpu.memref_slice %arg2[%select_n3A, %add3A_67, %dma_start3A_76] : memref<4x2048x2048xf32, #tpu.memory_space<hbm>> -> memref<1x8x1536xf32, #tpu.memory_space<hbm>>
    %dma_start3A_78 = tpu.memref_squeeze %dma_start3A_77 : memref<1x8x1536xf32, #tpu.memory_space<hbm>> -> memref<8x1536xf32, #tpu.memory_space<hbm>>
    tpu.enqueue_dma source(%dma_start3A_78 : memref<8x1536xf32, #tpu.memory_space<hbm>>) target(%arg9 : memref<8x1536xf32, #tpu.memory_space<vmem>>) target_semaphore(%arg18 : memref<!tpu.dma_semaphore, #tpu.memory_space<semaphore_mem>>)
    %add3A_79 = arith.constant 8 : i32
    %add3A_80 = arith.addi %mul3A_32, %add3A_79 : i32
    %dma_start3A_81 = arith.constant 0 : i32
    %dma_start3A_82 = tpu.memref_slice %arg2[%select_n3A, %add3A_80, %dma_start3A_81] : memref<4x2048x2048xf32, #tpu.memory_space<hbm>> -> memref<1x8x512xf32, #tpu.memory_space<hbm>>
    %dma_start3A_83 = tpu.memref_squeeze %dma_start3A_82 : memref<1x8x512xf32, #tpu.memory_space<hbm>> -> memref<8x512xf32, #tpu.memory_space<hbm>>
    %dma_start3A_84 = arith.constant 0 : i32
    %dma_start3A_85 = tpu.memref_slice %arg2[%select_n3A, %add3A_80, %dma_start3A_84] : memref<4x2048x2048xf32, #tpu.memory_space<hbm>> -> memref<1x8x512xf32, #tpu.memory_space<hbm>>
    %dma_start3A_86 = tpu.memref_squeeze %dma_start3A_85 : memref<1x8x512xf32, #tpu.memory_space<hbm>> -> memref<8x512xf32, #tpu.memory_space<hbm>>
    tpu.enqueue_dma source(%dma_start3A_86 : memref<8x512xf32, #tpu.memory_space<hbm>>) target(%arg6 : memref<8x512xf32, #tpu.memory_space<vmem>>) target_semaphore(%arg15 : memref<!tpu.dma_semaphore, #tpu.memory_space<semaphore_mem>>)
    %dma_start3A_87 = arith.constant 512 : i32
    %dma_start3A_88 = tpu.memref_slice %arg2[%select_n3A, %add3A_80, %dma_start3A_87] : memref<4x2048x2048xf32, #tpu.memory_space<hbm>> -> memref<1x8x1536xf32, #tpu.memory_space<hbm>>
    %dma_start3A_89 = tpu.memref_squeeze %dma_start3A_88 : memref<1x8x1536xf32, #tpu.memory_space<hbm>> -> memref<8x1536xf32, #tpu.memory_space<hbm>>
    %dma_start3A_90 = arith.constant 512 : i32
    %dma_start3A_91 = tpu.memref_slice %arg2[%select_n3A, %add3A_80, %dma_start3A_90] : memref<4x2048x2048xf32, #tpu.memory_space<hbm>> -> memref<1x8x1536xf32, #tpu.memory_space<hbm>>
    %dma_start3A_92 = tpu.memref_squeeze %dma_start3A_91 : memref<1x8x1536xf32, #tpu.memory_space<hbm>> -> memref<8x1536xf32, #tpu.memory_space<hbm>>
    tpu.enqueue_dma source(%dma_start3A_92 : memref<8x1536xf32, #tpu.memory_space<hbm>>) target(%arg10 : memref<8x1536xf32, #tpu.memory_space<vmem>>) target_semaphore(%arg19 : memref<!tpu.dma_semaphore, #tpu.memory_space<semaphore_mem>>)
    %scan3A = arith.constant 0 : i32
    %scan3A_93 = arith.constant 0 : i32
    %scan3A_94 = arith.constant 8 : i32
    %scan3A_95 = arith.addi %scan3A_93, %scan3A_94 : i32
    %scan3A_96 = arith.constant 1 : i32
    scf.for %scan3A_153 = %scan3A_93 to %scan3A_95 step %scan3A_96  : i32 {
      %mul3A_154 = arith.constant 4 : i32
      %mul3A_155 = arith.muli %mul3A_154, %scan3A_153 : i32
      %add3A_156 = arith.constant 0 : i32
      %add3A_157 = arith.addi %mul3A_155, %add3A_156 : i32
      %add3A_158 = arith.constant 2 : i32
      %add3A_159 = arith.addi %add3A_157, %add3A_158 : i32
      %lt3A_160 = arith.constant 32 : i32
      %lt3A_161 = arith.cmpi slt, %add3A_159, %lt3A_160 : i32
      %convert_element_type3A = arith.extui %lt3A_161 : i1 to i32
      %cond3A = arith.constant 0 : i32
      %cond3A_162 = arith.cmpi ne, %convert_element_type3A, %cond3A : i32
      scf.if %cond3A_162 {
        %ge3A = arith.constant 2 : i32
        %ge3A_327 = arith.cmpi sge, %add3A_157, %ge3A : i32
        %convert_element_type3A_328 = arith.extui %ge3A_327 : i1 to i32
        %cond3A_329 = arith.constant 0 : i32
        %cond3A_330 = arith.cmpi ne, %convert_element_type3A_328, %cond3A_329 : i32
        scf.if %cond3A_330 {
          %sub3A_348 = arith.constant 2 : i32
          %sub3A_349 = arith.subi %add3A_157, %sub3A_348 : i32
          %mul3A_350 = arith.constant 8 : i32
          %mul3A_351 = arith.muli %sub3A_349, %mul3A_350 : i32
          %add3A_352 = arith.addi %mul3A_32, %mul3A_351 : i32
          %dma_wait3A_353 = arith.constant 0 : i32
          %dma_wait3A_354 = tpu.memref_slice %arg4[%select_n3A, %add3A_352, %dma_wait3A_353] : memref<4x2048x2048xf32, #tpu.memory_space<hbm>> -> memref<1x8x512xf32, #tpu.memory_space<hbm>>
          %dma_wait3A_355 = tpu.memref_squeeze %dma_wait3A_354 : memref<1x8x512xf32, #tpu.memory_space<hbm>> -> memref<8x512xf32, #tpu.memory_space<hbm>>
          %dma_wait3A_356 = arith.constant 0 : i32
          %dma_wait3A_357 = tpu.memref_slice %arg4[%select_n3A, %add3A_352, %dma_wait3A_356] : memref<4x2048x2048xf32, #tpu.memory_space<hbm>> -> memref<1x8x512xf32, #tpu.memory_space<hbm>>
          %dma_wait3A_358 = tpu.memref_squeeze %dma_wait3A_357 : memref<1x8x512xf32, #tpu.memory_space<hbm>> -> memref<8x512xf32, #tpu.memory_space<hbm>>
          tpu.wait_dma2 semaphore(%arg24 : memref<!tpu.dma_semaphore, #tpu.memory_space<semaphore_mem>>) src(%arg7 : memref<8x512xf32, #tpu.memory_space<vmem>>) dst(%dma_wait3A_358 : memref<8x512xf32, #tpu.memory_space<hbm>>)
          %dma_wait3A_359 = arith.constant 512 : i32
          %dma_wait3A_360 = tpu.memref_slice %arg4[%select_n3A, %add3A_352, %dma_wait3A_359] : memref<4x2048x2048xf32, #tpu.memory_space<hbm>> -> memref<1x8x1536xf32, #tpu.memory_space<hbm>>
          %dma_wait3A_361 = tpu.memref_squeeze %dma_wait3A_360 : memref<1x8x1536xf32, #tpu.memory_space<hbm>> -> memref<8x1536xf32, #tpu.memory_space<hbm>>
          %dma_wait3A_362 = arith.constant 512 : i32
          %dma_wait3A_363 = tpu.memref_slice %arg4[%select_n3A, %add3A_352, %dma_wait3A_362] : memref<4x2048x2048xf32, #tpu.memory_space<hbm>> -> memref<1x8x1536xf32, #tpu.memory_space<hbm>>
          %dma_wait3A_364 = tpu.memref_squeeze %dma_wait3A_363 : memref<1x8x1536xf32, #tpu.memory_space<hbm>> -> memref<8x1536xf32, #tpu.memory_space<hbm>>
          tpu.wait_dma2 semaphore(%arg28 : memref<!tpu.dma_semaphore, #tpu.memory_space<semaphore_mem>>) src(%arg11 : memref<8x1536xf32, #tpu.memory_space<vmem>>) dst(%dma_wait3A_364 : memref<8x1536xf32, #tpu.memory_space<hbm>>)
        } else {
        }
        %add3A_331 = arith.constant 2 : i32
        %add3A_332 = arith.addi %add3A_157, %add3A_331 : i32
        %mul3A_333 = arith.constant 8 : i32
        %mul3A_334 = arith.muli %add3A_332, %mul3A_333 : i32
        %add3A_335 = arith.addi %mul3A_32, %mul3A_334 : i32
        %dma_start3A_336 = arith.constant 0 : i32
        %dma_start3A_337 = tpu.memref_slice %arg2[%select_n3A, %add3A_335, %dma_start3A_336] : memref<4x2048x2048xf32, #tpu.memory_space<hbm>> -> memref<1x8x512xf32, #tpu.memory_space<hbm>>
        %dma_start3A_338 = tpu.memref_squeeze %dma_start3A_337 : memref<1x8x512xf32, #tpu.memory_space<hbm>> -> memref<8x512xf32, #tpu.memory_space<hbm>>
        %dma_start3A_339 = arith.constant 0 : i32
        %dma_start3A_340 = tpu.memref_slice %arg2[%select_n3A, %add3A_335, %dma_start3A_339] : memref<4x2048x2048xf32, #tpu.memory_space<hbm>> -> memref<1x8x512xf32, #tpu.memory_space<hbm>>
        %dma_start3A_341 = tpu.memref_squeeze %dma_start3A_340 : memref<1x8x512xf32, #tpu.memory_space<hbm>> -> memref<8x512xf32, #tpu.memory_space<hbm>>
        tpu.enqueue_dma source(%dma_start3A_341 : memref<8x512xf32, #tpu.memory_space<hbm>>) target(%arg7 : memref<8x512xf32, #tpu.memory_space<vmem>>) target_semaphore(%arg16 : memref<!tpu.dma_semaphore, #tpu.memory_space<semaphore_mem>>)
        %dma_start3A_342 = arith.constant 512 : i32
        %dma_start3A_343 = tpu.memref_slice %arg2[%select_n3A, %add3A_335, %dma_start3A_342] : memref<4x2048x2048xf32, #tpu.memory_space<hbm>> -> memref<1x8x1536xf32, #tpu.memory_space<hbm>>
        %dma_start3A_344 = tpu.memref_squeeze %dma_start3A_343 : memref<1x8x1536xf32, #tpu.memory_space<hbm>> -> memref<8x1536xf32, #tpu.memory_space<hbm>>
        %dma_start3A_345 = arith.constant 512 : i32
        %dma_start3A_346 = tpu.memref_slice %arg2[%select_n3A, %add3A_335, %dma_start3A_345] : memref<4x2048x2048xf32, #tpu.memory_space<hbm>> -> memref<1x8x1536xf32, #tpu.memory_space<hbm>>
        %dma_start3A_347 = tpu.memref_squeeze %dma_start3A_346 : memref<1x8x1536xf32, #tpu.memory_space<hbm>> -> memref<8x1536xf32, #tpu.memory_space<hbm>>
        tpu.enqueue_dma source(%dma_start3A_347 : memref<8x1536xf32, #tpu.memory_space<hbm>>) target(%arg11 : memref<8x1536xf32, #tpu.memory_space<vmem>>) target_semaphore(%arg20 : memref<!tpu.dma_semaphore, #tpu.memory_space<semaphore_mem>>)
      } else {
      }
      %mul3A_163 = arith.constant 8 : i32
      %mul3A_164 = arith.muli %add3A_157, %mul3A_163 : i32
      %add3A_165 = arith.addi %mul3A_32, %mul3A_164 : i32
      %dma_wait3A_166 = arith.constant 0 : i32
      %dma_wait3A_167 = tpu.memref_slice %arg2[%select_n3A, %add3A_165, %dma_wait3A_166] : memref<4x2048x2048xf32, #tpu.memory_space<hbm>> -> memref<1x8x512xf32, #tpu.memory_space<hbm>>
      %dma_wait3A_168 = tpu.memref_squeeze %dma_wait3A_167 : memref<1x8x512xf32, #tpu.memory_space<hbm>> -> memref<8x512xf32, #tpu.memory_space<hbm>>
      %dma_wait3A_169 = arith.constant 0 : i32
      %dma_wait3A_170 = tpu.memref_slice %arg2[%select_n3A, %add3A_165, %dma_wait3A_169] : memref<4x2048x2048xf32, #tpu.memory_space<hbm>> -> memref<1x8x512xf32, #tpu.memory_space<hbm>>
      %dma_wait3A_171 = tpu.memref_squeeze %dma_wait3A_170 : memref<1x8x512xf32, #tpu.memory_space<hbm>> -> memref<8x512xf32, #tpu.memory_space<hbm>>
      tpu.wait_dma2 semaphore(%arg14 : memref<!tpu.dma_semaphore, #tpu.memory_space<semaphore_mem>>) src(%dma_wait3A_171 : memref<8x512xf32, #tpu.memory_space<hbm>>) dst(%arg5 : memref<8x512xf32, #tpu.memory_space<vmem>>)
      %dma_wait3A_172 = arith.constant 512 : i32
      %dma_wait3A_173 = tpu.memref_slice %arg2[%select_n3A, %add3A_165, %dma_wait3A_172] : memref<4x2048x2048xf32, #tpu.memory_space<hbm>> -> memref<1x8x1536xf32, #tpu.memory_space<hbm>>
      %dma_wait3A_174 = tpu.memref_squeeze %dma_wait3A_173 : memref<1x8x1536xf32, #tpu.memory_space<hbm>> -> memref<8x1536xf32, #tpu.memory_space<hbm>>
      %dma_wait3A_175 = arith.constant 512 : i32
      %dma_wait3A_176 = tpu.memref_slice %arg2[%select_n3A, %add3A_165, %dma_wait3A_175] : memref<4x2048x2048xf32, #tpu.memory_space<hbm>> -> memref<1x8x1536xf32, #tpu.memory_space<hbm>>
      %dma_wait3A_177 = tpu.memref_squeeze %dma_wait3A_176 : memref<1x8x1536xf32, #tpu.memory_space<hbm>> -> memref<8x1536xf32, #tpu.memory_space<hbm>>
      tpu.wait_dma2 semaphore(%arg18 : memref<!tpu.dma_semaphore, #tpu.memory_space<semaphore_mem>>) src(%dma_wait3A_177 : memref<8x1536xf32, #tpu.memory_space<hbm>>) dst(%arg9 : memref<8x1536xf32, #tpu.memory_space<vmem>>)
      %parallel_loop3A = arith.constant 0 : i32
      %parallel_loop3A_178 = arith.constant 8 : i32
      %parallel_loop3A_179 = arith.constant 1 : i32
      scf.for %parallel_loop3A_327 = %parallel_loop3A to %parallel_loop3A_178 step %parallel_loop3A_179  : i32 {
        %parallel_loop3A_328 = arith.constant 0 : i32
        %parallel_loop3A_329 = vector.broadcast %parallel_loop3A_328 : i32 to vector<16xi32>
        %parallel_loop3A_330 = vector.broadcast %parallel_loop3A_327 : i32 to vector<16xi32>
        %parallel_loop3A_331 = arith.addi %parallel_loop3A_329, %parallel_loop3A_330 : vector<16xi32>
        %parallel_loop3A_332 = arith.index_cast %parallel_loop3A_327 : i32 to index
        %parallel_loop3A_333 = arith.constant 256 : index
        %parallel_loop3A_334 = tpu.vector_load %arg5[%parallel_loop3A_332, %parallel_loop3A_333] {strides = array<i32>} : memref<8x512xf32, #tpu.memory_space<vmem>>, vector<16xf32>,
        %parallel_loop3A_335 = arith.mulf %parallel_loop3A_334, %div3A_41 : vector<16xf32>
        %parallel_loop3A_336 = arith.index_cast %parallel_loop3A_327 : i32 to index
        %parallel_loop3A_337 = arith.constant 272 : index
        %parallel_loop3A_338 = tpu.vector_load %arg5[%parallel_loop3A_336, %parallel_loop3A_337] {strides = array<i32>} : memref<8x512xf32, #tpu.memory_space<vmem>>, vector<16xf32>,
        %parallel_loop3A_339 = arith.mulf %parallel_loop3A_338, %div3A_41 : vector<16xf32>
        %parallel_loop3A_340 = arith.index_cast %parallel_loop3A_327 : i32 to index
        %parallel_loop3A_341 = arith.constant 288 : index
        %parallel_loop3A_342 = tpu.vector_load %arg5[%parallel_loop3A_340, %parallel_loop3A_341] {strides = array<i32>} : memref<8x512xf32, #tpu.memory_space<vmem>>, vector<16xf32>,
        %parallel_loop3A_343 = arith.mulf %parallel_loop3A_342, %div3A_41 : vector<16xf32>
        %parallel_loop3A_344 = arith.index_cast %parallel_loop3A_327 : i32 to index
        %parallel_loop3A_345 = arith.constant 304 : index
        %parallel_loop3A_346 = tpu.vector_load %arg5[%parallel_loop3A_344, %parallel_loop3A_345] {strides = array<i32>} : memref<8x512xf32, #tpu.memory_space<vmem>>, vector<16xf32>,
        %parallel_loop3A_347 = arith.mulf %parallel_loop3A_346, %div3A_41 : vector<16xf32>
        %parallel_loop3A_348 = arith.index_cast %parallel_loop3A_327 : i32 to index
        %parallel_loop3A_349 = arith.constant 320 : index
        %parallel_loop3A_350 = tpu.vector_load %arg5[%parallel_loop3A_348, %parallel_loop3A_349] {strides = array<i32>} : memref<8x512xf32, #tpu.memory_space<vmem>>, vector<16xf32>,
        %parallel_loop3A_351 = arith.mulf %parallel_loop3A_350, %div3A_41 : vector<16xf32>
        %parallel_loop3A_352 = arith.index_cast %parallel_loop3A_327 : i32 to index
        %parallel_loop3A_353 = arith.constant 336 : index
        %parallel_loop3A_354 = tpu.vector_load %arg5[%parallel_loop3A_352, %parallel_loop3A_353] {strides = array<i32>} : memref<8x512xf32, #tpu.memory_space<vmem>>, vector<16xf32>,
        %parallel_loop3A_355 = arith.mulf %parallel_loop3A_354, %div3A_41 : vector<16xf32>
        %parallel_loop3A_356 = arith.index_cast %parallel_loop3A_327 : i32 to index
        %parallel_loop3A_357 = arith.constant 352 : index
        %parallel_loop3A_358 = tpu.vector_load %arg5[%parallel_loop3A_356, %parallel_loop3A_357] {strides = array<i32>} : memref<8x512xf32, #tpu.memory_space<vmem>>, vector<16xf32>,
        %parallel_loop3A_359 = arith.mulf %parallel_loop3A_358, %div3A_41 : vector<16xf32>
        %parallel_loop3A_360 = arith.index_cast %parallel_loop3A_327 : i32 to index
        %parallel_loop3A_361 = arith.constant 368 : index
        %parallel_loop3A_362 = tpu.vector_load %arg5[%parallel_loop3A_360, %parallel_loop3A_361] {strides = array<i32>} : memref<8x512xf32, #tpu.memory_space<vmem>>, vector<16xf32>,
        %parallel_loop3A_363 = arith.mulf %parallel_loop3A_362, %div3A_41 : vector<16xf32>
        %parallel_loop3A_364 = arith.index_cast %parallel_loop3A_327 : i32 to index
        %parallel_loop3A_365 = arith.constant 384 : index
        %parallel_loop3A_366 = tpu.vector_load %arg5[%parallel_loop3A_364, %parallel_loop3A_365] {strides = array<i32>} : memref<8x512xf32, #tpu.memory_space<vmem>>, vector<16xf32>,
        %parallel_loop3A_367 = arith.mulf %parallel_loop3A_366, %div3A_41 : vector<16xf32>
        %parallel_loop3A_368 = arith.index_cast %parallel_loop3A_327 : i32 to index
        %parallel_loop3A_369 = arith.constant 400 : index
        %parallel_loop3A_370 = tpu.vector_load %arg5[%parallel_loop3A_368, %parallel_loop3A_369] {strides = array<i32>} : memref<8x512xf32, #tpu.memory_space<vmem>>, vector<16xf32>,
        %parallel_loop3A_371 = arith.mulf %parallel_loop3A_370, %div3A_41 : vector<16xf32>
        %parallel_loop3A_372 = arith.index_cast %parallel_loop3A_327 : i32 to index
        %parallel_loop3A_373 = arith.constant 416 : index
        %parallel_loop3A_374 = tpu.vector_load %arg5[%parallel_loop3A_372, %parallel_loop3A_373] {strides = array<i32>} : memref<8x512xf32, #tpu.memory_space<vmem>>, vector<16xf32>,
        %parallel_loop3A_375 = arith.mulf %parallel_loop3A_374, %div3A_41 : vector<16xf32>
        %parallel_loop3A_376 = arith.index_cast %parallel_loop3A_327 : i32 to index
        %parallel_loop3A_377 = arith.constant 432 : index
        %parallel_loop3A_378 = tpu.vector_load %arg5[%parallel_loop3A_376, %parallel_loop3A_377] {strides = array<i32>} : memref<8x512xf32, #tpu.memory_space<vmem>>, vector<16xf32>,
        %parallel_loop3A_379 = arith.mulf %parallel_loop3A_378, %div3A_41 : vector<16xf32>
        %parallel_loop3A_380 = arith.index_cast %parallel_loop3A_327 : i32 to index
        %parallel_loop3A_381 = arith.constant 448 : index
        %parallel_loop3A_382 = tpu.vector_load %arg5[%parallel_loop3A_380, %parallel_loop3A_381] {strides = array<i32>} : memref<8x512xf32, #tpu.memory_space<vmem>>, vector<16xf32>,
        %parallel_loop3A_383 = arith.mulf %parallel_loop3A_382, %div3A_41 : vector<16xf32>
        %parallel_loop3A_384 = arith.index_cast %parallel_loop3A_327 : i32 to index
        %parallel_loop3A_385 = arith.constant 464 : index
        %parallel_loop3A_386 = tpu.vector_load %arg5[%parallel_loop3A_384, %parallel_loop3A_385] {strides = array<i32>} : memref<8x512xf32, #tpu.memory_space<vmem>>, vector<16xf32>,
        %parallel_loop3A_387 = arith.mulf %parallel_loop3A_386, %div3A_41 : vector<16xf32>
        %parallel_loop3A_388 = arith.index_cast %parallel_loop3A_327 : i32 to index
        %parallel_loop3A_389 = arith.constant 480 : index
        %parallel_loop3A_390 = tpu.vector_load %arg5[%parallel_loop3A_388, %parallel_loop3A_389] {strides = array<i32>} : memref<8x512xf32, #tpu.memory_space<vmem>>, vector<16xf32>,
        %parallel_loop3A_391 = arith.mulf %parallel_loop3A_390, %div3A_41 : vector<16xf32>
        %parallel_loop3A_392 = arith.index_cast %parallel_loop3A_327 : i32 to index
        %parallel_loop3A_393 = arith.constant 496 : index
        %parallel_loop3A_394 = tpu.vector_load %arg5[%parallel_loop3A_392, %parallel_loop3A_393] {strides = array<i32>} : memref<8x512xf32, #tpu.memory_space<vmem>>, vector<16xf32>,
        %parallel_loop3A_395 = arith.mulf %parallel_loop3A_394, %div3A_41 : vector<16xf32>
        %parallel_loop3A_396 = arith.constant 2 : i32
        %parallel_loop3A_397 = vector.broadcast %parallel_loop3A_396 : i32 to vector<16xi32>
        %parallel_loop3A_398 = arith.muli %parallel_loop3A_397, %iota3A : vector<16xi32>
        %parallel_loop3A_399 = arith.constant 0 : i32
        %parallel_loop3A_400 = vector.broadcast %parallel_loop3A_399 : i32 to vector<16xi32>
        %parallel_loop3A_401 = arith.addi %parallel_loop3A_400, %parallel_loop3A_398 : vector<16xi32>
        tpu.vector_store_idx %arg9[%parallel_loop3A_331, %parallel_loop3A_401], %parallel_loop3A_335 {add = true} : memref<8x1536xf32, #tpu.memory_space<vmem>>[vector<16xi32>, vector<16xi32>], vector<16xf32>,
        %parallel_loop3A_402 = arith.constant 2 : i32
        %parallel_loop3A_403 = vector.broadcast %parallel_loop3A_402 : i32 to vector<16xi32>
        %parallel_loop3A_404 = arith.muli %parallel_loop3A_403, %iota3A : vector<16xi32>
        %parallel_loop3A_405 = arith.constant 32 : i32
        %parallel_loop3A_406 = vector.broadcast %parallel_loop3A_405 : i32 to vector<16xi32>
        %parallel_loop3A_407 = arith.addi %parallel_loop3A_406, %parallel_loop3A_404 : vector<16xi32>
        tpu.vector_store_idx %arg9[%parallel_loop3A_331, %parallel_loop3A_407], %parallel_loop3A_339 {add = true} : memref<8x1536xf32, #tpu.memory_space<vmem>>[vector<16xi32>, vector<16xi32>], vector<16xf32>,
        %parallel_loop3A_408 = arith.constant 2 : i32
        %parallel_loop3A_409 = vector.broadcast %parallel_loop3A_408 : i32 to vector<16xi32>
        %parallel_loop3A_410 = arith.muli %parallel_loop3A_409, %iota3A : vector<16xi32>
        %parallel_loop3A_411 = arith.constant 64 : i32
        %parallel_loop3A_412 = vector.broadcast %parallel_loop3A_411 : i32 to vector<16xi32>
        %parallel_loop3A_413 = arith.addi %parallel_loop3A_412, %parallel_loop3A_410 : vector<16xi32>
        tpu.vector_store_idx %arg9[%parallel_loop3A_331, %parallel_loop3A_413], %parallel_loop3A_343 {add = true} : memref<8x1536xf32, #tpu.memory_space<vmem>>[vector<16xi32>, vector<16xi32>], vector<16xf32>,
        %parallel_loop3A_414 = arith.constant 2 : i32
        %parallel_loop3A_415 = vector.broadcast %parallel_loop3A_414 : i32 to vector<16xi32>
        %parallel_loop3A_416 = arith.muli %parallel_loop3A_415, %iota3A : vector<16xi32>
        %parallel_loop3A_417 = arith.constant 96 : i32
        %parallel_loop3A_418 = vector.broadcast %parallel_loop3A_417 : i32 to vector<16xi32>
        %parallel_loop3A_419 = arith.addi %parallel_loop3A_418, %parallel_loop3A_416 : vector<16xi32>
        tpu.vector_store_idx %arg9[%parallel_loop3A_331, %parallel_loop3A_419], %parallel_loop3A_347 {add = true} : memref<8x1536xf32, #tpu.memory_space<vmem>>[vector<16xi32>, vector<16xi32>], vector<16xf32>,
        %parallel_loop3A_420 = arith.constant 2 : i32
        %parallel_loop3A_421 = vector.broadcast %parallel_loop3A_420 : i32 to vector<16xi32>
        %parallel_loop3A_422 = arith.muli %parallel_loop3A_421, %iota3A : vector<16xi32>
        %parallel_loop3A_423 = arith.constant 128 : i32
        %parallel_loop3A_424 = vector.broadcast %parallel_loop3A_423 : i32 to vector<16xi32>
        %parallel_loop3A_425 = arith.addi %parallel_loop3A_424, %parallel_loop3A_422 : vector<16xi32>
        tpu.vector_store_idx %arg9[%parallel_loop3A_331, %parallel_loop3A_425], %parallel_loop3A_351 {add = true} : memref<8x1536xf32, #tpu.memory_space<vmem>>[vector<16xi32>, vector<16xi32>], vector<16xf32>,
        %parallel_loop3A_426 = arith.constant 2 : i32
        %parallel_loop3A_427 = vector.broadcast %parallel_loop3A_426 : i32 to vector<16xi32>
        %parallel_loop3A_428 = arith.muli %parallel_loop3A_427, %iota3A : vector<16xi32>
        %parallel_loop3A_429 = arith.constant 160 : i32
        %parallel_loop3A_430 = vector.broadcast %parallel_loop3A_429 : i32 to vector<16xi32>
        %parallel_loop3A_431 = arith.addi %parallel_loop3A_430, %parallel_loop3A_428 : vector<16xi32>
        tpu.vector_store_idx %arg9[%parallel_loop3A_331, %parallel_loop3A_431], %parallel_loop3A_355 {add = true} : memref<8x1536xf32, #tpu.memory_space<vmem>>[vector<16xi32>, vector<16xi32>], vector<16xf32>,
        %parallel_loop3A_432 = arith.constant 2 : i32
        %parallel_loop3A_433 = vector.broadcast %parallel_loop3A_432 : i32 to vector<16xi32>
        %parallel_loop3A_434 = arith.muli %parallel_loop3A_433, %iota3A : vector<16xi32>
        %parallel_loop3A_435 = arith.constant 192 : i32
        %parallel_loop3A_436 = vector.broadcast %parallel_loop3A_435 : i32 to vector<16xi32>
        %parallel_loop3A_437 = arith.addi %parallel_loop3A_436, %parallel_loop3A_434 : vector<16xi32>
        tpu.vector_store_idx %arg9[%parallel_loop3A_331, %parallel_loop3A_437], %parallel_loop3A_359 {add = true} : memref<8x1536xf32, #tpu.memory_space<vmem>>[vector<16xi32>, vector<16xi32>], vector<16xf32>,
        %parallel_loop3A_438 = arith.constant 2 : i32
        %parallel_loop3A_439 = vector.broadcast %parallel_loop3A_438 : i32 to vector<16xi32>
        %parallel_loop3A_440 = arith.muli %parallel_loop3A_439, %iota3A : vector<16xi32>
        %parallel_loop3A_441 = arith.constant 224 : i32
        %parallel_loop3A_442 = vector.broadcast %parallel_loop3A_441 : i32 to vector<16xi32>
        %parallel_loop3A_443 = arith.addi %parallel_loop3A_442, %parallel_loop3A_440 : vector<16xi32>
        tpu.vector_store_idx %arg9[%parallel_loop3A_331, %parallel_loop3A_443], %parallel_loop3A_363 {add = true} : memref<8x1536xf32, #tpu.memory_space<vmem>>[vector<16xi32>, vector<16xi32>], vector<16xf32>,
        %parallel_loop3A_444 = arith.constant 2 : i32
        %parallel_loop3A_445 = vector.broadcast %parallel_loop3A_444 : i32 to vector<16xi32>
        %parallel_loop3A_446 = arith.muli %parallel_loop3A_445, %iota3A : vector<16xi32>
        %parallel_loop3A_447 = arith.constant 256 : i32
        %parallel_loop3A_448 = vector.broadcast %parallel_loop3A_447 : i32 to vector<16xi32>
        %parallel_loop3A_449 = arith.addi %parallel_loop3A_448, %parallel_loop3A_446 : vector<16xi32>
        tpu.vector_store_idx %arg9[%parallel_loop3A_331, %parallel_loop3A_449], %parallel_loop3A_367 {add = true} : memref<8x1536xf32, #tpu.memory_space<vmem>>[vector<16xi32>, vector<16xi32>], vector<16xf32>,
        %parallel_loop3A_450 = arith.constant 2 : i32
        %parallel_loop3A_451 = vector.broadcast %parallel_loop3A_450 : i32 to vector<16xi32>
        %parallel_loop3A_452 = arith.muli %parallel_loop3A_451, %iota3A : vector<16xi32>
        %parallel_loop3A_453 = arith.constant 288 : i32
        %parallel_loop3A_454 = vector.broadcast %parallel_loop3A_453 : i32 to vector<16xi32>
        %parallel_loop3A_455 = arith.addi %parallel_loop3A_454, %parallel_loop3A_452 : vector<16xi32>
        tpu.vector_store_idx %arg9[%parallel_loop3A_331, %parallel_loop3A_455], %parallel_loop3A_371 {add = true} : memref<8x1536xf32, #tpu.memory_space<vmem>>[vector<16xi32>, vector<16xi32>], vector<16xf32>,
        %parallel_loop3A_456 = arith.constant 2 : i32
        %parallel_loop3A_457 = vector.broadcast %parallel_loop3A_456 : i32 to vector<16xi32>
        %parallel_loop3A_458 = arith.muli %parallel_loop3A_457, %iota3A : vector<16xi32>
        %parallel_loop3A_459 = arith.constant 320 : i32
        %parallel_loop3A_460 = vector.broadcast %parallel_loop3A_459 : i32 to vector<16xi32>
        %parallel_loop3A_461 = arith.addi %parallel_loop3A_460, %parallel_loop3A_458 : vector<16xi32>
        tpu.vector_store_idx %arg9[%parallel_loop3A_331, %parallel_loop3A_461], %parallel_loop3A_375 {add = true} : memref<8x1536xf32, #tpu.memory_space<vmem>>[vector<16xi32>, vector<16xi32>], vector<16xf32>,
        %parallel_loop3A_462 = arith.constant 2 : i32
        %parallel_loop3A_463 = vector.broadcast %parallel_loop3A_462 : i32 to vector<16xi32>
        %parallel_loop3A_464 = arith.muli %parallel_loop3A_463, %iota3A : vector<16xi32>
        %parallel_loop3A_465 = arith.constant 352 : i32
        %parallel_loop3A_466 = vector.broadcast %parallel_loop3A_465 : i32 to vector<16xi32>
        %parallel_loop3A_467 = arith.addi %parallel_loop3A_466, %parallel_loop3A_464 : vector<16xi32>
        tpu.vector_store_idx %arg9[%parallel_loop3A_331, %parallel_loop3A_467], %parallel_loop3A_379 {add = true} : memref<8x1536xf32, #tpu.memory_space<vmem>>[vector<16xi32>, vector<16xi32>], vector<16xf32>,
        %parallel_loop3A_468 = arith.constant 2 : i32
        %parallel_loop3A_469 = vector.broadcast %parallel_loop3A_468 : i32 to vector<16xi32>
        %parallel_loop3A_470 = arith.muli %parallel_loop3A_469, %iota3A : vector<16xi32>
        %parallel_loop3A_471 = arith.constant 384 : i32
        %parallel_loop3A_472 = vector.broadcast %parallel_loop3A_471 : i32 to vector<16xi32>
        %parallel_loop3A_473 = arith.addi %parallel_loop3A_472, %parallel_loop3A_470 : vector<16xi32>
        tpu.vector_store_idx %arg9[%parallel_loop3A_331, %parallel_loop3A_473], %parallel_loop3A_383 {add = true} : memref<8x1536xf32, #tpu.memory_space<vmem>>[vector<16xi32>, vector<16xi32>], vector<16xf32>,
        %parallel_loop3A_474 = arith.constant 2 : i32
        %parallel_loop3A_475 = vector.broadcast %parallel_loop3A_474 : i32 to vector<16xi32>
        %parallel_loop3A_476 = arith.muli %parallel_loop3A_475, %iota3A : vector<16xi32>
        %parallel_loop3A_477 = arith.constant 416 : i32
        %parallel_loop3A_478 = vector.broadcast %parallel_loop3A_477 : i32 to vector<16xi32>
        %parallel_loop3A_479 = arith.addi %parallel_loop3A_478, %parallel_loop3A_476 : vector<16xi32>
        tpu.vector_store_idx %arg9[%parallel_loop3A_331, %parallel_loop3A_479], %parallel_loop3A_387 {add = true} : memref<8x1536xf32, #tpu.memory_space<vmem>>[vector<16xi32>, vector<16xi32>], vector<16xf32>,
        %parallel_loop3A_480 = arith.constant 2 : i32
        %parallel_loop3A_481 = vector.broadcast %parallel_loop3A_480 : i32 to vector<16xi32>
        %parallel_loop3A_482 = arith.muli %parallel_loop3A_481, %iota3A : vector<16xi32>
        %parallel_loop3A_483 = arith.constant 448 : i32
        %parallel_loop3A_484 = vector.broadcast %parallel_loop3A_483 : i32 to vector<16xi32>
        %parallel_loop3A_485 = arith.addi %parallel_loop3A_484, %parallel_loop3A_482 : vector<16xi32>
        tpu.vector_store_idx %arg9[%parallel_loop3A_331, %parallel_loop3A_485], %parallel_loop3A_391 {add = true} : memref<8x1536xf32, #tpu.memory_space<vmem>>[vector<16xi32>, vector<16xi32>], vector<16xf32>,
        %parallel_loop3A_486 = arith.constant 2 : i32
        %parallel_loop3A_487 = vector.broadcast %parallel_loop3A_486 : i32 to vector<16xi32>
        %parallel_loop3A_488 = arith.muli %parallel_loop3A_487, %iota3A : vector<16xi32>
        %parallel_loop3A_489 = arith.constant 480 : i32
        %parallel_loop3A_490 = vector.broadcast %parallel_loop3A_489 : i32 to vector<16xi32>
        %parallel_loop3A_491 = arith.addi %parallel_loop3A_490, %parallel_loop3A_488 : vector<16xi32>
        tpu.vector_store_idx %arg9[%parallel_loop3A_331, %parallel_loop3A_491], %parallel_loop3A_395 {add = true} : memref<8x1536xf32, #tpu.memory_space<vmem>>[vector<16xi32>, vector<16xi32>], vector<16xf32>,
        %parallel_loop3A_492 = arith.index_cast %parallel_loop3A_327 : i32 to index
        %parallel_loop3A_493 = arith.constant 128 : index
        %parallel_loop3A_494 = tpu.vector_load %arg5[%parallel_loop3A_492, %parallel_loop3A_493] {strides = array<i32>} : memref<8x512xf32, #tpu.memory_space<vmem>>, vector<16xf32>,
        %parallel_loop3A_495 = arith.mulf %parallel_loop3A_494, %div3A_53 : vector<16xf32>
        %parallel_loop3A_496 = arith.index_cast %parallel_loop3A_327 : i32 to index
        %parallel_loop3A_497 = arith.constant 144 : index
        %parallel_loop3A_498 = tpu.vector_load %arg5[%parallel_loop3A_496, %parallel_loop3A_497] {strides = array<i32>} : memref<8x512xf32, #tpu.memory_space<vmem>>, vector<16xf32>,
        %parallel_loop3A_499 = arith.mulf %parallel_loop3A_498, %div3A_53 : vector<16xf32>
        %parallel_loop3A_500 = arith.index_cast %parallel_loop3A_327 : i32 to index
        %parallel_loop3A_501 = arith.constant 160 : index
        %parallel_loop3A_502 = tpu.vector_load %arg5[%parallel_loop3A_500, %parallel_loop3A_501] {strides = array<i32>} : memref<8x512xf32, #tpu.memory_space<vmem>>, vector<16xf32>,
        %parallel_loop3A_503 = arith.mulf %parallel_loop3A_502, %div3A_53 : vector<16xf32>
        %parallel_loop3A_504 = arith.index_cast %parallel_loop3A_327 : i32 to index
        %parallel_loop3A_505 = arith.constant 176 : index
        %parallel_loop3A_506 = tpu.vector_load %arg5[%parallel_loop3A_504, %parallel_loop3A_505] {strides = array<i32>} : memref<8x512xf32, #tpu.memory_space<vmem>>, vector<16xf32>,
        %parallel_loop3A_507 = arith.mulf %parallel_loop3A_506, %div3A_53 : vector<16xf32>
        %parallel_loop3A_508 = arith.index_cast %parallel_loop3A_327 : i32 to index
        %parallel_loop3A_509 = arith.constant 192 : index
        %parallel_loop3A_510 = tpu.vector_load %arg5[%parallel_loop3A_508, %parallel_loop3A_509] {strides = array<i32>} : memref<8x512xf32, #tpu.memory_space<vmem>>, vector<16xf32>,
        %parallel_loop3A_511 = arith.mulf %parallel_loop3A_510, %div3A_53 : vector<16xf32>
        %parallel_loop3A_512 = arith.index_cast %parallel_loop3A_327 : i32 to index
        %parallel_loop3A_513 = arith.constant 208 : index
        %parallel_loop3A_514 = tpu.vector_load %arg5[%parallel_loop3A_512, %parallel_loop3A_513] {strides = array<i32>} : memref<8x512xf32, #tpu.memory_space<vmem>>, vector<16xf32>,
        %parallel_loop3A_515 = arith.mulf %parallel_loop3A_514, %div3A_53 : vector<16xf32>
        %parallel_loop3A_516 = arith.index_cast %parallel_loop3A_327 : i32 to index
        %parallel_loop3A_517 = arith.constant 224 : index
        %parallel_loop3A_518 = tpu.vector_load %arg5[%parallel_loop3A_516, %parallel_loop3A_517] {strides = array<i32>} : memref<8x512xf32, #tpu.memory_space<vmem>>, vector<16xf32>,
        %parallel_loop3A_519 = arith.mulf %parallel_loop3A_518, %div3A_53 : vector<16xf32>
        %parallel_loop3A_520 = arith.index_cast %parallel_loop3A_327 : i32 to index
        %parallel_loop3A_521 = arith.constant 240 : index
        %parallel_loop3A_522 = tpu.vector_load %arg5[%parallel_loop3A_520, %parallel_loop3A_521] {strides = array<i32>} : memref<8x512xf32, #tpu.memory_space<vmem>>, vector<16xf32>,
        %parallel_loop3A_523 = arith.mulf %parallel_loop3A_522, %div3A_53 : vector<16xf32>
        %parallel_loop3A_524 = arith.index_cast %parallel_loop3A_327 : i32 to index
        %parallel_loop3A_525 = arith.constant 256 : index
        %parallel_loop3A_526 = tpu.vector_load %arg5[%parallel_loop3A_524, %parallel_loop3A_525] {strides = array<i32>} : memref<8x512xf32, #tpu.memory_space<vmem>>, vector<16xf32>,
        %parallel_loop3A_527 = arith.mulf %parallel_loop3A_526, %div3A_53 : vector<16xf32>
        %parallel_loop3A_528 = arith.index_cast %parallel_loop3A_327 : i32 to index
        %parallel_loop3A_529 = arith.constant 272 : index
        %parallel_loop3A_530 = tpu.vector_load %arg5[%parallel_loop3A_528, %parallel_loop3A_529] {strides = array<i32>} : memref<8x512xf32, #tpu.memory_space<vmem>>, vector<16xf32>,
        %parallel_loop3A_531 = arith.mulf %parallel_loop3A_530, %div3A_53 : vector<16xf32>
        %parallel_loop3A_532 = arith.index_cast %parallel_loop3A_327 : i32 to index
        %parallel_loop3A_533 = arith.constant 288 : index
        %parallel_loop3A_534 = tpu.vector_load %arg5[%parallel_loop3A_532, %parallel_loop3A_533] {strides = array<i32>} : memref<8x512xf32, #tpu.memory_space<vmem>>, vector<16xf32>,
        %parallel_loop3A_535 = arith.mulf %parallel_loop3A_534, %div3A_53 : vector<16xf32>
        %parallel_loop3A_536 = arith.index_cast %parallel_loop3A_327 : i32 to index
        %parallel_loop3A_537 = arith.constant 304 : index
        %parallel_loop3A_538 = tpu.vector_load %arg5[%parallel_loop3A_536, %parallel_loop3A_537] {strides = array<i32>} : memref<8x512xf32, #tpu.memory_space<vmem>>, vector<16xf32>,
        %parallel_loop3A_539 = arith.mulf %parallel_loop3A_538, %div3A_53 : vector<16xf32>
        %parallel_loop3A_540 = arith.index_cast %parallel_loop3A_327 : i32 to index
        %parallel_loop3A_541 = arith.constant 320 : index
        %parallel_loop3A_542 = tpu.vector_load %arg5[%parallel_loop3A_540, %parallel_loop3A_541] {strides = array<i32>} : memref<8x512xf32, #tpu.memory_space<vmem>>, vector<16xf32>,
        %parallel_loop3A_543 = arith.mulf %parallel_loop3A_542, %div3A_53 : vector<16xf32>
        %parallel_loop3A_544 = arith.index_cast %parallel_loop3A_327 : i32 to index
        %parallel_loop3A_545 = arith.constant 336 : index
        %parallel_loop3A_546 = tpu.vector_load %arg5[%parallel_loop3A_544, %parallel_loop3A_545] {strides = array<i32>} : memref<8x512xf32, #tpu.memory_space<vmem>>, vector<16xf32>,
        %parallel_loop3A_547 = arith.mulf %parallel_loop3A_546, %div3A_53 : vector<16xf32>
        %parallel_loop3A_548 = arith.index_cast %parallel_loop3A_327 : i32 to index
        %parallel_loop3A_549 = arith.constant 352 : index
        %parallel_loop3A_550 = tpu.vector_load %arg5[%parallel_loop3A_548, %parallel_loop3A_549] {strides = array<i32>} : memref<8x512xf32, #tpu.memory_space<vmem>>, vector<16xf32>,
        %parallel_loop3A_551 = arith.mulf %parallel_loop3A_550, %div3A_53 : vector<16xf32>
        %parallel_loop3A_552 = arith.index_cast %parallel_loop3A_327 : i32 to index
        %parallel_loop3A_553 = arith.constant 368 : index
        %parallel_loop3A_554 = tpu.vector_load %arg5[%parallel_loop3A_552, %parallel_loop3A_553] {strides = array<i32>} : memref<8x512xf32, #tpu.memory_space<vmem>>, vector<16xf32>,
        %parallel_loop3A_555 = arith.mulf %parallel_loop3A_554, %div3A_53 : vector<16xf32>
        %parallel_loop3A_556 = arith.index_cast %parallel_loop3A_327 : i32 to index
        %parallel_loop3A_557 = arith.constant 384 : index
        %parallel_loop3A_558 = tpu.vector_load %arg5[%parallel_loop3A_556, %parallel_loop3A_557] {strides = array<i32>} : memref<8x512xf32, #tpu.memory_space<vmem>>, vector<16xf32>,
        %parallel_loop3A_559 = arith.mulf %parallel_loop3A_558, %div3A_53 : vector<16xf32>
        %parallel_loop3A_560 = arith.index_cast %parallel_loop3A_327 : i32 to index
        %parallel_loop3A_561 = arith.constant 400 : index
        %parallel_loop3A_562 = tpu.vector_load %arg5[%parallel_loop3A_560, %parallel_loop3A_561] {strides = array<i32>} : memref<8x512xf32, #tpu.memory_space<vmem>>, vector<16xf32>,
        %parallel_loop3A_563 = arith.mulf %parallel_loop3A_562, %div3A_53 : vector<16xf32>
        %parallel_loop3A_564 = arith.index_cast %parallel_loop3A_327 : i32 to index
        %parallel_loop3A_565 = arith.constant 416 : index
        %parallel_loop3A_566 = tpu.vector_load %arg5[%parallel_loop3A_564, %parallel_loop3A_565] {strides = array<i32>} : memref<8x512xf32, #tpu.memory_space<vmem>>, vector<16xf32>,
        %parallel_loop3A_567 = arith.mulf %parallel_loop3A_566, %div3A_53 : vector<16xf32>
        %parallel_loop3A_568 = arith.index_cast %parallel_loop3A_327 : i32 to index
        %parallel_loop3A_569 = arith.constant 432 : index
        %parallel_loop3A_570 = tpu.vector_load %arg5[%parallel_loop3A_568, %parallel_loop3A_569] {strides = array<i32>} : memref<8x512xf32, #tpu.memory_space<vmem>>, vector<16xf32>,
        %parallel_loop3A_571 = arith.mulf %parallel_loop3A_570, %div3A_53 : vector<16xf32>
        %parallel_loop3A_572 = arith.index_cast %parallel_loop3A_327 : i32 to index
        %parallel_loop3A_573 = arith.constant 448 : index
        %parallel_loop3A_574 = tpu.vector_load %arg5[%parallel_loop3A_572, %parallel_loop3A_573] {strides = array<i32>} : memref<8x512xf32, #tpu.memory_space<vmem>>, vector<16xf32>,
        %parallel_loop3A_575 = arith.mulf %parallel_loop3A_574, %div3A_53 : vector<16xf32>
        %parallel_loop3A_576 = arith.index_cast %parallel_loop3A_327 : i32 to index
        %parallel_loop3A_577 = arith.constant 464 : index
        %parallel_loop3A_578 = tpu.vector_load %arg5[%parallel_loop3A_576, %parallel_loop3A_577] {strides = array<i32>} : memref<8x512xf32, #tpu.memory_space<vmem>>, vector<16xf32>,
        %parallel_loop3A_579 = arith.mulf %parallel_loop3A_578, %div3A_53 : vector<16xf32>
        %parallel_loop3A_580 = arith.index_cast %parallel_loop3A_327 : i32 to index
        %parallel_loop3A_581 = arith.constant 480 : index
        %parallel_loop3A_582 = tpu.vector_load %arg5[%parallel_loop3A_580, %parallel_loop3A_581] {strides = array<i32>} : memref<8x512xf32, #tpu.memory_space<vmem>>, vector<16xf32>,
        %parallel_loop3A_583 = arith.mulf %parallel_loop3A_582, %div3A_53 : vector<16xf32>
        %parallel_loop3A_584 = arith.index_cast %parallel_loop3A_327 : i32 to index
        %parallel_loop3A_585 = arith.constant 496 : index
        %parallel_loop3A_586 = tpu.vector_load %arg5[%parallel_loop3A_584, %parallel_loop3A_585] {strides = array<i32>} : memref<8x512xf32, #tpu.memory_space<vmem>>, vector<16xf32>,
        %parallel_loop3A_587 = arith.mulf %parallel_loop3A_586, %div3A_53 : vector<16xf32>
        %parallel_loop3A_588 = arith.constant 4 : i32
        %parallel_loop3A_589 = vector.broadcast %parallel_loop3A_588 : i32 to vector<16xi32>
        %parallel_loop3A_590 = arith.muli %parallel_loop3A_589, %iota3A : vector<16xi32>
        %parallel_loop3A_591 = arith.constant 0 : i32
        %parallel_loop3A_592 = vector.broadcast %parallel_loop3A_591 : i32 to vector<16xi32>
        %parallel_loop3A_593 = arith.addi %parallel_loop3A_592, %parallel_loop3A_590 : vector<16xi32>
        tpu.vector_store_idx %arg9[%parallel_loop3A_331, %parallel_loop3A_593], %parallel_loop3A_495 {add = true} : memref<8x1536xf32, #tpu.memory_space<vmem>>[vector<16xi32>, vector<16xi32>], vector<16xf32>,
        %parallel_loop3A_594 = arith.constant 4 : i32
        %parallel_loop3A_595 = vector.broadcast %parallel_loop3A_594 : i32 to vector<16xi32>
        %parallel_loop3A_596 = arith.muli %parallel_loop3A_595, %iota3A : vector<16xi32>
        %parallel_loop3A_597 = arith.constant 64 : i32
        %parallel_loop3A_598 = vector.broadcast %parallel_loop3A_597 : i32 to vector<16xi32>
        %parallel_loop3A_599 = arith.addi %parallel_loop3A_598, %parallel_loop3A_596 : vector<16xi32>
        tpu.vector_store_idx %arg9[%parallel_loop3A_331, %parallel_loop3A_599], %parallel_loop3A_499 {add = true} : memref<8x1536xf32, #tpu.memory_space<vmem>>[vector<16xi32>, vector<16xi32>], vector<16xf32>,
        %parallel_loop3A_600 = arith.constant 4 : i32
        %parallel_loop3A_601 = vector.broadcast %parallel_loop3A_600 : i32 to vector<16xi32>
        %parallel_loop3A_602 = arith.muli %parallel_loop3A_601, %iota3A : vector<16xi32>
        %parallel_loop3A_603 = arith.constant 128 : i32
        %parallel_loop3A_604 = vector.broadcast %parallel_loop3A_603 : i32 to vector<16xi32>
        %parallel_loop3A_605 = arith.addi %parallel_loop3A_604, %parallel_loop3A_602 : vector<16xi32>
        tpu.vector_store_idx %arg9[%parallel_loop3A_331, %parallel_loop3A_605], %parallel_loop3A_503 {add = true} : memref<8x1536xf32, #tpu.memory_space<vmem>>[vector<16xi32>, vector<16xi32>], vector<16xf32>,
        %parallel_loop3A_606 = arith.constant 4 : i32
        %parallel_loop3A_607 = vector.broadcast %parallel_loop3A_606 : i32 to vector<16xi32>
        %parallel_loop3A_608 = arith.muli %parallel_loop3A_607, %iota3A : vector<16xi32>
        %parallel_loop3A_609 = arith.constant 192 : i32
        %parallel_loop3A_610 = vector.broadcast %parallel_loop3A_609 : i32 to vector<16xi32>
        %parallel_loop3A_611 = arith.addi %parallel_loop3A_610, %parallel_loop3A_608 : vector<16xi32>
        tpu.vector_store_idx %arg9[%parallel_loop3A_331, %parallel_loop3A_611], %parallel_loop3A_507 {add = true} : memref<8x1536xf32, #tpu.memory_space<vmem>>[vector<16xi32>, vector<16xi32>], vector<16xf32>,
        %parallel_loop3A_612 = arith.constant 4 : i32
        %parallel_loop3A_613 = vector.broadcast %parallel_loop3A_612 : i32 to vector<16xi32>
        %parallel_loop3A_614 = arith.muli %parallel_loop3A_613, %iota3A : vector<16xi32>
        %parallel_loop3A_615 = arith.constant 256 : i32
        %parallel_loop3A_616 = vector.broadcast %parallel_loop3A_615 : i32 to vector<16xi32>
        %parallel_loop3A_617 = arith.addi %parallel_loop3A_616, %parallel_loop3A_614 : vector<16xi32>
        tpu.vector_store_idx %arg9[%parallel_loop3A_331, %parallel_loop3A_617], %parallel_loop3A_511 {add = true} : memref<8x1536xf32, #tpu.memory_space<vmem>>[vector<16xi32>, vector<16xi32>], vector<16xf32>,
        %parallel_loop3A_618 = arith.constant 4 : i32
        %parallel_loop3A_619 = vector.broadcast %parallel_loop3A_618 : i32 to vector<16xi32>
        %parallel_loop3A_620 = arith.muli %parallel_loop3A_619, %iota3A : vector<16xi32>
        %parallel_loop3A_621 = arith.constant 320 : i32
        %parallel_loop3A_622 = vector.broadcast %parallel_loop3A_621 : i32 to vector<16xi32>
        %parallel_loop3A_623 = arith.addi %parallel_loop3A_622, %parallel_loop3A_620 : vector<16xi32>
        tpu.vector_store_idx %arg9[%parallel_loop3A_331, %parallel_loop3A_623], %parallel_loop3A_515 {add = true} : memref<8x1536xf32, #tpu.memory_space<vmem>>[vector<16xi32>, vector<16xi32>], vector<16xf32>,
        %parallel_loop3A_624 = arith.constant 4 : i32
        %parallel_loop3A_625 = vector.broadcast %parallel_loop3A_624 : i32 to vector<16xi32>
        %parallel_loop3A_626 = arith.muli %parallel_loop3A_625, %iota3A : vector<16xi32>
        %parallel_loop3A_627 = arith.constant 384 : i32
        %parallel_loop3A_628 = vector.broadcast %parallel_loop3A_627 : i32 to vector<16xi32>
        %parallel_loop3A_629 = arith.addi %parallel_loop3A_628, %parallel_loop3A_626 : vector<16xi32>
        tpu.vector_store_idx %arg9[%parallel_loop3A_331, %parallel_loop3A_629], %parallel_loop3A_519 {add = true} : memref<8x1536xf32, #tpu.memory_space<vmem>>[vector<16xi32>, vector<16xi32>], vector<16xf32>,
        %parallel_loop3A_630 = arith.constant 4 : i32
        %parallel_loop3A_631 = vector.broadcast %parallel_loop3A_630 : i32 to vector<16xi32>
        %parallel_loop3A_632 = arith.muli %parallel_loop3A_631, %iota3A : vector<16xi32>
        %parallel_loop3A_633 = arith.constant 448 : i32
        %parallel_loop3A_634 = vector.broadcast %parallel_loop3A_633 : i32 to vector<16xi32>
        %parallel_loop3A_635 = arith.addi %parallel_loop3A_634, %parallel_loop3A_632 : vector<16xi32>
        tpu.vector_store_idx %arg9[%parallel_loop3A_331, %parallel_loop3A_635], %parallel_loop3A_523 {add = true} : memref<8x1536xf32, #tpu.memory_space<vmem>>[vector<16xi32>, vector<16xi32>], vector<16xf32>,
        %parallel_loop3A_636 = arith.constant 4 : i32
        %parallel_loop3A_637 = vector.broadcast %parallel_loop3A_636 : i32 to vector<16xi32>
        %parallel_loop3A_638 = arith.muli %parallel_loop3A_637, %iota3A : vector<16xi32>
        %parallel_loop3A_639 = arith.constant 512 : i32
        %parallel_loop3A_640 = vector.broadcast %parallel_loop3A_639 : i32 to vector<16xi32>
        %parallel_loop3A_641 = arith.addi %parallel_loop3A_640, %parallel_loop3A_638 : vector<16xi32>
        tpu.vector_store_idx %arg9[%parallel_loop3A_331, %parallel_loop3A_641], %parallel_loop3A_527 {add = true} : memref<8x1536xf32, #tpu.memory_space<vmem>>[vector<16xi32>, vector<16xi32>], vector<16xf32>,
        %parallel_loop3A_642 = arith.constant 4 : i32
        %parallel_loop3A_643 = vector.broadcast %parallel_loop3A_642 : i32 to vector<16xi32>
        %parallel_loop3A_644 = arith.muli %parallel_loop3A_643, %iota3A : vector<16xi32>
        %parallel_loop3A_645 = arith.constant 576 : i32
        %parallel_loop3A_646 = vector.broadcast %parallel_loop3A_645 : i32 to vector<16xi32>
        %parallel_loop3A_647 = arith.addi %parallel_loop3A_646, %parallel_loop3A_644 : vector<16xi32>
        tpu.vector_store_idx %arg9[%parallel_loop3A_331, %parallel_loop3A_647], %parallel_loop3A_531 {add = true} : memref<8x1536xf32, #tpu.memory_space<vmem>>[vector<16xi32>, vector<16xi32>], vector<16xf32>,
        %parallel_loop3A_648 = arith.constant 4 : i32
        %parallel_loop3A_649 = vector.broadcast %parallel_loop3A_648 : i32 to vector<16xi32>
        %parallel_loop3A_650 = arith.muli %parallel_loop3A_649, %iota3A : vector<16xi32>
        %parallel_loop3A_651 = arith.constant 640 : i32
        %parallel_loop3A_652 = vector.broadcast %parallel_loop3A_651 : i32 to vector<16xi32>
        %parallel_loop3A_653 = arith.addi %parallel_loop3A_652, %parallel_loop3A_650 : vector<16xi32>
        tpu.vector_store_idx %arg9[%parallel_loop3A_331, %parallel_loop3A_653], %parallel_loop3A_535 {add = true} : memref<8x1536xf32, #tpu.memory_space<vmem>>[vector<16xi32>, vector<16xi32>], vector<16xf32>,
        %parallel_loop3A_654 = arith.constant 4 : i32
        %parallel_loop3A_655 = vector.broadcast %parallel_loop3A_654 : i32 to vector<16xi32>
        %parallel_loop3A_656 = arith.muli %parallel_loop3A_655, %iota3A : vector<16xi32>
        %parallel_loop3A_657 = arith.constant 704 : i32
        %parallel_loop3A_658 = vector.broadcast %parallel_loop3A_657 : i32 to vector<16xi32>
        %parallel_loop3A_659 = arith.addi %parallel_loop3A_658, %parallel_loop3A_656 : vector<16xi32>
        tpu.vector_store_idx %arg9[%parallel_loop3A_331, %parallel_loop3A_659], %parallel_loop3A_539 {add = true} : memref<8x1536xf32, #tpu.memory_space<vmem>>[vector<16xi32>, vector<16xi32>], vector<16xf32>,
        %parallel_loop3A_660 = arith.constant 4 : i32
        %parallel_loop3A_661 = vector.broadcast %parallel_loop3A_660 : i32 to vector<16xi32>
        %parallel_loop3A_662 = arith.muli %parallel_loop3A_661, %iota3A : vector<16xi32>
        %parallel_loop3A_663 = arith.constant 768 : i32
        %parallel_loop3A_664 = vector.broadcast %parallel_loop3A_663 : i32 to vector<16xi32>
        %parallel_loop3A_665 = arith.addi %parallel_loop3A_664, %parallel_loop3A_662 : vector<16xi32>
        tpu.vector_store_idx %arg9[%parallel_loop3A_331, %parallel_loop3A_665], %parallel_loop3A_543 {add = true} : memref<8x1536xf32, #tpu.memory_space<vmem>>[vector<16xi32>, vector<16xi32>], vector<16xf32>,
        %parallel_loop3A_666 = arith.constant 4 : i32
        %parallel_loop3A_667 = vector.broadcast %parallel_loop3A_666 : i32 to vector<16xi32>
        %parallel_loop3A_668 = arith.muli %parallel_loop3A_667, %iota3A : vector<16xi32>
        %parallel_loop3A_669 = arith.constant 832 : i32
        %parallel_loop3A_670 = vector.broadcast %parallel_loop3A_669 : i32 to vector<16xi32>
        %parallel_loop3A_671 = arith.addi %parallel_loop3A_670, %parallel_loop3A_668 : vector<16xi32>
        tpu.vector_store_idx %arg9[%parallel_loop3A_331, %parallel_loop3A_671], %parallel_loop3A_547 {add = true} : memref<8x1536xf32, #tpu.memory_space<vmem>>[vector<16xi32>, vector<16xi32>], vector<16xf32>,
        %parallel_loop3A_672 = arith.constant 4 : i32
        %parallel_loop3A_673 = vector.broadcast %parallel_loop3A_672 : i32 to vector<16xi32>
        %parallel_loop3A_674 = arith.muli %parallel_loop3A_673, %iota3A : vector<16xi32>
        %parallel_loop3A_675 = arith.constant 896 : i32
        %parallel_loop3A_676 = vector.broadcast %parallel_loop3A_675 : i32 to vector<16xi32>
        %parallel_loop3A_677 = arith.addi %parallel_loop3A_676, %parallel_loop3A_674 : vector<16xi32>
        tpu.vector_store_idx %arg9[%parallel_loop3A_331, %parallel_loop3A_677], %parallel_loop3A_551 {add = true} : memref<8x1536xf32, #tpu.memory_space<vmem>>[vector<16xi32>, vector<16xi32>], vector<16xf32>,
        %parallel_loop3A_678 = arith.constant 4 : i32
        %parallel_loop3A_679 = vector.broadcast %parallel_loop3A_678 : i32 to vector<16xi32>
        %parallel_loop3A_680 = arith.muli %parallel_loop3A_679, %iota3A : vector<16xi32>
        %parallel_loop3A_681 = arith.constant 960 : i32
        %parallel_loop3A_682 = vector.broadcast %parallel_loop3A_681 : i32 to vector<16xi32>
        %parallel_loop3A_683 = arith.addi %parallel_loop3A_682, %parallel_loop3A_680 : vector<16xi32>
        tpu.vector_store_idx %arg9[%parallel_loop3A_331, %parallel_loop3A_683], %parallel_loop3A_555 {add = true} : memref<8x1536xf32, #tpu.memory_space<vmem>>[vector<16xi32>, vector<16xi32>], vector<16xf32>,
        %parallel_loop3A_684 = arith.constant 4 : i32
        %parallel_loop3A_685 = vector.broadcast %parallel_loop3A_684 : i32 to vector<16xi32>
        %parallel_loop3A_686 = arith.muli %parallel_loop3A_685, %iota3A : vector<16xi32>
        %parallel_loop3A_687 = arith.constant 1024 : i32
        %parallel_loop3A_688 = vector.broadcast %parallel_loop3A_687 : i32 to vector<16xi32>
        %parallel_loop3A_689 = arith.addi %parallel_loop3A_688, %parallel_loop3A_686 : vector<16xi32>
        tpu.vector_store_idx %arg9[%parallel_loop3A_331, %parallel_loop3A_689], %parallel_loop3A_559 {add = true} : memref<8x1536xf32, #tpu.memory_space<vmem>>[vector<16xi32>, vector<16xi32>], vector<16xf32>,
        %parallel_loop3A_690 = arith.constant 4 : i32
        %parallel_loop3A_691 = vector.broadcast %parallel_loop3A_690 : i32 to vector<16xi32>
        %parallel_loop3A_692 = arith.muli %parallel_loop3A_691, %iota3A : vector<16xi32>
        %parallel_loop3A_693 = arith.constant 1088 : i32
        %parallel_loop3A_694 = vector.broadcast %parallel_loop3A_693 : i32 to vector<16xi32>
        %parallel_loop3A_695 = arith.addi %parallel_loop3A_694, %parallel_loop3A_692 : vector<16xi32>
        tpu.vector_store_idx %arg9[%parallel_loop3A_331, %parallel_loop3A_695], %parallel_loop3A_563 {add = true} : memref<8x1536xf32, #tpu.memory_space<vmem>>[vector<16xi32>, vector<16xi32>], vector<16xf32>,
        %parallel_loop3A_696 = arith.constant 4 : i32
        %parallel_loop3A_697 = vector.broadcast %parallel_loop3A_696 : i32 to vector<16xi32>
        %parallel_loop3A_698 = arith.muli %parallel_loop3A_697, %iota3A : vector<16xi32>
        %parallel_loop3A_699 = arith.constant 1152 : i32
        %parallel_loop3A_700 = vector.broadcast %parallel_loop3A_699 : i32 to vector<16xi32>
        %parallel_loop3A_701 = arith.addi %parallel_loop3A_700, %parallel_loop3A_698 : vector<16xi32>
        tpu.vector_store_idx %arg9[%parallel_loop3A_331, %parallel_loop3A_701], %parallel_loop3A_567 {add = true} : memref<8x1536xf32, #tpu.memory_space<vmem>>[vector<16xi32>, vector<16xi32>], vector<16xf32>,
        %parallel_loop3A_702 = arith.constant 4 : i32
        %parallel_loop3A_703 = vector.broadcast %parallel_loop3A_702 : i32 to vector<16xi32>
        %parallel_loop3A_704 = arith.muli %parallel_loop3A_703, %iota3A : vector<16xi32>
        %parallel_loop3A_705 = arith.constant 1216 : i32
        %parallel_loop3A_706 = vector.broadcast %parallel_loop3A_705 : i32 to vector<16xi32>
        %parallel_loop3A_707 = arith.addi %parallel_loop3A_706, %parallel_loop3A_704 : vector<16xi32>
        tpu.vector_store_idx %arg9[%parallel_loop3A_331, %parallel_loop3A_707], %parallel_loop3A_571 {add = true} : memref<8x1536xf32, #tpu.memory_space<vmem>>[vector<16xi32>, vector<16xi32>], vector<16xf32>,
        %parallel_loop3A_708 = arith.constant 4 : i32
        %parallel_loop3A_709 = vector.broadcast %parallel_loop3A_708 : i32 to vector<16xi32>
        %parallel_loop3A_710 = arith.muli %parallel_loop3A_709, %iota3A : vector<16xi32>
        %parallel_loop3A_711 = arith.constant 1280 : i32
        %parallel_loop3A_712 = vector.broadcast %parallel_loop3A_711 : i32 to vector<16xi32>
        %parallel_loop3A_713 = arith.addi %parallel_loop3A_712, %parallel_loop3A_710 : vector<16xi32>
        tpu.vector_store_idx %arg9[%parallel_loop3A_331, %parallel_loop3A_713], %parallel_loop3A_575 {add = true} : memref<8x1536xf32, #tpu.memory_space<vmem>>[vector<16xi32>, vector<16xi32>], vector<16xf32>,
        %parallel_loop3A_714 = arith.constant 4 : i32
        %parallel_loop3A_715 = vector.broadcast %parallel_loop3A_714 : i32 to vector<16xi32>
        %parallel_loop3A_716 = arith.muli %parallel_loop3A_715, %iota3A : vector<16xi32>
        %parallel_loop3A_717 = arith.constant 1344 : i32
        %parallel_loop3A_718 = vector.broadcast %parallel_loop3A_717 : i32 to vector<16xi32>
        %parallel_loop3A_719 = arith.addi %parallel_loop3A_718, %parallel_loop3A_716 : vector<16xi32>
        tpu.vector_store_idx %arg9[%parallel_loop3A_331, %parallel_loop3A_719], %parallel_loop3A_579 {add = true} : memref<8x1536xf32, #tpu.memory_space<vmem>>[vector<16xi32>, vector<16xi32>], vector<16xf32>,
        %parallel_loop3A_720 = arith.constant 4 : i32
        %parallel_loop3A_721 = vector.broadcast %parallel_loop3A_720 : i32 to vector<16xi32>
        %parallel_loop3A_722 = arith.muli %parallel_loop3A_721, %iota3A : vector<16xi32>
        %parallel_loop3A_723 = arith.constant 1408 : i32
        %parallel_loop3A_724 = vector.broadcast %parallel_loop3A_723 : i32 to vector<16xi32>
        %parallel_loop3A_725 = arith.addi %parallel_loop3A_724, %parallel_loop3A_722 : vector<16xi32>
        tpu.vector_store_idx %arg9[%parallel_loop3A_331, %parallel_loop3A_725], %parallel_loop3A_583 {add = true} : memref<8x1536xf32, #tpu.memory_space<vmem>>[vector<16xi32>, vector<16xi32>], vector<16xf32>,
        %parallel_loop3A_726 = arith.constant 4 : i32
        %parallel_loop3A_727 = vector.broadcast %parallel_loop3A_726 : i32 to vector<16xi32>
        %parallel_loop3A_728 = arith.muli %parallel_loop3A_727, %iota3A : vector<16xi32>
        %parallel_loop3A_729 = arith.constant 1472 : i32
        %parallel_loop3A_730 = vector.broadcast %parallel_loop3A_729 : i32 to vector<16xi32>
        %parallel_loop3A_731 = arith.addi %parallel_loop3A_730, %parallel_loop3A_728 : vector<16xi32>
        tpu.vector_store_idx %arg9[%parallel_loop3A_331, %parallel_loop3A_731], %parallel_loop3A_587 {add = true} : memref<8x1536xf32, #tpu.memory_space<vmem>>[vector<16xi32>, vector<16xi32>], vector<16xf32>,
        %parallel_loop3A_732 = arith.index_cast %parallel_loop3A_327 : i32 to index
        %parallel_loop3A_733 = arith.constant 64 : index
        %parallel_loop3A_734 = tpu.vector_load %arg5[%parallel_loop3A_732, %parallel_loop3A_733] {strides = array<i32>} : memref<8x512xf32, #tpu.memory_space<vmem>>, vector<16xf32>,
        %parallel_loop3A_735 = arith.mulf %parallel_loop3A_734, %div3A_65 : vector<16xf32>
        %parallel_loop3A_736 = arith.index_cast %parallel_loop3A_327 : i32 to index
        %parallel_loop3A_737 = arith.constant 80 : index
        %parallel_loop3A_738 = tpu.vector_load %arg5[%parallel_loop3A_736, %parallel_loop3A_737] {strides = array<i32>} : memref<8x512xf32, #tpu.memory_space<vmem>>, vector<16xf32>,
        %parallel_loop3A_739 = arith.mulf %parallel_loop3A_738, %div3A_65 : vector<16xf32>
        %parallel_loop3A_740 = arith.index_cast %parallel_loop3A_327 : i32 to index
        %parallel_loop3A_741 = arith.constant 96 : index
        %parallel_loop3A_742 = tpu.vector_load %arg5[%parallel_loop3A_740, %parallel_loop3A_741] {strides = array<i32>} : memref<8x512xf32, #tpu.memory_space<vmem>>, vector<16xf32>,
        %parallel_loop3A_743 = arith.mulf %parallel_loop3A_742, %div3A_65 : vector<16xf32>
        %parallel_loop3A_744 = arith.index_cast %parallel_loop3A_327 : i32 to index
        %parallel_loop3A_745 = arith.constant 112 : index
        %parallel_loop3A_746 = tpu.vector_load %arg5[%parallel_loop3A_744, %parallel_loop3A_745] {strides = array<i32>} : memref<8x512xf32, #tpu.memory_space<vmem>>, vector<16xf32>,
        %parallel_loop3A_747 = arith.mulf %parallel_loop3A_746, %div3A_65 : vector<16xf32>
        %parallel_loop3A_748 = arith.index_cast %parallel_loop3A_327 : i32 to index
        %parallel_loop3A_749 = arith.constant 128 : index
        %parallel_loop3A_750 = tpu.vector_load %arg5[%parallel_loop3A_748, %parallel_loop3A_749] {strides = array<i32>} : memref<8x512xf32, #tpu.memory_space<vmem>>, vector<16xf32>,
        %parallel_loop3A_751 = arith.mulf %parallel_loop3A_750, %div3A_65 : vector<16xf32>
        %parallel_loop3A_752 = arith.index_cast %parallel_loop3A_327 : i32 to index
        %parallel_loop3A_753 = arith.constant 144 : index
        %parallel_loop3A_754 = tpu.vector_load %arg5[%parallel_loop3A_752, %parallel_loop3A_753] {strides = array<i32>} : memref<8x512xf32, #tpu.memory_space<vmem>>, vector<16xf32>,
        %parallel_loop3A_755 = arith.mulf %parallel_loop3A_754, %div3A_65 : vector<16xf32>
        %parallel_loop3A_756 = arith.index_cast %parallel_loop3A_327 : i32 to index
        %parallel_loop3A_757 = arith.constant 160 : index
        %parallel_loop3A_758 = tpu.vector_load %arg5[%parallel_loop3A_756, %parallel_loop3A_757] {strides = array<i32>} : memref<8x512xf32, #tpu.memory_space<vmem>>, vector<16xf32>,
        %parallel_loop3A_759 = arith.mulf %parallel_loop3A_758, %div3A_65 : vector<16xf32>
        %parallel_loop3A_760 = arith.index_cast %parallel_loop3A_327 : i32 to index
        %parallel_loop3A_761 = arith.constant 176 : index
        %parallel_loop3A_762 = tpu.vector_load %arg5[%parallel_loop3A_760, %parallel_loop3A_761] {strides = array<i32>} : memref<8x512xf32, #tpu.memory_space<vmem>>, vector<16xf32>,
        %parallel_loop3A_763 = arith.mulf %parallel_loop3A_762, %div3A_65 : vector<16xf32>
        %parallel_loop3A_764 = arith.index_cast %parallel_loop3A_327 : i32 to index
        %parallel_loop3A_765 = arith.constant 192 : index
        %parallel_loop3A_766 = tpu.vector_load %arg5[%parallel_loop3A_764, %parallel_loop3A_765] {strides = array<i32>} : memref<8x512xf32, #tpu.memory_space<vmem>>, vector<16xf32>,
        %parallel_loop3A_767 = arith.mulf %parallel_loop3A_766, %div3A_65 : vector<16xf32>
        %parallel_loop3A_768 = arith.index_cast %parallel_loop3A_327 : i32 to index
        %parallel_loop3A_769 = arith.constant 208 : index
        %parallel_loop3A_770 = tpu.vector_load %arg5[%parallel_loop3A_768, %parallel_loop3A_769] {strides = array<i32>} : memref<8x512xf32, #tpu.memory_space<vmem>>, vector<16xf32>,
        %parallel_loop3A_771 = arith.mulf %parallel_loop3A_770, %div3A_65 : vector<16xf32>
        %parallel_loop3A_772 = arith.index_cast %parallel_loop3A_327 : i32 to index
        %parallel_loop3A_773 = arith.constant 224 : index
        %parallel_loop3A_774 = tpu.vector_load %arg5[%parallel_loop3A_772, %parallel_loop3A_773] {strides = array<i32>} : memref<8x512xf32, #tpu.memory_space<vmem>>, vector<16xf32>,
        %parallel_loop3A_775 = arith.mulf %parallel_loop3A_774, %div3A_65 : vector<16xf32>
        %parallel_loop3A_776 = arith.index_cast %parallel_loop3A_327 : i32 to index
        %parallel_loop3A_777 = arith.constant 240 : index
        %parallel_loop3A_778 = tpu.vector_load %arg5[%parallel_loop3A_776, %parallel_loop3A_777] {strides = array<i32>} : memref<8x512xf32, #tpu.memory_space<vmem>>, vector<16xf32>,
        %parallel_loop3A_779 = arith.mulf %parallel_loop3A_778, %div3A_65 : vector<16xf32>
        %parallel_loop3A_780 = arith.constant 8 : i32
        %parallel_loop3A_781 = vector.broadcast %parallel_loop3A_780 : i32 to vector<16xi32>
        %parallel_loop3A_782 = arith.muli %parallel_loop3A_781, %iota3A : vector<16xi32>
        %parallel_loop3A_783 = arith.constant 0 : i32
        %parallel_loop3A_784 = vector.broadcast %parallel_loop3A_783 : i32 to vector<16xi32>
        %parallel_loop3A_785 = arith.addi %parallel_loop3A_784, %parallel_loop3A_782 : vector<16xi32>
        tpu.vector_store_idx %arg9[%parallel_loop3A_331, %parallel_loop3A_785], %parallel_loop3A_735 {add = true} : memref<8x1536xf32, #tpu.memory_space<vmem>>[vector<16xi32>, vector<16xi32>], vector<16xf32>,
        %parallel_loop3A_786 = arith.constant 8 : i32
        %parallel_loop3A_787 = vector.broadcast %parallel_loop3A_786 : i32 to vector<16xi32>
        %parallel_loop3A_788 = arith.muli %parallel_loop3A_787, %iota3A : vector<16xi32>
        %parallel_loop3A_789 = arith.constant 128 : i32
        %parallel_loop3A_790 = vector.broadcast %parallel_loop3A_789 : i32 to vector<16xi32>
        %parallel_loop3A_791 = arith.addi %parallel_loop3A_790, %parallel_loop3A_788 : vector<16xi32>
        tpu.vector_store_idx %arg9[%parallel_loop3A_331, %parallel_loop3A_791], %parallel_loop3A_739 {add = true} : memref<8x1536xf32, #tpu.memory_space<vmem>>[vector<16xi32>, vector<16xi32>], vector<16xf32>,
        %parallel_loop3A_792 = arith.constant 8 : i32
        %parallel_loop3A_793 = vector.broadcast %parallel_loop3A_792 : i32 to vector<16xi32>
        %parallel_loop3A_794 = arith.muli %parallel_loop3A_793, %iota3A : vector<16xi32>
        %parallel_loop3A_795 = arith.constant 256 : i32
        %parallel_loop3A_796 = vector.broadcast %parallel_loop3A_795 : i32 to vector<16xi32>
        %parallel_loop3A_797 = arith.addi %parallel_loop3A_796, %parallel_loop3A_794 : vector<16xi32>
        tpu.vector_store_idx %arg9[%parallel_loop3A_331, %parallel_loop3A_797], %parallel_loop3A_743 {add = true} : memref<8x1536xf32, #tpu.memory_space<vmem>>[vector<16xi32>, vector<16xi32>], vector<16xf32>,
        %parallel_loop3A_798 = arith.constant 8 : i32
        %parallel_loop3A_799 = vector.broadcast %parallel_loop3A_798 : i32 to vector<16xi32>
        %parallel_loop3A_800 = arith.muli %parallel_loop3A_799, %iota3A : vector<16xi32>
        %parallel_loop3A_801 = arith.constant 384 : i32
        %parallel_loop3A_802 = vector.broadcast %parallel_loop3A_801 : i32 to vector<16xi32>
        %parallel_loop3A_803 = arith.addi %parallel_loop3A_802, %parallel_loop3A_800 : vector<16xi32>
        tpu.vector_store_idx %arg9[%parallel_loop3A_331, %parallel_loop3A_803], %parallel_loop3A_747 {add = true} : memref<8x1536xf32, #tpu.memory_space<vmem>>[vector<16xi32>, vector<16xi32>], vector<16xf32>,
        %parallel_loop3A_804 = arith.constant 8 : i32
        %parallel_loop3A_805 = vector.broadcast %parallel_loop3A_804 : i32 to vector<16xi32>
        %parallel_loop3A_806 = arith.muli %parallel_loop3A_805, %iota3A : vector<16xi32>
        %parallel_loop3A_807 = arith.constant 512 : i32
        %parallel_loop3A_808 = vector.broadcast %parallel_loop3A_807 : i32 to vector<16xi32>
        %parallel_loop3A_809 = arith.addi %parallel_loop3A_808, %parallel_loop3A_806 : vector<16xi32>
        tpu.vector_store_idx %arg9[%parallel_loop3A_331, %parallel_loop3A_809], %parallel_loop3A_751 {add = true} : memref<8x1536xf32, #tpu.memory_space<vmem>>[vector<16xi32>, vector<16xi32>], vector<16xf32>,
        %parallel_loop3A_810 = arith.constant 8 : i32
        %parallel_loop3A_811 = vector.broadcast %parallel_loop3A_810 : i32 to vector<16xi32>
        %parallel_loop3A_812 = arith.muli %parallel_loop3A_811, %iota3A : vector<16xi32>
        %parallel_loop3A_813 = arith.constant 640 : i32
        %parallel_loop3A_814 = vector.broadcast %parallel_loop3A_813 : i32 to vector<16xi32>
        %parallel_loop3A_815 = arith.addi %parallel_loop3A_814, %parallel_loop3A_812 : vector<16xi32>
        tpu.vector_store_idx %arg9[%parallel_loop3A_331, %parallel_loop3A_815], %parallel_loop3A_755 {add = true} : memref<8x1536xf32, #tpu.memory_space<vmem>>[vector<16xi32>, vector<16xi32>], vector<16xf32>,
        %parallel_loop3A_816 = arith.constant 8 : i32
        %parallel_loop3A_817 = vector.broadcast %parallel_loop3A_816 : i32 to vector<16xi32>
        %parallel_loop3A_818 = arith.muli %parallel_loop3A_817, %iota3A : vector<16xi32>
        %parallel_loop3A_819 = arith.constant 768 : i32
        %parallel_loop3A_820 = vector.broadcast %parallel_loop3A_819 : i32 to vector<16xi32>
        %parallel_loop3A_821 = arith.addi %parallel_loop3A_820, %parallel_loop3A_818 : vector<16xi32>
        tpu.vector_store_idx %arg9[%parallel_loop3A_331, %parallel_loop3A_821], %parallel_loop3A_759 {add = true} : memref<8x1536xf32, #tpu.memory_space<vmem>>[vector<16xi32>, vector<16xi32>], vector<16xf32>,
        %parallel_loop3A_822 = arith.constant 8 : i32
        %parallel_loop3A_823 = vector.broadcast %parallel_loop3A_822 : i32 to vector<16xi32>
        %parallel_loop3A_824 = arith.muli %parallel_loop3A_823, %iota3A : vector<16xi32>
        %parallel_loop3A_825 = arith.constant 896 : i32
        %parallel_loop3A_826 = vector.broadcast %parallel_loop3A_825 : i32 to vector<16xi32>
        %parallel_loop3A_827 = arith.addi %parallel_loop3A_826, %parallel_loop3A_824 : vector<16xi32>
        tpu.vector_store_idx %arg9[%parallel_loop3A_331, %parallel_loop3A_827], %parallel_loop3A_763 {add = true} : memref<8x1536xf32, #tpu.memory_space<vmem>>[vector<16xi32>, vector<16xi32>], vector<16xf32>,
        %parallel_loop3A_828 = arith.constant 8 : i32
        %parallel_loop3A_829 = vector.broadcast %parallel_loop3A_828 : i32 to vector<16xi32>
        %parallel_loop3A_830 = arith.muli %parallel_loop3A_829, %iota3A : vector<16xi32>
        %parallel_loop3A_831 = arith.constant 1024 : i32
        %parallel_loop3A_832 = vector.broadcast %parallel_loop3A_831 : i32 to vector<16xi32>
        %parallel_loop3A_833 = arith.addi %parallel_loop3A_832, %parallel_loop3A_830 : vector<16xi32>
        tpu.vector_store_idx %arg9[%parallel_loop3A_331, %parallel_loop3A_833], %parallel_loop3A_767 {add = true} : memref<8x1536xf32, #tpu.memory_space<vmem>>[vector<16xi32>, vector<16xi32>], vector<16xf32>,
        %parallel_loop3A_834 = arith.constant 8 : i32
        %parallel_loop3A_835 = vector.broadcast %parallel_loop3A_834 : i32 to vector<16xi32>
        %parallel_loop3A_836 = arith.muli %parallel_loop3A_835, %iota3A : vector<16xi32>
        %parallel_loop3A_837 = arith.constant 1152 : i32
        %parallel_loop3A_838 = vector.broadcast %parallel_loop3A_837 : i32 to vector<16xi32>
        %parallel_loop3A_839 = arith.addi %parallel_loop3A_838, %parallel_loop3A_836 : vector<16xi32>
        tpu.vector_store_idx %arg9[%parallel_loop3A_331, %parallel_loop3A_839], %parallel_loop3A_771 {add = true} : memref<8x1536xf32, #tpu.memory_space<vmem>>[vector<16xi32>, vector<16xi32>], vector<16xf32>,
        %parallel_loop3A_840 = arith.constant 8 : i32
        %parallel_loop3A_841 = vector.broadcast %parallel_loop3A_840 : i32 to vector<16xi32>
        %parallel_loop3A_842 = arith.muli %parallel_loop3A_841, %iota3A : vector<16xi32>
        %parallel_loop3A_843 = arith.constant 1280 : i32
        %parallel_loop3A_844 = vector.broadcast %parallel_loop3A_843 : i32 to vector<16xi32>
        %parallel_loop3A_845 = arith.addi %parallel_loop3A_844, %parallel_loop3A_842 : vector<16xi32>
        tpu.vector_store_idx %arg9[%parallel_loop3A_331, %parallel_loop3A_845], %parallel_loop3A_775 {add = true} : memref<8x1536xf32, #tpu.memory_space<vmem>>[vector<16xi32>, vector<16xi32>], vector<16xf32>,
        %parallel_loop3A_846 = arith.constant 8 : i32
        %parallel_loop3A_847 = vector.broadcast %parallel_loop3A_846 : i32 to vector<16xi32>
        %parallel_loop3A_848 = arith.muli %parallel_loop3A_847, %iota3A : vector<16xi32>
        %parallel_loop3A_849 = arith.constant 1408 : i32
        %parallel_loop3A_850 = vector.broadcast %parallel_loop3A_849 : i32 to vector<16xi32>
        %parallel_loop3A_851 = arith.addi %parallel_loop3A_850, %parallel_loop3A_848 : vector<16xi32>
        tpu.vector_store_idx %arg9[%parallel_loop3A_331, %parallel_loop3A_851], %parallel_loop3A_779 {add = true} : memref<8x1536xf32, #tpu.memory_space<vmem>>[vector<16xi32>, vector<16xi32>], vector<16xf32>,
      } {sc.loop_unroll_factor = 4 : i64, sc.parallel_access}
      %mul3A_180 = arith.constant 8 : i32
      %mul3A_181 = arith.muli %add3A_157, %mul3A_180 : i32
      %add3A_182 = arith.addi %mul3A_32, %mul3A_181 : i32
      %dma_start3A_183 = arith.constant 0 : i32
      %dma_start3A_184 = tpu.memref_slice %arg4[%select_n3A, %add3A_182, %dma_start3A_183] : memref<4x2048x2048xf32, #tpu.memory_space<hbm>> -> memref<1x8x512xf32, #tpu.memory_space<hbm>>
      %dma_start3A_185 = tpu.memref_squeeze %dma_start3A_184 : memref<1x8x512xf32, #tpu.memory_space<hbm>> -> memref<8x512xf32, #tpu.memory_space<hbm>>
      %dma_start3A_186 = arith.constant 0 : i32
      %dma_start3A_187 = tpu.memref_slice %arg4[%select_n3A, %add3A_182, %dma_start3A_186] : memref<4x2048x2048xf32, #tpu.memory_space<hbm>> -> memref<1x8x512xf32, #tpu.memory_space<hbm>>
      %dma_start3A_188 = tpu.memref_squeeze %dma_start3A_187 : memref<1x8x512xf32, #tpu.memory_space<hbm>> -> memref<8x512xf32, #tpu.memory_space<hbm>>
      tpu.enqueue_dma source(%arg5 : memref<8x512xf32, #tpu.memory_space<vmem>>) target(%dma_start3A_188 : memref<8x512xf32, #tpu.memory_space<hbm>>) target_semaphore(%arg22 : memref<!tpu.dma_semaphore, #tpu.memory_space<semaphore_mem>>)
      %dma_start3A_189 = arith.constant 512 : i32
      %dma_start3A_190 = tpu.memref_slice %arg4[%select_n3A, %add3A_182, %dma_start3A_189] : memref<4x2048x2048xf32, #tpu.memory_space<hbm>> -> memref<1x8x1536xf32, #tpu.memory_space<hbm>>
      %dma_start3A_191 = tpu.memref_squeeze %dma_start3A_190 : memref<1x8x1536xf32, #tpu.memory_space<hbm>> -> memref<8x1536xf32, #tpu.memory_space<hbm>>
      %dma_start3A_192 = arith.constant 512 : i32
      %dma_start3A_193 = tpu.memref_slice %arg4[%select_n3A, %add3A_182, %dma_start3A_192] : memref<4x2048x2048xf32, #tpu.memory_space<hbm>> -> memref<1x8x1536xf32, #tpu.memory_space<hbm>>
      %dma_start3A_194 = tpu.memref_squeeze %dma_start3A_193 : memref<1x8x1536xf32, #tpu.memory_space<hbm>> -> memref<8x1536xf32, #tpu.memory_space<hbm>>
      tpu.enqueue_dma source(%arg9 : memref<8x1536xf32, #tpu.memory_space<vmem>>) target(%dma_start3A_194 : memref<8x1536xf32, #tpu.memory_space<hbm>>) target_semaphore(%arg26 : memref<!tpu.dma_semaphore, #tpu.memory_space<semaphore_mem>>)
      %mul3A_195 = arith.constant 4 : i32
      %mul3A_196 = arith.muli %mul3A_195, %scan3A_153 : i32
      %add3A_197 = arith.constant 1 : i32
      %add3A_198 = arith.addi %mul3A_196, %add3A_197 : i32
      %add3A_199 = arith.constant 2 : i32
      %add3A_200 = arith.addi %add3A_198, %add3A_199 : i32
      %lt3A_201 = arith.constant 32 : i32
      %lt3A_202 = arith.cmpi slt, %add3A_200, %lt3A_201 : i32
      %convert_element_type3A_203 = arith.extui %lt3A_202 : i1 to i32
      %cond3A_204 = arith.constant 0 : i32
      %cond3A_205 = arith.cmpi ne, %convert_element_type3A_203, %cond3A_204 : i32
      scf.if %cond3A_205 {
        %ge3A = arith.constant 2 : i32
        %ge3A_327 = arith.cmpi sge, %add3A_198, %ge3A : i32
        %convert_element_type3A_328 = arith.extui %ge3A_327 : i1 to i32
        %cond3A_329 = arith.constant 0 : i32
        %cond3A_330 = arith.cmpi ne, %convert_element_type3A_328, %cond3A_329 : i32
        scf.if %cond3A_330 {
          %sub3A_348 = arith.constant 2 : i32
          %sub3A_349 = arith.subi %add3A_198, %sub3A_348 : i32
          %mul3A_350 = arith.constant 8 : i32
          %mul3A_351 = arith.muli %sub3A_349, %mul3A_350 : i32
          %add3A_352 = arith.addi %mul3A_32, %mul3A_351 : i32
          %dma_wait3A_353 = arith.constant 0 : i32
          %dma_wait3A_354 = tpu.memref_slice %arg4[%select_n3A, %add3A_352, %dma_wait3A_353] : memref<4x2048x2048xf32, #tpu.memory_space<hbm>> -> memref<1x8x512xf32, #tpu.memory_space<hbm>>
          %dma_wait3A_355 = tpu.memref_squeeze %dma_wait3A_354 : memref<1x8x512xf32, #tpu.memory_space<hbm>> -> memref<8x512xf32, #tpu.memory_space<hbm>>
          %dma_wait3A_356 = arith.constant 0 : i32
          %dma_wait3A_357 = tpu.memref_slice %arg4[%select_n3A, %add3A_352, %dma_wait3A_356] : memref<4x2048x2048xf32, #tpu.memory_space<hbm>> -> memref<1x8x512xf32, #tpu.memory_space<hbm>>
          %dma_wait3A_358 = tpu.memref_squeeze %dma_wait3A_357 : memref<1x8x512xf32, #tpu.memory_space<hbm>> -> memref<8x512xf32, #tpu.memory_space<hbm>>
          tpu.wait_dma2 semaphore(%arg25 : memref<!tpu.dma_semaphore, #tpu.memory_space<semaphore_mem>>) src(%arg8 : memref<8x512xf32, #tpu.memory_space<vmem>>) dst(%dma_wait3A_358 : memref<8x512xf32, #tpu.memory_space<hbm>>)
          %dma_wait3A_359 = arith.constant 512 : i32
          %dma_wait3A_360 = tpu.memref_slice %arg4[%select_n3A, %add3A_352, %dma_wait3A_359] : memref<4x2048x2048xf32, #tpu.memory_space<hbm>> -> memref<1x8x1536xf32, #tpu.memory_space<hbm>>
          %dma_wait3A_361 = tpu.memref_squeeze %dma_wait3A_360 : memref<1x8x1536xf32, #tpu.memory_space<hbm>> -> memref<8x1536xf32, #tpu.memory_space<hbm>>
          %dma_wait3A_362 = arith.constant 512 : i32
          %dma_wait3A_363 = tpu.memref_slice %arg4[%select_n3A, %add3A_352, %dma_wait3A_362] : memref<4x2048x2048xf32, #tpu.memory_space<hbm>> -> memref<1x8x1536xf32, #tpu.memory_space<hbm>>
          %dma_wait3A_364 = tpu.memref_squeeze %dma_wait3A_363 : memref<1x8x1536xf32, #tpu.memory_space<hbm>> -> memref<8x1536xf32, #tpu.memory_space<hbm>>
          tpu.wait_dma2 semaphore(%arg29 : memref<!tpu.dma_semaphore, #tpu.memory_space<semaphore_mem>>) src(%arg12 : memref<8x1536xf32, #tpu.memory_space<vmem>>) dst(%dma_wait3A_364 : memref<8x1536xf32, #tpu.memory_space<hbm>>)
        } else {
        }
        %add3A_331 = arith.constant 2 : i32
        %add3A_332 = arith.addi %add3A_198, %add3A_331 : i32
        %mul3A_333 = arith.constant 8 : i32
        %mul3A_334 = arith.muli %add3A_332, %mul3A_333 : i32
        %add3A_335 = arith.addi %mul3A_32, %mul3A_334 : i32
        %dma_start3A_336 = arith.constant 0 : i32
        %dma_start3A_337 = tpu.memref_slice %arg2[%select_n3A, %add3A_335, %dma_start3A_336] : memref<4x2048x2048xf32, #tpu.memory_space<hbm>> -> memref<1x8x512xf32, #tpu.memory_space<hbm>>
        %dma_start3A_338 = tpu.memref_squeeze %dma_start3A_337 : memref<1x8x512xf32, #tpu.memory_space<hbm>> -> memref<8x512xf32, #tpu.memory_space<hbm>>
        %dma_start3A_339 = arith.constant 0 : i32
        %dma_start3A_340 = tpu.memref_slice %arg2[%select_n3A, %add3A_335, %dma_start3A_339] : memref<4x2048x2048xf32, #tpu.memory_space<hbm>> -> memref<1x8x512xf32, #tpu.memory_space<hbm>>
        %dma_start3A_341 = tpu.memref_squeeze %dma_start3A_340 : memref<1x8x512xf32, #tpu.memory_space<hbm>> -> memref<8x512xf32, #tpu.memory_space<hbm>>
        tpu.enqueue_dma source(%dma_start3A_341 : memref<8x512xf32, #tpu.memory_space<hbm>>) target(%arg8 : memref<8x512xf32, #tpu.memory_space<vmem>>) target_semaphore(%arg17 : memref<!tpu.dma_semaphore, #tpu.memory_space<semaphore_mem>>)
        %dma_start3A_342 = arith.constant 512 : i32
        %dma_start3A_343 = tpu.memref_slice %arg2[%select_n3A, %add3A_335, %dma_start3A_342] : memref<4x2048x2048xf32, #tpu.memory_space<hbm>> -> memref<1x8x1536xf32, #tpu.memory_space<hbm>>
        %dma_start3A_344 = tpu.memref_squeeze %dma_start3A_343 : memref<1x8x1536xf32, #tpu.memory_space<hbm>> -> memref<8x1536xf32, #tpu.memory_space<hbm>>
        %dma_start3A_345 = arith.constant 512 : i32
        %dma_start3A_346 = tpu.memref_slice %arg2[%select_n3A, %add3A_335, %dma_start3A_345] : memref<4x2048x2048xf32, #tpu.memory_space<hbm>> -> memref<1x8x1536xf32, #tpu.memory_space<hbm>>
        %dma_start3A_347 = tpu.memref_squeeze %dma_start3A_346 : memref<1x8x1536xf32, #tpu.memory_space<hbm>> -> memref<8x1536xf32, #tpu.memory_space<hbm>>
        tpu.enqueue_dma source(%dma_start3A_347 : memref<8x1536xf32, #tpu.memory_space<hbm>>) target(%arg12 : memref<8x1536xf32, #tpu.memory_space<vmem>>) target_semaphore(%arg21 : memref<!tpu.dma_semaphore, #tpu.memory_space<semaphore_mem>>)
      } else {
      }
      %mul3A_206 = arith.constant 8 : i32
      %mul3A_207 = arith.muli %add3A_198, %mul3A_206 : i32
      %add3A_208 = arith.addi %mul3A_32, %mul3A_207 : i32
      %dma_wait3A_209 = arith.constant 0 : i32
      %dma_wait3A_210 = tpu.memref_slice %arg2[%select_n3A, %add3A_208, %dma_wait3A_209] : memref<4x2048x2048xf32, #tpu.memory_space<hbm>> -> memref<1x8x512xf32, #tpu.memory_space<hbm>>
      %dma_wait3A_211 = tpu.memref_squeeze %dma_wait3A_210 : memref<1x8x512xf32, #tpu.memory_space<hbm>> -> memref<8x512xf32, #tpu.memory_space<hbm>>
      %dma_wait3A_212 = arith.constant 0 : i32
      %dma_wait3A_213 = tpu.memref_slice %arg2[%select_n3A, %add3A_208, %dma_wait3A_212] : memref<4x2048x2048xf32, #tpu.memory_space<hbm>> -> memref<1x8x512xf32, #tpu.memory_space<hbm>>
      %dma_wait3A_214 = tpu.memref_squeeze %dma_wait3A_213 : memref<1x8x512xf32, #tpu.memory_space<hbm>> -> memref<8x512xf32, #tpu.memory_space<hbm>>
      tpu.wait_dma2 semaphore(%arg15 : memref<!tpu.dma_semaphore, #tpu.memory_space<semaphore_mem>>) src(%dma_wait3A_214 : memref<8x512xf32, #tpu.memory_space<hbm>>) dst(%arg6 : memref<8x512xf32, #tpu.memory_space<vmem>>)
      %dma_wait3A_215 = arith.constant 512 : i32
      %dma_wait3A_216 = tpu.memref_slice %arg2[%select_n3A, %add3A_208, %dma_wait3A_215] : memref<4x2048x2048xf32, #tpu.memory_space<hbm>> -> memref<1x8x1536xf32, #tpu.memory_space<hbm>>
      %dma_wait3A_217 = tpu.memref_squeeze %dma_wait3A_216 : memref<1x8x1536xf32, #tpu.memory_space<hbm>> -> memref<8x1536xf32, #tpu.memory_space<hbm>>
      %dma_wait3A_218 = arith.constant 512 : i32
      %dma_wait3A_219 = tpu.memref_slice %arg2[%select_n3A, %add3A_208, %dma_wait3A_218] : memref<4x2048x2048xf32, #tpu.memory_space<hbm>> -> memref<1x8x1536xf32, #tpu.memory_space<hbm>>
      %dma_wait3A_220 = tpu.memref_squeeze %dma_wait3A_219 : memref<1x8x1536xf32, #tpu.memory_space<hbm>> -> memref<8x1536xf32, #tpu.memory_space<hbm>>
      tpu.wait_dma2 semaphore(%arg19 : memref<!tpu.dma_semaphore, #tpu.memory_space<semaphore_mem>>) src(%dma_wait3A_220 : memref<8x1536xf32, #tpu.memory_space<hbm>>) dst(%arg10 : memref<8x1536xf32, #tpu.memory_space<vmem>>)
      %parallel_loop3A_221 = arith.constant 0 : i32
      %parallel_loop3A_222 = arith.constant 8 : i32
      %parallel_loop3A_223 = arith.constant 1 : i32
      scf.for %parallel_loop3A_327 = %parallel_loop3A_221 to %parallel_loop3A_222 step %parallel_loop3A_223  : i32 {
        %parallel_loop3A_328 = arith.constant 0 : i32
        %parallel_loop3A_329 = vector.broadcast %parallel_loop3A_328 : i32 to vector<16xi32>
        %parallel_loop3A_330 = vector.broadcast %parallel_loop3A_327 : i32 to vector<16xi32>
        %parallel_loop3A_331 = arith.addi %parallel_loop3A_329, %parallel_loop3A_330 : vector<16xi32>
        %parallel_loop3A_332 = arith.index_cast %parallel_loop3A_327 : i32 to index
        %parallel_loop3A_333 = arith.constant 256 : index
        %parallel_loop3A_334 = tpu.vector_load %arg6[%parallel_loop3A_332, %parallel_loop3A_333] {strides = array<i32>} : memref<8x512xf32, #tpu.memory_space<vmem>>, vector<16xf32>,
        %parallel_loop3A_335 = arith.mulf %parallel_loop3A_334, %div3A_41 : vector<16xf32>
        %parallel_loop3A_336 = arith.index_cast %parallel_loop3A_327 : i32 to index
        %parallel_loop3A_337 = arith.constant 272 : index
        %parallel_loop3A_338 = tpu.vector_load %arg6[%parallel_loop3A_336, %parallel_loop3A_337] {strides = array<i32>} : memref<8x512xf32, #tpu.memory_space<vmem>>, vector<16xf32>,
        %parallel_loop3A_339 = arith.mulf %parallel_loop3A_338, %div3A_41 : vector<16xf32>
        %parallel_loop3A_340 = arith.index_cast %parallel_loop3A_327 : i32 to index
        %parallel_loop3A_341 = arith.constant 288 : index
        %parallel_loop3A_342 = tpu.vector_load %arg6[%parallel_loop3A_340, %parallel_loop3A_341] {strides = array<i32>} : memref<8x512xf32, #tpu.memory_space<vmem>>, vector<16xf32>,
        %parallel_loop3A_343 = arith.mulf %parallel_loop3A_342, %div3A_41 : vector<16xf32>
        %parallel_loop3A_344 = arith.index_cast %parallel_loop3A_327 : i32 to index
        %parallel_loop3A_345 = arith.constant 304 : index
        %parallel_loop3A_346 = tpu.vector_load %arg6[%parallel_loop3A_344, %parallel_loop3A_345] {strides = array<i32>} : memref<8x512xf32, #tpu.memory_space<vmem>>, vector<16xf32>,
        %parallel_loop3A_347 = arith.mulf %parallel_loop3A_346, %div3A_41 : vector<16xf32>
        %parallel_loop3A_348 = arith.index_cast %parallel_loop3A_327 : i32 to index
        %parallel_loop3A_349 = arith.constant 320 : index
        %parallel_loop3A_350 = tpu.vector_load %arg6[%parallel_loop3A_348, %parallel_loop3A_349] {strides = array<i32>} : memref<8x512xf32, #tpu.memory_space<vmem>>, vector<16xf32>,
        %parallel_loop3A_351 = arith.mulf %parallel_loop3A_350, %div3A_41 : vector<16xf32>
        %parallel_loop3A_352 = arith.index_cast %parallel_loop3A_327 : i32 to index
        %parallel_loop3A_353 = arith.constant 336 : index
        %parallel_loop3A_354 = tpu.vector_load %arg6[%parallel_loop3A_352, %parallel_loop3A_353] {strides = array<i32>} : memref<8x512xf32, #tpu.memory_space<vmem>>, vector<16xf32>,
        %parallel_loop3A_355 = arith.mulf %parallel_loop3A_354, %div3A_41 : vector<16xf32>
        %parallel_loop3A_356 = arith.index_cast %parallel_loop3A_327 : i32 to index
        %parallel_loop3A_357 = arith.constant 352 : index
        %parallel_loop3A_358 = tpu.vector_load %arg6[%parallel_loop3A_356, %parallel_loop3A_357] {strides = array<i32>} : memref<8x512xf32, #tpu.memory_space<vmem>>, vector<16xf32>,
        %parallel_loop3A_359 = arith.mulf %parallel_loop3A_358, %div3A_41 : vector<16xf32>
        %parallel_loop3A_360 = arith.index_cast %parallel_loop3A_327 : i32 to index
        %parallel_loop3A_361 = arith.constant 368 : index
        %parallel_loop3A_362 = tpu.vector_load %arg6[%parallel_loop3A_360, %parallel_loop3A_361] {strides = array<i32>} : memref<8x512xf32, #tpu.memory_space<vmem>>, vector<16xf32>,
        %parallel_loop3A_363 = arith.mulf %parallel_loop3A_362, %div3A_41 : vector<16xf32>
        %parallel_loop3A_364 = arith.index_cast %parallel_loop3A_327 : i32 to index
        %parallel_loop3A_365 = arith.constant 384 : index
        %parallel_loop3A_366 = tpu.vector_load %arg6[%parallel_loop3A_364, %parallel_loop3A_365] {strides = array<i32>} : memref<8x512xf32, #tpu.memory_space<vmem>>, vector<16xf32>,
        %parallel_loop3A_367 = arith.mulf %parallel_loop3A_366, %div3A_41 : vector<16xf32>
        %parallel_loop3A_368 = arith.index_cast %parallel_loop3A_327 : i32 to index
        %parallel_loop3A_369 = arith.constant 400 : index
        %parallel_loop3A_370 = tpu.vector_load %arg6[%parallel_loop3A_368, %parallel_loop3A_369] {strides = array<i32>} : memref<8x512xf32, #tpu.memory_space<vmem>>, vector<16xf32>,
        %parallel_loop3A_371 = arith.mulf %parallel_loop3A_370, %div3A_41 : vector<16xf32>
        %parallel_loop3A_372 = arith.index_cast %parallel_loop3A_327 : i32 to index
        %parallel_loop3A_373 = arith.constant 416 : index
        %parallel_loop3A_374 = tpu.vector_load %arg6[%parallel_loop3A_372, %parallel_loop3A_373] {strides = array<i32>} : memref<8x512xf32, #tpu.memory_space<vmem>>, vector<16xf32>,
        %parallel_loop3A_375 = arith.mulf %parallel_loop3A_374, %div3A_41 : vector<16xf32>
        %parallel_loop3A_376 = arith.index_cast %parallel_loop3A_327 : i32 to index
        %parallel_loop3A_377 = arith.constant 432 : index
        %parallel_loop3A_378 = tpu.vector_load %arg6[%parallel_loop3A_376, %parallel_loop3A_377] {strides = array<i32>} : memref<8x512xf32, #tpu.memory_space<vmem>>, vector<16xf32>,
        %parallel_loop3A_379 = arith.mulf %parallel_loop3A_378, %div3A_41 : vector<16xf32>
        %parallel_loop3A_380 = arith.index_cast %parallel_loop3A_327 : i32 to index
        %parallel_loop3A_381 = arith.constant 448 : index
        %parallel_loop3A_382 = tpu.vector_load %arg6[%parallel_loop3A_380, %parallel_loop3A_381] {strides = array<i32>} : memref<8x512xf32, #tpu.memory_space<vmem>>, vector<16xf32>,
        %parallel_loop3A_383 = arith.mulf %parallel_loop3A_382, %div3A_41 : vector<16xf32>
        %parallel_loop3A_384 = arith.index_cast %parallel_loop3A_327 : i32 to index
        %parallel_loop3A_385 = arith.constant 464 : index
        %parallel_loop3A_386 = tpu.vector_load %arg6[%parallel_loop3A_384, %parallel_loop3A_385] {strides = array<i32>} : memref<8x512xf32, #tpu.memory_space<vmem>>, vector<16xf32>,
        %parallel_loop3A_387 = arith.mulf %parallel_loop3A_386, %div3A_41 : vector<16xf32>
        %parallel_loop3A_388 = arith.index_cast %parallel_loop3A_327 : i32 to index
        %parallel_loop3A_389 = arith.constant 480 : index
        %parallel_loop3A_390 = tpu.vector_load %arg6[%parallel_loop3A_388, %parallel_loop3A_389] {strides = array<i32>} : memref<8x512xf32, #tpu.memory_space<vmem>>, vector<16xf32>,
        %parallel_loop3A_391 = arith.mulf %parallel_loop3A_390, %div3A_41 : vector<16xf32>
        %parallel_loop3A_392 = arith.index_cast %parallel_loop3A_327 : i32 to index
        %parallel_loop3A_393 = arith.constant 496 : index
        %parallel_loop3A_394 = tpu.vector_load %arg6[%parallel_loop3A_392, %parallel_loop3A_393] {strides = array<i32>} : memref<8x512xf32, #tpu.memory_space<vmem>>, vector<16xf32>,
        %parallel_loop3A_395 = arith.mulf %parallel_loop3A_394, %div3A_41 : vector<16xf32>
        %parallel_loop3A_396 = arith.constant 2 : i32
        %parallel_loop3A_397 = vector.broadcast %parallel_loop3A_396 : i32 to vector<16xi32>
        %parallel_loop3A_398 = arith.muli %parallel_loop3A_397, %iota3A : vector<16xi32>
        %parallel_loop3A_399 = arith.constant 0 : i32
        %parallel_loop3A_400 = vector.broadcast %parallel_loop3A_399 : i32 to vector<16xi32>
        %parallel_loop3A_401 = arith.addi %parallel_loop3A_400, %parallel_loop3A_398 : vector<16xi32>
        tpu.vector_store_idx %arg10[%parallel_loop3A_331, %parallel_loop3A_401], %parallel_loop3A_335 {add = true} : memref<8x1536xf32, #tpu.memory_space<vmem>>[vector<16xi32>, vector<16xi32>], vector<16xf32>,
        %parallel_loop3A_402 = arith.constant 2 : i32
        %parallel_loop3A_403 = vector.broadcast %parallel_loop3A_402 : i32 to vector<16xi32>
        %parallel_loop3A_404 = arith.muli %parallel_loop3A_403, %iota3A : vector<16xi32>
        %parallel_loop3A_405 = arith.constant 32 : i32
        %parallel_loop3A_406 = vector.broadcast %parallel_loop3A_405 : i32 to vector<16xi32>
        %parallel_loop3A_407 = arith.addi %parallel_loop3A_406, %parallel_loop3A_404 : vector<16xi32>
        tpu.vector_store_idx %arg10[%parallel_loop3A_331, %parallel_loop3A_407], %parallel_loop3A_339 {add = true} : memref<8x1536xf32, #tpu.memory_space<vmem>>[vector<16xi32>, vector<16xi32>], vector<16xf32>,
        %parallel_loop3A_408 = arith.constant 2 : i32
        %parallel_loop3A_409 = vector.broadcast %parallel_loop3A_408 : i32 to vector<16xi32>
        %parallel_loop3A_410 = arith.muli %parallel_loop3A_409, %iota3A : vector<16xi32>
        %parallel_loop3A_411 = arith.constant 64 : i32
        %parallel_loop3A_412 = vector.broadcast %parallel_loop3A_411 : i32 to vector<16xi32>
        %parallel_loop3A_413 = arith.addi %parallel_loop3A_412, %parallel_loop3A_410 : vector<16xi32>
        tpu.vector_store_idx %arg10[%parallel_loop3A_331, %parallel_loop3A_413], %parallel_loop3A_343 {add = true} : memref<8x1536xf32, #tpu.memory_space<vmem>>[vector<16xi32>, vector<16xi32>], vector<16xf32>,
        %parallel_loop3A_414 = arith.constant 2 : i32
        %parallel_loop3A_415 = vector.broadcast %parallel_loop3A_414 : i32 to vector<16xi32>
        %parallel_loop3A_416 = arith.muli %parallel_loop3A_415, %iota3A : vector<16xi32>
        %parallel_loop3A_417 = arith.constant 96 : i32
        %parallel_loop3A_418 = vector.broadcast %parallel_loop3A_417 : i32 to vector<16xi32>
        %parallel_loop3A_419 = arith.addi %parallel_loop3A_418, %parallel_loop3A_416 : vector<16xi32>
        tpu.vector_store_idx %arg10[%parallel_loop3A_331, %parallel_loop3A_419], %parallel_loop3A_347 {add = true} : memref<8x1536xf32, #tpu.memory_space<vmem>>[vector<16xi32>, vector<16xi32>], vector<16xf32>,
        %parallel_loop3A_420 = arith.constant 2 : i32
        %parallel_loop3A_421 = vector.broadcast %parallel_loop3A_420 : i32 to vector<16xi32>
        %parallel_loop3A_422 = arith.muli %parallel_loop3A_421, %iota3A : vector<16xi32>
        %parallel_loop3A_423 = arith.constant 128 : i32
        %parallel_loop3A_424 = vector.broadcast %parallel_loop3A_423 : i32 to vector<16xi32>
        %parallel_loop3A_425 = arith.addi %parallel_loop3A_424, %parallel_loop3A_422 : vector<16xi32>
        tpu.vector_store_idx %arg10[%parallel_loop3A_331, %parallel_loop3A_425], %parallel_loop3A_351 {add = true} : memref<8x1536xf32, #tpu.memory_space<vmem>>[vector<16xi32>, vector<16xi32>], vector<16xf32>,
        %parallel_loop3A_426 = arith.constant 2 : i32
        %parallel_loop3A_427 = vector.broadcast %parallel_loop3A_426 : i32 to vector<16xi32>
        %parallel_loop3A_428 = arith.muli %parallel_loop3A_427, %iota3A : vector<16xi32>
        %parallel_loop3A_429 = arith.constant 160 : i32
        %parallel_loop3A_430 = vector.broadcast %parallel_loop3A_429 : i32 to vector<16xi32>
        %parallel_loop3A_431 = arith.addi %parallel_loop3A_430, %parallel_loop3A_428 : vector<16xi32>
        tpu.vector_store_idx %arg10[%parallel_loop3A_331, %parallel_loop3A_431], %parallel_loop3A_355 {add = true} : memref<8x1536xf32, #tpu.memory_space<vmem>>[vector<16xi32>, vector<16xi32>], vector<16xf32>,
        %parallel_loop3A_432 = arith.constant 2 : i32
        %parallel_loop3A_433 = vector.broadcast %parallel_loop3A_432 : i32 to vector<16xi32>
        %parallel_loop3A_434 = arith.muli %parallel_loop3A_433, %iota3A : vector<16xi32>
        %parallel_loop3A_435 = arith.constant 192 : i32
        %parallel_loop3A_436 = vector.broadcast %parallel_loop3A_435 : i32 to vector<16xi32>
        %parallel_loop3A_437 = arith.addi %parallel_loop3A_436, %parallel_loop3A_434 : vector<16xi32>
        tpu.vector_store_idx %arg10[%parallel_loop3A_331, %parallel_loop3A_437], %parallel_loop3A_359 {add = true} : memref<8x1536xf32, #tpu.memory_space<vmem>>[vector<16xi32>, vector<16xi32>], vector<16xf32>,
        %parallel_loop3A_438 = arith.constant 2 : i32
        %parallel_loop3A_439 = vector.broadcast %parallel_loop3A_438 : i32 to vector<16xi32>
        %parallel_loop3A_440 = arith.muli %parallel_loop3A_439, %iota3A : vector<16xi32>
        %parallel_loop3A_441 = arith.constant 224 : i32
        %parallel_loop3A_442 = vector.broadcast %parallel_loop3A_441 : i32 to vector<16xi32>
        %parallel_loop3A_443 = arith.addi %parallel_loop3A_442, %parallel_loop3A_440 : vector<16xi32>
        tpu.vector_store_idx %arg10[%parallel_loop3A_331, %parallel_loop3A_443], %parallel_loop3A_363 {add = true} : memref<8x1536xf32, #tpu.memory_space<vmem>>[vector<16xi32>, vector<16xi32>], vector<16xf32>,
        %parallel_loop3A_444 = arith.constant 2 : i32
        %parallel_loop3A_445 = vector.broadcast %parallel_loop3A_444 : i32 to vector<16xi32>
        %parallel_loop3A_446 = arith.muli %parallel_loop3A_445, %iota3A : vector<16xi32>
        %parallel_loop3A_447 = arith.constant 256 : i32
        %parallel_loop3A_448 = vector.broadcast %parallel_loop3A_447 : i32 to vector<16xi32>
        %parallel_loop3A_449 = arith.addi %parallel_loop3A_448, %parallel_loop3A_446 : vector<16xi32>
        tpu.vector_store_idx %arg10[%parallel_loop3A_331, %parallel_loop3A_449], %parallel_loop3A_367 {add = true} : memref<8x1536xf32, #tpu.memory_space<vmem>>[vector<16xi32>, vector<16xi32>], vector<16xf32>,
        %parallel_loop3A_450 = arith.constant 2 : i32
        %parallel_loop3A_451 = vector.broadcast %parallel_loop3A_450 : i32 to vector<16xi32>
        %parallel_loop3A_452 = arith.muli %parallel_loop3A_451, %iota3A : vector<16xi32>
        %parallel_loop3A_453 = arith.constant 288 : i32
        %parallel_loop3A_454 = vector.broadcast %parallel_loop3A_453 : i32 to vector<16xi32>
        %parallel_loop3A_455 = arith.addi %parallel_loop3A_454, %parallel_loop3A_452 : vector<16xi32>
        tpu.vector_store_idx %arg10[%parallel_loop3A_331, %parallel_loop3A_455], %parallel_loop3A_371 {add = true} : memref<8x1536xf32, #tpu.memory_space<vmem>>[vector<16xi32>, vector<16xi32>], vector<16xf32>,
        %parallel_loop3A_456 = arith.constant 2 : i32
        %parallel_loop3A_457 = vector.broadcast %parallel_loop3A_456 : i32 to vector<16xi32>
        %parallel_loop3A_458 = arith.muli %parallel_loop3A_457, %iota3A : vector<16xi32>
        %parallel_loop3A_459 = arith.constant 320 : i32
        %parallel_loop3A_460 = vector.broadcast %parallel_loop3A_459 : i32 to vector<16xi32>
        %parallel_loop3A_461 = arith.addi %parallel_loop3A_460, %parallel_loop3A_458 : vector<16xi32>
        tpu.vector_store_idx %arg10[%parallel_loop3A_331, %parallel_loop3A_461], %parallel_loop3A_375 {add = true} : memref<8x1536xf32, #tpu.memory_space<vmem>>[vector<16xi32>, vector<16xi32>], vector<16xf32>,
        %parallel_loop3A_462 = arith.constant 2 : i32
        %parallel_loop3A_463 = vector.broadcast %parallel_loop3A_462 : i32 to vector<16xi32>
        %parallel_loop3A_464 = arith.muli %parallel_loop3A_463, %iota3A : vector<16xi32>
        %parallel_loop3A_465 = arith.constant 352 : i32
        %parallel_loop3A_466 = vector.broadcast %parallel_loop3A_465 : i32 to vector<16xi32>
        %parallel_loop3A_467 = arith.addi %parallel_loop3A_466, %parallel_loop3A_464 : vector<16xi32>
        tpu.vector_store_idx %arg10[%parallel_loop3A_331, %parallel_loop3A_467], %parallel_loop3A_379 {add = true} : memref<8x1536xf32, #tpu.memory_space<vmem>>[vector<16xi32>, vector<16xi32>], vector<16xf32>,
        %parallel_loop3A_468 = arith.constant 2 : i32
        %parallel_loop3A_469 = vector.broadcast %parallel_loop3A_468 : i32 to vector<16xi32>
        %parallel_loop3A_470 = arith.muli %parallel_loop3A_469, %iota3A : vector<16xi32>
        %parallel_loop3A_471 = arith.constant 384 : i32
        %parallel_loop3A_472 = vector.broadcast %parallel_loop3A_471 : i32 to vector<16xi32>
        %parallel_loop3A_473 = arith.addi %parallel_loop3A_472, %parallel_loop3A_470 : vector<16xi32>
        tpu.vector_store_idx %arg10[%parallel_loop3A_331, %parallel_loop3A_473], %parallel_loop3A_383 {add = true} : memref<8x1536xf32, #tpu.memory_space<vmem>>[vector<16xi32>, vector<16xi32>], vector<16xf32>,
        %parallel_loop3A_474 = arith.constant 2 : i32
        %parallel_loop3A_475 = vector.broadcast %parallel_loop3A_474 : i32 to vector<16xi32>
        %parallel_loop3A_476 = arith.muli %parallel_loop3A_475, %iota3A : vector<16xi32>
        %parallel_loop3A_477 = arith.constant 416 : i32
        %parallel_loop3A_478 = vector.broadcast %parallel_loop3A_477 : i32 to vector<16xi32>
        %parallel_loop3A_479 = arith.addi %parallel_loop3A_478, %parallel_loop3A_476 : vector<16xi32>
        tpu.vector_store_idx %arg10[%parallel_loop3A_331, %parallel_loop3A_479], %parallel_loop3A_387 {add = true} : memref<8x1536xf32, #tpu.memory_space<vmem>>[vector<16xi32>, vector<16xi32>], vector<16xf32>,
        %parallel_loop3A_480 = arith.constant 2 : i32
        %parallel_loop3A_481 = vector.broadcast %parallel_loop3A_480 : i32 to vector<16xi32>
        %parallel_loop3A_482 = arith.muli %parallel_loop3A_481, %iota3A : vector<16xi32>
        %parallel_loop3A_483 = arith.constant 448 : i32
        %parallel_loop3A_484 = vector.broadcast %parallel_loop3A_483 : i32 to vector<16xi32>
        %parallel_loop3A_485 = arith.addi %parallel_loop3A_484, %parallel_loop3A_482 : vector<16xi32>
        tpu.vector_store_idx %arg10[%parallel_loop3A_331, %parallel_loop3A_485], %parallel_loop3A_391 {add = true} : memref<8x1536xf32, #tpu.memory_space<vmem>>[vector<16xi32>, vector<16xi32>], vector<16xf32>,
        %parallel_loop3A_486 = arith.constant 2 : i32
        %parallel_loop3A_487 = vector.broadcast %parallel_loop3A_486 : i32 to vector<16xi32>
        %parallel_loop3A_488 = arith.muli %parallel_loop3A_487, %iota3A : vector<16xi32>
        %parallel_loop3A_489 = arith.constant 480 : i32
        %parallel_loop3A_490 = vector.broadcast %parallel_loop3A_489 : i32 to vector<16xi32>
        %parallel_loop3A_491 = arith.addi %parallel_loop3A_490, %parallel_loop3A_488 : vector<16xi32>
        tpu.vector_store_idx %arg10[%parallel_loop3A_331, %parallel_loop3A_491], %parallel_loop3A_395 {add = true} : memref<8x1536xf32, #tpu.memory_space<vmem>>[vector<16xi32>, vector<16xi32>], vector<16xf32>,
        %parallel_loop3A_492 = arith.index_cast %parallel_loop3A_327 : i32 to index
        %parallel_loop3A_493 = arith.constant 128 : index
        %parallel_loop3A_494 = tpu.vector_load %arg6[%parallel_loop3A_492, %parallel_loop3A_493] {strides = array<i32>} : memref<8x512xf32, #tpu.memory_space<vmem>>, vector<16xf32>,
        %parallel_loop3A_495 = arith.mulf %parallel_loop3A_494, %div3A_53 : vector<16xf32>
        %parallel_loop3A_496 = arith.index_cast %parallel_loop3A_327 : i32 to index
        %parallel_loop3A_497 = arith.constant 144 : index
        %parallel_loop3A_498 = tpu.vector_load %arg6[%parallel_loop3A_496, %parallel_loop3A_497] {strides = array<i32>} : memref<8x512xf32, #tpu.memory_space<vmem>>, vector<16xf32>,
        %parallel_loop3A_499 = arith.mulf %parallel_loop3A_498, %div3A_53 : vector<16xf32>
        %parallel_loop3A_500 = arith.index_cast %parallel_loop3A_327 : i32 to index
        %parallel_loop3A_501 = arith.constant 160 : index
        %parallel_loop3A_502 = tpu.vector_load %arg6[%parallel_loop3A_500, %parallel_loop3A_501] {strides = array<i32>} : memref<8x512xf32, #tpu.memory_space<vmem>>, vector<16xf32>,
        %parallel_loop3A_503 = arith.mulf %parallel_loop3A_502, %div3A_53 : vector<16xf32>
        %parallel_loop3A_504 = arith.index_cast %parallel_loop3A_327 : i32 to index
        %parallel_loop3A_505 = arith.constant 176 : index
        %parallel_loop3A_506 = tpu.vector_load %arg6[%parallel_loop3A_504, %parallel_loop3A_505] {strides = array<i32>} : memref<8x512xf32, #tpu.memory_space<vmem>>, vector<16xf32>,
        %parallel_loop3A_507 = arith.mulf %parallel_loop3A_506, %div3A_53 : vector<16xf32>
        %parallel_loop3A_508 = arith.index_cast %parallel_loop3A_327 : i32 to index
        %parallel_loop3A_509 = arith.constant 192 : index
        %parallel_loop3A_510 = tpu.vector_load %arg6[%parallel_loop3A_508, %parallel_loop3A_509] {strides = array<i32>} : memref<8x512xf32, #tpu.memory_space<vmem>>, vector<16xf32>,
        %parallel_loop3A_511 = arith.mulf %parallel_loop3A_510, %div3A_53 : vector<16xf32>
        %parallel_loop3A_512 = arith.index_cast %parallel_loop3A_327 : i32 to index
        %parallel_loop3A_513 = arith.constant 208 : index
        %parallel_loop3A_514 = tpu.vector_load %arg6[%parallel_loop3A_512, %parallel_loop3A_513] {strides = array<i32>} : memref<8x512xf32, #tpu.memory_space<vmem>>, vector<16xf32>,
        %parallel_loop3A_515 = arith.mulf %parallel_loop3A_514, %div3A_53 : vector<16xf32>
        %parallel_loop3A_516 = arith.index_cast %parallel_loop3A_327 : i32 to index
        %parallel_loop3A_517 = arith.constant 224 : index
        %parallel_loop3A_518 = tpu.vector_load %arg6[%parallel_loop3A_516, %parallel_loop3A_517] {strides = array<i32>} : memref<8x512xf32, #tpu.memory_space<vmem>>, vector<16xf32>,
        %parallel_loop3A_519 = arith.mulf %parallel_loop3A_518, %div3A_53 : vector<16xf32>
        %parallel_loop3A_520 = arith.index_cast %parallel_loop3A_327 : i32 to index
        %parallel_loop3A_521 = arith.constant 240 : index
        %parallel_loop3A_522 = tpu.vector_load %arg6[%parallel_loop3A_520, %parallel_loop3A_521] {strides = array<i32>} : memref<8x512xf32, #tpu.memory_space<vmem>>, vector<16xf32>,
        %parallel_loop3A_523 = arith.mulf %parallel_loop3A_522, %div3A_53 : vector<16xf32>
        %parallel_loop3A_524 = arith.index_cast %parallel_loop3A_327 : i32 to index
        %parallel_loop3A_525 = arith.constant 256 : index
        %parallel_loop3A_526 = tpu.vector_load %arg6[%parallel_loop3A_524, %parallel_loop3A_525] {strides = array<i32>} : memref<8x512xf32, #tpu.memory_space<vmem>>, vector<16xf32>,
        %parallel_loop3A_527 = arith.mulf %parallel_loop3A_526, %div3A_53 : vector<16xf32>
        %parallel_loop3A_528 = arith.index_cast %parallel_loop3A_327 : i32 to index
        %parallel_loop3A_529 = arith.constant 272 : index
        %parallel_loop3A_530 = tpu.vector_load %arg6[%parallel_loop3A_528, %parallel_loop3A_529] {strides = array<i32>} : memref<8x512xf32, #tpu.memory_space<vmem>>, vector<16xf32>,
        %parallel_loop3A_531 = arith.mulf %parallel_loop3A_530, %div3A_53 : vector<16xf32>
        %parallel_loop3A_532 = arith.index_cast %parallel_loop3A_327 : i32 to index
        %parallel_loop3A_533 = arith.constant 288 : index
        %parallel_loop3A_534 = tpu.vector_load %arg6[%parallel_loop3A_532, %parallel_loop3A_533] {strides = array<i32>} : memref<8x512xf32, #tpu.memory_space<vmem>>, vector<16xf32>,
        %parallel_loop3A_535 = arith.mulf %parallel_loop3A_534, %div3A_53 : vector<16xf32>
        %parallel_loop3A_536 = arith.index_cast %parallel_loop3A_327 : i32 to index
        %parallel_loop3A_537 = arith.constant 304 : index
        %parallel_loop3A_538 = tpu.vector_load %arg6[%parallel_loop3A_536, %parallel_loop3A_537] {strides = array<i32>} : memref<8x512xf32, #tpu.memory_space<vmem>>, vector<16xf32>,
        %parallel_loop3A_539 = arith.mulf %parallel_loop3A_538, %div3A_53 : vector<16xf32>
        %parallel_loop3A_540 = arith.index_cast %parallel_loop3A_327 : i32 to index
        %parallel_loop3A_541 = arith.constant 320 : index
        %parallel_loop3A_542 = tpu.vector_load %arg6[%parallel_loop3A_540, %parallel_loop3A_541] {strides = array<i32>} : memref<8x512xf32, #tpu.memory_space<vmem>>, vector<16xf32>,
        %parallel_loop3A_543 = arith.mulf %parallel_loop3A_542, %div3A_53 : vector<16xf32>
        %parallel_loop3A_544 = arith.index_cast %parallel_loop3A_327 : i32 to index
        %parallel_loop3A_545 = arith.constant 336 : index
        %parallel_loop3A_546 = tpu.vector_load %arg6[%parallel_loop3A_544, %parallel_loop3A_545] {strides = array<i32>} : memref<8x512xf32, #tpu.memory_space<vmem>>, vector<16xf32>,
        %parallel_loop3A_547 = arith.mulf %parallel_loop3A_546, %div3A_53 : vector<16xf32>
        %parallel_loop3A_548 = arith.index_cast %parallel_loop3A_327 : i32 to index
        %parallel_loop3A_549 = arith.constant 352 : index
        %parallel_loop3A_550 = tpu.vector_load %arg6[%parallel_loop3A_548, %parallel_loop3A_549] {strides = array<i32>} : memref<8x512xf32, #tpu.memory_space<vmem>>, vector<16xf32>,
        %parallel_loop3A_551 = arith.mulf %parallel_loop3A_550, %div3A_53 : vector<16xf32>
        %parallel_loop3A_552 = arith.index_cast %parallel_loop3A_327 : i32 to index
        %parallel_loop3A_553 = arith.constant 368 : index
        %parallel_loop3A_554 = tpu.vector_load %arg6[%parallel_loop3A_552, %parallel_loop3A_553] {strides = array<i32>} : memref<8x512xf32, #tpu.memory_space<vmem>>, vector<16xf32>,
        %parallel_loop3A_555 = arith.mulf %parallel_loop3A_554, %div3A_53 : vector<16xf32>
        %parallel_loop3A_556 = arith.index_cast %parallel_loop3A_327 : i32 to index
        %parallel_loop3A_557 = arith.constant 384 : index
        %parallel_loop3A_558 = tpu.vector_load %arg6[%parallel_loop3A_556, %parallel_loop3A_557] {strides = array<i32>} : memref<8x512xf32, #tpu.memory_space<vmem>>, vector<16xf32>,
        %parallel_loop3A_559 = arith.mulf %parallel_loop3A_558, %div3A_53 : vector<16xf32>
        %parallel_loop3A_560 = arith.index_cast %parallel_loop3A_327 : i32 to index
        %parallel_loop3A_561 = arith.constant 400 : index
        %parallel_loop3A_562 = tpu.vector_load %arg6[%parallel_loop3A_560, %parallel_loop3A_561] {strides = array<i32>} : memref<8x512xf32, #tpu.memory_space<vmem>>, vector<16xf32>,
        %parallel_loop3A_563 = arith.mulf %parallel_loop3A_562, %div3A_53 : vector<16xf32>
        %parallel_loop3A_564 = arith.index_cast %parallel_loop3A_327 : i32 to index
        %parallel_loop3A_565 = arith.constant 416 : index
        %parallel_loop3A_566 = tpu.vector_load %arg6[%parallel_loop3A_564, %parallel_loop3A_565] {strides = array<i32>} : memref<8x512xf32, #tpu.memory_space<vmem>>, vector<16xf32>,
        %parallel_loop3A_567 = arith.mulf %parallel_loop3A_566, %div3A_53 : vector<16xf32>
        %parallel_loop3A_568 = arith.index_cast %parallel_loop3A_327 : i32 to index
        %parallel_loop3A_569 = arith.constant 432 : index
        %parallel_loop3A_570 = tpu.vector_load %arg6[%parallel_loop3A_568, %parallel_loop3A_569] {strides = array<i32>} : memref<8x512xf32, #tpu.memory_space<vmem>>, vector<16xf32>,
        %parallel_loop3A_571 = arith.mulf %parallel_loop3A_570, %div3A_53 : vector<16xf32>
        %parallel_loop3A_572 = arith.index_cast %parallel_loop3A_327 : i32 to index
        %parallel_loop3A_573 = arith.constant 448 : index
        %parallel_loop3A_574 = tpu.vector_load %arg6[%parallel_loop3A_572, %parallel_loop3A_573] {strides = array<i32>} : memref<8x512xf32, #tpu.memory_space<vmem>>, vector<16xf32>,
        %parallel_loop3A_575 = arith.mulf %parallel_loop3A_574, %div3A_53 : vector<16xf32>
        %parallel_loop3A_576 = arith.index_cast %parallel_loop3A_327 : i32 to index
        %parallel_loop3A_577 = arith.constant 464 : index
        %parallel_loop3A_578 = tpu.vector_load %arg6[%parallel_loop3A_576, %parallel_loop3A_577] {strides = array<i32>} : memref<8x512xf32, #tpu.memory_space<vmem>>, vector<16xf32>,
        %parallel_loop3A_579 = arith.mulf %parallel_loop3A_578, %div3A_53 : vector<16xf32>
        %parallel_loop3A_580 = arith.index_cast %parallel_loop3A_327 : i32 to index
        %parallel_loop3A_581 = arith.constant 480 : index
        %parallel_loop3A_582 = tpu.vector_load %arg6[%parallel_loop3A_580, %parallel_loop3A_581] {strides = array<i32>} : memref<8x512xf32, #tpu.memory_space<vmem>>, vector<16xf32>,
        %parallel_loop3A_583 = arith.mulf %parallel_loop3A_582, %div3A_53 : vector<16xf32>
        %parallel_loop3A_584 = arith.index_cast %parallel_loop3A_327 : i32 to index
        %parallel_loop3A_585 = arith.constant 496 : index
        %parallel_loop3A_586 = tpu.vector_load %arg6[%parallel_loop3A_584, %parallel_loop3A_585] {strides = array<i32>} : memref<8x512xf32, #tpu.memory_space<vmem>>, vector<16xf32>,
        %parallel_loop3A_587 = arith.mulf %parallel_loop3A_586, %div3A_53 : vector<16xf32>
        %parallel_loop3A_588 = arith.constant 4 : i32
        %parallel_loop3A_589 = vector.broadcast %parallel_loop3A_588 : i32 to vector<16xi32>
        %parallel_loop3A_590 = arith.muli %parallel_loop3A_589, %iota3A : vector<16xi32>
        %parallel_loop3A_591 = arith.constant 0 : i32
        %parallel_loop3A_592 = vector.broadcast %parallel_loop3A_591 : i32 to vector<16xi32>
        %parallel_loop3A_593 = arith.addi %parallel_loop3A_592, %parallel_loop3A_590 : vector<16xi32>
        tpu.vector_store_idx %arg10[%parallel_loop3A_331, %parallel_loop3A_593], %parallel_loop3A_495 {add = true} : memref<8x1536xf32, #tpu.memory_space<vmem>>[vector<16xi32>, vector<16xi32>], vector<16xf32>,
        %parallel_loop3A_594 = arith.constant 4 : i32
        %parallel_loop3A_595 = vector.broadcast %parallel_loop3A_594 : i32 to vector<16xi32>
        %parallel_loop3A_596 = arith.muli %parallel_loop3A_595, %iota3A : vector<16xi32>
        %parallel_loop3A_597 = arith.constant 64 : i32
        %parallel_loop3A_598 = vector.broadcast %parallel_loop3A_597 : i32 to vector<16xi32>
        %parallel_loop3A_599 = arith.addi %parallel_loop3A_598, %parallel_loop3A_596 : vector<16xi32>
        tpu.vector_store_idx %arg10[%parallel_loop3A_331, %parallel_loop3A_599], %parallel_loop3A_499 {add = true} : memref<8x1536xf32, #tpu.memory_space<vmem>>[vector<16xi32>, vector<16xi32>], vector<16xf32>,
        %parallel_loop3A_600 = arith.constant 4 : i32
        %parallel_loop3A_601 = vector.broadcast %parallel_loop3A_600 : i32 to vector<16xi32>
        %parallel_loop3A_602 = arith.muli %parallel_loop3A_601, %iota3A : vector<16xi32>
        %parallel_loop3A_603 = arith.constant 128 : i32
        %parallel_loop3A_604 = vector.broadcast %parallel_loop3A_603 : i32 to vector<16xi32>
        %parallel_loop3A_605 = arith.addi %parallel_loop3A_604, %parallel_loop3A_602 : vector<16xi32>
        tpu.vector_store_idx %arg10[%parallel_loop3A_331, %parallel_loop3A_605], %parallel_loop3A_503 {add = true} : memref<8x1536xf32, #tpu.memory_space<vmem>>[vector<16xi32>, vector<16xi32>], vector<16xf32>,
        %parallel_loop3A_606 = arith.constant 4 : i32
        %parallel_loop3A_607 = vector.broadcast %parallel_loop3A_606 : i32 to vector<16xi32>
        %parallel_loop3A_608 = arith.muli %parallel_loop3A_607, %iota3A : vector<16xi32>
        %parallel_loop3A_609 = arith.constant 192 : i32
        %parallel_loop3A_610 = vector.broadcast %parallel_loop3A_609 : i32 to vector<16xi32>
        %parallel_loop3A_611 = arith.addi %parallel_loop3A_610, %parallel_loop3A_608 : vector<16xi32>
        tpu.vector_store_idx %arg10[%parallel_loop3A_331, %parallel_loop3A_611], %parallel_loop3A_507 {add = true} : memref<8x1536xf32, #tpu.memory_space<vmem>>[vector<16xi32>, vector<16xi32>], vector<16xf32>,
        %parallel_loop3A_612 = arith.constant 4 : i32
        %parallel_loop3A_613 = vector.broadcast %parallel_loop3A_612 : i32 to vector<16xi32>
        %parallel_loop3A_614 = arith.muli %parallel_loop3A_613, %iota3A : vector<16xi32>
        %parallel_loop3A_615 = arith.constant 256 : i32
        %parallel_loop3A_616 = vector.broadcast %parallel_loop3A_615 : i32 to vector<16xi32>
        %parallel_loop3A_617 = arith.addi %parallel_loop3A_616, %parallel_loop3A_614 : vector<16xi32>
        tpu.vector_store_idx %arg10[%parallel_loop3A_331, %parallel_loop3A_617], %parallel_loop3A_511 {add = true} : memref<8x1536xf32, #tpu.memory_space<vmem>>[vector<16xi32>, vector<16xi32>], vector<16xf32>,
        %parallel_loop3A_618 = arith.constant 4 : i32
        %parallel_loop3A_619 = vector.broadcast %parallel_loop3A_618 : i32 to vector<16xi32>
        %parallel_loop3A_620 = arith.muli %parallel_loop3A_619, %iota3A : vector<16xi32>
        %parallel_loop3A_621 = arith.constant 320 : i32
        %parallel_loop3A_622 = vector.broadcast %parallel_loop3A_621 : i32 to vector<16xi32>
        %parallel_loop3A_623 = arith.addi %parallel_loop3A_622, %parallel_loop3A_620 : vector<16xi32>
        tpu.vector_store_idx %arg10[%parallel_loop3A_331, %parallel_loop3A_623], %parallel_loop3A_515 {add = true} : memref<8x1536xf32, #tpu.memory_space<vmem>>[vector<16xi32>, vector<16xi32>], vector<16xf32>,
        %parallel_loop3A_624 = arith.constant 4 : i32
        %parallel_loop3A_625 = vector.broadcast %parallel_loop3A_624 : i32 to vector<16xi32>
        %parallel_loop3A_626 = arith.muli %parallel_loop3A_625, %iota3A : vector<16xi32>
        %parallel_loop3A_627 = arith.constant 384 : i32
        %parallel_loop3A_628 = vector.broadcast %parallel_loop3A_627 : i32 to vector<16xi32>
        %parallel_loop3A_629 = arith.addi %parallel_loop3A_628, %parallel_loop3A_626 : vector<16xi32>
        tpu.vector_store_idx %arg10[%parallel_loop3A_331, %parallel_loop3A_629], %parallel_loop3A_519 {add = true} : memref<8x1536xf32, #tpu.memory_space<vmem>>[vector<16xi32>, vector<16xi32>], vector<16xf32>,
        %parallel_loop3A_630 = arith.constant 4 : i32
        %parallel_loop3A_631 = vector.broadcast %parallel_loop3A_630 : i32 to vector<16xi32>
        %parallel_loop3A_632 = arith.muli %parallel_loop3A_631, %iota3A : vector<16xi32>
        %parallel_loop3A_633 = arith.constant 448 : i32
        %parallel_loop3A_634 = vector.broadcast %parallel_loop3A_633 : i32 to vector<16xi32>
        %parallel_loop3A_635 = arith.addi %parallel_loop3A_634, %parallel_loop3A_632 : vector<16xi32>
        tpu.vector_store_idx %arg10[%parallel_loop3A_331, %parallel_loop3A_635], %parallel_loop3A_523 {add = true} : memref<8x1536xf32, #tpu.memory_space<vmem>>[vector<16xi32>, vector<16xi32>], vector<16xf32>,
        %parallel_loop3A_636 = arith.constant 4 : i32
        %parallel_loop3A_637 = vector.broadcast %parallel_loop3A_636 : i32 to vector<16xi32>
        %parallel_loop3A_638 = arith.muli %parallel_loop3A_637, %iota3A : vector<16xi32>
        %parallel_loop3A_639 = arith.constant 512 : i32
        %parallel_loop3A_640 = vector.broadcast %parallel_loop3A_639 : i32 to vector<16xi32>
        %parallel_loop3A_641 = arith.addi %parallel_loop3A_640, %parallel_loop3A_638 : vector<16xi32>
        tpu.vector_store_idx %arg10[%parallel_loop3A_331, %parallel_loop3A_641], %parallel_loop3A_527 {add = true} : memref<8x1536xf32, #tpu.memory_space<vmem>>[vector<16xi32>, vector<16xi32>], vector<16xf32>,
        %parallel_loop3A_642 = arith.constant 4 : i32
        %parallel_loop3A_643 = vector.broadcast %parallel_loop3A_642 : i32 to vector<16xi32>
        %parallel_loop3A_644 = arith.muli %parallel_loop3A_643, %iota3A : vector<16xi32>
        %parallel_loop3A_645 = arith.constant 576 : i32
        %parallel_loop3A_646 = vector.broadcast %parallel_loop3A_645 : i32 to vector<16xi32>
        %parallel_loop3A_647 = arith.addi %parallel_loop3A_646, %parallel_loop3A_644 : vector<16xi32>
        tpu.vector_store_idx %arg10[%parallel_loop3A_331, %parallel_loop3A_647], %parallel_loop3A_531 {add = true} : memref<8x1536xf32, #tpu.memory_space<vmem>>[vector<16xi32>, vector<16xi32>], vector<16xf32>,
        %parallel_loop3A_648 = arith.constant 4 : i32
        %parallel_loop3A_649 = vector.broadcast %parallel_loop3A_648 : i32 to vector<16xi32>
        %parallel_loop3A_650 = arith.muli %parallel_loop3A_649, %iota3A : vector<16xi32>
        %parallel_loop3A_651 = arith.constant 640 : i32
        %parallel_loop3A_652 = vector.broadcast %parallel_loop3A_651 : i32 to vector<16xi32>
        %parallel_loop3A_653 = arith.addi %parallel_loop3A_652, %parallel_loop3A_650 : vector<16xi32>
        tpu.vector_store_idx %arg10[%parallel_loop3A_331, %parallel_loop3A_653], %parallel_loop3A_535 {add = true} : memref<8x1536xf32, #tpu.memory_space<vmem>>[vector<16xi32>, vector<16xi32>], vector<16xf32>,
        %parallel_loop3A_654 = arith.constant 4 : i32
        %parallel_loop3A_655 = vector.broadcast %parallel_loop3A_654 : i32 to vector<16xi32>
        %parallel_loop3A_656 = arith.muli %parallel_loop3A_655, %iota3A : vector<16xi32>
        %parallel_loop3A_657 = arith.constant 704 : i32
        %parallel_loop3A_658 = vector.broadcast %parallel_loop3A_657 : i32 to vector<16xi32>
        %parallel_loop3A_659 = arith.addi %parallel_loop3A_658, %parallel_loop3A_656 : vector<16xi32>
        tpu.vector_store_idx %arg10[%parallel_loop3A_331, %parallel_loop3A_659], %parallel_loop3A_539 {add = true} : memref<8x1536xf32, #tpu.memory_space<vmem>>[vector<16xi32>, vector<16xi32>], vector<16xf32>,
        %parallel_loop3A_660 = arith.constant 4 : i32
        %parallel_loop3A_661 = vector.broadcast %parallel_loop3A_660 : i32 to vector<16xi32>
        %parallel_loop3A_662 = arith.muli %parallel_loop3A_661, %iota3A : vector<16xi32>
        %parallel_loop3A_663 = arith.constant 768 : i32
        %parallel_loop3A_664 = vector.broadcast %parallel_loop3A_663 : i32 to vector<16xi32>
        %parallel_loop3A_665 = arith.addi %parallel_loop3A_664, %parallel_loop3A_662 : vector<16xi32>
        tpu.vector_store_idx %arg10[%parallel_loop3A_331, %parallel_loop3A_665], %parallel_loop3A_543 {add = true} : memref<8x1536xf32, #tpu.memory_space<vmem>>[vector<16xi32>, vector<16xi32>], vector<16xf32>,
        %parallel_loop3A_666 = arith.constant 4 : i32
        %parallel_loop3A_667 = vector.broadcast %parallel_loop3A_666 : i32 to vector<16xi32>
        %parallel_loop3A_668 = arith.muli %parallel_loop3A_667, %iota3A : vector<16xi32>
        %parallel_loop3A_669 = arith.constant 832 : i32
        %parallel_loop3A_670 = vector.broadcast %parallel_loop3A_669 : i32 to vector<16xi32>
        %parallel_loop3A_671 = arith.addi %parallel_loop3A_670, %parallel_loop3A_668 : vector<16xi32>
        tpu.vector_store_idx %arg10[%parallel_loop3A_331, %parallel_loop3A_671], %parallel_loop3A_547 {add = true} : memref<8x1536xf32, #tpu.memory_space<vmem>>[vector<16xi32>, vector<16xi32>], vector<16xf32>,
        %parallel_loop3A_672 = arith.constant 4 : i32
        %parallel_loop3A_673 = vector.broadcast %parallel_loop3A_672 : i32 to vector<16xi32>
        %parallel_loop3A_674 = arith.muli %parallel_loop3A_673, %iota3A : vector<16xi32>
        %parallel_loop3A_675 = arith.constant 896 : i32
        %parallel_loop3A_676 = vector.broadcast %parallel_loop3A_675 : i32 to vector<16xi32>
        %parallel_loop3A_677 = arith.addi %parallel_loop3A_676, %parallel_loop3A_674 : vector<16xi32>
        tpu.vector_store_idx %arg10[%parallel_loop3A_331, %parallel_loop3A_677], %parallel_loop3A_551 {add = true} : memref<8x1536xf32, #tpu.memory_space<vmem>>[vector<16xi32>, vector<16xi32>], vector<16xf32>,
        %parallel_loop3A_678 = arith.constant 4 : i32
        %parallel_loop3A_679 = vector.broadcast %parallel_loop3A_678 : i32 to vector<16xi32>
        %parallel_loop3A_680 = arith.muli %parallel_loop3A_679, %iota3A : vector<16xi32>
        %parallel_loop3A_681 = arith.constant 960 : i32
        %parallel_loop3A_682 = vector.broadcast %parallel_loop3A_681 : i32 to vector<16xi32>
        %parallel_loop3A_683 = arith.addi %parallel_loop3A_682, %parallel_loop3A_680 : vector<16xi32>
        tpu.vector_store_idx %arg10[%parallel_loop3A_331, %parallel_loop3A_683], %parallel_loop3A_555 {add = true} : memref<8x1536xf32, #tpu.memory_space<vmem>>[vector<16xi32>, vector<16xi32>], vector<16xf32>,
        %parallel_loop3A_684 = arith.constant 4 : i32
        %parallel_loop3A_685 = vector.broadcast %parallel_loop3A_684 : i32 to vector<16xi32>
        %parallel_loop3A_686 = arith.muli %parallel_loop3A_685, %iota3A : vector<16xi32>
        %parallel_loop3A_687 = arith.constant 1024 : i32
        %parallel_loop3A_688 = vector.broadcast %parallel_loop3A_687 : i32 to vector<16xi32>
        %parallel_loop3A_689 = arith.addi %parallel_loop3A_688, %parallel_loop3A_686 : vector<16xi32>
        tpu.vector_store_idx %arg10[%parallel_loop3A_331, %parallel_loop3A_689], %parallel_loop3A_559 {add = true} : memref<8x1536xf32, #tpu.memory_space<vmem>>[vector<16xi32>, vector<16xi32>], vector<16xf32>,
        %parallel_loop3A_690 = arith.constant 4 : i32
        %parallel_loop3A_691 = vector.broadcast %parallel_loop3A_690 : i32 to vector<16xi32>
        %parallel_loop3A_692 = arith.muli %parallel_loop3A_691, %iota3A : vector<16xi32>
        %parallel_loop3A_693 = arith.constant 1088 : i32
        %parallel_loop3A_694 = vector.broadcast %parallel_loop3A_693 : i32 to vector<16xi32>
        %parallel_loop3A_695 = arith.addi %parallel_loop3A_694, %parallel_loop3A_692 : vector<16xi32>
        tpu.vector_store_idx %arg10[%parallel_loop3A_331, %parallel_loop3A_695], %parallel_loop3A_563 {add = true} : memref<8x1536xf32, #tpu.memory_space<vmem>>[vector<16xi32>, vector<16xi32>], vector<16xf32>,
        %parallel_loop3A_696 = arith.constant 4 : i32
        %parallel_loop3A_697 = vector.broadcast %parallel_loop3A_696 : i32 to vector<16xi32>
        %parallel_loop3A_698 = arith.muli %parallel_loop3A_697, %iota3A : vector<16xi32>
        %parallel_loop3A_699 = arith.constant 1152 : i32
        %parallel_loop3A_700 = vector.broadcast %parallel_loop3A_699 : i32 to vector<16xi32>
        %parallel_loop3A_701 = arith.addi %parallel_loop3A_700, %parallel_loop3A_698 : vector<16xi32>
        tpu.vector_store_idx %arg10[%parallel_loop3A_331, %parallel_loop3A_701], %parallel_loop3A_567 {add = true} : memref<8x1536xf32, #tpu.memory_space<vmem>>[vector<16xi32>, vector<16xi32>], vector<16xf32>,
        %parallel_loop3A_702 = arith.constant 4 : i32
        %parallel_loop3A_703 = vector.broadcast %parallel_loop3A_702 : i32 to vector<16xi32>
        %parallel_loop3A_704 = arith.muli %parallel_loop3A_703, %iota3A : vector<16xi32>
        %parallel_loop3A_705 = arith.constant 1216 : i32
        %parallel_loop3A_706 = vector.broadcast %parallel_loop3A_705 : i32 to vector<16xi32>
        %parallel_loop3A_707 = arith.addi %parallel_loop3A_706, %parallel_loop3A_704 : vector<16xi32>
        tpu.vector_store_idx %arg10[%parallel_loop3A_331, %parallel_loop3A_707], %parallel_loop3A_571 {add = true} : memref<8x1536xf32, #tpu.memory_space<vmem>>[vector<16xi32>, vector<16xi32>], vector<16xf32>,
        %parallel_loop3A_708 = arith.constant 4 : i32
        %parallel_loop3A_709 = vector.broadcast %parallel_loop3A_708 : i32 to vector<16xi32>
        %parallel_loop3A_710 = arith.muli %parallel_loop3A_709, %iota3A : vector<16xi32>
        %parallel_loop3A_711 = arith.constant 1280 : i32
        %parallel_loop3A_712 = vector.broadcast %parallel_loop3A_711 : i32 to vector<16xi32>
        %parallel_loop3A_713 = arith.addi %parallel_loop3A_712, %parallel_loop3A_710 : vector<16xi32>
        tpu.vector_store_idx %arg10[%parallel_loop3A_331, %parallel_loop3A_713], %parallel_loop3A_575 {add = true} : memref<8x1536xf32, #tpu.memory_space<vmem>>[vector<16xi32>, vector<16xi32>], vector<16xf32>,
        %parallel_loop3A_714 = arith.constant 4 : i32
        %parallel_loop3A_715 = vector.broadcast %parallel_loop3A_714 : i32 to vector<16xi32>
        %parallel_loop3A_716 = arith.muli %parallel_loop3A_715, %iota3A : vector<16xi32>
        %parallel_loop3A_717 = arith.constant 1344 : i32
        %parallel_loop3A_718 = vector.broadcast %parallel_loop3A_717 : i32 to vector<16xi32>
        %parallel_loop3A_719 = arith.addi %parallel_loop3A_718, %parallel_loop3A_716 : vector<16xi32>
        tpu.vector_store_idx %arg10[%parallel_loop3A_331, %parallel_loop3A_719], %parallel_loop3A_579 {add = true} : memref<8x1536xf32, #tpu.memory_space<vmem>>[vector<16xi32>, vector<16xi32>], vector<16xf32>,
        %parallel_loop3A_720 = arith.constant 4 : i32
        %parallel_loop3A_721 = vector.broadcast %parallel_loop3A_720 : i32 to vector<16xi32>
        %parallel_loop3A_722 = arith.muli %parallel_loop3A_721, %iota3A : vector<16xi32>
        %parallel_loop3A_723 = arith.constant 1408 : i32
        %parallel_loop3A_724 = vector.broadcast %parallel_loop3A_723 : i32 to vector<16xi32>
        %parallel_loop3A_725 = arith.addi %parallel_loop3A_724, %parallel_loop3A_722 : vector<16xi32>
        tpu.vector_store_idx %arg10[%parallel_loop3A_331, %parallel_loop3A_725], %parallel_loop3A_583 {add = true} : memref<8x1536xf32, #tpu.memory_space<vmem>>[vector<16xi32>, vector<16xi32>], vector<16xf32>,
        %parallel_loop3A_726 = arith.constant 4 : i32
        %parallel_loop3A_727 = vector.broadcast %parallel_loop3A_726 : i32 to vector<16xi32>
        %parallel_loop3A_728 = arith.muli %parallel_loop3A_727, %iota3A : vector<16xi32>
        %parallel_loop3A_729 = arith.constant 1472 : i32
        %parallel_loop3A_730 = vector.broadcast %parallel_loop3A_729 : i32 to vector<16xi32>
        %parallel_loop3A_731 = arith.addi %parallel_loop3A_730, %parallel_loop3A_728 : vector<16xi32>
        tpu.vector_store_idx %arg10[%parallel_loop3A_331, %parallel_loop3A_731], %parallel_loop3A_587 {add = true} : memref<8x1536xf32, #tpu.memory_space<vmem>>[vector<16xi32>, vector<16xi32>], vector<16xf32>,
        %parallel_loop3A_732 = arith.index_cast %parallel_loop3A_327 : i32 to index
        %parallel_loop3A_733 = arith.constant 64 : index
        %parallel_loop3A_734 = tpu.vector_load %arg6[%parallel_loop3A_732, %parallel_loop3A_733] {strides = array<i32>} : memref<8x512xf32, #tpu.memory_space<vmem>>, vector<16xf32>,
        %parallel_loop3A_735 = arith.mulf %parallel_loop3A_734, %div3A_65 : vector<16xf32>
        %parallel_loop3A_736 = arith.index_cast %parallel_loop3A_327 : i32 to index
        %parallel_loop3A_737 = arith.constant 80 : index
        %parallel_loop3A_738 = tpu.vector_load %arg6[%parallel_loop3A_736, %parallel_loop3A_737] {strides = array<i32>} : memref<8x512xf32, #tpu.memory_space<vmem>>, vector<16xf32>,
        %parallel_loop3A_739 = arith.mulf %parallel_loop3A_738, %div3A_65 : vector<16xf32>
        %parallel_loop3A_740 = arith.index_cast %parallel_loop3A_327 : i32 to index
        %parallel_loop3A_741 = arith.constant 96 : index
        %parallel_loop3A_742 = tpu.vector_load %arg6[%parallel_loop3A_740, %parallel_loop3A_741] {strides = array<i32>} : memref<8x512xf32, #tpu.memory_space<vmem>>, vector<16xf32>,
        %parallel_loop3A_743 = arith.mulf %parallel_loop3A_742, %div3A_65 : vector<16xf32>
        %parallel_loop3A_744 = arith.index_cast %parallel_loop3A_327 : i32 to index
        %parallel_loop3A_745 = arith.constant 112 : index
        %parallel_loop3A_746 = tpu.vector_load %arg6[%parallel_loop3A_744, %parallel_loop3A_745] {strides = array<i32>} : memref<8x512xf32, #tpu.memory_space<vmem>>, vector<16xf32>,
        %parallel_loop3A_747 = arith.mulf %parallel_loop3A_746, %div3A_65 : vector<16xf32>
        %parallel_loop3A_748 = arith.index_cast %parallel_loop3A_327 : i32 to index
        %parallel_loop3A_749 = arith.constant 128 : index
        %parallel_loop3A_750 = tpu.vector_load %arg6[%parallel_loop3A_748, %parallel_loop3A_749] {strides = array<i32>} : memref<8x512xf32, #tpu.memory_space<vmem>>, vector<16xf32>,
        %parallel_loop3A_751 = arith.mulf %parallel_loop3A_750, %div3A_65 : vector<16xf32>
        %parallel_loop3A_752 = arith.index_cast %parallel_loop3A_327 : i32 to index
        %parallel_loop3A_753 = arith.constant 144 : index
        %parallel_loop3A_754 = tpu.vector_load %arg6[%parallel_loop3A_752, %parallel_loop3A_753] {strides = array<i32>} : memref<8x512xf32, #tpu.memory_space<vmem>>, vector<16xf32>,
        %parallel_loop3A_755 = arith.mulf %parallel_loop3A_754, %div3A_65 : vector<16xf32>
        %parallel_loop3A_756 = arith.index_cast %parallel_loop3A_327 : i32 to index
        %parallel_loop3A_757 = arith.constant 160 : index
        %parallel_loop3A_758 = tpu.vector_load %arg6[%parallel_loop3A_756, %parallel_loop3A_757] {strides = array<i32>} : memref<8x512xf32, #tpu.memory_space<vmem>>, vector<16xf32>,
        %parallel_loop3A_759 = arith.mulf %parallel_loop3A_758, %div3A_65 : vector<16xf32>
        %parallel_loop3A_760 = arith.index_cast %parallel_loop3A_327 : i32 to index
        %parallel_loop3A_761 = arith.constant 176 : index
        %parallel_loop3A_762 = tpu.vector_load %arg6[%parallel_loop3A_760, %parallel_loop3A_761] {strides = array<i32>} : memref<8x512xf32, #tpu.memory_space<vmem>>, vector<16xf32>,
        %parallel_loop3A_763 = arith.mulf %parallel_loop3A_762, %div3A_65 : vector<16xf32>
        %parallel_loop3A_764 = arith.index_cast %parallel_loop3A_327 : i32 to index
        %parallel_loop3A_765 = arith.constant 192 : index
        %parallel_loop3A_766 = tpu.vector_load %arg6[%parallel_loop3A_764, %parallel_loop3A_765] {strides = array<i32>} : memref<8x512xf32, #tpu.memory_space<vmem>>, vector<16xf32>,
        %parallel_loop3A_767 = arith.mulf %parallel_loop3A_766, %div3A_65 : vector<16xf32>
        %parallel_loop3A_768 = arith.index_cast %parallel_loop3A_327 : i32 to index
        %parallel_loop3A_769 = arith.constant 208 : index
        %parallel_loop3A_770 = tpu.vector_load %arg6[%parallel_loop3A_768, %parallel_loop3A_769] {strides = array<i32>} : memref<8x512xf32, #tpu.memory_space<vmem>>, vector<16xf32>,
        %parallel_loop3A_771 = arith.mulf %parallel_loop3A_770, %div3A_65 : vector<16xf32>
        %parallel_loop3A_772 = arith.index_cast %parallel_loop3A_327 : i32 to index
        %parallel_loop3A_773 = arith.constant 224 : index
        %parallel_loop3A_774 = tpu.vector_load %arg6[%parallel_loop3A_772, %parallel_loop3A_773] {strides = array<i32>} : memref<8x512xf32, #tpu.memory_space<vmem>>, vector<16xf32>,
        %parallel_loop3A_775 = arith.mulf %parallel_loop3A_774, %div3A_65 : vector<16xf32>
        %parallel_loop3A_776 = arith.index_cast %parallel_loop3A_327 : i32 to index
        %parallel_loop3A_777 = arith.constant 240 : index
        %parallel_loop3A_778 = tpu.vector_load %arg6[%parallel_loop3A_776, %parallel_loop3A_777] {strides = array<i32>} : memref<8x512xf32, #tpu.memory_space<vmem>>, vector<16xf32>,
        %parallel_loop3A_779 = arith.mulf %parallel_loop3A_778, %div3A_65 : vector<16xf32>
        %parallel_loop3A_780 = arith.constant 8 : i32
        %parallel_loop3A_781 = vector.broadcast %parallel_loop3A_780 : i32 to vector<16xi32>
        %parallel_loop3A_782 = arith.muli %parallel_loop3A_781, %iota3A : vector<16xi32>
        %parallel_loop3A_783 = arith.constant 0 : i32
        %parallel_loop3A_784 = vector.broadcast %parallel_loop3A_783 : i32 to vector<16xi32>
        %parallel_loop3A_785 = arith.addi %parallel_loop3A_784, %parallel_loop3A_782 : vector<16xi32>
        tpu.vector_store_idx %arg10[%parallel_loop3A_331, %parallel_loop3A_785], %parallel_loop3A_735 {add = true} : memref<8x1536xf32, #tpu.memory_space<vmem>>[vector<16xi32>, vector<16xi32>], vector<16xf32>,
        %parallel_loop3A_786 = arith.constant 8 : i32
        %parallel_loop3A_787 = vector.broadcast %parallel_loop3A_786 : i32 to vector<16xi32>
        %parallel_loop3A_788 = arith.muli %parallel_loop3A_787, %iota3A : vector<16xi32>
        %parallel_loop3A_789 = arith.constant 128 : i32
        %parallel_loop3A_790 = vector.broadcast %parallel_loop3A_789 : i32 to vector<16xi32>
        %parallel_loop3A_791 = arith.addi %parallel_loop3A_790, %parallel_loop3A_788 : vector<16xi32>
        tpu.vector_store_idx %arg10[%parallel_loop3A_331, %parallel_loop3A_791], %parallel_loop3A_739 {add = true} : memref<8x1536xf32, #tpu.memory_space<vmem>>[vector<16xi32>, vector<16xi32>], vector<16xf32>,
        %parallel_loop3A_792 = arith.constant 8 : i32
        %parallel_loop3A_793 = vector.broadcast %parallel_loop3A_792 : i32 to vector<16xi32>
        %parallel_loop3A_794 = arith.muli %parallel_loop3A_793, %iota3A : vector<16xi32>
        %parallel_loop3A_795 = arith.constant 256 : i32
        %parallel_loop3A_796 = vector.broadcast %parallel_loop3A_795 : i32 to vector<16xi32>
        %parallel_loop3A_797 = arith.addi %parallel_loop3A_796, %parallel_loop3A_794 : vector<16xi32>
        tpu.vector_store_idx %arg10[%parallel_loop3A_331, %parallel_loop3A_797], %parallel_loop3A_743 {add = true} : memref<8x1536xf32, #tpu.memory_space<vmem>>[vector<16xi32>, vector<16xi32>], vector<16xf32>,
        %parallel_loop3A_798 = arith.constant 8 : i32
        %parallel_loop3A_799 = vector.broadcast %parallel_loop3A_798 : i32 to vector<16xi32>
        %parallel_loop3A_800 = arith.muli %parallel_loop3A_799, %iota3A : vector<16xi32>
        %parallel_loop3A_801 = arith.constant 384 : i32
        %parallel_loop3A_802 = vector.broadcast %parallel_loop3A_801 : i32 to vector<16xi32>
        %parallel_loop3A_803 = arith.addi %parallel_loop3A_802, %parallel_loop3A_800 : vector<16xi32>
        tpu.vector_store_idx %arg10[%parallel_loop3A_331, %parallel_loop3A_803], %parallel_loop3A_747 {add = true} : memref<8x1536xf32, #tpu.memory_space<vmem>>[vector<16xi32>, vector<16xi32>], vector<16xf32>,
        %parallel_loop3A_804 = arith.constant 8 : i32
        %parallel_loop3A_805 = vector.broadcast %parallel_loop3A_804 : i32 to vector<16xi32>
        %parallel_loop3A_806 = arith.muli %parallel_loop3A_805, %iota3A : vector<16xi32>
        %parallel_loop3A_807 = arith.constant 512 : i32
        %parallel_loop3A_808 = vector.broadcast %parallel_loop3A_807 : i32 to vector<16xi32>
        %parallel_loop3A_809 = arith.addi %parallel_loop3A_808, %parallel_loop3A_806 : vector<16xi32>
        tpu.vector_store_idx %arg10[%parallel_loop3A_331, %parallel_loop3A_809], %parallel_loop3A_751 {add = true} : memref<8x1536xf32, #tpu.memory_space<vmem>>[vector<16xi32>, vector<16xi32>], vector<16xf32>,
        %parallel_loop3A_810 = arith.constant 8 : i32
        %parallel_loop3A_811 = vector.broadcast %parallel_loop3A_810 : i32 to vector<16xi32>
        %parallel_loop3A_812 = arith.muli %parallel_loop3A_811, %iota3A : vector<16xi32>
        %parallel_loop3A_813 = arith.constant 640 : i32
        %parallel_loop3A_814 = vector.broadcast %parallel_loop3A_813 : i32 to vector<16xi32>
        %parallel_loop3A_815 = arith.addi %parallel_loop3A_814, %parallel_loop3A_812 : vector<16xi32>
        tpu.vector_store_idx %arg10[%parallel_loop3A_331, %parallel_loop3A_815], %parallel_loop3A_755 {add = true} : memref<8x1536xf32, #tpu.memory_space<vmem>>[vector<16xi32>, vector<16xi32>], vector<16xf32>,
        %parallel_loop3A_816 = arith.constant 8 : i32
        %parallel_loop3A_817 = vector.broadcast %parallel_loop3A_816 : i32 to vector<16xi32>
        %parallel_loop3A_818 = arith.muli %parallel_loop3A_817, %iota3A : vector<16xi32>
        %parallel_loop3A_819 = arith.constant 768 : i32
        %parallel_loop3A_820 = vector.broadcast %parallel_loop3A_819 : i32 to vector<16xi32>
        %parallel_loop3A_821 = arith.addi %parallel_loop3A_820, %parallel_loop3A_818 : vector<16xi32>
        tpu.vector_store_idx %arg10[%parallel_loop3A_331, %parallel_loop3A_821], %parallel_loop3A_759 {add = true} : memref<8x1536xf32, #tpu.memory_space<vmem>>[vector<16xi32>, vector<16xi32>], vector<16xf32>,
        %parallel_loop3A_822 = arith.constant 8 : i32
        %parallel_loop3A_823 = vector.broadcast %parallel_loop3A_822 : i32 to vector<16xi32>
        %parallel_loop3A_824 = arith.muli %parallel_loop3A_823, %iota3A : vector<16xi32>
        %parallel_loop3A_825 = arith.constant 896 : i32
        %parallel_loop3A_826 = vector.broadcast %parallel_loop3A_825 : i32 to vector<16xi32>
        %parallel_loop3A_827 = arith.addi %parallel_loop3A_826, %parallel_loop3A_824 : vector<16xi32>
        tpu.vector_store_idx %arg10[%parallel_loop3A_331, %parallel_loop3A_827], %parallel_loop3A_763 {add = true} : memref<8x1536xf32, #tpu.memory_space<vmem>>[vector<16xi32>, vector<16xi32>], vector<16xf32>,
        %parallel_loop3A_828 = arith.constant 8 : i32
        %parallel_loop3A_829 = vector.broadcast %parallel_loop3A_828 : i32 to vector<16xi32>
        %parallel_loop3A_830 = arith.muli %parallel_loop3A_829, %iota3A : vector<16xi32>
        %parallel_loop3A_831 = arith.constant 1024 : i32
        %parallel_loop3A_832 = vector.broadcast %parallel_loop3A_831 : i32 to vector<16xi32>
        %parallel_loop3A_833 = arith.addi %parallel_loop3A_832, %parallel_loop3A_830 : vector<16xi32>
        tpu.vector_store_idx %arg10[%parallel_loop3A_331, %parallel_loop3A_833], %parallel_loop3A_767 {add = true} : memref<8x1536xf32, #tpu.memory_space<vmem>>[vector<16xi32>, vector<16xi32>], vector<16xf32>,
        %parallel_loop3A_834 = arith.constant 8 : i32
        %parallel_loop3A_835 = vector.broadcast %parallel_loop3A_834 : i32 to vector<16xi32>
        %parallel_loop3A_836 = arith.muli %parallel_loop3A_835, %iota3A : vector<16xi32>
        %parallel_loop3A_837 = arith.constant 1152 : i32
        %parallel_loop3A_838 = vector.broadcast %parallel_loop3A_837 : i32 to vector<16xi32>
        %parallel_loop3A_839 = arith.addi %parallel_loop3A_838, %parallel_loop3A_836 : vector<16xi32>
        tpu.vector_store_idx %arg10[%parallel_loop3A_331, %parallel_loop3A_839], %parallel_loop3A_771 {add = true} : memref<8x1536xf32, #tpu.memory_space<vmem>>[vector<16xi32>, vector<16xi32>], vector<16xf32>,
        %parallel_loop3A_840 = arith.constant 8 : i32
        %parallel_loop3A_841 = vector.broadcast %parallel_loop3A_840 : i32 to vector<16xi32>
        %parallel_loop3A_842 = arith.muli %parallel_loop3A_841, %iota3A : vector<16xi32>
        %parallel_loop3A_843 = arith.constant 1280 : i32
        %parallel_loop3A_844 = vector.broadcast %parallel_loop3A_843 : i32 to vector<16xi32>
        %parallel_loop3A_845 = arith.addi %parallel_loop3A_844, %parallel_loop3A_842 : vector<16xi32>
        tpu.vector_store_idx %arg10[%parallel_loop3A_331, %parallel_loop3A_845], %parallel_loop3A_775 {add = true} : memref<8x1536xf32, #tpu.memory_space<vmem>>[vector<16xi32>, vector<16xi32>], vector<16xf32>,
        %parallel_loop3A_846 = arith.constant 8 : i32
        %parallel_loop3A_847 = vector.broadcast %parallel_loop3A_846 : i32 to vector<16xi32>
        %parallel_loop3A_848 = arith.muli %parallel_loop3A_847, %iota3A : vector<16xi32>
        %parallel_loop3A_849 = arith.constant 1408 : i32
        %parallel_loop3A_850 = vector.broadcast %parallel_loop3A_849 : i32 to vector<16xi32>
        %parallel_loop3A_851 = arith.addi %parallel_loop3A_850, %parallel_loop3A_848 : vector<16xi32>
        tpu.vector_store_idx %arg10[%parallel_loop3A_331, %parallel_loop3A_851], %parallel_loop3A_779 {add = true} : memref<8x1536xf32, #tpu.memory_space<vmem>>[vector<16xi32>, vector<16xi32>], vector<16xf32>,
      } {sc.loop_unroll_factor = 4 : i64, sc.parallel_access}
      %mul3A_224 = arith.constant 8 : i32
      %mul3A_225 = arith.muli %add3A_198, %mul3A_224 : i32
      %add3A_226 = arith.addi %mul3A_32, %mul3A_225 : i32
      %dma_start3A_227 = arith.constant 0 : i32
      %dma_start3A_228 = tpu.memref_slice %arg4[%select_n3A, %add3A_226, %dma_start3A_227] : memref<4x2048x2048xf32, #tpu.memory_space<hbm>> -> memref<1x8x512xf32, #tpu.memory_space<hbm>>
      %dma_start3A_229 = tpu.memref_squeeze %dma_start3A_228 : memref<1x8x512xf32, #tpu.memory_space<hbm>> -> memref<8x512xf32, #tpu.memory_space<hbm>>
      %dma_start3A_230 = arith.constant 0 : i32
      %dma_start3A_231 = tpu.memref_slice %arg4[%select_n3A, %add3A_226, %dma_start3A_230] : memref<4x2048x2048xf32, #tpu.memory_space<hbm>> -> memref<1x8x512xf32, #tpu.memory_space<hbm>>
      %dma_start3A_232 = tpu.memref_squeeze %dma_start3A_231 : memref<1x8x512xf32, #tpu.memory_space<hbm>> -> memref<8x512xf32, #tpu.memory_space<hbm>>
      tpu.enqueue_dma source(%arg6 : memref<8x512xf32, #tpu.memory_space<vmem>>) target(%dma_start3A_232 : memref<8x512xf32, #tpu.memory_space<hbm>>) target_semaphore(%arg23 : memref<!tpu.dma_semaphore, #tpu.memory_space<semaphore_mem>>)
      %dma_start3A_233 = arith.constant 512 : i32
      %dma_start3A_234 = tpu.memref_slice %arg4[%select_n3A, %add3A_226, %dma_start3A_233] : memref<4x2048x2048xf32, #tpu.memory_space<hbm>> -> memref<1x8x1536xf32, #tpu.memory_space<hbm>>
      %dma_start3A_235 = tpu.memref_squeeze %dma_start3A_234 : memref<1x8x1536xf32, #tpu.memory_space<hbm>> -> memref<8x1536xf32, #tpu.memory_space<hbm>>
      %dma_start3A_236 = arith.constant 512 : i32
      %dma_start3A_237 = tpu.memref_slice %arg4[%select_n3A, %add3A_226, %dma_start3A_236] : memref<4x2048x2048xf32, #tpu.memory_space<hbm>> -> memref<1x8x1536xf32, #tpu.memory_space<hbm>>
      %dma_start3A_238 = tpu.memref_squeeze %dma_start3A_237 : memref<1x8x1536xf32, #tpu.memory_space<hbm>> -> memref<8x1536xf32, #tpu.memory_space<hbm>>
      tpu.enqueue_dma source(%arg10 : memref<8x1536xf32, #tpu.memory_space<vmem>>) target(%dma_start3A_238 : memref<8x1536xf32, #tpu.memory_space<hbm>>) target_semaphore(%arg27 : memref<!tpu.dma_semaphore, #tpu.memory_space<semaphore_mem>>)
      %mul3A_239 = arith.constant 4 : i32
      %mul3A_240 = arith.muli %mul3A_239, %scan3A_153 : i32
      %add3A_241 = arith.constant 2 : i32
      %add3A_242 = arith.addi %mul3A_240, %add3A_241 : i32
      %add3A_243 = arith.constant 2 : i32
      %add3A_244 = arith.addi %add3A_242, %add3A_243 : i32
      %lt3A_245 = arith.constant 32 : i32
      %lt3A_246 = arith.cmpi slt, %add3A_244, %lt3A_245 : i32
      %convert_element_type3A_247 = arith.extui %lt3A_246 : i1 to i32
      %cond3A_248 = arith.constant 0 : i32
      %cond3A_249 = arith.cmpi ne, %convert_element_type3A_247, %cond3A_248 : i32
      scf.if %cond3A_249 {
        %ge3A = arith.constant 2 : i32
        %ge3A_327 = arith.cmpi sge, %add3A_242, %ge3A : i32
        %convert_element_type3A_328 = arith.extui %ge3A_327 : i1 to i32
        %cond3A_329 = arith.constant 0 : i32
        %cond3A_330 = arith.cmpi ne, %convert_element_type3A_328, %cond3A_329 : i32
        scf.if %cond3A_330 {
          %sub3A_348 = arith.constant 2 : i32
          %sub3A_349 = arith.subi %add3A_242, %sub3A_348 : i32
          %mul3A_350 = arith.constant 8 : i32
          %mul3A_351 = arith.muli %sub3A_349, %mul3A_350 : i32
          %add3A_352 = arith.addi %mul3A_32, %mul3A_351 : i32
          %dma_wait3A_353 = arith.constant 0 : i32
          %dma_wait3A_354 = tpu.memref_slice %arg4[%select_n3A, %add3A_352, %dma_wait3A_353] : memref<4x2048x2048xf32, #tpu.memory_space<hbm>> -> memref<1x8x512xf32, #tpu.memory_space<hbm>>
          %dma_wait3A_355 = tpu.memref_squeeze %dma_wait3A_354 : memref<1x8x512xf32, #tpu.memory_space<hbm>> -> memref<8x512xf32, #tpu.memory_space<hbm>>
          %dma_wait3A_356 = arith.constant 0 : i32
          %dma_wait3A_357 = tpu.memref_slice %arg4[%select_n3A, %add3A_352, %dma_wait3A_356] : memref<4x2048x2048xf32, #tpu.memory_space<hbm>> -> memref<1x8x512xf32, #tpu.memory_space<hbm>>
          %dma_wait3A_358 = tpu.memref_squeeze %dma_wait3A_357 : memref<1x8x512xf32, #tpu.memory_space<hbm>> -> memref<8x512xf32, #tpu.memory_space<hbm>>
          tpu.wait_dma2 semaphore(%arg22 : memref<!tpu.dma_semaphore, #tpu.memory_space<semaphore_mem>>) src(%arg5 : memref<8x512xf32, #tpu.memory_space<vmem>>) dst(%dma_wait3A_358 : memref<8x512xf32, #tpu.memory_space<hbm>>)
          %dma_wait3A_359 = arith.constant 512 : i32
          %dma_wait3A_360 = tpu.memref_slice %arg4[%select_n3A, %add3A_352, %dma_wait3A_359] : memref<4x2048x2048xf32, #tpu.memory_space<hbm>> -> memref<1x8x1536xf32, #tpu.memory_space<hbm>>
          %dma_wait3A_361 = tpu.memref_squeeze %dma_wait3A_360 : memref<1x8x1536xf32, #tpu.memory_space<hbm>> -> memref<8x1536xf32, #tpu.memory_space<hbm>>
          %dma_wait3A_362 = arith.constant 512 : i32
          %dma_wait3A_363 = tpu.memref_slice %arg4[%select_n3A, %add3A_352, %dma_wait3A_362] : memref<4x2048x2048xf32, #tpu.memory_space<hbm>> -> memref<1x8x1536xf32, #tpu.memory_space<hbm>>
          %dma_wait3A_364 = tpu.memref_squeeze %dma_wait3A_363 : memref<1x8x1536xf32, #tpu.memory_space<hbm>> -> memref<8x1536xf32, #tpu.memory_space<hbm>>
          tpu.wait_dma2 semaphore(%arg26 : memref<!tpu.dma_semaphore, #tpu.memory_space<semaphore_mem>>) src(%arg9 : memref<8x1536xf32, #tpu.memory_space<vmem>>) dst(%dma_wait3A_364 : memref<8x1536xf32, #tpu.memory_space<hbm>>)
        } else {
        }
        %add3A_331 = arith.constant 2 : i32
        %add3A_332 = arith.addi %add3A_242, %add3A_331 : i32
        %mul3A_333 = arith.constant 8 : i32
        %mul3A_334 = arith.muli %add3A_332, %mul3A_333 : i32
        %add3A_335 = arith.addi %mul3A_32, %mul3A_334 : i32
        %dma_start3A_336 = arith.constant 0 : i32
        %dma_start3A_337 = tpu.memref_slice %arg2[%select_n3A, %add3A_335, %dma_start3A_336] : memref<4x2048x2048xf32, #tpu.memory_space<hbm>> -> memref<1x8x512xf32, #tpu.memory_space<hbm>>
        %dma_start3A_338 = tpu.memref_squeeze %dma_start3A_337 : memref<1x8x512xf32, #tpu.memory_space<hbm>> -> memref<8x512xf32, #tpu.memory_space<hbm>>
        %dma_start3A_339 = arith.constant 0 : i32
        %dma_start3A_340 = tpu.memref_slice %arg2[%select_n3A, %add3A_335, %dma_start3A_339] : memref<4x2048x2048xf32, #tpu.memory_space<hbm>> -> memref<1x8x512xf32, #tpu.memory_space<hbm>>
        %dma_start3A_341 = tpu.memref_squeeze %dma_start3A_340 : memref<1x8x512xf32, #tpu.memory_space<hbm>> -> memref<8x512xf32, #tpu.memory_space<hbm>>
        tpu.enqueue_dma source(%dma_start3A_341 : memref<8x512xf32, #tpu.memory_space<hbm>>) target(%arg5 : memref<8x512xf32, #tpu.memory_space<vmem>>) target_semaphore(%arg14 : memref<!tpu.dma_semaphore, #tpu.memory_space<semaphore_mem>>)
        %dma_start3A_342 = arith.constant 512 : i32
        %dma_start3A_343 = tpu.memref_slice %arg2[%select_n3A, %add3A_335, %dma_start3A_342] : memref<4x2048x2048xf32, #tpu.memory_space<hbm>> -> memref<1x8x1536xf32, #tpu.memory_space<hbm>>
        %dma_start3A_344 = tpu.memref_squeeze %dma_start3A_343 : memref<1x8x1536xf32, #tpu.memory_space<hbm>> -> memref<8x1536xf32, #tpu.memory_space<hbm>>
        %dma_start3A_345 = arith.constant 512 : i32
        %dma_start3A_346 = tpu.memref_slice %arg2[%select_n3A, %add3A_335, %dma_start3A_345] : memref<4x2048x2048xf32, #tpu.memory_space<hbm>> -> memref<1x8x1536xf32, #tpu.memory_space<hbm>>
        %dma_start3A_347 = tpu.memref_squeeze %dma_start3A_346 : memref<1x8x1536xf32, #tpu.memory_space<hbm>> -> memref<8x1536xf32, #tpu.memory_space<hbm>>
        tpu.enqueue_dma source(%dma_start3A_347 : memref<8x1536xf32, #tpu.memory_space<hbm>>) target(%arg9 : memref<8x1536xf32, #tpu.memory_space<vmem>>) target_semaphore(%arg18 : memref<!tpu.dma_semaphore, #tpu.memory_space<semaphore_mem>>)
      } else {
      }
      %mul3A_250 = arith.constant 8 : i32
      %mul3A_251 = arith.muli %add3A_242, %mul3A_250 : i32
      %add3A_252 = arith.addi %mul3A_32, %mul3A_251 : i32
      %dma_wait3A_253 = arith.constant 0 : i32
      %dma_wait3A_254 = tpu.memref_slice %arg2[%select_n3A, %add3A_252, %dma_wait3A_253] : memref<4x2048x2048xf32, #tpu.memory_space<hbm>> -> memref<1x8x512xf32, #tpu.memory_space<hbm>>
      %dma_wait3A_255 = tpu.memref_squeeze %dma_wait3A_254 : memref<1x8x512xf32, #tpu.memory_space<hbm>> -> memref<8x512xf32, #tpu.memory_space<hbm>>
      %dma_wait3A_256 = arith.constant 0 : i32
      %dma_wait3A_257 = tpu.memref_slice %arg2[%select_n3A, %add3A_252, %dma_wait3A_256] : memref<4x2048x2048xf32, #tpu.memory_space<hbm>> -> memref<1x8x512xf32, #tpu.memory_space<hbm>>
      %dma_wait3A_258 = tpu.memref_squeeze %dma_wait3A_257 : memref<1x8x512xf32, #tpu.memory_space<hbm>> -> memref<8x512xf32, #tpu.memory_space<hbm>>
      tpu.wait_dma2 semaphore(%arg16 : memref<!tpu.dma_semaphore, #tpu.memory_space<semaphore_mem>>) src(%dma_wait3A_258 : memref<8x512xf32, #tpu.memory_space<hbm>>) dst(%arg7 : memref<8x512xf32, #tpu.memory_space<vmem>>)
      %dma_wait3A_259 = arith.constant 512 : i32
      %dma_wait3A_260 = tpu.memref_slice %arg2[%select_n3A, %add3A_252, %dma_wait3A_259] : memref<4x2048x2048xf32, #tpu.memory_space<hbm>> -> memref<1x8x1536xf32, #tpu.memory_space<hbm>>
      %dma_wait3A_261 = tpu.memref_squeeze %dma_wait3A_260 : memref<1x8x1536xf32, #tpu.memory_space<hbm>> -> memref<8x1536xf32, #tpu.memory_space<hbm>>
      %dma_wait3A_262 = arith.constant 512 : i32
      %dma_wait3A_263 = tpu.memref_slice %arg2[%select_n3A, %add3A_252, %dma_wait3A_262] : memref<4x2048x2048xf32, #tpu.memory_space<hbm>> -> memref<1x8x1536xf32, #tpu.memory_space<hbm>>
      %dma_wait3A_264 = tpu.memref_squeeze %dma_wait3A_263 : memref<1x8x1536xf32, #tpu.memory_space<hbm>> -> memref<8x1536xf32, #tpu.memory_space<hbm>>
      tpu.wait_dma2 semaphore(%arg20 : memref<!tpu.dma_semaphore, #tpu.memory_space<semaphore_mem>>) src(%dma_wait3A_264 : memref<8x1536xf32, #tpu.memory_space<hbm>>) dst(%arg11 : memref<8x1536xf32, #tpu.memory_space<vmem>>)
      %parallel_loop3A_265 = arith.constant 0 : i32
      %parallel_loop3A_266 = arith.constant 8 : i32
      %parallel_loop3A_267 = arith.constant 1 : i32
      scf.for %parallel_loop3A_327 = %parallel_loop3A_265 to %parallel_loop3A_266 step %parallel_loop3A_267  : i32 {
        %parallel_loop3A_328 = arith.constant 0 : i32
        %parallel_loop3A_329 = vector.broadcast %parallel_loop3A_328 : i32 to vector<16xi32>
        %parallel_loop3A_330 = vector.broadcast %parallel_loop3A_327 : i32 to vector<16xi32>
        %parallel_loop3A_331 = arith.addi %parallel_loop3A_329, %parallel_loop3A_330 : vector<16xi32>
        %parallel_loop3A_332 = arith.index_cast %parallel_loop3A_327 : i32 to index
        %parallel_loop3A_333 = arith.constant 256 : index
        %parallel_loop3A_334 = tpu.vector_load %arg7[%parallel_loop3A_332, %parallel_loop3A_333] {strides = array<i32>} : memref<8x512xf32, #tpu.memory_space<vmem>>, vector<16xf32>,
        %parallel_loop3A_335 = arith.mulf %parallel_loop3A_334, %div3A_41 : vector<16xf32>
        %parallel_loop3A_336 = arith.index_cast %parallel_loop3A_327 : i32 to index
        %parallel_loop3A_337 = arith.constant 272 : index
        %parallel_loop3A_338 = tpu.vector_load %arg7[%parallel_loop3A_336, %parallel_loop3A_337] {strides = array<i32>} : memref<8x512xf32, #tpu.memory_space<vmem>>, vector<16xf32>,
        %parallel_loop3A_339 = arith.mulf %parallel_loop3A_338, %div3A_41 : vector<16xf32>
        %parallel_loop3A_340 = arith.index_cast %parallel_loop3A_327 : i32 to index
        %parallel_loop3A_341 = arith.constant 288 : index
        %parallel_loop3A_342 = tpu.vector_load %arg7[%parallel_loop3A_340, %parallel_loop3A_341] {strides = array<i32>} : memref<8x512xf32, #tpu.memory_space<vmem>>, vector<16xf32>,
        %parallel_loop3A_343 = arith.mulf %parallel_loop3A_342, %div3A_41 : vector<16xf32>
        %parallel_loop3A_344 = arith.index_cast %parallel_loop3A_327 : i32 to index
        %parallel_loop3A_345 = arith.constant 304 : index
        %parallel_loop3A_346 = tpu.vector_load %arg7[%parallel_loop3A_344, %parallel_loop3A_345] {strides = array<i32>} : memref<8x512xf32, #tpu.memory_space<vmem>>, vector<16xf32>,
        %parallel_loop3A_347 = arith.mulf %parallel_loop3A_346, %div3A_41 : vector<16xf32>
        %parallel_loop3A_348 = arith.index_cast %parallel_loop3A_327 : i32 to index
        %parallel_loop3A_349 = arith.constant 320 : index
        %parallel_loop3A_350 = tpu.vector_load %arg7[%parallel_loop3A_348, %parallel_loop3A_349] {strides = array<i32>} : memref<8x512xf32, #tpu.memory_space<vmem>>, vector<16xf32>,
        %parallel_loop3A_351 = arith.mulf %parallel_loop3A_350, %div3A_41 : vector<16xf32>
        %parallel_loop3A_352 = arith.index_cast %parallel_loop3A_327 : i32 to index
        %parallel_loop3A_353 = arith.constant 336 : index
        %parallel_loop3A_354 = tpu.vector_load %arg7[%parallel_loop3A_352, %parallel_loop3A_353] {strides = array<i32>} : memref<8x512xf32, #tpu.memory_space<vmem>>, vector<16xf32>,
        %parallel_loop3A_355 = arith.mulf %parallel_loop3A_354, %div3A_41 : vector<16xf32>
        %parallel_loop3A_356 = arith.index_cast %parallel_loop3A_327 : i32 to index
        %parallel_loop3A_357 = arith.constant 352 : index
        %parallel_loop3A_358 = tpu.vector_load %arg7[%parallel_loop3A_356, %parallel_loop3A_357] {strides = array<i32>} : memref<8x512xf32, #tpu.memory_space<vmem>>, vector<16xf32>,
        %parallel_loop3A_359 = arith.mulf %parallel_loop3A_358, %div3A_41 : vector<16xf32>
        %parallel_loop3A_360 = arith.index_cast %parallel_loop3A_327 : i32 to index
        %parallel_loop3A_361 = arith.constant 368 : index
        %parallel_loop3A_362 = tpu.vector_load %arg7[%parallel_loop3A_360, %parallel_loop3A_361] {strides = array<i32>} : memref<8x512xf32, #tpu.memory_space<vmem>>, vector<16xf32>,
        %parallel_loop3A_363 = arith.mulf %parallel_loop3A_362, %div3A_41 : vector<16xf32>
        %parallel_loop3A_364 = arith.index_cast %parallel_loop3A_327 : i32 to index
        %parallel_loop3A_365 = arith.constant 384 : index
        %parallel_loop3A_366 = tpu.vector_load %arg7[%parallel_loop3A_364, %parallel_loop3A_365] {strides = array<i32>} : memref<8x512xf32, #tpu.memory_space<vmem>>, vector<16xf32>,
        %parallel_loop3A_367 = arith.mulf %parallel_loop3A_366, %div3A_41 : vector<16xf32>
        %parallel_loop3A_368 = arith.index_cast %parallel_loop3A_327 : i32 to index
        %parallel_loop3A_369 = arith.constant 400 : index
        %parallel_loop3A_370 = tpu.vector_load %arg7[%parallel_loop3A_368, %parallel_loop3A_369] {strides = array<i32>} : memref<8x512xf32, #tpu.memory_space<vmem>>, vector<16xf32>,
        %parallel_loop3A_371 = arith.mulf %parallel_loop3A_370, %div3A_41 : vector<16xf32>
        %parallel_loop3A_372 = arith.index_cast %parallel_loop3A_327 : i32 to index
        %parallel_loop3A_373 = arith.constant 416 : index
        %parallel_loop3A_374 = tpu.vector_load %arg7[%parallel_loop3A_372, %parallel_loop3A_373] {strides = array<i32>} : memref<8x512xf32, #tpu.memory_space<vmem>>, vector<16xf32>,
        %parallel_loop3A_375 = arith.mulf %parallel_loop3A_374, %div3A_41 : vector<16xf32>
        %parallel_loop3A_376 = arith.index_cast %parallel_loop3A_327 : i32 to index
        %parallel_loop3A_377 = arith.constant 432 : index
        %parallel_loop3A_378 = tpu.vector_load %arg7[%parallel_loop3A_376, %parallel_loop3A_377] {strides = array<i32>} : memref<8x512xf32, #tpu.memory_space<vmem>>, vector<16xf32>,
        %parallel_loop3A_379 = arith.mulf %parallel_loop3A_378, %div3A_41 : vector<16xf32>
        %parallel_loop3A_380 = arith.index_cast %parallel_loop3A_327 : i32 to index
        %parallel_loop3A_381 = arith.constant 448 : index
        %parallel_loop3A_382 = tpu.vector_load %arg7[%parallel_loop3A_380, %parallel_loop3A_381] {strides = array<i32>} : memref<8x512xf32, #tpu.memory_space<vmem>>, vector<16xf32>,
        %parallel_loop3A_383 = arith.mulf %parallel_loop3A_382, %div3A_41 : vector<16xf32>
        %parallel_loop3A_384 = arith.index_cast %parallel_loop3A_327 : i32 to index
        %parallel_loop3A_385 = arith.constant 464 : index
        %parallel_loop3A_386 = tpu.vector_load %arg7[%parallel_loop3A_384, %parallel_loop3A_385] {strides = array<i32>} : memref<8x512xf32, #tpu.memory_space<vmem>>, vector<16xf32>,
        %parallel_loop3A_387 = arith.mulf %parallel_loop3A_386, %div3A_41 : vector<16xf32>
        %parallel_loop3A_388 = arith.index_cast %parallel_loop3A_327 : i32 to index
        %parallel_loop3A_389 = arith.constant 480 : index
        %parallel_loop3A_390 = tpu.vector_load %arg7[%parallel_loop3A_388, %parallel_loop3A_389] {strides = array<i32>} : memref<8x512xf32, #tpu.memory_space<vmem>>, vector<16xf32>,
        %parallel_loop3A_391 = arith.mulf %parallel_loop3A_390, %div3A_41 : vector<16xf32>
        %parallel_loop3A_392 = arith.index_cast %parallel_loop3A_327 : i32 to index
        %parallel_loop3A_393 = arith.constant 496 : index
        %parallel_loop3A_394 = tpu.vector_load %arg7[%parallel_loop3A_392, %parallel_loop3A_393] {strides = array<i32>} : memref<8x512xf32, #tpu.memory_space<vmem>>, vector<16xf32>,
        %parallel_loop3A_395 = arith.mulf %parallel_loop3A_394, %div3A_41 : vector<16xf32>
        %parallel_loop3A_396 = arith.constant 2 : i32
        %parallel_loop3A_397 = vector.broadcast %parallel_loop3A_396 : i32 to vector<16xi32>
        %parallel_loop3A_398 = arith.muli %parallel_loop3A_397, %iota3A : vector<16xi32>
        %parallel_loop3A_399 = arith.constant 0 : i32
        %parallel_loop3A_400 = vector.broadcast %parallel_loop3A_399 : i32 to vector<16xi32>
        %parallel_loop3A_401 = arith.addi %parallel_loop3A_400, %parallel_loop3A_398 : vector<16xi32>
        tpu.vector_store_idx %arg11[%parallel_loop3A_331, %parallel_loop3A_401], %parallel_loop3A_335 {add = true} : memref<8x1536xf32, #tpu.memory_space<vmem>>[vector<16xi32>, vector<16xi32>], vector<16xf32>,
        %parallel_loop3A_402 = arith.constant 2 : i32
        %parallel_loop3A_403 = vector.broadcast %parallel_loop3A_402 : i32 to vector<16xi32>
        %parallel_loop3A_404 = arith.muli %parallel_loop3A_403, %iota3A : vector<16xi32>
        %parallel_loop3A_405 = arith.constant 32 : i32
        %parallel_loop3A_406 = vector.broadcast %parallel_loop3A_405 : i32 to vector<16xi32>
        %parallel_loop3A_407 = arith.addi %parallel_loop3A_406, %parallel_loop3A_404 : vector<16xi32>
        tpu.vector_store_idx %arg11[%parallel_loop3A_331, %parallel_loop3A_407], %parallel_loop3A_339 {add = true} : memref<8x1536xf32, #tpu.memory_space<vmem>>[vector<16xi32>, vector<16xi32>], vector<16xf32>,
        %parallel_loop3A_408 = arith.constant 2 : i32
        %parallel_loop3A_409 = vector.broadcast %parallel_loop3A_408 : i32 to vector<16xi32>
        %parallel_loop3A_410 = arith.muli %parallel_loop3A_409, %iota3A : vector<16xi32>
        %parallel_loop3A_411 = arith.constant 64 : i32
        %parallel_loop3A_412 = vector.broadcast %parallel_loop3A_411 : i32 to vector<16xi32>
        %parallel_loop3A_413 = arith.addi %parallel_loop3A_412, %parallel_loop3A_410 : vector<16xi32>
        tpu.vector_store_idx %arg11[%parallel_loop3A_331, %parallel_loop3A_413], %parallel_loop3A_343 {add = true} : memref<8x1536xf32, #tpu.memory_space<vmem>>[vector<16xi32>, vector<16xi32>], vector<16xf32>,
        %parallel_loop3A_414 = arith.constant 2 : i32
        %parallel_loop3A_415 = vector.broadcast %parallel_loop3A_414 : i32 to vector<16xi32>
        %parallel_loop3A_416 = arith.muli %parallel_loop3A_415, %iota3A : vector<16xi32>
        %parallel_loop3A_417 = arith.constant 96 : i32
        %parallel_loop3A_418 = vector.broadcast %parallel_loop3A_417 : i32 to vector<16xi32>
        %parallel_loop3A_419 = arith.addi %parallel_loop3A_418, %parallel_loop3A_416 : vector<16xi32>
        tpu.vector_store_idx %arg11[%parallel_loop3A_331, %parallel_loop3A_419], %parallel_loop3A_347 {add = true} : memref<8x1536xf32, #tpu.memory_space<vmem>>[vector<16xi32>, vector<16xi32>], vector<16xf32>,
        %parallel_loop3A_420 = arith.constant 2 : i32
        %parallel_loop3A_421 = vector.broadcast %parallel_loop3A_420 : i32 to vector<16xi32>
        %parallel_loop3A_422 = arith.muli %parallel_loop3A_421, %iota3A : vector<16xi32>
        %parallel_loop3A_423 = arith.constant 128 : i32
        %parallel_loop3A_424 = vector.broadcast %parallel_loop3A_423 : i32 to vector<16xi32>
        %parallel_loop3A_425 = arith.addi %parallel_loop3A_424, %parallel_loop3A_422 : vector<16xi32>
        tpu.vector_store_idx %arg11[%parallel_loop3A_331, %parallel_loop3A_425], %parallel_loop3A_351 {add = true} : memref<8x1536xf32, #tpu.memory_space<vmem>>[vector<16xi32>, vector<16xi32>], vector<16xf32>,
        %parallel_loop3A_426 = arith.constant 2 : i32
        %parallel_loop3A_427 = vector.broadcast %parallel_loop3A_426 : i32 to vector<16xi32>
        %parallel_loop3A_428 = arith.muli %parallel_loop3A_427, %iota3A : vector<16xi32>
        %parallel_loop3A_429 = arith.constant 160 : i32
        %parallel_loop3A_430 = vector.broadcast %parallel_loop3A_429 : i32 to vector<16xi32>
        %parallel_loop3A_431 = arith.addi %parallel_loop3A_430, %parallel_loop3A_428 : vector<16xi32>
        tpu.vector_store_idx %arg11[%parallel_loop3A_331, %parallel_loop3A_431], %parallel_loop3A_355 {add = true} : memref<8x1536xf32, #tpu.memory_space<vmem>>[vector<16xi32>, vector<16xi32>], vector<16xf32>,
        %parallel_loop3A_432 = arith.constant 2 : i32
        %parallel_loop3A_433 = vector.broadcast %parallel_loop3A_432 : i32 to vector<16xi32>
        %parallel_loop3A_434 = arith.muli %parallel_loop3A_433, %iota3A : vector<16xi32>
        %parallel_loop3A_435 = arith.constant 192 : i32
        %parallel_loop3A_436 = vector.broadcast %parallel_loop3A_435 : i32 to vector<16xi32>
        %parallel_loop3A_437 = arith.addi %parallel_loop3A_436, %parallel_loop3A_434 : vector<16xi32>
        tpu.vector_store_idx %arg11[%parallel_loop3A_331, %parallel_loop3A_437], %parallel_loop3A_359 {add = true} : memref<8x1536xf32, #tpu.memory_space<vmem>>[vector<16xi32>, vector<16xi32>], vector<16xf32>,
        %parallel_loop3A_438 = arith.constant 2 : i32
        %parallel_loop3A_439 = vector.broadcast %parallel_loop3A_438 : i32 to vector<16xi32>
        %parallel_loop3A_440 = arith.muli %parallel_loop3A_439, %iota3A : vector<16xi32>
        %parallel_loop3A_441 = arith.constant 224 : i32
        %parallel_loop3A_442 = vector.broadcast %parallel_loop3A_441 : i32 to vector<16xi32>
        %parallel_loop3A_443 = arith.addi %parallel_loop3A_442, %parallel_loop3A_440 : vector<16xi32>
        tpu.vector_store_idx %arg11[%parallel_loop3A_331, %parallel_loop3A_443], %parallel_loop3A_363 {add = true} : memref<8x1536xf32, #tpu.memory_space<vmem>>[vector<16xi32>, vector<16xi32>], vector<16xf32>,
        %parallel_loop3A_444 = arith.constant 2 : i32
        %parallel_loop3A_445 = vector.broadcast %parallel_loop3A_444 : i32 to vector<16xi32>
        %parallel_loop3A_446 = arith.muli %parallel_loop3A_445, %iota3A : vector<16xi32>
        %parallel_loop3A_447 = arith.constant 256 : i32
        %parallel_loop3A_448 = vector.broadcast %parallel_loop3A_447 : i32 to vector<16xi32>
        %parallel_loop3A_449 = arith.addi %parallel_loop3A_448, %parallel_loop3A_446 : vector<16xi32>
        tpu.vector_store_idx %arg11[%parallel_loop3A_331, %parallel_loop3A_449], %parallel_loop3A_367 {add = true} : memref<8x1536xf32, #tpu.memory_space<vmem>>[vector<16xi32>, vector<16xi32>], vector<16xf32>,
        %parallel_loop3A_450 = arith.constant 2 : i32
        %parallel_loop3A_451 = vector.broadcast %parallel_loop3A_450 : i32 to vector<16xi32>
        %parallel_loop3A_452 = arith.muli %parallel_loop3A_451, %iota3A : vector<16xi32>
        %parallel_loop3A_453 = arith.constant 288 : i32
        %parallel_loop3A_454 = vector.broadcast %parallel_loop3A_453 : i32 to vector<16xi32>
        %parallel_loop3A_455 = arith.addi %parallel_loop3A_454, %parallel_loop3A_452 : vector<16xi32>
        tpu.vector_store_idx %arg11[%parallel_loop3A_331, %parallel_loop3A_455], %parallel_loop3A_371 {add = true} : memref<8x1536xf32, #tpu.memory_space<vmem>>[vector<16xi32>, vector<16xi32>], vector<16xf32>,
        %parallel_loop3A_456 = arith.constant 2 : i32
        %parallel_loop3A_457 = vector.broadcast %parallel_loop3A_456 : i32 to vector<16xi32>
        %parallel_loop3A_458 = arith.muli %parallel_loop3A_457, %iota3A : vector<16xi32>
        %parallel_loop3A_459 = arith.constant 320 : i32
        %parallel_loop3A_460 = vector.broadcast %parallel_loop3A_459 : i32 to vector<16xi32>
        %parallel_loop3A_461 = arith.addi %parallel_loop3A_460, %parallel_loop3A_458 : vector<16xi32>
        tpu.vector_store_idx %arg11[%parallel_loop3A_331, %parallel_loop3A_461], %parallel_loop3A_375 {add = true} : memref<8x1536xf32, #tpu.memory_space<vmem>>[vector<16xi32>, vector<16xi32>], vector<16xf32>,
        %parallel_loop3A_462 = arith.constant 2 : i32
        %parallel_loop3A_463 = vector.broadcast %parallel_loop3A_462 : i32 to vector<16xi32>
        %parallel_loop3A_464 = arith.muli %parallel_loop3A_463, %iota3A : vector<16xi32>
        %parallel_loop3A_465 = arith.constant 352 : i32
        %parallel_loop3A_466 = vector.broadcast %parallel_loop3A_465 : i32 to vector<16xi32>
        %parallel_loop3A_467 = arith.addi %parallel_loop3A_466, %parallel_loop3A_464 : vector<16xi32>
        tpu.vector_store_idx %arg11[%parallel_loop3A_331, %parallel_loop3A_467], %parallel_loop3A_379 {add = true} : memref<8x1536xf32, #tpu.memory_space<vmem>>[vector<16xi32>, vector<16xi32>], vector<16xf32>,
        %parallel_loop3A_468 = arith.constant 2 : i32
        %parallel_loop3A_469 = vector.broadcast %parallel_loop3A_468 : i32 to vector<16xi32>
        %parallel_loop3A_470 = arith.muli %parallel_loop3A_469, %iota3A : vector<16xi32>
        %parallel_loop3A_471 = arith.constant 384 : i32
        %parallel_loop3A_472 = vector.broadcast %parallel_loop3A_471 : i32 to vector<16xi32>
        %parallel_loop3A_473 = arith.addi %parallel_loop3A_472, %parallel_loop3A_470 : vector<16xi32>
        tpu.vector_store_idx %arg11[%parallel_loop3A_331, %parallel_loop3A_473], %parallel_loop3A_383 {add = true} : memref<8x1536xf32, #tpu.memory_space<vmem>>[vector<16xi32>, vector<16xi32>], vector<16xf32>,
        %parallel_loop3A_474 = arith.constant 2 : i32
        %parallel_loop3A_475 = vector.broadcast %parallel_loop3A_474 : i32 to vector<16xi32>
        %parallel_loop3A_476 = arith.muli %parallel_loop3A_475, %iota3A : vector<16xi32>
        %parallel_loop3A_477 = arith.constant 416 : i32
        %parallel_loop3A_478 = vector.broadcast %parallel_loop3A_477 : i32 to vector<16xi32>
        %parallel_loop3A_479 = arith.addi %parallel_loop3A_478, %parallel_loop3A_476 : vector<16xi32>
        tpu.vector_store_idx %arg11[%parallel_loop3A_331, %parallel_loop3A_479], %parallel_loop3A_387 {add = true} : memref<8x1536xf32, #tpu.memory_space<vmem>>[vector<16xi32>, vector<16xi32>], vector<16xf32>,
        %parallel_loop3A_480 = arith.constant 2 : i32
        %parallel_loop3A_481 = vector.broadcast %parallel_loop3A_480 : i32 to vector<16xi32>
        %parallel_loop3A_482 = arith.muli %parallel_loop3A_481, %iota3A : vector<16xi32>
        %parallel_loop3A_483 = arith.constant 448 : i32
        %parallel_loop3A_484 = vector.broadcast %parallel_loop3A_483 : i32 to vector<16xi32>
        %parallel_loop3A_485 = arith.addi %parallel_loop3A_484, %parallel_loop3A_482 : vector<16xi32>
        tpu.vector_store_idx %arg11[%parallel_loop3A_331, %parallel_loop3A_485], %parallel_loop3A_391 {add = true} : memref<8x1536xf32, #tpu.memory_space<vmem>>[vector<16xi32>, vector<16xi32>], vector<16xf32>,
        %parallel_loop3A_486 = arith.constant 2 : i32
        %parallel_loop3A_487 = vector.broadcast %parallel_loop3A_486 : i32 to vector<16xi32>
        %parallel_loop3A_488 = arith.muli %parallel_loop3A_487, %iota3A : vector<16xi32>
        %parallel_loop3A_489 = arith.constant 480 : i32
        %parallel_loop3A_490 = vector.broadcast %parallel_loop3A_489 : i32 to vector<16xi32>
        %parallel_loop3A_491 = arith.addi %parallel_loop3A_490, %parallel_loop3A_488 : vector<16xi32>
        tpu.vector_store_idx %arg11[%parallel_loop3A_331, %parallel_loop3A_491], %parallel_loop3A_395 {add = true} : memref<8x1536xf32, #tpu.memory_space<vmem>>[vector<16xi32>, vector<16xi32>], vector<16xf32>,
        %parallel_loop3A_492 = arith.index_cast %parallel_loop3A_327 : i32 to index
        %parallel_loop3A_493 = arith.constant 128 : index
        %parallel_loop3A_494 = tpu.vector_load %arg7[%parallel_loop3A_492, %parallel_loop3A_493] {strides = array<i32>} : memref<8x512xf32, #tpu.memory_space<vmem>>, vector<16xf32>,
        %parallel_loop3A_495 = arith.mulf %parallel_loop3A_494, %div3A_53 : vector<16xf32>
        %parallel_loop3A_496 = arith.index_cast %parallel_loop3A_327 : i32 to index
        %parallel_loop3A_497 = arith.constant 144 : index
        %parallel_loop3A_498 = tpu.vector_load %arg7[%parallel_loop3A_496, %parallel_loop3A_497] {strides = array<i32>} : memref<8x512xf32, #tpu.memory_space<vmem>>, vector<16xf32>,
        %parallel_loop3A_499 = arith.mulf %parallel_loop3A_498, %div3A_53 : vector<16xf32>
        %parallel_loop3A_500 = arith.index_cast %parallel_loop3A_327 : i32 to index
        %parallel_loop3A_501 = arith.constant 160 : index
        %parallel_loop3A_502 = tpu.vector_load %arg7[%parallel_loop3A_500, %parallel_loop3A_501] {strides = array<i32>} : memref<8x512xf32, #tpu.memory_space<vmem>>, vector<16xf32>,
        %parallel_loop3A_503 = arith.mulf %parallel_loop3A_502, %div3A_53 : vector<16xf32>
        %parallel_loop3A_504 = arith.index_cast %parallel_loop3A_327 : i32 to index
        %parallel_loop3A_505 = arith.constant 176 : index
        %parallel_loop3A_506 = tpu.vector_load %arg7[%parallel_loop3A_504, %parallel_loop3A_505] {strides = array<i32>} : memref<8x512xf32, #tpu.memory_space<vmem>>, vector<16xf32>,
        %parallel_loop3A_507 = arith.mulf %parallel_loop3A_506, %div3A_53 : vector<16xf32>
        %parallel_loop3A_508 = arith.index_cast %parallel_loop3A_327 : i32 to index
        %parallel_loop3A_509 = arith.constant 192 : index
        %parallel_loop3A_510 = tpu.vector_load %arg7[%parallel_loop3A_508, %parallel_loop3A_509] {strides = array<i32>} : memref<8x512xf32, #tpu.memory_space<vmem>>, vector<16xf32>,
        %parallel_loop3A_511 = arith.mulf %parallel_loop3A_510, %div3A_53 : vector<16xf32>
        %parallel_loop3A_512 = arith.index_cast %parallel_loop3A_327 : i32 to index
        %parallel_loop3A_513 = arith.constant 208 : index
        %parallel_loop3A_514 = tpu.vector_load %arg7[%parallel_loop3A_512, %parallel_loop3A_513] {strides = array<i32>} : memref<8x512xf32, #tpu.memory_space<vmem>>, vector<16xf32>,
        %parallel_loop3A_515 = arith.mulf %parallel_loop3A_514, %div3A_53 : vector<16xf32>
        %parallel_loop3A_516 = arith.index_cast %parallel_loop3A_327 : i32 to index
        %parallel_loop3A_517 = arith.constant 224 : index
        %parallel_loop3A_518 = tpu.vector_load %arg7[%parallel_loop3A_516, %parallel_loop3A_517] {strides = array<i32>} : memref<8x512xf32, #tpu.memory_space<vmem>>, vector<16xf32>,
        %parallel_loop3A_519 = arith.mulf %parallel_loop3A_518, %div3A_53 : vector<16xf32>
        %parallel_loop3A_520 = arith.index_cast %parallel_loop3A_327 : i32 to index
        %parallel_loop3A_521 = arith.constant 240 : index
        %parallel_loop3A_522 = tpu.vector_load %arg7[%parallel_loop3A_520, %parallel_loop3A_521] {strides = array<i32>} : memref<8x512xf32, #tpu.memory_space<vmem>>, vector<16xf32>,
        %parallel_loop3A_523 = arith.mulf %parallel_loop3A_522, %div3A_53 : vector<16xf32>
        %parallel_loop3A_524 = arith.index_cast %parallel_loop3A_327 : i32 to index
        %parallel_loop3A_525 = arith.constant 256 : index
        %parallel_loop3A_526 = tpu.vector_load %arg7[%parallel_loop3A_524, %parallel_loop3A_525] {strides = array<i32>} : memref<8x512xf32, #tpu.memory_space<vmem>>, vector<16xf32>,
        %parallel_loop3A_527 = arith.mulf %parallel_loop3A_526, %div3A_53 : vector<16xf32>
        %parallel_loop3A_528 = arith.index_cast %parallel_loop3A_327 : i32 to index
        %parallel_loop3A_529 = arith.constant 272 : index
        %parallel_loop3A_530 = tpu.vector_load %arg7[%parallel_loop3A_528, %parallel_loop3A_529] {strides = array<i32>} : memref<8x512xf32, #tpu.memory_space<vmem>>, vector<16xf32>,
        %parallel_loop3A_531 = arith.mulf %parallel_loop3A_530, %div3A_53 : vector<16xf32>
        %parallel_loop3A_532 = arith.index_cast %parallel_loop3A_327 : i32 to index
        %parallel_loop3A_533 = arith.constant 288 : index
        %parallel_loop3A_534 = tpu.vector_load %arg7[%parallel_loop3A_532, %parallel_loop3A_533] {strides = array<i32>} : memref<8x512xf32, #tpu.memory_space<vmem>>, vector<16xf32>,
        %parallel_loop3A_535 = arith.mulf %parallel_loop3A_534, %div3A_53 : vector<16xf32>
        %parallel_loop3A_536 = arith.index_cast %parallel_loop3A_327 : i32 to index
        %parallel_loop3A_537 = arith.constant 304 : index
        %parallel_loop3A_538 = tpu.vector_load %arg7[%parallel_loop3A_536, %parallel_loop3A_537] {strides = array<i32>} : memref<8x512xf32, #tpu.memory_space<vmem>>, vector<16xf32>,
        %parallel_loop3A_539 = arith.mulf %parallel_loop3A_538, %div3A_53 : vector<16xf32>
        %parallel_loop3A_540 = arith.index_cast %parallel_loop3A_327 : i32 to index
        %parallel_loop3A_541 = arith.constant 320 : index
        %parallel_loop3A_542 = tpu.vector_load %arg7[%parallel_loop3A_540, %parallel_loop3A_541] {strides = array<i32>} : memref<8x512xf32, #tpu.memory_space<vmem>>, vector<16xf32>,
        %parallel_loop3A_543 = arith.mulf %parallel_loop3A_542, %div3A_53 : vector<16xf32>
        %parallel_loop3A_544 = arith.index_cast %parallel_loop3A_327 : i32 to index
        %parallel_loop3A_545 = arith.constant 336 : index
        %parallel_loop3A_546 = tpu.vector_load %arg7[%parallel_loop3A_544, %parallel_loop3A_545] {strides = array<i32>} : memref<8x512xf32, #tpu.memory_space<vmem>>, vector<16xf32>,
        %parallel_loop3A_547 = arith.mulf %parallel_loop3A_546, %div3A_53 : vector<16xf32>
        %parallel_loop3A_548 = arith.index_cast %parallel_loop3A_327 : i32 to index
        %parallel_loop3A_549 = arith.constant 352 : index
        %parallel_loop3A_550 = tpu.vector_load %arg7[%parallel_loop3A_548, %parallel_loop3A_549] {strides = array<i32>} : memref<8x512xf32, #tpu.memory_space<vmem>>, vector<16xf32>,
        %parallel_loop3A_551 = arith.mulf %parallel_loop3A_550, %div3A_53 : vector<16xf32>
        %parallel_loop3A_552 = arith.index_cast %parallel_loop3A_327 : i32 to index
        %parallel_loop3A_553 = arith.constant 368 : index
        %parallel_loop3A_554 = tpu.vector_load %arg7[%parallel_loop3A_552, %parallel_loop3A_553] {strides = array<i32>} : memref<8x512xf32, #tpu.memory_space<vmem>>, vector<16xf32>,
        %parallel_loop3A_555 = arith.mulf %parallel_loop3A_554, %div3A_53 : vector<16xf32>
        %parallel_loop3A_556 = arith.index_cast %parallel_loop3A_327 : i32 to index
        %parallel_loop3A_557 = arith.constant 384 : index
        %parallel_loop3A_558 = tpu.vector_load %arg7[%parallel_loop3A_556, %parallel_loop3A_557] {strides = array<i32>} : memref<8x512xf32, #tpu.memory_space<vmem>>, vector<16xf32>,
        %parallel_loop3A_559 = arith.mulf %parallel_loop3A_558, %div3A_53 : vector<16xf32>
        %parallel_loop3A_560 = arith.index_cast %parallel_loop3A_327 : i32 to index
        %parallel_loop3A_561 = arith.constant 400 : index
        %parallel_loop3A_562 = tpu.vector_load %arg7[%parallel_loop3A_560, %parallel_loop3A_561] {strides = array<i32>} : memref<8x512xf32, #tpu.memory_space<vmem>>, vector<16xf32>,
        %parallel_loop3A_563 = arith.mulf %parallel_loop3A_562, %div3A_53 : vector<16xf32>
        %parallel_loop3A_564 = arith.index_cast %parallel_loop3A_327 : i32 to index
        %parallel_loop3A_565 = arith.constant 416 : index
        %parallel_loop3A_566 = tpu.vector_load %arg7[%parallel_loop3A_564, %parallel_loop3A_565] {strides = array<i32>} : memref<8x512xf32, #tpu.memory_space<vmem>>, vector<16xf32>,
        %parallel_loop3A_567 = arith.mulf %parallel_loop3A_566, %div3A_53 : vector<16xf32>
        %parallel_loop3A_568 = arith.index_cast %parallel_loop3A_327 : i32 to index
        %parallel_loop3A_569 = arith.constant 432 : index
        %parallel_loop3A_570 = tpu.vector_load %arg7[%parallel_loop3A_568, %parallel_loop3A_569] {strides = array<i32>} : memref<8x512xf32, #tpu.memory_space<vmem>>, vector<16xf32>,
        %parallel_loop3A_571 = arith.mulf %parallel_loop3A_570, %div3A_53 : vector<16xf32>
        %parallel_loop3A_572 = arith.index_cast %parallel_loop3A_327 : i32 to index
        %parallel_loop3A_573 = arith.constant 448 : index
        %parallel_loop3A_574 = tpu.vector_load %arg7[%parallel_loop3A_572, %parallel_loop3A_573] {strides = array<i32>} : memref<8x512xf32, #tpu.memory_space<vmem>>, vector<16xf32>,
        %parallel_loop3A_575 = arith.mulf %parallel_loop3A_574, %div3A_53 : vector<16xf32>
        %parallel_loop3A_576 = arith.index_cast %parallel_loop3A_327 : i32 to index
        %parallel_loop3A_577 = arith.constant 464 : index
        %parallel_loop3A_578 = tpu.vector_load %arg7[%parallel_loop3A_576, %parallel_loop3A_577] {strides = array<i32>} : memref<8x512xf32, #tpu.memory_space<vmem>>, vector<16xf32>,
        %parallel_loop3A_579 = arith.mulf %parallel_loop3A_578, %div3A_53 : vector<16xf32>
        %parallel_loop3A_580 = arith.index_cast %parallel_loop3A_327 : i32 to index
        %parallel_loop3A_581 = arith.constant 480 : index
        %parallel_loop3A_582 = tpu.vector_load %arg7[%parallel_loop3A_580, %parallel_loop3A_581] {strides = array<i32>} : memref<8x512xf32, #tpu.memory_space<vmem>>, vector<16xf32>,
        %parallel_loop3A_583 = arith.mulf %parallel_loop3A_582, %div3A_53 : vector<16xf32>
        %parallel_loop3A_584 = arith.index_cast %parallel_loop3A_327 : i32 to index
        %parallel_loop3A_585 = arith.constant 496 : index
        %parallel_loop3A_586 = tpu.vector_load %arg7[%parallel_loop3A_584, %parallel_loop3A_585] {strides = array<i32>} : memref<8x512xf32, #tpu.memory_space<vmem>>, vector<16xf32>,
        %parallel_loop3A_587 = arith.mulf %parallel_loop3A_586, %div3A_53 : vector<16xf32>
        %parallel_loop3A_588 = arith.constant 4 : i32
        %parallel_loop3A_589 = vector.broadcast %parallel_loop3A_588 : i32 to vector<16xi32>
        %parallel_loop3A_590 = arith.muli %parallel_loop3A_589, %iota3A : vector<16xi32>
        %parallel_loop3A_591 = arith.constant 0 : i32
        %parallel_loop3A_592 = vector.broadcast %parallel_loop3A_591 : i32 to vector<16xi32>
        %parallel_loop3A_593 = arith.addi %parallel_loop3A_592, %parallel_loop3A_590 : vector<16xi32>
        tpu.vector_store_idx %arg11[%parallel_loop3A_331, %parallel_loop3A_593], %parallel_loop3A_495 {add = true} : memref<8x1536xf32, #tpu.memory_space<vmem>>[vector<16xi32>, vector<16xi32>], vector<16xf32>,
        %parallel_loop3A_594 = arith.constant 4 : i32
        %parallel_loop3A_595 = vector.broadcast %parallel_loop3A_594 : i32 to vector<16xi32>
        %parallel_loop3A_596 = arith.muli %parallel_loop3A_595, %iota3A : vector<16xi32>
        %parallel_loop3A_597 = arith.constant 64 : i32
        %parallel_loop3A_598 = vector.broadcast %parallel_loop3A_597 : i32 to vector<16xi32>
        %parallel_loop3A_599 = arith.addi %parallel_loop3A_598, %parallel_loop3A_596 : vector<16xi32>
        tpu.vector_store_idx %arg11[%parallel_loop3A_331, %parallel_loop3A_599], %parallel_loop3A_499 {add = true} : memref<8x1536xf32, #tpu.memory_space<vmem>>[vector<16xi32>, vector<16xi32>], vector<16xf32>,
        %parallel_loop3A_600 = arith.constant 4 : i32
        %parallel_loop3A_601 = vector.broadcast %parallel_loop3A_600 : i32 to vector<16xi32>
        %parallel_loop3A_602 = arith.muli %parallel_loop3A_601, %iota3A : vector<16xi32>
        %parallel_loop3A_603 = arith.constant 128 : i32
        %parallel_loop3A_604 = vector.broadcast %parallel_loop3A_603 : i32 to vector<16xi32>
        %parallel_loop3A_605 = arith.addi %parallel_loop3A_604, %parallel_loop3A_602 : vector<16xi32>
        tpu.vector_store_idx %arg11[%parallel_loop3A_331, %parallel_loop3A_605], %parallel_loop3A_503 {add = true} : memref<8x1536xf32, #tpu.memory_space<vmem>>[vector<16xi32>, vector<16xi32>], vector<16xf32>,
        %parallel_loop3A_606 = arith.constant 4 : i32
        %parallel_loop3A_607 = vector.broadcast %parallel_loop3A_606 : i32 to vector<16xi32>
        %parallel_loop3A_608 = arith.muli %parallel_loop3A_607, %iota3A : vector<16xi32>
        %parallel_loop3A_609 = arith.constant 192 : i32
        %parallel_loop3A_610 = vector.broadcast %parallel_loop3A_609 : i32 to vector<16xi32>
        %parallel_loop3A_611 = arith.addi %parallel_loop3A_610, %parallel_loop3A_608 : vector<16xi32>
        tpu.vector_store_idx %arg11[%parallel_loop3A_331, %parallel_loop3A_611], %parallel_loop3A_507 {add = true} : memref<8x1536xf32, #tpu.memory_space<vmem>>[vector<16xi32>, vector<16xi32>], vector<16xf32>,
        %parallel_loop3A_612 = arith.constant 4 : i32
        %parallel_loop3A_613 = vector.broadcast %parallel_loop3A_612 : i32 to vector<16xi32>
        %parallel_loop3A_614 = arith.muli %parallel_loop3A_613, %iota3A : vector<16xi32>
        %parallel_loop3A_615 = arith.constant 256 : i32
        %parallel_loop3A_616 = vector.broadcast %parallel_loop3A_615 : i32 to vector<16xi32>
        %parallel_loop3A_617 = arith.addi %parallel_loop3A_616, %parallel_loop3A_614 : vector<16xi32>
        tpu.vector_store_idx %arg11[%parallel_loop3A_331, %parallel_loop3A_617], %parallel_loop3A_511 {add = true} : memref<8x1536xf32, #tpu.memory_space<vmem>>[vector<16xi32>, vector<16xi32>], vector<16xf32>,
        %parallel_loop3A_618 = arith.constant 4 : i32
        %parallel_loop3A_619 = vector.broadcast %parallel_loop3A_618 : i32 to vector<16xi32>
        %parallel_loop3A_620 = arith.muli %parallel_loop3A_619, %iota3A : vector<16xi32>
        %parallel_loop3A_621 = arith.constant 320 : i32
        %parallel_loop3A_622 = vector.broadcast %parallel_loop3A_621 : i32 to vector<16xi32>
        %parallel_loop3A_623 = arith.addi %parallel_loop3A_622, %parallel_loop3A_620 : vector<16xi32>
        tpu.vector_store_idx %arg11[%parallel_loop3A_331, %parallel_loop3A_623], %parallel_loop3A_515 {add = true} : memref<8x1536xf32, #tpu.memory_space<vmem>>[vector<16xi32>, vector<16xi32>], vector<16xf32>,
        %parallel_loop3A_624 = arith.constant 4 : i32
        %parallel_loop3A_625 = vector.broadcast %parallel_loop3A_624 : i32 to vector<16xi32>
        %parallel_loop3A_626 = arith.muli %parallel_loop3A_625, %iota3A : vector<16xi32>
        %parallel_loop3A_627 = arith.constant 384 : i32
        %parallel_loop3A_628 = vector.broadcast %parallel_loop3A_627 : i32 to vector<16xi32>
        %parallel_loop3A_629 = arith.addi %parallel_loop3A_628, %parallel_loop3A_626 : vector<16xi32>
        tpu.vector_store_idx %arg11[%parallel_loop3A_331, %parallel_loop3A_629], %parallel_loop3A_519 {add = true} : memref<8x1536xf32, #tpu.memory_space<vmem>>[vector<16xi32>, vector<16xi32>], vector<16xf32>,
        %parallel_loop3A_630 = arith.constant 4 : i32
        %parallel_loop3A_631 = vector.broadcast %parallel_loop3A_630 : i32 to vector<16xi32>
        %parallel_loop3A_632 = arith.muli %parallel_loop3A_631, %iota3A : vector<16xi32>
        %parallel_loop3A_633 = arith.constant 448 : i32
        %parallel_loop3A_634 = vector.broadcast %parallel_loop3A_633 : i32 to vector<16xi32>
        %parallel_loop3A_635 = arith.addi %parallel_loop3A_634, %parallel_loop3A_632 : vector<16xi32>
        tpu.vector_store_idx %arg11[%parallel_loop3A_331, %parallel_loop3A_635], %parallel_loop3A_523 {add = true} : memref<8x1536xf32, #tpu.memory_space<vmem>>[vector<16xi32>, vector<16xi32>], vector<16xf32>,
        %parallel_loop3A_636 = arith.constant 4 : i32
        %parallel_loop3A_637 = vector.broadcast %parallel_loop3A_636 : i32 to vector<16xi32>
        %parallel_loop3A_638 = arith.muli %parallel_loop3A_637, %iota3A : vector<16xi32>
        %parallel_loop3A_639 = arith.constant 512 : i32
        %parallel_loop3A_640 = vector.broadcast %parallel_loop3A_639 : i32 to vector<16xi32>
        %parallel_loop3A_641 = arith.addi %parallel_loop3A_640, %parallel_loop3A_638 : vector<16xi32>
        tpu.vector_store_idx %arg11[%parallel_loop3A_331, %parallel_loop3A_641], %parallel_loop3A_527 {add = true} : memref<8x1536xf32, #tpu.memory_space<vmem>>[vector<16xi32>, vector<16xi32>], vector<16xf32>,
        %parallel_loop3A_642 = arith.constant 4 : i32
        %parallel_loop3A_643 = vector.broadcast %parallel_loop3A_642 : i32 to vector<16xi32>
        %parallel_loop3A_644 = arith.muli %parallel_loop3A_643, %iota3A : vector<16xi32>
        %parallel_loop3A_645 = arith.constant 576 : i32
        %parallel_loop3A_646 = vector.broadcast %parallel_loop3A_645 : i32 to vector<16xi32>
        %parallel_loop3A_647 = arith.addi %parallel_loop3A_646, %parallel_loop3A_644 : vector<16xi32>
        tpu.vector_store_idx %arg11[%parallel_loop3A_331, %parallel_loop3A_647], %parallel_loop3A_531 {add = true} : memref<8x1536xf32, #tpu.memory_space<vmem>>[vector<16xi32>, vector<16xi32>], vector<16xf32>,
        %parallel_loop3A_648 = arith.constant 4 : i32
        %parallel_loop3A_649 = vector.broadcast %parallel_loop3A_648 : i32 to vector<16xi32>
        %parallel_loop3A_650 = arith.muli %parallel_loop3A_649, %iota3A : vector<16xi32>
        %parallel_loop3A_651 = arith.constant 640 : i32
        %parallel_loop3A_652 = vector.broadcast %parallel_loop3A_651 : i32 to vector<16xi32>
        %parallel_loop3A_653 = arith.addi %parallel_loop3A_652, %parallel_loop3A_650 : vector<16xi32>
        tpu.vector_store_idx %arg11[%parallel_loop3A_331, %parallel_loop3A_653], %parallel_loop3A_535 {add = true} : memref<8x1536xf32, #tpu.memory_space<vmem>>[vector<16xi32>, vector<16xi32>], vector<16xf32>,
        %parallel_loop3A_654 = arith.constant 4 : i32
        %parallel_loop3A_655 = vector.broadcast %parallel_loop3A_654 : i32 to vector<16xi32>
        %parallel_loop3A_656 = arith.muli %parallel_loop3A_655, %iota3A : vector<16xi32>
        %parallel_loop3A_657 = arith.constant 704 : i32
        %parallel_loop3A_658 = vector.broadcast %parallel_loop3A_657 : i32 to vector<16xi32>
        %parallel_loop3A_659 = arith.addi %parallel_loop3A_658, %parallel_loop3A_656 : vector<16xi32>
        tpu.vector_store_idx %arg11[%parallel_loop3A_331, %parallel_loop3A_659], %parallel_loop3A_539 {add = true} : memref<8x1536xf32, #tpu.memory_space<vmem>>[vector<16xi32>, vector<16xi32>], vector<16xf32>,
        %parallel_loop3A_660 = arith.constant 4 : i32
        %parallel_loop3A_661 = vector.broadcast %parallel_loop3A_660 : i32 to vector<16xi32>
        %parallel_loop3A_662 = arith.muli %parallel_loop3A_661, %iota3A : vector<16xi32>
        %parallel_loop3A_663 = arith.constant 768 : i32
        %parallel_loop3A_664 = vector.broadcast %parallel_loop3A_663 : i32 to vector<16xi32>
        %parallel_loop3A_665 = arith.addi %parallel_loop3A_664, %parallel_loop3A_662 : vector<16xi32>
        tpu.vector_store_idx %arg11[%parallel_loop3A_331, %parallel_loop3A_665], %parallel_loop3A_543 {add = true} : memref<8x1536xf32, #tpu.memory_space<vmem>>[vector<16xi32>, vector<16xi32>], vector<16xf32>,
        %parallel_loop3A_666 = arith.constant 4 : i32
        %parallel_loop3A_667 = vector.broadcast %parallel_loop3A_666 : i32 to vector<16xi32>
        %parallel_loop3A_668 = arith.muli %parallel_loop3A_667, %iota3A : vector<16xi32>
        %parallel_loop3A_669 = arith.constant 832 : i32
        %parallel_loop3A_670 = vector.broadcast %parallel_loop3A_669 : i32 to vector<16xi32>
        %parallel_loop3A_671 = arith.addi %parallel_loop3A_670, %parallel_loop3A_668 : vector<16xi32>
        tpu.vector_store_idx %arg11[%parallel_loop3A_331, %parallel_loop3A_671], %parallel_loop3A_547 {add = true} : memref<8x1536xf32, #tpu.memory_space<vmem>>[vector<16xi32>, vector<16xi32>], vector<16xf32>,
        %parallel_loop3A_672 = arith.constant 4 : i32
        %parallel_loop3A_673 = vector.broadcast %parallel_loop3A_672 : i32 to vector<16xi32>
        %parallel_loop3A_674 = arith.muli %parallel_loop3A_673, %iota3A : vector<16xi32>
        %parallel_loop3A_675 = arith.constant 896 : i32
        %parallel_loop3A_676 = vector.broadcast %parallel_loop3A_675 : i32 to vector<16xi32>
        %parallel_loop3A_677 = arith.addi %parallel_loop3A_676, %parallel_loop3A_674 : vector<16xi32>
        tpu.vector_store_idx %arg11[%parallel_loop3A_331, %parallel_loop3A_677], %parallel_loop3A_551 {add = true} : memref<8x1536xf32, #tpu.memory_space<vmem>>[vector<16xi32>, vector<16xi32>], vector<16xf32>,
        %parallel_loop3A_678 = arith.constant 4 : i32
        %parallel_loop3A_679 = vector.broadcast %parallel_loop3A_678 : i32 to vector<16xi32>
        %parallel_loop3A_680 = arith.muli %parallel_loop3A_679, %iota3A : vector<16xi32>
        %parallel_loop3A_681 = arith.constant 960 : i32
        %parallel_loop3A_682 = vector.broadcast %parallel_loop3A_681 : i32 to vector<16xi32>
        %parallel_loop3A_683 = arith.addi %parallel_loop3A_682, %parallel_loop3A_680 : vector<16xi32>
        tpu.vector_store_idx %arg11[%parallel_loop3A_331, %parallel_loop3A_683], %parallel_loop3A_555 {add = true} : memref<8x1536xf32, #tpu.memory_space<vmem>>[vector<16xi32>, vector<16xi32>], vector<16xf32>,
        %parallel_loop3A_684 = arith.constant 4 : i32
        %parallel_loop3A_685 = vector.broadcast %parallel_loop3A_684 : i32 to vector<16xi32>
        %parallel_loop3A_686 = arith.muli %parallel_loop3A_685, %iota3A : vector<16xi32>
        %parallel_loop3A_687 = arith.constant 1024 : i32
        %parallel_loop3A_688 = vector.broadcast %parallel_loop3A_687 : i32 to vector<16xi32>
        %parallel_loop3A_689 = arith.addi %parallel_loop3A_688, %parallel_loop3A_686 : vector<16xi32>
        tpu.vector_store_idx %arg11[%parallel_loop3A_331, %parallel_loop3A_689], %parallel_loop3A_559 {add = true} : memref<8x1536xf32, #tpu.memory_space<vmem>>[vector<16xi32>, vector<16xi32>], vector<16xf32>,
        %parallel_loop3A_690 = arith.constant 4 : i32
        %parallel_loop3A_691 = vector.broadcast %parallel_loop3A_690 : i32 to vector<16xi32>
        %parallel_loop3A_692 = arith.muli %parallel_loop3A_691, %iota3A : vector<16xi32>
        %parallel_loop3A_693 = arith.constant 1088 : i32
        %parallel_loop3A_694 = vector.broadcast %parallel_loop3A_693 : i32 to vector<16xi32>
        %parallel_loop3A_695 = arith.addi %parallel_loop3A_694, %parallel_loop3A_692 : vector<16xi32>
        tpu.vector_store_idx %arg11[%parallel_loop3A_331, %parallel_loop3A_695], %parallel_loop3A_563 {add = true} : memref<8x1536xf32, #tpu.memory_space<vmem>>[vector<16xi32>, vector<16xi32>], vector<16xf32>,
        %parallel_loop3A_696 = arith.constant 4 : i32
        %parallel_loop3A_697 = vector.broadcast %parallel_loop3A_696 : i32 to vector<16xi32>
        %parallel_loop3A_698 = arith.muli %parallel_loop3A_697, %iota3A : vector<16xi32>
        %parallel_loop3A_699 = arith.constant 1152 : i32
        %parallel_loop3A_700 = vector.broadcast %parallel_loop3A_699 : i32 to vector<16xi32>
        %parallel_loop3A_701 = arith.addi %parallel_loop3A_700, %parallel_loop3A_698 : vector<16xi32>
        tpu.vector_store_idx %arg11[%parallel_loop3A_331, %parallel_loop3A_701], %parallel_loop3A_567 {add = true} : memref<8x1536xf32, #tpu.memory_space<vmem>>[vector<16xi32>, vector<16xi32>], vector<16xf32>,
        %parallel_loop3A_702 = arith.constant 4 : i32
        %parallel_loop3A_703 = vector.broadcast %parallel_loop3A_702 : i32 to vector<16xi32>
        %parallel_loop3A_704 = arith.muli %parallel_loop3A_703, %iota3A : vector<16xi32>
        %parallel_loop3A_705 = arith.constant 1216 : i32
        %parallel_loop3A_706 = vector.broadcast %parallel_loop3A_705 : i32 to vector<16xi32>
        %parallel_loop3A_707 = arith.addi %parallel_loop3A_706, %parallel_loop3A_704 : vector<16xi32>
        tpu.vector_store_idx %arg11[%parallel_loop3A_331, %parallel_loop3A_707], %parallel_loop3A_571 {add = true} : memref<8x1536xf32, #tpu.memory_space<vmem>>[vector<16xi32>, vector<16xi32>], vector<16xf32>,
        %parallel_loop3A_708 = arith.constant 4 : i32
        %parallel_loop3A_709 = vector.broadcast %parallel_loop3A_708 : i32 to vector<16xi32>
        %parallel_loop3A_710 = arith.muli %parallel_loop3A_709, %iota3A : vector<16xi32>
        %parallel_loop3A_711 = arith.constant 1280 : i32
        %parallel_loop3A_712 = vector.broadcast %parallel_loop3A_711 : i32 to vector<16xi32>
        %parallel_loop3A_713 = arith.addi %parallel_loop3A_712, %parallel_loop3A_710 : vector<16xi32>
        tpu.vector_store_idx %arg11[%parallel_loop3A_331, %parallel_loop3A_713], %parallel_loop3A_575 {add = true} : memref<8x1536xf32, #tpu.memory_space<vmem>>[vector<16xi32>, vector<16xi32>], vector<16xf32>,
        %parallel_loop3A_714 = arith.constant 4 : i32
        %parallel_loop3A_715 = vector.broadcast %parallel_loop3A_714 : i32 to vector<16xi32>
        %parallel_loop3A_716 = arith.muli %parallel_loop3A_715, %iota3A : vector<16xi32>
        %parallel_loop3A_717 = arith.constant 1344 : i32
        %parallel_loop3A_718 = vector.broadcast %parallel_loop3A_717 : i32 to vector<16xi32>
        %parallel_loop3A_719 = arith.addi %parallel_loop3A_718, %parallel_loop3A_716 : vector<16xi32>
        tpu.vector_store_idx %arg11[%parallel_loop3A_331, %parallel_loop3A_719], %parallel_loop3A_579 {add = true} : memref<8x1536xf32, #tpu.memory_space<vmem>>[vector<16xi32>, vector<16xi32>], vector<16xf32>,
        %parallel_loop3A_720 = arith.constant 4 : i32
        %parallel_loop3A_721 = vector.broadcast %parallel_loop3A_720 : i32 to vector<16xi32>
        %parallel_loop3A_722 = arith.muli %parallel_loop3A_721, %iota3A : vector<16xi32>
        %parallel_loop3A_723 = arith.constant 1408 : i32
        %parallel_loop3A_724 = vector.broadcast %parallel_loop3A_723 : i32 to vector<16xi32>
        %parallel_loop3A_725 = arith.addi %parallel_loop3A_724, %parallel_loop3A_722 : vector<16xi32>
        tpu.vector_store_idx %arg11[%parallel_loop3A_331, %parallel_loop3A_725], %parallel_loop3A_583 {add = true} : memref<8x1536xf32, #tpu.memory_space<vmem>>[vector<16xi32>, vector<16xi32>], vector<16xf32>,
        %parallel_loop3A_726 = arith.constant 4 : i32
        %parallel_loop3A_727 = vector.broadcast %parallel_loop3A_726 : i32 to vector<16xi32>
        %parallel_loop3A_728 = arith.muli %parallel_loop3A_727, %iota3A : vector<16xi32>
        %parallel_loop3A_729 = arith.constant 1472 : i32
        %parallel_loop3A_730 = vector.broadcast %parallel_loop3A_729 : i32 to vector<16xi32>
        %parallel_loop3A_731 = arith.addi %parallel_loop3A_730, %parallel_loop3A_728 : vector<16xi32>
        tpu.vector_store_idx %arg11[%parallel_loop3A_331, %parallel_loop3A_731], %parallel_loop3A_587 {add = true} : memref<8x1536xf32, #tpu.memory_space<vmem>>[vector<16xi32>, vector<16xi32>], vector<16xf32>,
        %parallel_loop3A_732 = arith.index_cast %parallel_loop3A_327 : i32 to index
        %parallel_loop3A_733 = arith.constant 64 : index
        %parallel_loop3A_734 = tpu.vector_load %arg7[%parallel_loop3A_732, %parallel_loop3A_733] {strides = array<i32>} : memref<8x512xf32, #tpu.memory_space<vmem>>, vector<16xf32>,
        %parallel_loop3A_735 = arith.mulf %parallel_loop3A_734, %div3A_65 : vector<16xf32>
        %parallel_loop3A_736 = arith.index_cast %parallel_loop3A_327 : i32 to index
        %parallel_loop3A_737 = arith.constant 80 : index
        %parallel_loop3A_738 = tpu.vector_load %arg7[%parallel_loop3A_736, %parallel_loop3A_737] {strides = array<i32>} : memref<8x512xf32, #tpu.memory_space<vmem>>, vector<16xf32>,
        %parallel_loop3A_739 = arith.mulf %parallel_loop3A_738, %div3A_65 : vector<16xf32>
        %parallel_loop3A_740 = arith.index_cast %parallel_loop3A_327 : i32 to index
        %parallel_loop3A_741 = arith.constant 96 : index
        %parallel_loop3A_742 = tpu.vector_load %arg7[%parallel_loop3A_740, %parallel_loop3A_741] {strides = array<i32>} : memref<8x512xf32, #tpu.memory_space<vmem>>, vector<16xf32>,
        %parallel_loop3A_743 = arith.mulf %parallel_loop3A_742, %div3A_65 : vector<16xf32>
        %parallel_loop3A_744 = arith.index_cast %parallel_loop3A_327 : i32 to index
        %parallel_loop3A_745 = arith.constant 112 : index
        %parallel_loop3A_746 = tpu.vector_load %arg7[%parallel_loop3A_744, %parallel_loop3A_745] {strides = array<i32>} : memref<8x512xf32, #tpu.memory_space<vmem>>, vector<16xf32>,
        %parallel_loop3A_747 = arith.mulf %parallel_loop3A_746, %div3A_65 : vector<16xf32>
        %parallel_loop3A_748 = arith.index_cast %parallel_loop3A_327 : i32 to index
        %parallel_loop3A_749 = arith.constant 128 : index
        %parallel_loop3A_750 = tpu.vector_load %arg7[%parallel_loop3A_748, %parallel_loop3A_749] {strides = array<i32>} : memref<8x512xf32, #tpu.memory_space<vmem>>, vector<16xf32>,
        %parallel_loop3A_751 = arith.mulf %parallel_loop3A_750, %div3A_65 : vector<16xf32>
        %parallel_loop3A_752 = arith.index_cast %parallel_loop3A_327 : i32 to index
        %parallel_loop3A_753 = arith.constant 144 : index
        %parallel_loop3A_754 = tpu.vector_load %arg7[%parallel_loop3A_752, %parallel_loop3A_753] {strides = array<i32>} : memref<8x512xf32, #tpu.memory_space<vmem>>, vector<16xf32>,
        %parallel_loop3A_755 = arith.mulf %parallel_loop3A_754, %div3A_65 : vector<16xf32>
        %parallel_loop3A_756 = arith.index_cast %parallel_loop3A_327 : i32 to index
        %parallel_loop3A_757 = arith.constant 160 : index
        %parallel_loop3A_758 = tpu.vector_load %arg7[%parallel_loop3A_756, %parallel_loop3A_757] {strides = array<i32>} : memref<8x512xf32, #tpu.memory_space<vmem>>, vector<16xf32>,
        %parallel_loop3A_759 = arith.mulf %parallel_loop3A_758, %div3A_65 : vector<16xf32>
        %parallel_loop3A_760 = arith.index_cast %parallel_loop3A_327 : i32 to index
        %parallel_loop3A_761 = arith.constant 176 : index
        %parallel_loop3A_762 = tpu.vector_load %arg7[%parallel_loop3A_760, %parallel_loop3A_761] {strides = array<i32>} : memref<8x512xf32, #tpu.memory_space<vmem>>, vector<16xf32>,
        %parallel_loop3A_763 = arith.mulf %parallel_loop3A_762, %div3A_65 : vector<16xf32>
        %parallel_loop3A_764 = arith.index_cast %parallel_loop3A_327 : i32 to index
        %parallel_loop3A_765 = arith.constant 192 : index
        %parallel_loop3A_766 = tpu.vector_load %arg7[%parallel_loop3A_764, %parallel_loop3A_765] {strides = array<i32>} : memref<8x512xf32, #tpu.memory_space<vmem>>, vector<16xf32>,
        %parallel_loop3A_767 = arith.mulf %parallel_loop3A_766, %div3A_65 : vector<16xf32>
        %parallel_loop3A_768 = arith.index_cast %parallel_loop3A_327 : i32 to index
        %parallel_loop3A_769 = arith.constant 208 : index
        %parallel_loop3A_770 = tpu.vector_load %arg7[%parallel_loop3A_768, %parallel_loop3A_769] {strides = array<i32>} : memref<8x512xf32, #tpu.memory_space<vmem>>, vector<16xf32>,
        %parallel_loop3A_771 = arith.mulf %parallel_loop3A_770, %div3A_65 : vector<16xf32>
        %parallel_loop3A_772 = arith.index_cast %parallel_loop3A_327 : i32 to index
        %parallel_loop3A_773 = arith.constant 224 : index
        %parallel_loop3A_774 = tpu.vector_load %arg7[%parallel_loop3A_772, %parallel_loop3A_773] {strides = array<i32>} : memref<8x512xf32, #tpu.memory_space<vmem>>, vector<16xf32>,
        %parallel_loop3A_775 = arith.mulf %parallel_loop3A_774, %div3A_65 : vector<16xf32>
        %parallel_loop3A_776 = arith.index_cast %parallel_loop3A_327 : i32 to index
        %parallel_loop3A_777 = arith.constant 240 : index
        %parallel_loop3A_778 = tpu.vector_load %arg7[%parallel_loop3A_776, %parallel_loop3A_777] {strides = array<i32>} : memref<8x512xf32, #tpu.memory_space<vmem>>, vector<16xf32>,
        %parallel_loop3A_779 = arith.mulf %parallel_loop3A_778, %div3A_65 : vector<16xf32>
        %parallel_loop3A_780 = arith.constant 8 : i32
        %parallel_loop3A_781 = vector.broadcast %parallel_loop3A_780 : i32 to vector<16xi32>
        %parallel_loop3A_782 = arith.muli %parallel_loop3A_781, %iota3A : vector<16xi32>
        %parallel_loop3A_783 = arith.constant 0 : i32
        %parallel_loop3A_784 = vector.broadcast %parallel_loop3A_783 : i32 to vector<16xi32>
        %parallel_loop3A_785 = arith.addi %parallel_loop3A_784, %parallel_loop3A_782 : vector<16xi32>
        tpu.vector_store_idx %arg11[%parallel_loop3A_331, %parallel_loop3A_785], %parallel_loop3A_735 {add = true} : memref<8x1536xf32, #tpu.memory_space<vmem>>[vector<16xi32>, vector<16xi32>], vector<16xf32>,
        %parallel_loop3A_786 = arith.constant 8 : i32
        %parallel_loop3A_787 = vector.broadcast %parallel_loop3A_786 : i32 to vector<16xi32>
        %parallel_loop3A_788 = arith.muli %parallel_loop3A_787, %iota3A : vector<16xi32>
        %parallel_loop3A_789 = arith.constant 128 : i32
        %parallel_loop3A_790 = vector.broadcast %parallel_loop3A_789 : i32 to vector<16xi32>
        %parallel_loop3A_791 = arith.addi %parallel_loop3A_790, %parallel_loop3A_788 : vector<16xi32>
        tpu.vector_store_idx %arg11[%parallel_loop3A_331, %parallel_loop3A_791], %parallel_loop3A_739 {add = true} : memref<8x1536xf32, #tpu.memory_space<vmem>>[vector<16xi32>, vector<16xi32>], vector<16xf32>,
        %parallel_loop3A_792 = arith.constant 8 : i32
        %parallel_loop3A_793 = vector.broadcast %parallel_loop3A_792 : i32 to vector<16xi32>
        %parallel_loop3A_794 = arith.muli %parallel_loop3A_793, %iota3A : vector<16xi32>
        %parallel_loop3A_795 = arith.constant 256 : i32
        %parallel_loop3A_796 = vector.broadcast %parallel_loop3A_795 : i32 to vector<16xi32>
        %parallel_loop3A_797 = arith.addi %parallel_loop3A_796, %parallel_loop3A_794 : vector<16xi32>
        tpu.vector_store_idx %arg11[%parallel_loop3A_331, %parallel_loop3A_797], %parallel_loop3A_743 {add = true} : memref<8x1536xf32, #tpu.memory_space<vmem>>[vector<16xi32>, vector<16xi32>], vector<16xf32>,
        %parallel_loop3A_798 = arith.constant 8 : i32
        %parallel_loop3A_799 = vector.broadcast %parallel_loop3A_798 : i32 to vector<16xi32>
        %parallel_loop3A_800 = arith.muli %parallel_loop3A_799, %iota3A : vector<16xi32>
        %parallel_loop3A_801 = arith.constant 384 : i32
        %parallel_loop3A_802 = vector.broadcast %parallel_loop3A_801 : i32 to vector<16xi32>
        %parallel_loop3A_803 = arith.addi %parallel_loop3A_802, %parallel_loop3A_800 : vector<16xi32>
        tpu.vector_store_idx %arg11[%parallel_loop3A_331, %parallel_loop3A_803], %parallel_loop3A_747 {add = true} : memref<8x1536xf32, #tpu.memory_space<vmem>>[vector<16xi32>, vector<16xi32>], vector<16xf32>,
        %parallel_loop3A_804 = arith.constant 8 : i32
        %parallel_loop3A_805 = vector.broadcast %parallel_loop3A_804 : i32 to vector<16xi32>
        %parallel_loop3A_806 = arith.muli %parallel_loop3A_805, %iota3A : vector<16xi32>
        %parallel_loop3A_807 = arith.constant 512 : i32
        %parallel_loop3A_808 = vector.broadcast %parallel_loop3A_807 : i32 to vector<16xi32>
        %parallel_loop3A_809 = arith.addi %parallel_loop3A_808, %parallel_loop3A_806 : vector<16xi32>
        tpu.vector_store_idx %arg11[%parallel_loop3A_331, %parallel_loop3A_809], %parallel_loop3A_751 {add = true} : memref<8x1536xf32, #tpu.memory_space<vmem>>[vector<16xi32>, vector<16xi32>], vector<16xf32>,
        %parallel_loop3A_810 = arith.constant 8 : i32
        %parallel_loop3A_811 = vector.broadcast %parallel_loop3A_810 : i32 to vector<16xi32>
        %parallel_loop3A_812 = arith.muli %parallel_loop3A_811, %iota3A : vector<16xi32>
        %parallel_loop3A_813 = arith.constant 640 : i32
        %parallel_loop3A_814 = vector.broadcast %parallel_loop3A_813 : i32 to vector<16xi32>
        %parallel_loop3A_815 = arith.addi %parallel_loop3A_814, %parallel_loop3A_812 : vector<16xi32>
        tpu.vector_store_idx %arg11[%parallel_loop3A_331, %parallel_loop3A_815], %parallel_loop3A_755 {add = true} : memref<8x1536xf32, #tpu.memory_space<vmem>>[vector<16xi32>, vector<16xi32>], vector<16xf32>,
        %parallel_loop3A_816 = arith.constant 8 : i32
        %parallel_loop3A_817 = vector.broadcast %parallel_loop3A_816 : i32 to vector<16xi32>
        %parallel_loop3A_818 = arith.muli %parallel_loop3A_817, %iota3A : vector<16xi32>
        %parallel_loop3A_819 = arith.constant 768 : i32
        %parallel_loop3A_820 = vector.broadcast %parallel_loop3A_819 : i32 to vector<16xi32>
        %parallel_loop3A_821 = arith.addi %parallel_loop3A_820, %parallel_loop3A_818 : vector<16xi32>
        tpu.vector_store_idx %arg11[%parallel_loop3A_331, %parallel_loop3A_821], %parallel_loop3A_759 {add = true} : memref<8x1536xf32, #tpu.memory_space<vmem>>[vector<16xi32>, vector<16xi32>], vector<16xf32>,
        %parallel_loop3A_822 = arith.constant 8 : i32
        %parallel_loop3A_823 = vector.broadcast %parallel_loop3A_822 : i32 to vector<16xi32>
        %parallel_loop3A_824 = arith.muli %parallel_loop3A_823, %iota3A : vector<16xi32>
        %parallel_loop3A_825 = arith.constant 896 : i32
        %parallel_loop3A_826 = vector.broadcast %parallel_loop3A_825 : i32 to vector<16xi32>
        %parallel_loop3A_827 = arith.addi %parallel_loop3A_826, %parallel_loop3A_824 : vector<16xi32>
        tpu.vector_store_idx %arg11[%parallel_loop3A_331, %parallel_loop3A_827], %parallel_loop3A_763 {add = true} : memref<8x1536xf32, #tpu.memory_space<vmem>>[vector<16xi32>, vector<16xi32>], vector<16xf32>,
        %parallel_loop3A_828 = arith.constant 8 : i32
        %parallel_loop3A_829 = vector.broadcast %parallel_loop3A_828 : i32 to vector<16xi32>
        %parallel_loop3A_830 = arith.muli %parallel_loop3A_829, %iota3A : vector<16xi32>
        %parallel_loop3A_831 = arith.constant 1024 : i32
        %parallel_loop3A_832 = vector.broadcast %parallel_loop3A_831 : i32 to vector<16xi32>
        %parallel_loop3A_833 = arith.addi %parallel_loop3A_832, %parallel_loop3A_830 : vector<16xi32>
        tpu.vector_store_idx %arg11[%parallel_loop3A_331, %parallel_loop3A_833], %parallel_loop3A_767 {add = true} : memref<8x1536xf32, #tpu.memory_space<vmem>>[vector<16xi32>, vector<16xi32>], vector<16xf32>,
        %parallel_loop3A_834 = arith.constant 8 : i32
        %parallel_loop3A_835 = vector.broadcast %parallel_loop3A_834 : i32 to vector<16xi32>
        %parallel_loop3A_836 = arith.muli %parallel_loop3A_835, %iota3A : vector<16xi32>
        %parallel_loop3A_837 = arith.constant 1152 : i32
        %parallel_loop3A_838 = vector.broadcast %parallel_loop3A_837 : i32 to vector<16xi32>
        %parallel_loop3A_839 = arith.addi %parallel_loop3A_838, %parallel_loop3A_836 : vector<16xi32>
        tpu.vector_store_idx %arg11[%parallel_loop3A_331, %parallel_loop3A_839], %parallel_loop3A_771 {add = true} : memref<8x1536xf32, #tpu.memory_space<vmem>>[vector<16xi32>, vector<16xi32>], vector<16xf32>,
        %parallel_loop3A_840 = arith.constant 8 : i32
        %parallel_loop3A_841 = vector.broadcast %parallel_loop3A_840 : i32 to vector<16xi32>
        %parallel_loop3A_842 = arith.muli %parallel_loop3A_841, %iota3A : vector<16xi32>
        %parallel_loop3A_843 = arith.constant 1280 : i32
        %parallel_loop3A_844 = vector.broadcast %parallel_loop3A_843 : i32 to vector<16xi32>
        %parallel_loop3A_845 = arith.addi %parallel_loop3A_844, %parallel_loop3A_842 : vector<16xi32>
        tpu.vector_store_idx %arg11[%parallel_loop3A_331, %parallel_loop3A_845], %parallel_loop3A_775 {add = true} : memref<8x1536xf32, #tpu.memory_space<vmem>>[vector<16xi32>, vector<16xi32>], vector<16xf32>,
        %parallel_loop3A_846 = arith.constant 8 : i32
        %parallel_loop3A_847 = vector.broadcast %parallel_loop3A_846 : i32 to vector<16xi32>
        %parallel_loop3A_848 = arith.muli %parallel_loop3A_847, %iota3A : vector<16xi32>
        %parallel_loop3A_849 = arith.constant 1408 : i32
        %parallel_loop3A_850 = vector.broadcast %parallel_loop3A_849 : i32 to vector<16xi32>
        %parallel_loop3A_851 = arith.addi %parallel_loop3A_850, %parallel_loop3A_848 : vector<16xi32>
        tpu.vector_store_idx %arg11[%parallel_loop3A_331, %parallel_loop3A_851], %parallel_loop3A_779 {add = true} : memref<8x1536xf32, #tpu.memory_space<vmem>>[vector<16xi32>, vector<16xi32>], vector<16xf32>,
      } {sc.loop_unroll_factor = 4 : i64, sc.parallel_access}
      %mul3A_268 = arith.constant 8 : i32
      %mul3A_269 = arith.muli %add3A_242, %mul3A_268 : i32
      %add3A_270 = arith.addi %mul3A_32, %mul3A_269 : i32
      %dma_start3A_271 = arith.constant 0 : i32
      %dma_start3A_272 = tpu.memref_slice %arg4[%select_n3A, %add3A_270, %dma_start3A_271] : memref<4x2048x2048xf32, #tpu.memory_space<hbm>> -> memref<1x8x512xf32, #tpu.memory_space<hbm>>
      %dma_start3A_273 = tpu.memref_squeeze %dma_start3A_272 : memref<1x8x512xf32, #tpu.memory_space<hbm>> -> memref<8x512xf32, #tpu.memory_space<hbm>>
      %dma_start3A_274 = arith.constant 0 : i32
      %dma_start3A_275 = tpu.memref_slice %arg4[%select_n3A, %add3A_270, %dma_start3A_274] : memref<4x2048x2048xf32, #tpu.memory_space<hbm>> -> memref<1x8x512xf32, #tpu.memory_space<hbm>>
      %dma_start3A_276 = tpu.memref_squeeze %dma_start3A_275 : memref<1x8x512xf32, #tpu.memory_space<hbm>> -> memref<8x512xf32, #tpu.memory_space<hbm>>
      tpu.enqueue_dma source(%arg7 : memref<8x512xf32, #tpu.memory_space<vmem>>) target(%dma_start3A_276 : memref<8x512xf32, #tpu.memory_space<hbm>>) target_semaphore(%arg24 : memref<!tpu.dma_semaphore, #tpu.memory_space<semaphore_mem>>)
      %dma_start3A_277 = arith.constant 512 : i32
      %dma_start3A_278 = tpu.memref_slice %arg4[%select_n3A, %add3A_270, %dma_start3A_277] : memref<4x2048x2048xf32, #tpu.memory_space<hbm>> -> memref<1x8x1536xf32, #tpu.memory_space<hbm>>
      %dma_start3A_279 = tpu.memref_squeeze %dma_start3A_278 : memref<1x8x1536xf32, #tpu.memory_space<hbm>> -> memref<8x1536xf32, #tpu.memory_space<hbm>>
      %dma_start3A_280 = arith.constant 512 : i32
      %dma_start3A_281 = tpu.memref_slice %arg4[%select_n3A, %add3A_270, %dma_start3A_280] : memref<4x2048x2048xf32, #tpu.memory_space<hbm>> -> memref<1x8x1536xf32, #tpu.memory_space<hbm>>
      %dma_start3A_282 = tpu.memref_squeeze %dma_start3A_281 : memref<1x8x1536xf32, #tpu.memory_space<hbm>> -> memref<8x1536xf32, #tpu.memory_space<hbm>>
      tpu.enqueue_dma source(%arg11 : memref<8x1536xf32, #tpu.memory_space<vmem>>) target(%dma_start3A_282 : memref<8x1536xf32, #tpu.memory_space<hbm>>) target_semaphore(%arg28 : memref<!tpu.dma_semaphore, #tpu.memory_space<semaphore_mem>>)
      %mul3A_283 = arith.constant 4 : i32
      %mul3A_284 = arith.muli %mul3A_283, %scan3A_153 : i32
      %add3A_285 = arith.constant 3 : i32
      %add3A_286 = arith.addi %mul3A_284, %add3A_285 : i32
      %add3A_287 = arith.constant 2 : i32
      %add3A_288 = arith.addi %add3A_286, %add3A_287 : i32
      %lt3A_289 = arith.constant 32 : i32
      %lt3A_290 = arith.cmpi slt, %add3A_288, %lt3A_289 : i32
      %convert_element_type3A_291 = arith.extui %lt3A_290 : i1 to i32
      %cond3A_292 = arith.constant 0 : i32
      %cond3A_293 = arith.cmpi ne, %convert_element_type3A_291, %cond3A_292 : i32
      scf.if %cond3A_293 {
        %ge3A = arith.constant 2 : i32
        %ge3A_327 = arith.cmpi sge, %add3A_286, %ge3A : i32
        %convert_element_type3A_328 = arith.extui %ge3A_327 : i1 to i32
        %cond3A_329 = arith.constant 0 : i32
        %cond3A_330 = arith.cmpi ne, %convert_element_type3A_328, %cond3A_329 : i32
        scf.if %cond3A_330 {
          %sub3A_348 = arith.constant 2 : i32
          %sub3A_349 = arith.subi %add3A_286, %sub3A_348 : i32
          %mul3A_350 = arith.constant 8 : i32
          %mul3A_351 = arith.muli %sub3A_349, %mul3A_350 : i32
          %add3A_352 = arith.addi %mul3A_32, %mul3A_351 : i32
          %dma_wait3A_353 = arith.constant 0 : i32
          %dma_wait3A_354 = tpu.memref_slice %arg4[%select_n3A, %add3A_352, %dma_wait3A_353] : memref<4x2048x2048xf32, #tpu.memory_space<hbm>> -> memref<1x8x512xf32, #tpu.memory_space<hbm>>
          %dma_wait3A_355 = tpu.memref_squeeze %dma_wait3A_354 : memref<1x8x512xf32, #tpu.memory_space<hbm>> -> memref<8x512xf32, #tpu.memory_space<hbm>>
          %dma_wait3A_356 = arith.constant 0 : i32
          %dma_wait3A_357 = tpu.memref_slice %arg4[%select_n3A, %add3A_352, %dma_wait3A_356] : memref<4x2048x2048xf32, #tpu.memory_space<hbm>> -> memref<1x8x512xf32, #tpu.memory_space<hbm>>
          %dma_wait3A_358 = tpu.memref_squeeze %dma_wait3A_357 : memref<1x8x512xf32, #tpu.memory_space<hbm>> -> memref<8x512xf32, #tpu.memory_space<hbm>>
          tpu.wait_dma2 semaphore(%arg23 : memref<!tpu.dma_semaphore, #tpu.memory_space<semaphore_mem>>) src(%arg6 : memref<8x512xf32, #tpu.memory_space<vmem>>) dst(%dma_wait3A_358 : memref<8x512xf32, #tpu.memory_space<hbm>>)
          %dma_wait3A_359 = arith.constant 512 : i32
          %dma_wait3A_360 = tpu.memref_slice %arg4[%select_n3A, %add3A_352, %dma_wait3A_359] : memref<4x2048x2048xf32, #tpu.memory_space<hbm>> -> memref<1x8x1536xf32, #tpu.memory_space<hbm>>
          %dma_wait3A_361 = tpu.memref_squeeze %dma_wait3A_360 : memref<1x8x1536xf32, #tpu.memory_space<hbm>> -> memref<8x1536xf32, #tpu.memory_space<hbm>>
          %dma_wait3A_362 = arith.constant 512 : i32
          %dma_wait3A_363 = tpu.memref_slice %arg4[%select_n3A, %add3A_352, %dma_wait3A_362] : memref<4x2048x2048xf32, #tpu.memory_space<hbm>> -> memref<1x8x1536xf32, #tpu.memory_space<hbm>>
          %dma_wait3A_364 = tpu.memref_squeeze %dma_wait3A_363 : memref<1x8x1536xf32, #tpu.memory_space<hbm>> -> memref<8x1536xf32, #tpu.memory_space<hbm>>
          tpu.wait_dma2 semaphore(%arg27 : memref<!tpu.dma_semaphore, #tpu.memory_space<semaphore_mem>>) src(%arg10 : memref<8x1536xf32, #tpu.memory_space<vmem>>) dst(%dma_wait3A_364 : memref<8x1536xf32, #tpu.memory_space<hbm>>)
        } else {
        }
        %add3A_331 = arith.constant 2 : i32
        %add3A_332 = arith.addi %add3A_286, %add3A_331 : i32
        %mul3A_333 = arith.constant 8 : i32
        %mul3A_334 = arith.muli %add3A_332, %mul3A_333 : i32
        %add3A_335 = arith.addi %mul3A_32, %mul3A_334 : i32
        %dma_start3A_336 = arith.constant 0 : i32
        %dma_start3A_337 = tpu.memref_slice %arg2[%select_n3A, %add3A_335, %dma_start3A_336] : memref<4x2048x2048xf32, #tpu.memory_space<hbm>> -> memref<1x8x512xf32, #tpu.memory_space<hbm>>
        %dma_start3A_338 = tpu.memref_squeeze %dma_start3A_337 : memref<1x8x512xf32, #tpu.memory_space<hbm>> -> memref<8x512xf32, #tpu.memory_space<hbm>>
        %dma_start3A_339 = arith.constant 0 : i32
        %dma_start3A_340 = tpu.memref_slice %arg2[%select_n3A, %add3A_335, %dma_start3A_339] : memref<4x2048x2048xf32, #tpu.memory_space<hbm>> -> memref<1x8x512xf32, #tpu.memory_space<hbm>>
        %dma_start3A_341 = tpu.memref_squeeze %dma_start3A_340 : memref<1x8x512xf32, #tpu.memory_space<hbm>> -> memref<8x512xf32, #tpu.memory_space<hbm>>
        tpu.enqueue_dma source(%dma_start3A_341 : memref<8x512xf32, #tpu.memory_space<hbm>>) target(%arg6 : memref<8x512xf32, #tpu.memory_space<vmem>>) target_semaphore(%arg15 : memref<!tpu.dma_semaphore, #tpu.memory_space<semaphore_mem>>)
        %dma_start3A_342 = arith.constant 512 : i32
        %dma_start3A_343 = tpu.memref_slice %arg2[%select_n3A, %add3A_335, %dma_start3A_342] : memref<4x2048x2048xf32, #tpu.memory_space<hbm>> -> memref<1x8x1536xf32, #tpu.memory_space<hbm>>
        %dma_start3A_344 = tpu.memref_squeeze %dma_start3A_343 : memref<1x8x1536xf32, #tpu.memory_space<hbm>> -> memref<8x1536xf32, #tpu.memory_space<hbm>>
        %dma_start3A_345 = arith.constant 512 : i32
        %dma_start3A_346 = tpu.memref_slice %arg2[%select_n3A, %add3A_335, %dma_start3A_345] : memref<4x2048x2048xf32, #tpu.memory_space<hbm>> -> memref<1x8x1536xf32, #tpu.memory_space<hbm>>
        %dma_start3A_347 = tpu.memref_squeeze %dma_start3A_346 : memref<1x8x1536xf32, #tpu.memory_space<hbm>> -> memref<8x1536xf32, #tpu.memory_space<hbm>>
        tpu.enqueue_dma source(%dma_start3A_347 : memref<8x1536xf32, #tpu.memory_space<hbm>>) target(%arg10 : memref<8x1536xf32, #tpu.memory_space<vmem>>) target_semaphore(%arg19 : memref<!tpu.dma_semaphore, #tpu.memory_space<semaphore_mem>>)
      } else {
      }
      %mul3A_294 = arith.constant 8 : i32
      %mul3A_295 = arith.muli %add3A_286, %mul3A_294 : i32
      %add3A_296 = arith.addi %mul3A_32, %mul3A_295 : i32
      %dma_wait3A_297 = arith.constant 0 : i32
      %dma_wait3A_298 = tpu.memref_slice %arg2[%select_n3A, %add3A_296, %dma_wait3A_297] : memref<4x2048x2048xf32, #tpu.memory_space<hbm>> -> memref<1x8x512xf32, #tpu.memory_space<hbm>>
      %dma_wait3A_299 = tpu.memref_squeeze %dma_wait3A_298 : memref<1x8x512xf32, #tpu.memory_space<hbm>> -> memref<8x512xf32, #tpu.memory_space<hbm>>
      %dma_wait3A_300 = arith.constant 0 : i32
      %dma_wait3A_301 = tpu.memref_slice %arg2[%select_n3A, %add3A_296, %dma_wait3A_300] : memref<4x2048x2048xf32, #tpu.memory_space<hbm>> -> memref<1x8x512xf32, #tpu.memory_space<hbm>>
      %dma_wait3A_302 = tpu.memref_squeeze %dma_wait3A_301 : memref<1x8x512xf32, #tpu.memory_space<hbm>> -> memref<8x512xf32, #tpu.memory_space<hbm>>
      tpu.wait_dma2 semaphore(%arg17 : memref<!tpu.dma_semaphore, #tpu.memory_space<semaphore_mem>>) src(%dma_wait3A_302 : memref<8x512xf32, #tpu.memory_space<hbm>>) dst(%arg8 : memref<8x512xf32, #tpu.memory_space<vmem>>)
      %dma_wait3A_303 = arith.constant 512 : i32
      %dma_wait3A_304 = tpu.memref_slice %arg2[%select_n3A, %add3A_296, %dma_wait3A_303] : memref<4x2048x2048xf32, #tpu.memory_space<hbm>> -> memref<1x8x1536xf32, #tpu.memory_space<hbm>>
      %dma_wait3A_305 = tpu.memref_squeeze %dma_wait3A_304 : memref<1x8x1536xf32, #tpu.memory_space<hbm>> -> memref<8x1536xf32, #tpu.memory_space<hbm>>
      %dma_wait3A_306 = arith.constant 512 : i32
      %dma_wait3A_307 = tpu.memref_slice %arg2[%select_n3A, %add3A_296, %dma_wait3A_306] : memref<4x2048x2048xf32, #tpu.memory_space<hbm>> -> memref<1x8x1536xf32, #tpu.memory_space<hbm>>
      %dma_wait3A_308 = tpu.memref_squeeze %dma_wait3A_307 : memref<1x8x1536xf32, #tpu.memory_space<hbm>> -> memref<8x1536xf32, #tpu.memory_space<hbm>>
      tpu.wait_dma2 semaphore(%arg21 : memref<!tpu.dma_semaphore, #tpu.memory_space<semaphore_mem>>) src(%dma_wait3A_308 : memref<8x1536xf32, #tpu.memory_space<hbm>>) dst(%arg12 : memref<8x1536xf32, #tpu.memory_space<vmem>>)
      %parallel_loop3A_309 = arith.constant 0 : i32
      %parallel_loop3A_310 = arith.constant 8 : i32
      %parallel_loop3A_311 = arith.constant 1 : i32
      scf.for %parallel_loop3A_327 = %parallel_loop3A_309 to %parallel_loop3A_310 step %parallel_loop3A_311  : i32 {
        %parallel_loop3A_328 = arith.constant 0 : i32
        %parallel_loop3A_329 = vector.broadcast %parallel_loop3A_328 : i32 to vector<16xi32>
        %parallel_loop3A_330 = vector.broadcast %parallel_loop3A_327 : i32 to vector<16xi32>
        %parallel_loop3A_331 = arith.addi %parallel_loop3A_329, %parallel_loop3A_330 : vector<16xi32>
        %parallel_loop3A_332 = arith.index_cast %parallel_loop3A_327 : i32 to index
        %parallel_loop3A_333 = arith.constant 256 : index
        %parallel_loop3A_334 = tpu.vector_load %arg8[%parallel_loop3A_332, %parallel_loop3A_333] {strides = array<i32>} : memref<8x512xf32, #tpu.memory_space<vmem>>, vector<16xf32>,
        %parallel_loop3A_335 = arith.mulf %parallel_loop3A_334, %div3A_41 : vector<16xf32>
        %parallel_loop3A_336 = arith.index_cast %parallel_loop3A_327 : i32 to index
        %parallel_loop3A_337 = arith.constant 272 : index
        %parallel_loop3A_338 = tpu.vector_load %arg8[%parallel_loop3A_336, %parallel_loop3A_337] {strides = array<i32>} : memref<8x512xf32, #tpu.memory_space<vmem>>, vector<16xf32>,
        %parallel_loop3A_339 = arith.mulf %parallel_loop3A_338, %div3A_41 : vector<16xf32>
        %parallel_loop3A_340 = arith.index_cast %parallel_loop3A_327 : i32 to index
        %parallel_loop3A_341 = arith.constant 288 : index
        %parallel_loop3A_342 = tpu.vector_load %arg8[%parallel_loop3A_340, %parallel_loop3A_341] {strides = array<i32>} : memref<8x512xf32, #tpu.memory_space<vmem>>, vector<16xf32>,
        %parallel_loop3A_343 = arith.mulf %parallel_loop3A_342, %div3A_41 : vector<16xf32>
        %parallel_loop3A_344 = arith.index_cast %parallel_loop3A_327 : i32 to index
        %parallel_loop3A_345 = arith.constant 304 : index
        %parallel_loop3A_346 = tpu.vector_load %arg8[%parallel_loop3A_344, %parallel_loop3A_345] {strides = array<i32>} : memref<8x512xf32, #tpu.memory_space<vmem>>, vector<16xf32>,
        %parallel_loop3A_347 = arith.mulf %parallel_loop3A_346, %div3A_41 : vector<16xf32>
        %parallel_loop3A_348 = arith.index_cast %parallel_loop3A_327 : i32 to index
        %parallel_loop3A_349 = arith.constant 320 : index
        %parallel_loop3A_350 = tpu.vector_load %arg8[%parallel_loop3A_348, %parallel_loop3A_349] {strides = array<i32>} : memref<8x512xf32, #tpu.memory_space<vmem>>, vector<16xf32>,
        %parallel_loop3A_351 = arith.mulf %parallel_loop3A_350, %div3A_41 : vector<16xf32>
        %parallel_loop3A_352 = arith.index_cast %parallel_loop3A_327 : i32 to index
        %parallel_loop3A_353 = arith.constant 336 : index
        %parallel_loop3A_354 = tpu.vector_load %arg8[%parallel_loop3A_352, %parallel_loop3A_353] {strides = array<i32>} : memref<8x512xf32, #tpu.memory_space<vmem>>, vector<16xf32>,
        %parallel_loop3A_355 = arith.mulf %parallel_loop3A_354, %div3A_41 : vector<16xf32>
        %parallel_loop3A_356 = arith.index_cast %parallel_loop3A_327 : i32 to index
        %parallel_loop3A_357 = arith.constant 352 : index
        %parallel_loop3A_358 = tpu.vector_load %arg8[%parallel_loop3A_356, %parallel_loop3A_357] {strides = array<i32>} : memref<8x512xf32, #tpu.memory_space<vmem>>, vector<16xf32>,
        %parallel_loop3A_359 = arith.mulf %parallel_loop3A_358, %div3A_41 : vector<16xf32>
        %parallel_loop3A_360 = arith.index_cast %parallel_loop3A_327 : i32 to index
        %parallel_loop3A_361 = arith.constant 368 : index
        %parallel_loop3A_362 = tpu.vector_load %arg8[%parallel_loop3A_360, %parallel_loop3A_361] {strides = array<i32>} : memref<8x512xf32, #tpu.memory_space<vmem>>, vector<16xf32>,
        %parallel_loop3A_363 = arith.mulf %parallel_loop3A_362, %div3A_41 : vector<16xf32>
        %parallel_loop3A_364 = arith.index_cast %parallel_loop3A_327 : i32 to index
        %parallel_loop3A_365 = arith.constant 384 : index
        %parallel_loop3A_366 = tpu.vector_load %arg8[%parallel_loop3A_364, %parallel_loop3A_365] {strides = array<i32>} : memref<8x512xf32, #tpu.memory_space<vmem>>, vector<16xf32>,
        %parallel_loop3A_367 = arith.mulf %parallel_loop3A_366, %div3A_41 : vector<16xf32>
        %parallel_loop3A_368 = arith.index_cast %parallel_loop3A_327 : i32 to index
        %parallel_loop3A_369 = arith.constant 400 : index
        %parallel_loop3A_370 = tpu.vector_load %arg8[%parallel_loop3A_368, %parallel_loop3A_369] {strides = array<i32>} : memref<8x512xf32, #tpu.memory_space<vmem>>, vector<16xf32>,
        %parallel_loop3A_371 = arith.mulf %parallel_loop3A_370, %div3A_41 : vector<16xf32>
        %parallel_loop3A_372 = arith.index_cast %parallel_loop3A_327 : i32 to index
        %parallel_loop3A_373 = arith.constant 416 : index
        %parallel_loop3A_374 = tpu.vector_load %arg8[%parallel_loop3A_372, %parallel_loop3A_373] {strides = array<i32>} : memref<8x512xf32, #tpu.memory_space<vmem>>, vector<16xf32>,
        %parallel_loop3A_375 = arith.mulf %parallel_loop3A_374, %div3A_41 : vector<16xf32>
        %parallel_loop3A_376 = arith.index_cast %parallel_loop3A_327 : i32 to index
        %parallel_loop3A_377 = arith.constant 432 : index
        %parallel_loop3A_378 = tpu.vector_load %arg8[%parallel_loop3A_376, %parallel_loop3A_377] {strides = array<i32>} : memref<8x512xf32, #tpu.memory_space<vmem>>, vector<16xf32>,
        %parallel_loop3A_379 = arith.mulf %parallel_loop3A_378, %div3A_41 : vector<16xf32>
        %parallel_loop3A_380 = arith.index_cast %parallel_loop3A_327 : i32 to index
        %parallel_loop3A_381 = arith.constant 448 : index
        %parallel_loop3A_382 = tpu.vector_load %arg8[%parallel_loop3A_380, %parallel_loop3A_381] {strides = array<i32>} : memref<8x512xf32, #tpu.memory_space<vmem>>, vector<16xf32>,
        %parallel_loop3A_383 = arith.mulf %parallel_loop3A_382, %div3A_41 : vector<16xf32>
        %parallel_loop3A_384 = arith.index_cast %parallel_loop3A_327 : i32 to index
        %parallel_loop3A_385 = arith.constant 464 : index
        %parallel_loop3A_386 = tpu.vector_load %arg8[%parallel_loop3A_384, %parallel_loop3A_385] {strides = array<i32>} : memref<8x512xf32, #tpu.memory_space<vmem>>, vector<16xf32>,
        %parallel_loop3A_387 = arith.mulf %parallel_loop3A_386, %div3A_41 : vector<16xf32>
        %parallel_loop3A_388 = arith.index_cast %parallel_loop3A_327 : i32 to index
        %parallel_loop3A_389 = arith.constant 480 : index
        %parallel_loop3A_390 = tpu.vector_load %arg8[%parallel_loop3A_388, %parallel_loop3A_389] {strides = array<i32>} : memref<8x512xf32, #tpu.memory_space<vmem>>, vector<16xf32>,
        %parallel_loop3A_391 = arith.mulf %parallel_loop3A_390, %div3A_41 : vector<16xf32>
        %parallel_loop3A_392 = arith.index_cast %parallel_loop3A_327 : i32 to index
        %parallel_loop3A_393 = arith.constant 496 : index
        %parallel_loop3A_394 = tpu.vector_load %arg8[%parallel_loop3A_392, %parallel_loop3A_393] {strides = array<i32>} : memref<8x512xf32, #tpu.memory_space<vmem>>, vector<16xf32>,
        %parallel_loop3A_395 = arith.mulf %parallel_loop3A_394, %div3A_41 : vector<16xf32>
        %parallel_loop3A_396 = arith.constant 2 : i32
        %parallel_loop3A_397 = vector.broadcast %parallel_loop3A_396 : i32 to vector<16xi32>
        %parallel_loop3A_398 = arith.muli %parallel_loop3A_397, %iota3A : vector<16xi32>
        %parallel_loop3A_399 = arith.constant 0 : i32
        %parallel_loop3A_400 = vector.broadcast %parallel_loop3A_399 : i32 to vector<16xi32>
        %parallel_loop3A_401 = arith.addi %parallel_loop3A_400, %parallel_loop3A_398 : vector<16xi32>
        tpu.vector_store_idx %arg12[%parallel_loop3A_331, %parallel_loop3A_401], %parallel_loop3A_335 {add = true} : memref<8x1536xf32, #tpu.memory_space<vmem>>[vector<16xi32>, vector<16xi32>], vector<16xf32>,
        %parallel_loop3A_402 = arith.constant 2 : i32
        %parallel_loop3A_403 = vector.broadcast %parallel_loop3A_402 : i32 to vector<16xi32>
        %parallel_loop3A_404 = arith.muli %parallel_loop3A_403, %iota3A : vector<16xi32>
        %parallel_loop3A_405 = arith.constant 32 : i32
        %parallel_loop3A_406 = vector.broadcast %parallel_loop3A_405 : i32 to vector<16xi32>
        %parallel_loop3A_407 = arith.addi %parallel_loop3A_406, %parallel_loop3A_404 : vector<16xi32>
        tpu.vector_store_idx %arg12[%parallel_loop3A_331, %parallel_loop3A_407], %parallel_loop3A_339 {add = true} : memref<8x1536xf32, #tpu.memory_space<vmem>>[vector<16xi32>, vector<16xi32>], vector<16xf32>,
        %parallel_loop3A_408 = arith.constant 2 : i32
        %parallel_loop3A_409 = vector.broadcast %parallel_loop3A_408 : i32 to vector<16xi32>
        %parallel_loop3A_410 = arith.muli %parallel_loop3A_409, %iota3A : vector<16xi32>
        %parallel_loop3A_411 = arith.constant 64 : i32
        %parallel_loop3A_412 = vector.broadcast %parallel_loop3A_411 : i32 to vector<16xi32>
        %parallel_loop3A_413 = arith.addi %parallel_loop3A_412, %parallel_loop3A_410 : vector<16xi32>
        tpu.vector_store_idx %arg12[%parallel_loop3A_331, %parallel_loop3A_413], %parallel_loop3A_343 {add = true} : memref<8x1536xf32, #tpu.memory_space<vmem>>[vector<16xi32>, vector<16xi32>], vector<16xf32>,
        %parallel_loop3A_414 = arith.constant 2 : i32
        %parallel_loop3A_415 = vector.broadcast %parallel_loop3A_414 : i32 to vector<16xi32>
        %parallel_loop3A_416 = arith.muli %parallel_loop3A_415, %iota3A : vector<16xi32>
        %parallel_loop3A_417 = arith.constant 96 : i32
        %parallel_loop3A_418 = vector.broadcast %parallel_loop3A_417 : i32 to vector<16xi32>
        %parallel_loop3A_419 = arith.addi %parallel_loop3A_418, %parallel_loop3A_416 : vector<16xi32>
        tpu.vector_store_idx %arg12[%parallel_loop3A_331, %parallel_loop3A_419], %parallel_loop3A_347 {add = true} : memref<8x1536xf32, #tpu.memory_space<vmem>>[vector<16xi32>, vector<16xi32>], vector<16xf32>,
        %parallel_loop3A_420 = arith.constant 2 : i32
        %parallel_loop3A_421 = vector.broadcast %parallel_loop3A_420 : i32 to vector<16xi32>
        %parallel_loop3A_422 = arith.muli %parallel_loop3A_421, %iota3A : vector<16xi32>
        %parallel_loop3A_423 = arith.constant 128 : i32
        %parallel_loop3A_424 = vector.broadcast %parallel_loop3A_423 : i32 to vector<16xi32>
        %parallel_loop3A_425 = arith.addi %parallel_loop3A_424, %parallel_loop3A_422 : vector<16xi32>
        tpu.vector_store_idx %arg12[%parallel_loop3A_331, %parallel_loop3A_425], %parallel_loop3A_351 {add = true} : memref<8x1536xf32, #tpu.memory_space<vmem>>[vector<16xi32>, vector<16xi32>], vector<16xf32>,
        %parallel_loop3A_426 = arith.constant 2 : i32
        %parallel_loop3A_427 = vector.broadcast %parallel_loop3A_426 : i32 to vector<16xi32>
        %parallel_loop3A_428 = arith.muli %parallel_loop3A_427, %iota3A : vector<16xi32>
        %parallel_loop3A_429 = arith.constant 160 : i32
        %parallel_loop3A_430 = vector.broadcast %parallel_loop3A_429 : i32 to vector<16xi32>
        %parallel_loop3A_431 = arith.addi %parallel_loop3A_430, %parallel_loop3A_428 : vector<16xi32>
        tpu.vector_store_idx %arg12[%parallel_loop3A_331, %parallel_loop3A_431], %parallel_loop3A_355 {add = true} : memref<8x1536xf32, #tpu.memory_space<vmem>>[vector<16xi32>, vector<16xi32>], vector<16xf32>,
        %parallel_loop3A_432 = arith.constant 2 : i32
        %parallel_loop3A_433 = vector.broadcast %parallel_loop3A_432 : i32 to vector<16xi32>
        %parallel_loop3A_434 = arith.muli %parallel_loop3A_433, %iota3A : vector<16xi32>
        %parallel_loop3A_435 = arith.constant 192 : i32
        %parallel_loop3A_436 = vector.broadcast %parallel_loop3A_435 : i32 to vector<16xi32>
        %parallel_loop3A_437 = arith.addi %parallel_loop3A_436, %parallel_loop3A_434 : vector<16xi32>
        tpu.vector_store_idx %arg12[%parallel_loop3A_331, %parallel_loop3A_437], %parallel_loop3A_359 {add = true} : memref<8x1536xf32, #tpu.memory_space<vmem>>[vector<16xi32>, vector<16xi32>], vector<16xf32>,
        %parallel_loop3A_438 = arith.constant 2 : i32
        %parallel_loop3A_439 = vector.broadcast %parallel_loop3A_438 : i32 to vector<16xi32>
        %parallel_loop3A_440 = arith.muli %parallel_loop3A_439, %iota3A : vector<16xi32>
        %parallel_loop3A_441 = arith.constant 224 : i32
        %parallel_loop3A_442 = vector.broadcast %parallel_loop3A_441 : i32 to vector<16xi32>
        %parallel_loop3A_443 = arith.addi %parallel_loop3A_442, %parallel_loop3A_440 : vector<16xi32>
        tpu.vector_store_idx %arg12[%parallel_loop3A_331, %parallel_loop3A_443], %parallel_loop3A_363 {add = true} : memref<8x1536xf32, #tpu.memory_space<vmem>>[vector<16xi32>, vector<16xi32>], vector<16xf32>,
        %parallel_loop3A_444 = arith.constant 2 : i32
        %parallel_loop3A_445 = vector.broadcast %parallel_loop3A_444 : i32 to vector<16xi32>
        %parallel_loop3A_446 = arith.muli %parallel_loop3A_445, %iota3A : vector<16xi32>
        %parallel_loop3A_447 = arith.constant 256 : i32
        %parallel_loop3A_448 = vector.broadcast %parallel_loop3A_447 : i32 to vector<16xi32>
        %parallel_loop3A_449 = arith.addi %parallel_loop3A_448, %parallel_loop3A_446 : vector<16xi32>
        tpu.vector_store_idx %arg12[%parallel_loop3A_331, %parallel_loop3A_449], %parallel_loop3A_367 {add = true} : memref<8x1536xf32, #tpu.memory_space<vmem>>[vector<16xi32>, vector<16xi32>], vector<16xf32>,
        %parallel_loop3A_450 = arith.constant 2 : i32
        %parallel_loop3A_451 = vector.broadcast %parallel_loop3A_450 : i32 to vector<16xi32>
        %parallel_loop3A_452 = arith.muli %parallel_loop3A_451, %iota3A : vector<16xi32>
        %parallel_loop3A_453 = arith.constant 288 : i32
        %parallel_loop3A_454 = vector.broadcast %parallel_loop3A_453 : i32 to vector<16xi32>
        %parallel_loop3A_455 = arith.addi %parallel_loop3A_454, %parallel_loop3A_452 : vector<16xi32>
        tpu.vector_store_idx %arg12[%parallel_loop3A_331, %parallel_loop3A_455], %parallel_loop3A_371 {add = true} : memref<8x1536xf32, #tpu.memory_space<vmem>>[vector<16xi32>, vector<16xi32>], vector<16xf32>,
        %parallel_loop3A_456 = arith.constant 2 : i32
        %parallel_loop3A_457 = vector.broadcast %parallel_loop3A_456 : i32 to vector<16xi32>
        %parallel_loop3A_458 = arith.muli %parallel_loop3A_457, %iota3A : vector<16xi32>
        %parallel_loop3A_459 = arith.constant 320 : i32
        %parallel_loop3A_460 = vector.broadcast %parallel_loop3A_459 : i32 to vector<16xi32>
        %parallel_loop3A_461 = arith.addi %parallel_loop3A_460, %parallel_loop3A_458 : vector<16xi32>
        tpu.vector_store_idx %arg12[%parallel_loop3A_331, %parallel_loop3A_461], %parallel_loop3A_375 {add = true} : memref<8x1536xf32, #tpu.memory_space<vmem>>[vector<16xi32>, vector<16xi32>], vector<16xf32>,
        %parallel_loop3A_462 = arith.constant 2 : i32
        %parallel_loop3A_463 = vector.broadcast %parallel_loop3A_462 : i32 to vector<16xi32>
        %parallel_loop3A_464 = arith.muli %parallel_loop3A_463, %iota3A : vector<16xi32>
        %parallel_loop3A_465 = arith.constant 352 : i32
        %parallel_loop3A_466 = vector.broadcast %parallel_loop3A_465 : i32 to vector<16xi32>
        %parallel_loop3A_467 = arith.addi %parallel_loop3A_466, %parallel_loop3A_464 : vector<16xi32>
        tpu.vector_store_idx %arg12[%parallel_loop3A_331, %parallel_loop3A_467], %parallel_loop3A_379 {add = true} : memref<8x1536xf32, #tpu.memory_space<vmem>>[vector<16xi32>, vector<16xi32>], vector<16xf32>,
        %parallel_loop3A_468 = arith.constant 2 : i32
        %parallel_loop3A_469 = vector.broadcast %parallel_loop3A_468 : i32 to vector<16xi32>
        %parallel_loop3A_470 = arith.muli %parallel_loop3A_469, %iota3A : vector<16xi32>
        %parallel_loop3A_471 = arith.constant 384 : i32
        %parallel_loop3A_472 = vector.broadcast %parallel_loop3A_471 : i32 to vector<16xi32>
        %parallel_loop3A_473 = arith.addi %parallel_loop3A_472, %parallel_loop3A_470 : vector<16xi32>
        tpu.vector_store_idx %arg12[%parallel_loop3A_331, %parallel_loop3A_473], %parallel_loop3A_383 {add = true} : memref<8x1536xf32, #tpu.memory_space<vmem>>[vector<16xi32>, vector<16xi32>], vector<16xf32>,
        %parallel_loop3A_474 = arith.constant 2 : i32
        %parallel_loop3A_475 = vector.broadcast %parallel_loop3A_474 : i32 to vector<16xi32>
        %parallel_loop3A_476 = arith.muli %parallel_loop3A_475, %iota3A : vector<16xi32>
        %parallel_loop3A_477 = arith.constant 416 : i32
        %parallel_loop3A_478 = vector.broadcast %parallel_loop3A_477 : i32 to vector<16xi32>
        %parallel_loop3A_479 = arith.addi %parallel_loop3A_478, %parallel_loop3A_476 : vector<16xi32>
        tpu.vector_store_idx %arg12[%parallel_loop3A_331, %parallel_loop3A_479], %parallel_loop3A_387 {add = true} : memref<8x1536xf32, #tpu.memory_space<vmem>>[vector<16xi32>, vector<16xi32>], vector<16xf32>,
        %parallel_loop3A_480 = arith.constant 2 : i32
        %parallel_loop3A_481 = vector.broadcast %parallel_loop3A_480 : i32 to vector<16xi32>
        %parallel_loop3A_482 = arith.muli %parallel_loop3A_481, %iota3A : vector<16xi32>
        %parallel_loop3A_483 = arith.constant 448 : i32
        %parallel_loop3A_484 = vector.broadcast %parallel_loop3A_483 : i32 to vector<16xi32>
        %parallel_loop3A_485 = arith.addi %parallel_loop3A_484, %parallel_loop3A_482 : vector<16xi32>
        tpu.vector_store_idx %arg12[%parallel_loop3A_331, %parallel_loop3A_485], %parallel_loop3A_391 {add = true} : memref<8x1536xf32, #tpu.memory_space<vmem>>[vector<16xi32>, vector<16xi32>], vector<16xf32>,
        %parallel_loop3A_486 = arith.constant 2 : i32
        %parallel_loop3A_487 = vector.broadcast %parallel_loop3A_486 : i32 to vector<16xi32>
        %parallel_loop3A_488 = arith.muli %parallel_loop3A_487, %iota3A : vector<16xi32>
        %parallel_loop3A_489 = arith.constant 480 : i32
        %parallel_loop3A_490 = vector.broadcast %parallel_loop3A_489 : i32 to vector<16xi32>
        %parallel_loop3A_491 = arith.addi %parallel_loop3A_490, %parallel_loop3A_488 : vector<16xi32>
        tpu.vector_store_idx %arg12[%parallel_loop3A_331, %parallel_loop3A_491], %parallel_loop3A_395 {add = true} : memref<8x1536xf32, #tpu.memory_space<vmem>>[vector<16xi32>, vector<16xi32>], vector<16xf32>,
        %parallel_loop3A_492 = arith.index_cast %parallel_loop3A_327 : i32 to index
        %parallel_loop3A_493 = arith.constant 128 : index
        %parallel_loop3A_494 = tpu.vector_load %arg8[%parallel_loop3A_492, %parallel_loop3A_493] {strides = array<i32>} : memref<8x512xf32, #tpu.memory_space<vmem>>, vector<16xf32>,
        %parallel_loop3A_495 = arith.mulf %parallel_loop3A_494, %div3A_53 : vector<16xf32>
        %parallel_loop3A_496 = arith.index_cast %parallel_loop3A_327 : i32 to index
        %parallel_loop3A_497 = arith.constant 144 : index
        %parallel_loop3A_498 = tpu.vector_load %arg8[%parallel_loop3A_496, %parallel_loop3A_497] {strides = array<i32>} : memref<8x512xf32, #tpu.memory_space<vmem>>, vector<16xf32>,
        %parallel_loop3A_499 = arith.mulf %parallel_loop3A_498, %div3A_53 : vector<16xf32>
        %parallel_loop3A_500 = arith.index_cast %parallel_loop3A_327 : i32 to index
        %parallel_loop3A_501 = arith.constant 160 : index
        %parallel_loop3A_502 = tpu.vector_load %arg8[%parallel_loop3A_500, %parallel_loop3A_501] {strides = array<i32>} : memref<8x512xf32, #tpu.memory_space<vmem>>, vector<16xf32>,
        %parallel_loop3A_503 = arith.mulf %parallel_loop3A_502, %div3A_53 : vector<16xf32>
        %parallel_loop3A_504 = arith.index_cast %parallel_loop3A_327 : i32 to index
        %parallel_loop3A_505 = arith.constant 176 : index
        %parallel_loop3A_506 = tpu.vector_load %arg8[%parallel_loop3A_504, %parallel_loop3A_505] {strides = array<i32>} : memref<8x512xf32, #tpu.memory_space<vmem>>, vector<16xf32>,
        %parallel_loop3A_507 = arith.mulf %parallel_loop3A_506, %div3A_53 : vector<16xf32>
        %parallel_loop3A_508 = arith.index_cast %parallel_loop3A_327 : i32 to index
        %parallel_loop3A_509 = arith.constant 192 : index
        %parallel_loop3A_510 = tpu.vector_load %arg8[%parallel_loop3A_508, %parallel_loop3A_509] {strides = array<i32>} : memref<8x512xf32, #tpu.memory_space<vmem>>, vector<16xf32>,
        %parallel_loop3A_511 = arith.mulf %parallel_loop3A_510, %div3A_53 : vector<16xf32>
        %parallel_loop3A_512 = arith.index_cast %parallel_loop3A_327 : i32 to index
        %parallel_loop3A_513 = arith.constant 208 : index
        %parallel_loop3A_514 = tpu.vector_load %arg8[%parallel_loop3A_512, %parallel_loop3A_513] {strides = array<i32>} : memref<8x512xf32, #tpu.memory_space<vmem>>, vector<16xf32>,
        %parallel_loop3A_515 = arith.mulf %parallel_loop3A_514, %div3A_53 : vector<16xf32>
        %parallel_loop3A_516 = arith.index_cast %parallel_loop3A_327 : i32 to index
        %parallel_loop3A_517 = arith.constant 224 : index
        %parallel_loop3A_518 = tpu.vector_load %arg8[%parallel_loop3A_516, %parallel_loop3A_517] {strides = array<i32>} : memref<8x512xf32, #tpu.memory_space<vmem>>, vector<16xf32>,
        %parallel_loop3A_519 = arith.mulf %parallel_loop3A_518, %div3A_53 : vector<16xf32>
        %parallel_loop3A_520 = arith.index_cast %parallel_loop3A_327 : i32 to index
        %parallel_loop3A_521 = arith.constant 240 : index
        %parallel_loop3A_522 = tpu.vector_load %arg8[%parallel_loop3A_520, %parallel_loop3A_521] {strides = array<i32>} : memref<8x512xf32, #tpu.memory_space<vmem>>, vector<16xf32>,
        %parallel_loop3A_523 = arith.mulf %parallel_loop3A_522, %div3A_53 : vector<16xf32>
        %parallel_loop3A_524 = arith.index_cast %parallel_loop3A_327 : i32 to index
        %parallel_loop3A_525 = arith.constant 256 : index
        %parallel_loop3A_526 = tpu.vector_load %arg8[%parallel_loop3A_524, %parallel_loop3A_525] {strides = array<i32>} : memref<8x512xf32, #tpu.memory_space<vmem>>, vector<16xf32>,
        %parallel_loop3A_527 = arith.mulf %parallel_loop3A_526, %div3A_53 : vector<16xf32>
        %parallel_loop3A_528 = arith.index_cast %parallel_loop3A_327 : i32 to index
        %parallel_loop3A_529 = arith.constant 272 : index
        %parallel_loop3A_530 = tpu.vector_load %arg8[%parallel_loop3A_528, %parallel_loop3A_529] {strides = array<i32>} : memref<8x512xf32, #tpu.memory_space<vmem>>, vector<16xf32>,
        %parallel_loop3A_531 = arith.mulf %parallel_loop3A_530, %div3A_53 : vector<16xf32>
        %parallel_loop3A_532 = arith.index_cast %parallel_loop3A_327 : i32 to index
        %parallel_loop3A_533 = arith.constant 288 : index
        %parallel_loop3A_534 = tpu.vector_load %arg8[%parallel_loop3A_532, %parallel_loop3A_533] {strides = array<i32>} : memref<8x512xf32, #tpu.memory_space<vmem>>, vector<16xf32>,
        %parallel_loop3A_535 = arith.mulf %parallel_loop3A_534, %div3A_53 : vector<16xf32>
        %parallel_loop3A_536 = arith.index_cast %parallel_loop3A_327 : i32 to index
        %parallel_loop3A_537 = arith.constant 304 : index
        %parallel_loop3A_538 = tpu.vector_load %arg8[%parallel_loop3A_536, %parallel_loop3A_537] {strides = array<i32>} : memref<8x512xf32, #tpu.memory_space<vmem>>, vector<16xf32>,
        %parallel_loop3A_539 = arith.mulf %parallel_loop3A_538, %div3A_53 : vector<16xf32>
        %parallel_loop3A_540 = arith.index_cast %parallel_loop3A_327 : i32 to index
        %parallel_loop3A_541 = arith.constant 320 : index
        %parallel_loop3A_542 = tpu.vector_load %arg8[%parallel_loop3A_540, %parallel_loop3A_541] {strides = array<i32>} : memref<8x512xf32, #tpu.memory_space<vmem>>, vector<16xf32>,
        %parallel_loop3A_543 = arith.mulf %parallel_loop3A_542, %div3A_53 : vector<16xf32>
        %parallel_loop3A_544 = arith.index_cast %parallel_loop3A_327 : i32 to index
        %parallel_loop3A_545 = arith.constant 336 : index
        %parallel_loop3A_546 = tpu.vector_load %arg8[%parallel_loop3A_544, %parallel_loop3A_545] {strides = array<i32>} : memref<8x512xf32, #tpu.memory_space<vmem>>, vector<16xf32>,
        %parallel_loop3A_547 = arith.mulf %parallel_loop3A_546, %div3A_53 : vector<16xf32>
        %parallel_loop3A_548 = arith.index_cast %parallel_loop3A_327 : i32 to index
        %parallel_loop3A_549 = arith.constant 352 : index
        %parallel_loop3A_550 = tpu.vector_load %arg8[%parallel_loop3A_548, %parallel_loop3A_549] {strides = array<i32>} : memref<8x512xf32, #tpu.memory_space<vmem>>, vector<16xf32>,
        %parallel_loop3A_551 = arith.mulf %parallel_loop3A_550, %div3A_53 : vector<16xf32>
        %parallel_loop3A_552 = arith.index_cast %parallel_loop3A_327 : i32 to index
        %parallel_loop3A_553 = arith.constant 368 : index
        %parallel_loop3A_554 = tpu.vector_load %arg8[%parallel_loop3A_552, %parallel_loop3A_553] {strides = array<i32>} : memref<8x512xf32, #tpu.memory_space<vmem>>, vector<16xf32>,
        %parallel_loop3A_555 = arith.mulf %parallel_loop3A_554, %div3A_53 : vector<16xf32>
        %parallel_loop3A_556 = arith.index_cast %parallel_loop3A_327 : i32 to index
        %parallel_loop3A_557 = arith.constant 384 : index
        %parallel_loop3A_558 = tpu.vector_load %arg8[%parallel_loop3A_556, %parallel_loop3A_557] {strides = array<i32>} : memref<8x512xf32, #tpu.memory_space<vmem>>, vector<16xf32>,
        %parallel_loop3A_559 = arith.mulf %parallel_loop3A_558, %div3A_53 : vector<16xf32>
        %parallel_loop3A_560 = arith.index_cast %parallel_loop3A_327 : i32 to index
        %parallel_loop3A_561 = arith.constant 400 : index
        %parallel_loop3A_562 = tpu.vector_load %arg8[%parallel_loop3A_560, %parallel_loop3A_561] {strides = array<i32>} : memref<8x512xf32, #tpu.memory_space<vmem>>, vector<16xf32>,
        %parallel_loop3A_563 = arith.mulf %parallel_loop3A_562, %div3A_53 : vector<16xf32>
        %parallel_loop3A_564 = arith.index_cast %parallel_loop3A_327 : i32 to index
        %parallel_loop3A_565 = arith.constant 416 : index
        %parallel_loop3A_566 = tpu.vector_load %arg8[%parallel_loop3A_564, %parallel_loop3A_565] {strides = array<i32>} : memref<8x512xf32, #tpu.memory_space<vmem>>, vector<16xf32>,
        %parallel_loop3A_567 = arith.mulf %parallel_loop3A_566, %div3A_53 : vector<16xf32>
        %parallel_loop3A_568 = arith.index_cast %parallel_loop3A_327 : i32 to index
        %parallel_loop3A_569 = arith.constant 432 : index
        %parallel_loop3A_570 = tpu.vector_load %arg8[%parallel_loop3A_568, %parallel_loop3A_569] {strides = array<i32>} : memref<8x512xf32, #tpu.memory_space<vmem>>, vector<16xf32>,
        %parallel_loop3A_571 = arith.mulf %parallel_loop3A_570, %div3A_53 : vector<16xf32>
        %parallel_loop3A_572 = arith.index_cast %parallel_loop3A_327 : i32 to index
        %parallel_loop3A_573 = arith.constant 448 : index
        %parallel_loop3A_574 = tpu.vector_load %arg8[%parallel_loop3A_572, %parallel_loop3A_573] {strides = array<i32>} : memref<8x512xf32, #tpu.memory_space<vmem>>, vector<16xf32>,
        %parallel_loop3A_575 = arith.mulf %parallel_loop3A_574, %div3A_53 : vector<16xf32>
        %parallel_loop3A_576 = arith.index_cast %parallel_loop3A_327 : i32 to index
        %parallel_loop3A_577 = arith.constant 464 : index
        %parallel_loop3A_578 = tpu.vector_load %arg8[%parallel_loop3A_576, %parallel_loop3A_577] {strides = array<i32>} : memref<8x512xf32, #tpu.memory_space<vmem>>, vector<16xf32>,
        %parallel_loop3A_579 = arith.mulf %parallel_loop3A_578, %div3A_53 : vector<16xf32>
        %parallel_loop3A_580 = arith.index_cast %parallel_loop3A_327 : i32 to index
        %parallel_loop3A_581 = arith.constant 480 : index
        %parallel_loop3A_582 = tpu.vector_load %arg8[%parallel_loop3A_580, %parallel_loop3A_581] {strides = array<i32>} : memref<8x512xf32, #tpu.memory_space<vmem>>, vector<16xf32>,
        %parallel_loop3A_583 = arith.mulf %parallel_loop3A_582, %div3A_53 : vector<16xf32>
        %parallel_loop3A_584 = arith.index_cast %parallel_loop3A_327 : i32 to index
        %parallel_loop3A_585 = arith.constant 496 : index
        %parallel_loop3A_586 = tpu.vector_load %arg8[%parallel_loop3A_584, %parallel_loop3A_585] {strides = array<i32>} : memref<8x512xf32, #tpu.memory_space<vmem>>, vector<16xf32>,
        %parallel_loop3A_587 = arith.mulf %parallel_loop3A_586, %div3A_53 : vector<16xf32>
        %parallel_loop3A_588 = arith.constant 4 : i32
        %parallel_loop3A_589 = vector.broadcast %parallel_loop3A_588 : i32 to vector<16xi32>
        %parallel_loop3A_590 = arith.muli %parallel_loop3A_589, %iota3A : vector<16xi32>
        %parallel_loop3A_591 = arith.constant 0 : i32
        %parallel_loop3A_592 = vector.broadcast %parallel_loop3A_591 : i32 to vector<16xi32>
        %parallel_loop3A_593 = arith.addi %parallel_loop3A_592, %parallel_loop3A_590 : vector<16xi32>
        tpu.vector_store_idx %arg12[%parallel_loop3A_331, %parallel_loop3A_593], %parallel_loop3A_495 {add = true} : memref<8x1536xf32, #tpu.memory_space<vmem>>[vector<16xi32>, vector<16xi32>], vector<16xf32>,
        %parallel_loop3A_594 = arith.constant 4 : i32
        %parallel_loop3A_595 = vector.broadcast %parallel_loop3A_594 : i32 to vector<16xi32>
        %parallel_loop3A_596 = arith.muli %parallel_loop3A_595, %iota3A : vector<16xi32>
        %parallel_loop3A_597 = arith.constant 64 : i32
        %parallel_loop3A_598 = vector.broadcast %parallel_loop3A_597 : i32 to vector<16xi32>
        %parallel_loop3A_599 = arith.addi %parallel_loop3A_598, %parallel_loop3A_596 : vector<16xi32>
        tpu.vector_store_idx %arg12[%parallel_loop3A_331, %parallel_loop3A_599], %parallel_loop3A_499 {add = true} : memref<8x1536xf32, #tpu.memory_space<vmem>>[vector<16xi32>, vector<16xi32>], vector<16xf32>,
        %parallel_loop3A_600 = arith.constant 4 : i32
        %parallel_loop3A_601 = vector.broadcast %parallel_loop3A_600 : i32 to vector<16xi32>
        %parallel_loop3A_602 = arith.muli %parallel_loop3A_601, %iota3A : vector<16xi32>
        %parallel_loop3A_603 = arith.constant 128 : i32
        %parallel_loop3A_604 = vector.broadcast %parallel_loop3A_603 : i32 to vector<16xi32>
        %parallel_loop3A_605 = arith.addi %parallel_loop3A_604, %parallel_loop3A_602 : vector<16xi32>
        tpu.vector_store_idx %arg12[%parallel_loop3A_331, %parallel_loop3A_605], %parallel_loop3A_503 {add = true} : memref<8x1536xf32, #tpu.memory_space<vmem>>[vector<16xi32>, vector<16xi32>], vector<16xf32>,
        %parallel_loop3A_606 = arith.constant 4 : i32
        %parallel_loop3A_607 = vector.broadcast %parallel_loop3A_606 : i32 to vector<16xi32>
        %parallel_loop3A_608 = arith.muli %parallel_loop3A_607, %iota3A : vector<16xi32>
        %parallel_loop3A_609 = arith.constant 192 : i32
        %parallel_loop3A_610 = vector.broadcast %parallel_loop3A_609 : i32 to vector<16xi32>
        %parallel_loop3A_611 = arith.addi %parallel_loop3A_610, %parallel_loop3A_608 : vector<16xi32>
        tpu.vector_store_idx %arg12[%parallel_loop3A_331, %parallel_loop3A_611], %parallel_loop3A_507 {add = true} : memref<8x1536xf32, #tpu.memory_space<vmem>>[vector<16xi32>, vector<16xi32>], vector<16xf32>,
        %parallel_loop3A_612 = arith.constant 4 : i32
        %parallel_loop3A_613 = vector.broadcast %parallel_loop3A_612 : i32 to vector<16xi32>
        %parallel_loop3A_614 = arith.muli %parallel_loop3A_613, %iota3A : vector<16xi32>
        %parallel_loop3A_615 = arith.constant 256 : i32
        %parallel_loop3A_616 = vector.broadcast %parallel_loop3A_615 : i32 to vector<16xi32>
        %parallel_loop3A_617 = arith.addi %parallel_loop3A_616, %parallel_loop3A_614 : vector<16xi32>
        tpu.vector_store_idx %arg12[%parallel_loop3A_331, %parallel_loop3A_617], %parallel_loop3A_511 {add = true} : memref<8x1536xf32, #tpu.memory_space<vmem>>[vector<16xi32>, vector<16xi32>], vector<16xf32>,
        %parallel_loop3A_618 = arith.constant 4 : i32
        %parallel_loop3A_619 = vector.broadcast %parallel_loop3A_618 : i32 to vector<16xi32>
        %parallel_loop3A_620 = arith.muli %parallel_loop3A_619, %iota3A : vector<16xi32>
        %parallel_loop3A_621 = arith.constant 320 : i32
        %parallel_loop3A_622 = vector.broadcast %parallel_loop3A_621 : i32 to vector<16xi32>
        %parallel_loop3A_623 = arith.addi %parallel_loop3A_622, %parallel_loop3A_620 : vector<16xi32>
        tpu.vector_store_idx %arg12[%parallel_loop3A_331, %parallel_loop3A_623], %parallel_loop3A_515 {add = true} : memref<8x1536xf32, #tpu.memory_space<vmem>>[vector<16xi32>, vector<16xi32>], vector<16xf32>,
        %parallel_loop3A_624 = arith.constant 4 : i32
        %parallel_loop3A_625 = vector.broadcast %parallel_loop3A_624 : i32 to vector<16xi32>
        %parallel_loop3A_626 = arith.muli %parallel_loop3A_625, %iota3A : vector<16xi32>
        %parallel_loop3A_627 = arith.constant 384 : i32
        %parallel_loop3A_628 = vector.broadcast %parallel_loop3A_627 : i32 to vector<16xi32>
        %parallel_loop3A_629 = arith.addi %parallel_loop3A_628, %parallel_loop3A_626 : vector<16xi32>
        tpu.vector_store_idx %arg12[%parallel_loop3A_331, %parallel_loop3A_629], %parallel_loop3A_519 {add = true} : memref<8x1536xf32, #tpu.memory_space<vmem>>[vector<16xi32>, vector<16xi32>], vector<16xf32>,
        %parallel_loop3A_630 = arith.constant 4 : i32
        %parallel_loop3A_631 = vector.broadcast %parallel_loop3A_630 : i32 to vector<16xi32>
        %parallel_loop3A_632 = arith.muli %parallel_loop3A_631, %iota3A : vector<16xi32>
        %parallel_loop3A_633 = arith.constant 448 : i32
        %parallel_loop3A_634 = vector.broadcast %parallel_loop3A_633 : i32 to vector<16xi32>
        %parallel_loop3A_635 = arith.addi %parallel_loop3A_634, %parallel_loop3A_632 : vector<16xi32>
        tpu.vector_store_idx %arg12[%parallel_loop3A_331, %parallel_loop3A_635], %parallel_loop3A_523 {add = true} : memref<8x1536xf32, #tpu.memory_space<vmem>>[vector<16xi32>, vector<16xi32>], vector<16xf32>,
        %parallel_loop3A_636 = arith.constant 4 : i32
        %parallel_loop3A_637 = vector.broadcast %parallel_loop3A_636 : i32 to vector<16xi32>
        %parallel_loop3A_638 = arith.muli %parallel_loop3A_637, %iota3A : vector<16xi32>
        %parallel_loop3A_639 = arith.constant 512 : i32
        %parallel_loop3A_640 = vector.broadcast %parallel_loop3A_639 : i32 to vector<16xi32>
        %parallel_loop3A_641 = arith.addi %parallel_loop3A_640, %parallel_loop3A_638 : vector<16xi32>
        tpu.vector_store_idx %arg12[%parallel_loop3A_331, %parallel_loop3A_641], %parallel_loop3A_527 {add = true} : memref<8x1536xf32, #tpu.memory_space<vmem>>[vector<16xi32>, vector<16xi32>], vector<16xf32>,
        %parallel_loop3A_642 = arith.constant 4 : i32
        %parallel_loop3A_643 = vector.broadcast %parallel_loop3A_642 : i32 to vector<16xi32>
        %parallel_loop3A_644 = arith.muli %parallel_loop3A_643, %iota3A : vector<16xi32>
        %parallel_loop3A_645 = arith.constant 576 : i32
        %parallel_loop3A_646 = vector.broadcast %parallel_loop3A_645 : i32 to vector<16xi32>
        %parallel_loop3A_647 = arith.addi %parallel_loop3A_646, %parallel_loop3A_644 : vector<16xi32>
        tpu.vector_store_idx %arg12[%parallel_loop3A_331, %parallel_loop3A_647], %parallel_loop3A_531 {add = true} : memref<8x1536xf32, #tpu.memory_space<vmem>>[vector<16xi32>, vector<16xi32>], vector<16xf32>,
        %parallel_loop3A_648 = arith.constant 4 : i32
        %parallel_loop3A_649 = vector.broadcast %parallel_loop3A_648 : i32 to vector<16xi32>
        %parallel_loop3A_650 = arith.muli %parallel_loop3A_649, %iota3A : vector<16xi32>
        %parallel_loop3A_651 = arith.constant 640 : i32
        %parallel_loop3A_652 = vector.broadcast %parallel_loop3A_651 : i32 to vector<16xi32>
        %parallel_loop3A_653 = arith.addi %parallel_loop3A_652, %parallel_loop3A_650 : vector<16xi32>
        tpu.vector_store_idx %arg12[%parallel_loop3A_331, %parallel_loop3A_653], %parallel_loop3A_535 {add = true} : memref<8x1536xf32, #tpu.memory_space<vmem>>[vector<16xi32>, vector<16xi32>], vector<16xf32>,
        %parallel_loop3A_654 = arith.constant 4 : i32
        %parallel_loop3A_655 = vector.broadcast %parallel_loop3A_654 : i32 to vector<16xi32>
        %parallel_loop3A_656 = arith.muli %parallel_loop3A_655, %iota3A : vector<16xi32>
        %parallel_loop3A_657 = arith.constant 704 : i32
        %parallel_loop3A_658 = vector.broadcast %parallel_loop3A_657 : i32 to vector<16xi32>
        %parallel_loop3A_659 = arith.addi %parallel_loop3A_658, %parallel_loop3A_656 : vector<16xi32>
        tpu.vector_store_idx %arg12[%parallel_loop3A_331, %parallel_loop3A_659], %parallel_loop3A_539 {add = true} : memref<8x1536xf32, #tpu.memory_space<vmem>>[vector<16xi32>, vector<16xi32>], vector<16xf32>,
        %parallel_loop3A_660 = arith.constant 4 : i32
        %parallel_loop3A_661 = vector.broadcast %parallel_loop3A_660 : i32 to vector<16xi32>
        %parallel_loop3A_662 = arith.muli %parallel_loop3A_661, %iota3A : vector<16xi32>
        %parallel_loop3A_663 = arith.constant 768 : i32
        %parallel_loop3A_664 = vector.broadcast %parallel_loop3A_663 : i32 to vector<16xi32>
        %parallel_loop3A_665 = arith.addi %parallel_loop3A_664, %parallel_loop3A_662 : vector<16xi32>
        tpu.vector_store_idx %arg12[%parallel_loop3A_331, %parallel_loop3A_665], %parallel_loop3A_543 {add = true} : memref<8x1536xf32, #tpu.memory_space<vmem>>[vector<16xi32>, vector<16xi32>], vector<16xf32>,
        %parallel_loop3A_666 = arith.constant 4 : i32
        %parallel_loop3A_667 = vector.broadcast %parallel_loop3A_666 : i32 to vector<16xi32>
        %parallel_loop3A_668 = arith.muli %parallel_loop3A_667, %iota3A : vector<16xi32>
        %parallel_loop3A_669 = arith.constant 832 : i32
        %parallel_loop3A_670 = vector.broadcast %parallel_loop3A_669 : i32 to vector<16xi32>
        %parallel_loop3A_671 = arith.addi %parallel_loop3A_670, %parallel_loop3A_668 : vector<16xi32>
        tpu.vector_store_idx %arg12[%parallel_loop3A_331, %parallel_loop3A_671], %parallel_loop3A_547 {add = true} : memref<8x1536xf32, #tpu.memory_space<vmem>>[vector<16xi32>, vector<16xi32>], vector<16xf32>,
        %parallel_loop3A_672 = arith.constant 4 : i32
        %parallel_loop3A_673 = vector.broadcast %parallel_loop3A_672 : i32 to vector<16xi32>
        %parallel_loop3A_674 = arith.muli %parallel_loop3A_673, %iota3A : vector<16xi32>
        %parallel_loop3A_675 = arith.constant 896 : i32
        %parallel_loop3A_676 = vector.broadcast %parallel_loop3A_675 : i32 to vector<16xi32>
        %parallel_loop3A_677 = arith.addi %parallel_loop3A_676, %parallel_loop3A_674 : vector<16xi32>
        tpu.vector_store_idx %arg12[%parallel_loop3A_331, %parallel_loop3A_677], %parallel_loop3A_551 {add = true} : memref<8x1536xf32, #tpu.memory_space<vmem>>[vector<16xi32>, vector<16xi32>], vector<16xf32>,
        %parallel_loop3A_678 = arith.constant 4 : i32
        %parallel_loop3A_679 = vector.broadcast %parallel_loop3A_678 : i32 to vector<16xi32>
        %parallel_loop3A_680 = arith.muli %parallel_loop3A_679, %iota3A : vector<16xi32>
        %parallel_loop3A_681 = arith.constant 960 : i32
        %parallel_loop3A_682 = vector.broadcast %parallel_loop3A_681 : i32 to vector<16xi32>
        %parallel_loop3A_683 = arith.addi %parallel_loop3A_682, %parallel_loop3A_680 : vector<16xi32>
        tpu.vector_store_idx %arg12[%parallel_loop3A_331, %parallel_loop3A_683], %parallel_loop3A_555 {add = true} : memref<8x1536xf32, #tpu.memory_space<vmem>>[vector<16xi32>, vector<16xi32>], vector<16xf32>,
        %parallel_loop3A_684 = arith.constant 4 : i32
        %parallel_loop3A_685 = vector.broadcast %parallel_loop3A_684 : i32 to vector<16xi32>
        %parallel_loop3A_686 = arith.muli %parallel_loop3A_685, %iota3A : vector<16xi32>
        %parallel_loop3A_687 = arith.constant 1024 : i32
        %parallel_loop3A_688 = vector.broadcast %parallel_loop3A_687 : i32 to vector<16xi32>
        %parallel_loop3A_689 = arith.addi %parallel_loop3A_688, %parallel_loop3A_686 : vector<16xi32>
        tpu.vector_store_idx %arg12[%parallel_loop3A_331, %parallel_loop3A_689], %parallel_loop3A_559 {add = true} : memref<8x1536xf32, #tpu.memory_space<vmem>>[vector<16xi32>, vector<16xi32>], vector<16xf32>,
        %parallel_loop3A_690 = arith.constant 4 : i32
        %parallel_loop3A_691 = vector.broadcast %parallel_loop3A_690 : i32 to vector<16xi32>
        %parallel_loop3A_692 = arith.muli %parallel_loop3A_691, %iota3A : vector<16xi32>
        %parallel_loop3A_693 = arith.constant 1088 : i32
        %parallel_loop3A_694 = vector.broadcast %parallel_loop3A_693 : i32 to vector<16xi32>
        %parallel_loop3A_695 = arith.addi %parallel_loop3A_694, %parallel_loop3A_692 : vector<16xi32>
        tpu.vector_store_idx %arg12[%parallel_loop3A_331, %parallel_loop3A_695], %parallel_loop3A_563 {add = true} : memref<8x1536xf32, #tpu.memory_space<vmem>>[vector<16xi32>, vector<16xi32>], vector<16xf32>,
        %parallel_loop3A_696 = arith.constant 4 : i32
        %parallel_loop3A_697 = vector.broadcast %parallel_loop3A_696 : i32 to vector<16xi32>
        %parallel_loop3A_698 = arith.muli %parallel_loop3A_697, %iota3A : vector<16xi32>
        %parallel_loop3A_699 = arith.constant 1152 : i32
        %parallel_loop3A_700 = vector.broadcast %parallel_loop3A_699 : i32 to vector<16xi32>
        %parallel_loop3A_701 = arith.addi %parallel_loop3A_700, %parallel_loop3A_698 : vector<16xi32>
        tpu.vector_store_idx %arg12[%parallel_loop3A_331, %parallel_loop3A_701], %parallel_loop3A_567 {add = true} : memref<8x1536xf32, #tpu.memory_space<vmem>>[vector<16xi32>, vector<16xi32>], vector<16xf32>,
        %parallel_loop3A_702 = arith.constant 4 : i32
        %parallel_loop3A_703 = vector.broadcast %parallel_loop3A_702 : i32 to vector<16xi32>
        %parallel_loop3A_704 = arith.muli %parallel_loop3A_703, %iota3A : vector<16xi32>
        %parallel_loop3A_705 = arith.constant 1216 : i32
        %parallel_loop3A_706 = vector.broadcast %parallel_loop3A_705 : i32 to vector<16xi32>
        %parallel_loop3A_707 = arith.addi %parallel_loop3A_706, %parallel_loop3A_704 : vector<16xi32>
        tpu.vector_store_idx %arg12[%parallel_loop3A_331, %parallel_loop3A_707], %parallel_loop3A_571 {add = true} : memref<8x1536xf32, #tpu.memory_space<vmem>>[vector<16xi32>, vector<16xi32>], vector<16xf32>,
        %parallel_loop3A_708 = arith.constant 4 : i32
        %parallel_loop3A_709 = vector.broadcast %parallel_loop3A_708 : i32 to vector<16xi32>
        %parallel_loop3A_710 = arith.muli %parallel_loop3A_709, %iota3A : vector<16xi32>
        %parallel_loop3A_711 = arith.constant 1280 : i32
        %parallel_loop3A_712 = vector.broadcast %parallel_loop3A_711 : i32 to vector<16xi32>
        %parallel_loop3A_713 = arith.addi %parallel_loop3A_712, %parallel_loop3A_710 : vector<16xi32>
        tpu.vector_store_idx %arg12[%parallel_loop3A_331, %parallel_loop3A_713], %parallel_loop3A_575 {add = true} : memref<8x1536xf32, #tpu.memory_space<vmem>>[vector<16xi32>, vector<16xi32>], vector<16xf32>,
        %parallel_loop3A_714 = arith.constant 4 : i32
        %parallel_loop3A_715 = vector.broadcast %parallel_loop3A_714 : i32 to vector<16xi32>
        %parallel_loop3A_716 = arith.muli %parallel_loop3A_715, %iota3A : vector<16xi32>
        %parallel_loop3A_717 = arith.constant 1344 : i32
        %parallel_loop3A_718 = vector.broadcast %parallel_loop3A_717 : i32 to vector<16xi32>
        %parallel_loop3A_719 = arith.addi %parallel_loop3A_718, %parallel_loop3A_716 : vector<16xi32>
        tpu.vector_store_idx %arg12[%parallel_loop3A_331, %parallel_loop3A_719], %parallel_loop3A_579 {add = true} : memref<8x1536xf32, #tpu.memory_space<vmem>>[vector<16xi32>, vector<16xi32>], vector<16xf32>,
        %parallel_loop3A_720 = arith.constant 4 : i32
        %parallel_loop3A_721 = vector.broadcast %parallel_loop3A_720 : i32 to vector<16xi32>
        %parallel_loop3A_722 = arith.muli %parallel_loop3A_721, %iota3A : vector<16xi32>
        %parallel_loop3A_723 = arith.constant 1408 : i32
        %parallel_loop3A_724 = vector.broadcast %parallel_loop3A_723 : i32 to vector<16xi32>
        %parallel_loop3A_725 = arith.addi %parallel_loop3A_724, %parallel_loop3A_722 : vector<16xi32>
        tpu.vector_store_idx %arg12[%parallel_loop3A_331, %parallel_loop3A_725], %parallel_loop3A_583 {add = true} : memref<8x1536xf32, #tpu.memory_space<vmem>>[vector<16xi32>, vector<16xi32>], vector<16xf32>,
        %parallel_loop3A_726 = arith.constant 4 : i32
        %parallel_loop3A_727 = vector.broadcast %parallel_loop3A_726 : i32 to vector<16xi32>
        %parallel_loop3A_728 = arith.muli %parallel_loop3A_727, %iota3A : vector<16xi32>
        %parallel_loop3A_729 = arith.constant 1472 : i32
        %parallel_loop3A_730 = vector.broadcast %parallel_loop3A_729 : i32 to vector<16xi32>
        %parallel_loop3A_731 = arith.addi %parallel_loop3A_730, %parallel_loop3A_728 : vector<16xi32>
        tpu.vector_store_idx %arg12[%parallel_loop3A_331, %parallel_loop3A_731], %parallel_loop3A_587 {add = true} : memref<8x1536xf32, #tpu.memory_space<vmem>>[vector<16xi32>, vector<16xi32>], vector<16xf32>,
        %parallel_loop3A_732 = arith.index_cast %parallel_loop3A_327 : i32 to index
        %parallel_loop3A_733 = arith.constant 64 : index
        %parallel_loop3A_734 = tpu.vector_load %arg8[%parallel_loop3A_732, %parallel_loop3A_733] {strides = array<i32>} : memref<8x512xf32, #tpu.memory_space<vmem>>, vector<16xf32>,
        %parallel_loop3A_735 = arith.mulf %parallel_loop3A_734, %div3A_65 : vector<16xf32>
        %parallel_loop3A_736 = arith.index_cast %parallel_loop3A_327 : i32 to index
        %parallel_loop3A_737 = arith.constant 80 : index
        %parallel_loop3A_738 = tpu.vector_load %arg8[%parallel_loop3A_736, %parallel_loop3A_737] {strides = array<i32>} : memref<8x512xf32, #tpu.memory_space<vmem>>, vector<16xf32>,
        %parallel_loop3A_739 = arith.mulf %parallel_loop3A_738, %div3A_65 : vector<16xf32>
        %parallel_loop3A_740 = arith.index_cast %parallel_loop3A_327 : i32 to index
        %parallel_loop3A_741 = arith.constant 96 : index
        %parallel_loop3A_742 = tpu.vector_load %arg8[%parallel_loop3A_740, %parallel_loop3A_741] {strides = array<i32>} : memref<8x512xf32, #tpu.memory_space<vmem>>, vector<16xf32>,
        %parallel_loop3A_743 = arith.mulf %parallel_loop3A_742, %div3A_65 : vector<16xf32>
        %parallel_loop3A_744 = arith.index_cast %parallel_loop3A_327 : i32 to index
        %parallel_loop3A_745 = arith.constant 112 : index
        %parallel_loop3A_746 = tpu.vector_load %arg8[%parallel_loop3A_744, %parallel_loop3A_745] {strides = array<i32>} : memref<8x512xf32, #tpu.memory_space<vmem>>, vector<16xf32>,
        %parallel_loop3A_747 = arith.mulf %parallel_loop3A_746, %div3A_65 : vector<16xf32>
        %parallel_loop3A_748 = arith.index_cast %parallel_loop3A_327 : i32 to index
        %parallel_loop3A_749 = arith.constant 128 : index
        %parallel_loop3A_750 = tpu.vector_load %arg8[%parallel_loop3A_748, %parallel_loop3A_749] {strides = array<i32>} : memref<8x512xf32, #tpu.memory_space<vmem>>, vector<16xf32>,
        %parallel_loop3A_751 = arith.mulf %parallel_loop3A_750, %div3A_65 : vector<16xf32>
        %parallel_loop3A_752 = arith.index_cast %parallel_loop3A_327 : i32 to index
        %parallel_loop3A_753 = arith.constant 144 : index
        %parallel_loop3A_754 = tpu.vector_load %arg8[%parallel_loop3A_752, %parallel_loop3A_753] {strides = array<i32>} : memref<8x512xf32, #tpu.memory_space<vmem>>, vector<16xf32>,
        %parallel_loop3A_755 = arith.mulf %parallel_loop3A_754, %div3A_65 : vector<16xf32>
        %parallel_loop3A_756 = arith.index_cast %parallel_loop3A_327 : i32 to index
        %parallel_loop3A_757 = arith.constant 160 : index
        %parallel_loop3A_758 = tpu.vector_load %arg8[%parallel_loop3A_756, %parallel_loop3A_757] {strides = array<i32>} : memref<8x512xf32, #tpu.memory_space<vmem>>, vector<16xf32>,
        %parallel_loop3A_759 = arith.mulf %parallel_loop3A_758, %div3A_65 : vector<16xf32>
        %parallel_loop3A_760 = arith.index_cast %parallel_loop3A_327 : i32 to index
        %parallel_loop3A_761 = arith.constant 176 : index
        %parallel_loop3A_762 = tpu.vector_load %arg8[%parallel_loop3A_760, %parallel_loop3A_761] {strides = array<i32>} : memref<8x512xf32, #tpu.memory_space<vmem>>, vector<16xf32>,
        %parallel_loop3A_763 = arith.mulf %parallel_loop3A_762, %div3A_65 : vector<16xf32>
        %parallel_loop3A_764 = arith.index_cast %parallel_loop3A_327 : i32 to index
        %parallel_loop3A_765 = arith.constant 192 : index
        %parallel_loop3A_766 = tpu.vector_load %arg8[%parallel_loop3A_764, %parallel_loop3A_765] {strides = array<i32>} : memref<8x512xf32, #tpu.memory_space<vmem>>, vector<16xf32>,
        %parallel_loop3A_767 = arith.mulf %parallel_loop3A_766, %div3A_65 : vector<16xf32>
        %parallel_loop3A_768 = arith.index_cast %parallel_loop3A_327 : i32 to index
        %parallel_loop3A_769 = arith.constant 208 : index
        %parallel_loop3A_770 = tpu.vector_load %arg8[%parallel_loop3A_768, %parallel_loop3A_769] {strides = array<i32>} : memref<8x512xf32, #tpu.memory_space<vmem>>, vector<16xf32>,
        %parallel_loop3A_771 = arith.mulf %parallel_loop3A_770, %div3A_65 : vector<16xf32>
        %parallel_loop3A_772 = arith.index_cast %parallel_loop3A_327 : i32 to index
        %parallel_loop3A_773 = arith.constant 224 : index
        %parallel_loop3A_774 = tpu.vector_load %arg8[%parallel_loop3A_772, %parallel_loop3A_773] {strides = array<i32>} : memref<8x512xf32, #tpu.memory_space<vmem>>, vector<16xf32>,
        %parallel_loop3A_775 = arith.mulf %parallel_loop3A_774, %div3A_65 : vector<16xf32>
        %parallel_loop3A_776 = arith.index_cast %parallel_loop3A_327 : i32 to index
        %parallel_loop3A_777 = arith.constant 240 : index
        %parallel_loop3A_778 = tpu.vector_load %arg8[%parallel_loop3A_776, %parallel_loop3A_777] {strides = array<i32>} : memref<8x512xf32, #tpu.memory_space<vmem>>, vector<16xf32>,
        %parallel_loop3A_779 = arith.mulf %parallel_loop3A_778, %div3A_65 : vector<16xf32>
        %parallel_loop3A_780 = arith.constant 8 : i32
        %parallel_loop3A_781 = vector.broadcast %parallel_loop3A_780 : i32 to vector<16xi32>
        %parallel_loop3A_782 = arith.muli %parallel_loop3A_781, %iota3A : vector<16xi32>
        %parallel_loop3A_783 = arith.constant 0 : i32
        %parallel_loop3A_784 = vector.broadcast %parallel_loop3A_783 : i32 to vector<16xi32>
        %parallel_loop3A_785 = arith.addi %parallel_loop3A_784, %parallel_loop3A_782 : vector<16xi32>
        tpu.vector_store_idx %arg12[%parallel_loop3A_331, %parallel_loop3A_785], %parallel_loop3A_735 {add = true} : memref<8x1536xf32, #tpu.memory_space<vmem>>[vector<16xi32>, vector<16xi32>], vector<16xf32>,
        %parallel_loop3A_786 = arith.constant 8 : i32
        %parallel_loop3A_787 = vector.broadcast %parallel_loop3A_786 : i32 to vector<16xi32>
        %parallel_loop3A_788 = arith.muli %parallel_loop3A_787, %iota3A : vector<16xi32>
        %parallel_loop3A_789 = arith.constant 128 : i32
        %parallel_loop3A_790 = vector.broadcast %parallel_loop3A_789 : i32 to vector<16xi32>
        %parallel_loop3A_791 = arith.addi %parallel_loop3A_790, %parallel_loop3A_788 : vector<16xi32>
        tpu.vector_store_idx %arg12[%parallel_loop3A_331, %parallel_loop3A_791], %parallel_loop3A_739 {add = true} : memref<8x1536xf32, #tpu.memory_space<vmem>>[vector<16xi32>, vector<16xi32>], vector<16xf32>,
        %parallel_loop3A_792 = arith.constant 8 : i32
        %parallel_loop3A_793 = vector.broadcast %parallel_loop3A_792 : i32 to vector<16xi32>
        %parallel_loop3A_794 = arith.muli %parallel_loop3A_793, %iota3A : vector<16xi32>
        %parallel_loop3A_795 = arith.constant 256 : i32
        %parallel_loop3A_796 = vector.broadcast %parallel_loop3A_795 : i32 to vector<16xi32>
        %parallel_loop3A_797 = arith.addi %parallel_loop3A_796, %parallel_loop3A_794 : vector<16xi32>
        tpu.vector_store_idx %arg12[%parallel_loop3A_331, %parallel_loop3A_797], %parallel_loop3A_743 {add = true} : memref<8x1536xf32, #tpu.memory_space<vmem>>[vector<16xi32>, vector<16xi32>], vector<16xf32>,
        %parallel_loop3A_798 = arith.constant 8 : i32
        %parallel_loop3A_799 = vector.broadcast %parallel_loop3A_798 : i32 to vector<16xi32>
        %parallel_loop3A_800 = arith.muli %parallel_loop3A_799, %iota3A : vector<16xi32>
        %parallel_loop3A_801 = arith.constant 384 : i32
        %parallel_loop3A_802 = vector.broadcast %parallel_loop3A_801 : i32 to vector<16xi32>
        %parallel_loop3A_803 = arith.addi %parallel_loop3A_802, %parallel_loop3A_800 : vector<16xi32>
        tpu.vector_store_idx %arg12[%parallel_loop3A_331, %parallel_loop3A_803], %parallel_loop3A_747 {add = true} : memref<8x1536xf32, #tpu.memory_space<vmem>>[vector<16xi32>, vector<16xi32>], vector<16xf32>,
        %parallel_loop3A_804 = arith.constant 8 : i32
        %parallel_loop3A_805 = vector.broadcast %parallel_loop3A_804 : i32 to vector<16xi32>
        %parallel_loop3A_806 = arith.muli %parallel_loop3A_805, %iota3A : vector<16xi32>
        %parallel_loop3A_807 = arith.constant 512 : i32
        %parallel_loop3A_808 = vector.broadcast %parallel_loop3A_807 : i32 to vector<16xi32>
        %parallel_loop3A_809 = arith.addi %parallel_loop3A_808, %parallel_loop3A_806 : vector<16xi32>
        tpu.vector_store_idx %arg12[%parallel_loop3A_331, %parallel_loop3A_809], %parallel_loop3A_751 {add = true} : memref<8x1536xf32, #tpu.memory_space<vmem>>[vector<16xi32>, vector<16xi32>], vector<16xf32>,
        %parallel_loop3A_810 = arith.constant 8 : i32
        %parallel_loop3A_811 = vector.broadcast %parallel_loop3A_810 : i32 to vector<16xi32>
        %parallel_loop3A_812 = arith.muli %parallel_loop3A_811, %iota3A : vector<16xi32>
        %parallel_loop3A_813 = arith.constant 640 : i32
        %parallel_loop3A_814 = vector.broadcast %parallel_loop3A_813 : i32 to vector<16xi32>
        %parallel_loop3A_815 = arith.addi %parallel_loop3A_814, %parallel_loop3A_812 : vector<16xi32>
        tpu.vector_store_idx %arg12[%parallel_loop3A_331, %parallel_loop3A_815], %parallel_loop3A_755 {add = true} : memref<8x1536xf32, #tpu.memory_space<vmem>>[vector<16xi32>, vector<16xi32>], vector<16xf32>,
        %parallel_loop3A_816 = arith.constant 8 : i32
        %parallel_loop3A_817 = vector.broadcast %parallel_loop3A_816 : i32 to vector<16xi32>
        %parallel_loop3A_818 = arith.muli %parallel_loop3A_817, %iota3A : vector<16xi32>
        %parallel_loop3A_819 = arith.constant 768 : i32
        %parallel_loop3A_820 = vector.broadcast %parallel_loop3A_819 : i32 to vector<16xi32>
        %parallel_loop3A_821 = arith.addi %parallel_loop3A_820, %parallel_loop3A_818 : vector<16xi32>
        tpu.vector_store_idx %arg12[%parallel_loop3A_331, %parallel_loop3A_821], %parallel_loop3A_759 {add = true} : memref<8x1536xf32, #tpu.memory_space<vmem>>[vector<16xi32>, vector<16xi32>], vector<16xf32>,
        %parallel_loop3A_822 = arith.constant 8 : i32
        %parallel_loop3A_823 = vector.broadcast %parallel_loop3A_822 : i32 to vector<16xi32>
        %parallel_loop3A_824 = arith.muli %parallel_loop3A_823, %iota3A : vector<16xi32>
        %parallel_loop3A_825 = arith.constant 896 : i32
        %parallel_loop3A_826 = vector.broadcast %parallel_loop3A_825 : i32 to vector<16xi32>
        %parallel_loop3A_827 = arith.addi %parallel_loop3A_826, %parallel_loop3A_824 : vector<16xi32>
        tpu.vector_store_idx %arg12[%parallel_loop3A_331, %parallel_loop3A_827], %parallel_loop3A_763 {add = true} : memref<8x1536xf32, #tpu.memory_space<vmem>>[vector<16xi32>, vector<16xi32>], vector<16xf32>,
        %parallel_loop3A_828 = arith.constant 8 : i32
        %parallel_loop3A_829 = vector.broadcast %parallel_loop3A_828 : i32 to vector<16xi32>
        %parallel_loop3A_830 = arith.muli %parallel_loop3A_829, %iota3A : vector<16xi32>
        %parallel_loop3A_831 = arith.constant 1024 : i32
        %parallel_loop3A_832 = vector.broadcast %parallel_loop3A_831 : i32 to vector<16xi32>
        %parallel_loop3A_833 = arith.addi %parallel_loop3A_832, %parallel_loop3A_830 : vector<16xi32>
        tpu.vector_store_idx %arg12[%parallel_loop3A_331, %parallel_loop3A_833], %parallel_loop3A_767 {add = true} : memref<8x1536xf32, #tpu.memory_space<vmem>>[vector<16xi32>, vector<16xi32>], vector<16xf32>,
        %parallel_loop3A_834 = arith.constant 8 : i32
        %parallel_loop3A_835 = vector.broadcast %parallel_loop3A_834 : i32 to vector<16xi32>
        %parallel_loop3A_836 = arith.muli %parallel_loop3A_835, %iota3A : vector<16xi32>
        %parallel_loop3A_837 = arith.constant 1152 : i32
        %parallel_loop3A_838 = vector.broadcast %parallel_loop3A_837 : i32 to vector<16xi32>
        %parallel_loop3A_839 = arith.addi %parallel_loop3A_838, %parallel_loop3A_836 : vector<16xi32>
        tpu.vector_store_idx %arg12[%parallel_loop3A_331, %parallel_loop3A_839], %parallel_loop3A_771 {add = true} : memref<8x1536xf32, #tpu.memory_space<vmem>>[vector<16xi32>, vector<16xi32>], vector<16xf32>,
        %parallel_loop3A_840 = arith.constant 8 : i32
        %parallel_loop3A_841 = vector.broadcast %parallel_loop3A_840 : i32 to vector<16xi32>
        %parallel_loop3A_842 = arith.muli %parallel_loop3A_841, %iota3A : vector<16xi32>
        %parallel_loop3A_843 = arith.constant 1280 : i32
        %parallel_loop3A_844 = vector.broadcast %parallel_loop3A_843 : i32 to vector<16xi32>
        %parallel_loop3A_845 = arith.addi %parallel_loop3A_844, %parallel_loop3A_842 : vector<16xi32>
        tpu.vector_store_idx %arg12[%parallel_loop3A_331, %parallel_loop3A_845], %parallel_loop3A_775 {add = true} : memref<8x1536xf32, #tpu.memory_space<vmem>>[vector<16xi32>, vector<16xi32>], vector<16xf32>,
        %parallel_loop3A_846 = arith.constant 8 : i32
        %parallel_loop3A_847 = vector.broadcast %parallel_loop3A_846 : i32 to vector<16xi32>
        %parallel_loop3A_848 = arith.muli %parallel_loop3A_847, %iota3A : vector<16xi32>
        %parallel_loop3A_849 = arith.constant 1408 : i32
        %parallel_loop3A_850 = vector.broadcast %parallel_loop3A_849 : i32 to vector<16xi32>
        %parallel_loop3A_851 = arith.addi %parallel_loop3A_850, %parallel_loop3A_848 : vector<16xi32>
        tpu.vector_store_idx %arg12[%parallel_loop3A_331, %parallel_loop3A_851], %parallel_loop3A_779 {add = true} : memref<8x1536xf32, #tpu.memory_space<vmem>>[vector<16xi32>, vector<16xi32>], vector<16xf32>,
      } {sc.loop_unroll_factor = 4 : i64, sc.parallel_access}
      %mul3A_312 = arith.constant 8 : i32
      %mul3A_313 = arith.muli %add3A_286, %mul3A_312 : i32
      %add3A_314 = arith.addi %mul3A_32, %mul3A_313 : i32
      %dma_start3A_315 = arith.constant 0 : i32
      %dma_start3A_316 = tpu.memref_slice %arg4[%select_n3A, %add3A_314, %dma_start3A_315] : memref<4x2048x2048xf32, #tpu.memory_space<hbm>> -> memref<1x8x512xf32, #tpu.memory_space<hbm>>
      %dma_start3A_317 = tpu.memref_squeeze %dma_start3A_316 : memref<1x8x512xf32, #tpu.memory_space<hbm>> -> memref<8x512xf32, #tpu.memory_space<hbm>>
      %dma_start3A_318 = arith.constant 0 : i32
      %dma_start3A_319 = tpu.memref_slice %arg4[%select_n3A, %add3A_314, %dma_start3A_318] : memref<4x2048x2048xf32, #tpu.memory_space<hbm>> -> memref<1x8x512xf32, #tpu.memory_space<hbm>>
      %dma_start3A_320 = tpu.memref_squeeze %dma_start3A_319 : memref<1x8x512xf32, #tpu.memory_space<hbm>> -> memref<8x512xf32, #tpu.memory_space<hbm>>
      tpu.enqueue_dma source(%arg8 : memref<8x512xf32, #tpu.memory_space<vmem>>) target(%dma_start3A_320 : memref<8x512xf32, #tpu.memory_space<hbm>>) target_semaphore(%arg25 : memref<!tpu.dma_semaphore, #tpu.memory_space<semaphore_mem>>)
      %dma_start3A_321 = arith.constant 512 : i32
      %dma_start3A_322 = tpu.memref_slice %arg4[%select_n3A, %add3A_314, %dma_start3A_321] : memref<4x2048x2048xf32, #tpu.memory_space<hbm>> -> memref<1x8x1536xf32, #tpu.memory_space<hbm>>
      %dma_start3A_323 = tpu.memref_squeeze %dma_start3A_322 : memref<1x8x1536xf32, #tpu.memory_space<hbm>> -> memref<8x1536xf32, #tpu.memory_space<hbm>>
      %dma_start3A_324 = arith.constant 512 : i32
      %dma_start3A_325 = tpu.memref_slice %arg4[%select_n3A, %add3A_314, %dma_start3A_324] : memref<4x2048x2048xf32, #tpu.memory_space<hbm>> -> memref<1x8x1536xf32, #tpu.memory_space<hbm>>
      %dma_start3A_326 = tpu.memref_squeeze %dma_start3A_325 : memref<1x8x1536xf32, #tpu.memory_space<hbm>> -> memref<8x1536xf32, #tpu.memory_space<hbm>>
      tpu.enqueue_dma source(%arg12 : memref<8x1536xf32, #tpu.memory_space<vmem>>) target(%dma_start3A_326 : memref<8x1536xf32, #tpu.memory_space<hbm>>) target_semaphore(%arg29 : memref<!tpu.dma_semaphore, #tpu.memory_space<semaphore_mem>>)
    }
    %scan3A_97 = arith.constant 8 : i32
    %add3A_98 = arith.constant 224 : i32
    %add3A_99 = arith.addi %mul3A_32, %add3A_98 : i32
    %dma_wait3A = arith.constant 0 : i32
    %dma_wait3A_100 = tpu.memref_slice %arg4[%select_n3A, %add3A_99, %dma_wait3A] : memref<4x2048x2048xf32, #tpu.memory_space<hbm>> -> memref<1x8x512xf32, #tpu.memory_space<hbm>>
    %dma_wait3A_101 = tpu.memref_squeeze %dma_wait3A_100 : memref<1x8x512xf32, #tpu.memory_space<hbm>> -> memref<8x512xf32, #tpu.memory_space<hbm>>
    %dma_wait3A_102 = arith.constant 0 : i32
    %dma_wait3A_103 = tpu.memref_slice %arg4[%select_n3A, %add3A_99, %dma_wait3A_102] : memref<4x2048x2048xf32, #tpu.memory_space<hbm>> -> memref<1x8x512xf32, #tpu.memory_space<hbm>>
    %dma_wait3A_104 = tpu.memref_squeeze %dma_wait3A_103 : memref<1x8x512xf32, #tpu.memory_space<hbm>> -> memref<8x512xf32, #tpu.memory_space<hbm>>
    tpu.wait_dma2 semaphore(%arg22 : memref<!tpu.dma_semaphore, #tpu.memory_space<semaphore_mem>>) src(%arg5 : memref<8x512xf32, #tpu.memory_space<vmem>>) dst(%dma_wait3A_104 : memref<8x512xf32, #tpu.memory_space<hbm>>)
    %dma_wait3A_105 = arith.constant 512 : i32
    %dma_wait3A_106 = tpu.memref_slice %arg4[%select_n3A, %add3A_99, %dma_wait3A_105] : memref<4x2048x2048xf32, #tpu.memory_space<hbm>> -> memref<1x8x1536xf32, #tpu.memory_space<hbm>>
    %dma_wait3A_107 = tpu.memref_squeeze %dma_wait3A_106 : memref<1x8x1536xf32, #tpu.memory_space<hbm>> -> memref<8x1536xf32, #tpu.memory_space<hbm>>
    %dma_wait3A_108 = arith.constant 512 : i32
    %dma_wait3A_109 = tpu.memref_slice %arg4[%select_n3A, %add3A_99, %dma_wait3A_108] : memref<4x2048x2048xf32, #tpu.memory_space<hbm>> -> memref<1x8x1536xf32, #tpu.memory_space<hbm>>
    %dma_wait3A_110 = tpu.memref_squeeze %dma_wait3A_109 : memref<1x8x1536xf32, #tpu.memory_space<hbm>> -> memref<8x1536xf32, #tpu.memory_space<hbm>>
    tpu.wait_dma2 semaphore(%arg26 : memref<!tpu.dma_semaphore, #tpu.memory_space<semaphore_mem>>) src(%arg9 : memref<8x1536xf32, #tpu.memory_space<vmem>>) dst(%dma_wait3A_110 : memref<8x1536xf32, #tpu.memory_space<hbm>>)
    %add3A_111 = arith.constant 232 : i32
    %add3A_112 = arith.addi %mul3A_32, %add3A_111 : i32
    %dma_wait3A_113 = arith.constant 0 : i32
    %dma_wait3A_114 = tpu.memref_slice %arg4[%select_n3A, %add3A_112, %dma_wait3A_113] : memref<4x2048x2048xf32, #tpu.memory_space<hbm>> -> memref<1x8x512xf32, #tpu.memory_space<hbm>>
    %dma_wait3A_115 = tpu.memref_squeeze %dma_wait3A_114 : memref<1x8x512xf32, #tpu.memory_space<hbm>> -> memref<8x512xf32, #tpu.memory_space<hbm>>
    %dma_wait3A_116 = arith.constant 0 : i32
    %dma_wait3A_117 = tpu.memref_slice %arg4[%select_n3A, %add3A_112, %dma_wait3A_116] : memref<4x2048x2048xf32, #tpu.memory_space<hbm>> -> memref<1x8x512xf32, #tpu.memory_space<hbm>>
    %dma_wait3A_118 = tpu.memref_squeeze %dma_wait3A_117 : memref<1x8x512xf32, #tpu.memory_space<hbm>> -> memref<8x512xf32, #tpu.memory_space<hbm>>
    tpu.wait_dma2 semaphore(%arg23 : memref<!tpu.dma_semaphore, #tpu.memory_space<semaphore_mem>>) src(%arg6 : memref<8x512xf32, #tpu.memory_space<vmem>>) dst(%dma_wait3A_118 : memref<8x512xf32, #tpu.memory_space<hbm>>)
    %dma_wait3A_119 = arith.constant 512 : i32
    %dma_wait3A_120 = tpu.memref_slice %arg4[%select_n3A, %add3A_112, %dma_wait3A_119] : memref<4x2048x2048xf32, #tpu.memory_space<hbm>> -> memref<1x8x1536xf32, #tpu.memory_space<hbm>>
    %dma_wait3A_121 = tpu.memref_squeeze %dma_wait3A_120 : memref<1x8x1536xf32, #tpu.memory_space<hbm>> -> memref<8x1536xf32, #tpu.memory_space<hbm>>
    %dma_wait3A_122 = arith.constant 512 : i32
    %dma_wait3A_123 = tpu.memref_slice %arg4[%select_n3A, %add3A_112, %dma_wait3A_122] : memref<4x2048x2048xf32, #tpu.memory_space<hbm>> -> memref<1x8x1536xf32, #tpu.memory_space<hbm>>
    %dma_wait3A_124 = tpu.memref_squeeze %dma_wait3A_123 : memref<1x8x1536xf32, #tpu.memory_space<hbm>> -> memref<8x1536xf32, #tpu.memory_space<hbm>>
    tpu.wait_dma2 semaphore(%arg27 : memref<!tpu.dma_semaphore, #tpu.memory_space<semaphore_mem>>) src(%arg10 : memref<8x1536xf32, #tpu.memory_space<vmem>>) dst(%dma_wait3A_124 : memref<8x1536xf32, #tpu.memory_space<hbm>>)
    %add3A_125 = arith.constant 240 : i32
    %add3A_126 = arith.addi %mul3A_32, %add3A_125 : i32
    %dma_wait3A_127 = arith.constant 0 : i32
    %dma_wait3A_128 = tpu.memref_slice %arg4[%select_n3A, %add3A_126, %dma_wait3A_127] : memref<4x2048x2048xf32, #tpu.memory_space<hbm>> -> memref<1x8x512xf32, #tpu.memory_space<hbm>>
    %dma_wait3A_129 = tpu.memref_squeeze %dma_wait3A_128 : memref<1x8x512xf32, #tpu.memory_space<hbm>> -> memref<8x512xf32, #tpu.memory_space<hbm>>
    %dma_wait3A_130 = arith.constant 0 : i32
    %dma_wait3A_131 = tpu.memref_slice %arg4[%select_n3A, %add3A_126, %dma_wait3A_130] : memref<4x2048x2048xf32, #tpu.memory_space<hbm>> -> memref<1x8x512xf32, #tpu.memory_space<hbm>>
    %dma_wait3A_132 = tpu.memref_squeeze %dma_wait3A_131 : memref<1x8x512xf32, #tpu.memory_space<hbm>> -> memref<8x512xf32, #tpu.memory_space<hbm>>
    tpu.wait_dma2 semaphore(%arg24 : memref<!tpu.dma_semaphore, #tpu.memory_space<semaphore_mem>>) src(%arg7 : memref<8x512xf32, #tpu.memory_space<vmem>>) dst(%dma_wait3A_132 : memref<8x512xf32, #tpu.memory_space<hbm>>)
    %dma_wait3A_133 = arith.constant 512 : i32
    %dma_wait3A_134 = tpu.memref_slice %arg4[%select_n3A, %add3A_126, %dma_wait3A_133] : memref<4x2048x2048xf32, #tpu.memory_space<hbm>> -> memref<1x8x1536xf32, #tpu.memory_space<hbm>>
    %dma_wait3A_135 = tpu.memref_squeeze %dma_wait3A_134 : memref<1x8x1536xf32, #tpu.memory_space<hbm>> -> memref<8x1536xf32, #tpu.memory_space<hbm>>
    %dma_wait3A_136 = arith.constant 512 : i32
    %dma_wait3A_137 = tpu.memref_slice %arg4[%select_n3A, %add3A_126, %dma_wait3A_136] : memref<4x2048x2048xf32, #tpu.memory_space<hbm>> -> memref<1x8x1536xf32, #tpu.memory_space<hbm>>
    %dma_wait3A_138 = tpu.memref_squeeze %dma_wait3A_137 : memref<1x8x1536xf32, #tpu.memory_space<hbm>> -> memref<8x1536xf32, #tpu.memory_space<hbm>>
    tpu.wait_dma2 semaphore(%arg28 : memref<!tpu.dma_semaphore, #tpu.memory_space<semaphore_mem>>) src(%arg11 : memref<8x1536xf32, #tpu.memory_space<vmem>>) dst(%dma_wait3A_138 : memref<8x1536xf32, #tpu.memory_space<hbm>>)
    %add3A_139 = arith.constant 248 : i32
    %add3A_140 = arith.addi %mul3A_32, %add3A_139 : i32
    %dma_wait3A_141 = arith.constant 0 : i32
    %dma_wait3A_142 = tpu.memref_slice %arg4[%select_n3A, %add3A_140, %dma_wait3A_141] : memref<4x2048x2048xf32, #tpu.memory_space<hbm>> -> memref<1x8x512xf32, #tpu.memory_space<hbm>>
    %dma_wait3A_143 = tpu.memref_squeeze %dma_wait3A_142 : memref<1x8x512xf32, #tpu.memory_space<hbm>> -> memref<8x512xf32, #tpu.memory_space<hbm>>
    %dma_wait3A_144 = arith.constant 0 : i32
    %dma_wait3A_145 = tpu.memref_slice %arg4[%select_n3A, %add3A_140, %dma_wait3A_144] : memref<4x2048x2048xf32, #tpu.memory_space<hbm>> -> memref<1x8x512xf32, #tpu.memory_space<hbm>>
    %dma_wait3A_146 = tpu.memref_squeeze %dma_wait3A_145 : memref<1x8x512xf32, #tpu.memory_space<hbm>> -> memref<8x512xf32, #tpu.memory_space<hbm>>
    tpu.wait_dma2 semaphore(%arg25 : memref<!tpu.dma_semaphore, #tpu.memory_space<semaphore_mem>>) src(%arg8 : memref<8x512xf32, #tpu.memory_space<vmem>>) dst(%dma_wait3A_146 : memref<8x512xf32, #tpu.memory_space<hbm>>)
    %dma_wait3A_147 = arith.constant 512 : i32
    %dma_wait3A_148 = tpu.memref_slice %arg4[%select_n3A, %add3A_140, %dma_wait3A_147] : memref<4x2048x2048xf32, #tpu.memory_space<hbm>> -> memref<1x8x1536xf32, #tpu.memory_space<hbm>>
    %dma_wait3A_149 = tpu.memref_squeeze %dma_wait3A_148 : memref<1x8x1536xf32, #tpu.memory_space<hbm>> -> memref<8x1536xf32, #tpu.memory_space<hbm>>
    %dma_wait3A_150 = arith.constant 512 : i32
    %dma_wait3A_151 = tpu.memref_slice %arg4[%select_n3A, %add3A_140, %dma_wait3A_150] : memref<4x2048x2048xf32, #tpu.memory_space<hbm>> -> memref<1x8x1536xf32, #tpu.memory_space<hbm>>
    %dma_wait3A_152 = tpu.memref_squeeze %dma_wait3A_151 : memref<1x8x1536xf32, #tpu.memory_space<hbm>> -> memref<8x1536xf32, #tpu.memory_space<hbm>>
    tpu.wait_dma2 semaphore(%arg29 : memref<!tpu.dma_semaphore, #tpu.memory_space<semaphore_mem>>) src(%arg12 : memref<8x1536xf32, #tpu.memory_space<vmem>>) dst(%dma_wait3A_152 : memref<8x1536xf32, #tpu.memory_space<hbm>>)
    return
  }
}

</mosaic_0001>

<sc_bundles>
// kernel: kernel.3.cloned.1.call-start
scs
__scs_entry_jumppad:
0x0: {  	(pc) =	sbr.rel $0x88, $3  }
0x1: {  	(tag) =	ssettag $0x0;
	lr =	simm.s32 $0x1  }
0x2: {  	[smem:$0x3F9F] =	sst lr;
	_ =	strace $0xD0000000  }
0x3: {  	_ = 	snop  }
0x4: {  	_ = 	snop  }
0x5: {  	_ = 	snop  }
0x6: {  	_ = 	snop  }
0x7: {  	_ = 	snop  }
__scs_overlays_trampoline_lowered:
0x8: {  	[smem:$0x3FAE] =	sst s0  }
0x9: {  	[smem:$0x3FAF] =	sst s1  }
0xa: {  	[smem:$0x3FB0] =	sst s2  }
0xb: {  	[smem:$0x3FB1] =	sst s3  }
0xc: {  	[smem:$0x3FB2] =	sst s4  }
0xd: {  	[smem:$0x3FB3] =	sst s5  }
0xe: {  	[smem:$0x3FB4] =	sst s6  }
0xf: {  	[smem:$0x3FB5] =	sst s7  }
0x10: {  	[smem:$0x3FB6] =	sst s8  }
0x11: {  	[smem:$0x3FB7] =	sst s9;
	s0 =	simm.s32 @!p0 $0x0  }
0x12: {  	s1 =	sld [smem:$0x3F9D];
	s0 =	simm.s32 @p0 $0x1  }
0x13: {  	[smem:$0x3FB8] =	sst s0;
	s0 =	simm.s32 @!p1 $0x0  }
0x14: {  	s2 =	sld [smem:$0x3F9C];
	s0 =	simm.s32 @p1 $0x1  }
0x15: {  	[smem:$0x3FB9] =	sst s0;
	s0 =	simm.s32 @!p2 $0x0  }
0x16: {  	s3 =	sld [smem:$0x3FDB];
	s0 =	simm.s32 @p2 $0x1  }
0x17: {  	s4 =	simm.s32 $0x1BF5;
	[smem:$0x3FBB] =	sst s0  }
0x18: {  	s0 =	sld [smem:$0x3F9E];
	_ =	swait.ge [sflag:s4], $0x0  }
0x19: {  	s7 =	sld [smem:$0x3F9F]  }
0x1a: {  	s8 =	sadd.s32 $0xFFFFE003, lr  }
0x1b: {  	s9 =	sadd.s32 $0xFFFFFEF7, lr;
	s5 =	simm.s32 $0xFFFFFFFF;
	p2 =	slt.u32 s8, $0xFFFFF086  }
0x1c: {  	p1 =	slt.u32 s9, $0xF7A;
	s5 =	simm.s32 @!p2 $0x0  }
0x1d: {  	s5 =	simm.s32 @p1 $0x1;
	p0 =	seq.s32 s7, s2  }
0x1e: {  	s7 =	smul.u32 @!p0 $0xF7A, s2;
	p2 =	seq.s32 @!p0 s5, $0x0  }
0x1f: {  	s9 =	smul.u32 $0xF7A, s1;
	s8 =	simm.s32 @!p0 $0x1BF5;
	p2 =	por !p2, p0  }
0x20: {  	[sflag:s8] =	ssyncset.s32 @!p0 $0xFFFFF086;
	s6 =	sadd.s32 @!p0 s3, s7;
	s7 =	simm.s32 @!p0 $0x108  }
0x21: {  	s3 =	sadd.s32 s3, s9;
	s6 =	sadd.s32 @!p0 $0x88, s6;
	s7 =	simm.s32 @p2 $0x1082  }
0x22: {  	[simem:s7], [sflag:s8] =	dma.local @!p0 [hbm:s6], $0xF7A  }
0x23: {  	s9 =	sor.u32 $0xD0000000, s2;
	s6 =	simm.s32 $0x108;
	_ =	swait.ge @!p0 [sflag:s8], $0x0  }
0x24: {  	s3 =	sadd.s32 $0x88, s3;
	s6 =	simm.s32 @!p1 $0x1082;
	[sflag:s4] =	ssyncset.s32 $0xFFFFF086  }
0x25: {  	[simem:s6], [sflag:s4] =	dma.local [hbm:s3], $0xF7A  }
0x26: {  	[smem:$0x3F9F] =	sst s1;
	(tag) =	ssettag s2;
	_ =	strace s9  }
0x27: {  	s1 =	sld [smem:$0x3FAF]  }
0x28: {  	s2 =	sld [smem:$0x3FB0]  }
0x29: {  	s4 =	sld [smem:$0x3FB2]  }
0x2a: {  	p0 =	seq.s32 s5, $0x0;
	s5 =	sld [smem:$0x3FB3]  }
0x2b: {  	s6 =	sld [smem:$0x3FB4]  }
0x2c: {  	s7 =	sld [smem:$0x3FB5]  }
0x2d: {  	s3 =	simm.s32 $0x108;
	s8 =	sld [smem:$0x3FB6]  }
0x2e: {  	s3 =	simm.s32 @!p0 $0x1082;
	s9 =	sld [smem:$0x3FB7]  }
0x2f: {  	lr =	sadd.s32 s0, s3;
	s0 =	sld [smem:$0x3FAE]  }
0x30: {  	s3 =	sld [smem:$0x3FB1]  }
0x31: {  	[smem:$0x3FBA] =	sst s10  }
0x32: {  	s10 =	sld [smem:$0x3FB8];
	_ =	sdelay $0x3  }
0x33: {  	p0 =	seq.s32 s10, $0x1;
	s10 =	sld [smem:$0x3FBA];
	_ =	sdelay $0x3  }
0x34: {  	[smem:$0x3FBA] =	sst s10  }
0x35: {  	s10 =	sld [smem:$0x3FB9];
	_ =	sdelay $0x3  }
0x36: {  	p1 =	seq.s32 s10, $0x1;
	s10 =	sld [smem:$0x3FBA];
	_ =	sdelay $0x3  }
0x37: {  	[smem:$0x3FBA] =	sst s10  }
0x38: {  	s10 =	sld [smem:$0x3FBB]  }
0x39: {  	_ = 	snop;
	(pc) =	sbr.ind lr, $3  }
0x3a: {  	_ = 	snop  }
0x3b: {  	_ = 	snop  }
0x3c: {  	p2 =	seq.s32 s10, $0x1;
	s10 =	sld [smem:$0x3FBA]  }
0x3d: {  	_ =	shalt  }
0x3e: {  	_ =	shalt  }
0x3f: {  	_ =	shalt  }
0x40: {  	_ =	shalt  }
0x41: {  	_ =	shalt  }
0x42: {  	_ =	shalt  }
0x43: {  	_ =	shalt  }
0x44: {  	_ =	shalt  }
0x45: {  	_ =	shalt  }
0x46: {  	_ =	shalt  }
0x47: {  	_ =	shalt  }
0x48: {  	_ =	shalt  }
0x49: {  	_ =	shalt  }
0x4a: {  	_ =	shalt  }
0x4b: {  	_ =	shalt  }
0x4c: {  	_ =	shalt  }
0x4d: {  	_ =	shalt  }
0x4e: {  	_ =	shalt  }
0x4f: {  	_ =	shalt  }
0x50: {  	_ =	shalt  }
0x51: {  	_ =	shalt  }
0x52: {  	_ =	shalt  }
0x53: {  	_ =	shalt  }
0x54: {  	_ =	shalt  }
0x55: {  	_ =	shalt  }
0x56: {  	_ =	shalt  }
0x57: {  	_ =	shalt  }
0x58: {  	_ =	shalt  }
0x59: {  	_ =	shalt  }
0x5a: {  	_ =	shalt  }
0x5b: {  	_ =	shalt  }
0x5c: {  	_ =	shalt  }
0x5d: {  	_ =	shalt  }
0x5e: {  	_ =	shalt  }
0x5f: {  	_ =	shalt  }
0x60: {  	_ =	shalt  }
0x61: {  	_ =	shalt  }
0x62: {  	_ =	shalt  }
0x63: {  	_ =	shalt  }
0x64: {  	_ =	shalt  }
0x65: {  	_ =	shalt  }
0x66: {  	_ =	shalt  }
0x67: {  	_ =	shalt  }
0x68: {  	_ =	shalt  }
0x69: {  	_ =	shalt  }
0x6a: {  	_ =	shalt  }
0x6b: {  	_ =	shalt  }
0x6c: {  	_ =	shalt  }
0x6d: {  	_ =	shalt  }
0x6e: {  	_ =	shalt  }
0x6f: {  	_ =	shalt  }
0x70: {  	_ =	shalt  }
0x71: {  	_ =	shalt  }
0x72: {  	_ =	shalt  }
0x73: {  	_ =	shalt  }
0x74: {  	_ =	shalt  }
0x75: {  	_ =	shalt  }
0x76: {  	_ =	shalt  }
0x77: {  	_ =	shalt  }
0x78: {  	_ =	shalt  }
0x79: {  	_ =	shalt  }
0x7a: {  	_ =	shalt  }
0x7b: {  	_ =	shalt  }
0x7c: {  	_ =	shalt  }
0x7d: {  	_ =	shalt  }
0x7e: {  	_ =	shalt  }
0x7f: {  	_ =	shalt  }
0x80: {  	_ =	shalt  }
0x81: {  	_ =	shalt  }
0x82: {  	_ =	shalt  }
0x83: {  	_ =	shalt  }
0x84: {  	_ =	shalt  }
0x85: {  	_ =	shalt  }
0x86: {  	_ =	shalt  }
0x87: {  	_ =	shalt  }
.Lfunc_end0:
.L_simem_size_0:
called_computation_lowered:
.L_overlay_start_0:
0x88: {  	s2 =	sld [smem:$0x3FD9]  }
0x89: {  	s3 =	sld [smem:$0x3FFE];
	_ =	sdelay $0x1  }
0x8a: {  	s1 =	srdreg.scid  }
0x8b: {  	s0 =	sand.u32 $0x1, s1  }
0x8c: {  	s17 =	sshll.u32 s0, $0xA;
	s2 =	sadd.s32 s3, s2  }
0x8d: {  	s2 =	sadd.s32 s2, s17  }
0x8e: {  	[smem:$0x3FC6] =	sst s2  }
0x8f: {  	_ = 	snop  }
0x90: {  	s2 =	sld [smem:$0x3FC9]  }
0x91: {  	s18 =	sld [smem:$0x3FD0];
	(tm) =	ssettm $0x1  }
0x92: {  	s4 =	sld [smem:$0x3FFB];
	_ =	sdelay $0x3  }
0x93: {  	_ =	strace s4  }
0x94: {  	s4 =	sld [smem:$0x3FFC];
	_ =	sdelay $0x3  }
0x95: {  	_ =	strace s4  }
0x96: {  	s4 =	sld [smem:$0x3FFD];
	_ =	sdelay $0x3  }
0x97: {  	_ =	strace s4  }
0x98: {  	_ =	strace $0x8FFFFFFF  }
0x99: {  	s19 =	sld [smem:$0x3FDB];
	_ =	sdelay $0x1  }
0x9a: {  	s5 =	simm.s32 $_scs_section_size  }
0x9b: {  	s6 =	simm.s32 $_size__tile_overlayer_lowered;
	s7 =	simm.s32 $_tile_overlayer_lowered  }
0x9c: {  	s22 =	simm.s32 $0x1BFF;
	s21 =	sshll.u32 s7, $0x1;
	s4 =	sadd.s32 s5, s19  }
0x9d: {  	s8 =	simm.s32 $0x0;
	s20 =	sshll.u32 s6, $0x1;
	s6 =	sadd.s32 s21, s4  }
0x9e: {  	[timem:s8], [sflag:s22] =	dma.local [hbm:s6], s20  }
0x9f: {  	_ =	swait.ge [sflag:s22], s20  }
0xa0: {  	s5 =	ssub.s32 $0x0, s20;
	[sflag:s22] =	ssyncset.done $0x0  }
0xa1: {  	[sflag:s22] =	ssyncadd.s32 s5;
	_ =	sdelay $0x1  }
0xa2: {  	s23 =	simm.s32 $0x1B8B  }
0xa3: {  	_ =	swait.ge [sflag:s23], $0x1  }
0xa4: {  	[sflag:s23] =	ssyncset.done $0x0  }
0xa5: {  	s25 =	simm.s32 $0x1B8E;
	s24 =	sld [smem:$0x3FFE];
	[sflag:s23] =	ssyncadd.s32 $0xFFFFFFFF  }
0xa6: {  	s26 =	simm.s32 $execute0_lowered;
	[smem:$0x3FD2] =	sst s25  }
0xa7: {  	s6 =	sshll.u32 s26, $0x1;
	_ =	strace $0x80000046;
	[dreg:$0x1] =	wrdreg $0xFFFFFFFF  }
0xa8: {  	s28 =	simm.s32 $_size_execute0_lowered;
	s4 =	sadd.s32 s4, s6;
	[dreg:$0x0] =	wrdreg $0x0  }
0xa9: {  	s6 =	sshll.u32 s28, $0x1;
	[dreg:$0x2] =	wrdreg s4  }
0xaa: {  	[dreg:$0x3] =	wrdreg s6  }
0xab: {  	[dreg:$0x4] =	wrdreg $0xC0  }
0xac: {  	_ =	task [dreg:s8], $0x5FFFF  }
0xad: {  	[dreg:$0x1] =	wrdreg $0xFFFFFFFF  }
0xae: {  	[dreg:$0x0] =	wrdreg $0x60  }
0xaf: {  	[dreg:$0x2] =	wrdreg s2  }
0xb0: {  	[dreg:$0x3] =	wrdreg s24  }
0xb1: {  	[dreg:$0x4] =	wrdreg s18  }
0xb2: {  	[dreg:$0x5] =	wrdreg $0x9  }
0xb3: {  	_ =	task.clear_ibuf [dreg:s8], $0x6FFFF;
	_ =	strace $0x90000046  }
0xb4: {  	s29 =	simm.s32 $0x9;
	_ =	strace $0x80000048  }
0xb5: {  	_ =	swait.ge [sflag:s29], $0x1  }
0xb6: {  	[sflag:s29] =	ssyncadd.s32 $0xFFFFFFFF  }
0xb7: {  	_ =	strace $0x90000048  }
0xb8: {  	_ =	sfence  }
0xb9: {  	s30 =	sld [smem:$0x0];
	_ =	sdelay $0x2  }
0xba: {  	s31 =	sshll.u32 s1, $0xD;
	s1 =	sshrl.u32 s1, $0x2  }
0xbb: {  	s3 =	sand.u32 $0x4000, s31;
	s1 =	sadd.s32 s1, s30  }
0xbc: {  	s0 =	sor.u32 s3, s0;
	s1 =	sshll.u32 s1, $0x11  }
0xbd: {  	s0 =	sor.u32 s1, s0  }
0xbe: {  	s0 =	sadd.s32 $0x8F2B, s0  }
0xbf: {  	[sflag:s0] =	ssyncadd.remote.s32 $0x1  }
0xc0: {  	_ =	sfence.sel $0xFFFF  }
0xc1: {  	[dreg:$0x0] =	wrdreg $0xFFFFFFFF;
	(pc) =	sbr.abs _section_cstart, $3  }
0xc2: {  	[dreg:$0x1] =	wrdreg $0xFFFFFFFF  }
0xc3: {  	_ =	task.clear_ibuf [dreg:s8], $0x2FFFF;
	_ =	strace $0x9FFFFFFF  }
0xc4: {  	(tm) =	ssettm $0x7FFFFFFF  }
0xc5: {  	_ =	shalt  }
tec
execute0_lowered:
.L_overlay_start_1:
0x0: {  	(tag) =	ssettag $0x1  }
0x1: {  	s2 =	rddreg [dreg:$0x0];
	v36 =	vlaneseq.u32  }
0x2: {  	s0 =	rddreg [dreg:$0x1];
	s4 =	simm.s32 $0x0;
	v29 =	vmul.u32 $0x4, v36  }
0x3: {  	[smem:$0x7FF] =	sst s4;
	v17 =	vmul.u32 $0x8, v36  }
0x4: {  	s3 =	rddreg [dreg:$0x2];
	v56 =	vmul.u32 $0x2, v36;
	_ =	strace $0x80000047;
	[tilespmem:$0x1FE70] =	vst v29  }
0x5: {  	[tilespmem:$0x1FF60] =	vst v17  }
0x6: {  	v0 =	vor.u32 $0x800, v56;
	[tilespmem:$0x1FFA0] =	vst v56  }
0x7: {  	v26 =	vor.u32 $0x820, v56;
	[tilespmem:$0x1FCC0] =	vst v0  }
0x8: {  	v27 =	vor.u32 $0x840, v56;
	[tilespmem:$0x1FCD0] =	vst v26  }
0x9: {  	v28 =	vor.u32 $0x860, v56;
	[tilespmem:$0x1FCE0] =	vst v27  }
0xa: {  	v1 =	vor.u32 $0xC00, v56;
	[tilespmem:$0x1FCF0] =	vst v28  }
0xb: {  	v30 =	vor.u32 $0xC20, v56;
	[tilespmem:$0x1FD00] =	vst v1  }
0xc: {  	v31 =	vor.u32 $0xC40, v56;
	[tilespmem:$0x1FD10] =	vst v30  }
0xd: {  	v32 =	vor.u32 $0xC60, v56;
	[tilespmem:$0x1FD20] =	vst v31  }
0xe: {  	v33 =	vor.u32 $0x40, v29;
	[tilespmem:$0x1FD30] =	vst v32  }
0xf: {  	v34 =	vor.u32 $0x400, v29;
	[tilespmem:$0x1FD40] =	vst v33  }
0x10: {  	v35 =	vor.u32 $0x440, v29;
	[tilespmem:$0x1FD50] =	vst v34  }
0x11: {  	v37 =	vor.u32 $0x800, v29;
	[tilespmem:$0x1FD60] =	vst v35  }
0x12: {  	v38 =	vor.u32 $0xC00, v29;
	[tilespmem:$0x1FD70] =	vst v37  }
0x13: {  	v39 =	vor.u32 $0xC40, v29;
	[tilespmem:$0x1FD80] =	vst v38  }
0x14: {  	v40 =	vor.u32 $0x1000, v29;
	[tilespmem:$0x1FD90] =	vst v39  }
0x15: {  	v41 =	vor.u32 $0x1040, v29;
	[tilespmem:$0x1FDA0] =	vst v40  }
0x16: {  	v42 =	vor.u32 $0x1400, v29;
	[tilespmem:$0x1FDB0] =	vst v41  }
0x17: {  	v43 =	vor.u32 $0x1440, v29;
	[tilespmem:$0x1FDC0] =	vst v42  }
0x18: {  	v44 =	vor.u32 $0x1800, v29;
	[tilespmem:$0x1FDD0] =	vst v43  }
0x19: {  	v45 =	vor.u32 $0x1840, v29;
	[tilespmem:$0x1FDE0] =	vst v44  }
0x1a: {  	v46 =	vor.u32 $0x1C00, v29;
	[tilespmem:$0x1FDF0] =	vst v45  }
0x1b: {  	v47 =	vor.u32 $0x1C40, v29;
	[tilespmem:$0x1FE00] =	vst v46  }
0x1c: {  	v48 =	vor.u32 $0x2000, v29;
	[tilespmem:$0x1FE10] =	vst v47  }
0x1d: {  	v49 =	vor.u32 $0x2040, v29;
	[tilespmem:$0x1FE20] =	vst v48  }
0x1e: {  	v50 =	vor.u32 $0x2400, v29;
	[tilespmem:$0x1FE30] =	vst v49  }
0x1f: {  	v51 =	vor.u32 $0x2440, v29;
	[tilespmem:$0x1FE40] =	vst v50  }
0x20: {  	v52 =	vor.u32 $0x2800, v29;
	[tilespmem:$0x1FE50] =	vst v51  }
0x21: {  	v53 =	vor.u32 $0x400, v17;
	[tilespmem:$0x1FE60] =	vst v52  }
0x22: {  	v54 =	vor.u32 $0x800, v17;
	[tilespmem:$0x1FE90] =	vst v53  }
0x23: {  	v55 =	vor.u32 $0xC00, v17;
	[tilespmem:$0x1FEA0] =	vst v54  }
0x24: {  	v59 =	vor.u32 $0x1000, v17;
	[tilespmem:$0x1FEB0] =	vst v55  }
0x25: {  	v24 =	vor.u32 $0x60, v56;
	[tilespmem:$0x1FEC0] =	vst v59  }
0x26: {  	s6 =	stileid.u32;
	s1 =	srdreg.scid;
	v61 =	vor.u32 $0x420, v56;
	[tilespmem:$0x1FED0] =	vst v24  }
0x27: {  	s28 =	simm.s32 $0x5;
	s29 =	simm.s32 $0x3000;
	s30 =	simm.s32 $0xD000;
	v7 =	vor.u32 $0x2800, v17;
	[tilespmem:$0x1FEE0] =	vst v61  }
0x28: {  	s31 =	simm.s32 $0x2;
	s10 =	simm.s32 $0x0;
	s5 =	sshll.u32 s6, $0x1;
	v8 =	vor.u32 $0x1400, v17;
	[tilespmem:$0x1FEF0] =	vst v7  }
0x29: {  	s1 =	sand.u32 $0x1, s1;
	s6 =	sshll.u32 s6, $0x14;
	s0 =	sadd.s32 $0x400, s0;
	v9 =	vor.u32 $0x2C00, v17;
	[tilespmem:$0x1FF00] =	vst v8  }
0x2a: {  	s8 =	sadd.s32 $0x200, s2;
	s15 =	sadd.s32 $0x200, s3;
	s5 =	sand.u32 $0x6, s5;
	v10 =	vor.u32 $0x1800, v17;
	[tilespmem:$0x1FF10] =	vst v9  }
0x2b: {  	s6 =	sand.u32 $0xC00000, s6;
	s5 =	sor.u32 s1, s5;
	s1 =	ssub.s32 $0x2, s1;
	v12 =	vor.u32 $0x1C00, v17;
	[tilespmem:$0x1FF20] =	vst v10  }
0x2c: {  	[dreg:$0x4] =	wrdreg s0;
	v14 =	vor.u32 $0x2000, v17;
	s5 =	sshll.u32 s5, $0x13;
	s7 =	sshrl.u32 s1, $0x1;
	[tilespmem:$0x1FF30] =	vst v12  }
0x2d: {  	v16 =	vor.u32 $0x2400, v17;
	[tilespmem:$0x1FF40] =	vst v14;
	s6 =	sor.u32 s6, s5;
	s18 =	ssub.s32 s1, s7;
	s7 =	simm.s32 $0x8  }
0x2e: {  	v18 =	vor.u32 $0x2840, v29;
	[tilespmem:$0x1FF50] =	vst v16;
	s19 =	sshrl.u32 s6, $0x3;
	s24 =	sor.u32 $0x8000, s6;
	s25 =	sor.u32 $0xC000, s6  }
0x2f: {  	v19 =	vor.u32 $0x2C00, v29;
	[tilespmem:$0x1FF70] =	vst v18;
	s26 =	sor.u32 $0x4000, s6;
	s16 =	sor.u32 $0x10000, s6;
	s14 =	smov.u32 s6  }
0x30: {  	v20 =	vor.u32 $0x840, v29;
	[tilespmem:$0x1FF80] =	vst v19;
	s17 =	sor.u32 $0x14000, s6;
	s0 =	smax.u32 s18, $0x1;
	[dreg:$0x9] =	wrdreg s24  }
0x31: {  	v57 =	vor.u32 $0x20, v56;
	[tilespmem:$0x1FF90] =	vst v20;
	s6 =	simm.s32 $0x4;
	s20 =	sadd.s32 s2, s19;
	[dreg:$0xa] =	wrdreg s25  }
0x32: {  	v58 =	vor.u32 $0x40, v56;
	[tilespmem:$0x1FFB0] =	vst v57;
	s21 =	sor.u32 $0x800, s19;
	s1 =	sadd.s32 s19, s8;
	[dreg:$0xb] =	wrdreg s26  }
0x33: {  	v63 =	vor.u32 $0x460, v56;
	[tilespmem:$0x1FFC0] =	vst v58;
	[dreg:$0xc] =	wrdreg s0;
	s24 =	simm.s32 $0x2000;
	s25 =	simm.s32 $0xA000  }
0x34: {  	v60 =	vor.u32 $0x400, v56;
	[tilespmem:$0x1FFD0] =	vst v63;
	s26 =	simm.s32 $0x1;
	s0 =	simm.s32 $0x6;
	[dreg:$0x5] =	wrdreg s20  }
0x35: {  	v62 =	vor.u32 $0x440, v56;
	[tilespmem:$0x1FFE0] =	vst v60;
	s19 =	simm.s32 $0x7;
	[dreg:$0x6] =	wrdreg s1;
	s22 =	sadd.s32 s2, s21  }
0x36: {  	v0 =	vor.u32 $0x2C40, v29;
	[tilespmem:$0x1FFF0] =	vst v62;
	s23 =	sadd.s32 s21, s8;
	s21 =	simm.s32 $0x4000;
	[dreg:$0x7] =	wrdreg s22  }
0x37: {  	[tilespmem:$0x1FE80] =	vst v0;
	s1 =	simm.s32 $0x3;
	[dreg:$0x8] =	wrdreg s23;
	s23 =	simm.s32 $0x7000  }
.LBB2_1:
0x38: {  	[dreg:$0xd] =	wrdreg s10  }
0x39: {  	s5 =	rddreg [dreg:$0x4];
	s9 =	simm.s32 $0x10000;
	s11 =	simm.s32 $0x11  }
0x3a: {  	[tilespmem:s9], [sflag:$0x11] =	stream.linear.gather [hbm4b:s5+s4], $0x80, $0x38;
	[tilespmem:$0x10080] =	vst v63  }
0x3b: {  	_ =	swait.ge [sflag:s11], $0x80  }
0x3c: {  	[sflag:s11] =	ssyncset.done $0x0  }
0x3d: {  	[sflag:s11] =	ssyncadd.s32 $0xFFFFFF80  }
0x3e: {  	v52 =	vld [tilespmem:$0x10000];
	_ =	sdelay $0x4  }
0x3f: {  	v52 =	vsub.f32 $0.0e+00, v52;
	_ =	sdelay $0x1  }
0x40: {  	v52 =	vmul.f32 $1.442695020e+00, v52;
	_ =	sdelay $0x1  }
0x41: {  	(erf) = vpow2.f32 v52;
	_ =	sdelay $0x3  }
0x42: {  	v61 =	vld [tilespmem:$0x10010];
	_ =	sdelay $0x4  }
0x43: {  	v52 =	vsub.f32 $0.0e+00, v61;
	v53 =	vpop (erf)  }
0x44: {  	v53 =	vadd.f32 $1.000000000e+00, v53  }
0x45: {  	v52 =	vmul.f32 $1.442695020e+00, v52  }
0x46: {  	(erf) = vrcp.f32 v53  }
0x47: {  	(erf) = vpow2.f32 v52;
	_ =	sdelay $0x3  }
0x48: {  	v62 =	vld [tilespmem:$0x10020];
	_ =	sdelay $0x3  }
0x49: {  	v52 =	vpop (erf)  }
0x4a: {  	v53 =	vsub.f32 $0.0e+00, v62;
	v54 =	vpop (erf)  }
0x4b: {  	v54 =	vadd.f32 $1.000000000e+00, v54  }
0x4c: {  	v53 =	vmul.f32 $1.442695020e+00, v53  }
0x4d: {  	(erf) = vrcp.f32 v54  }
0x4e: {  	(erf) = vpow2.f32 v53;
	_ =	sdelay $0x7  }
0x4f: {  	v53 =	vpop (erf)  }
0x50: {  	v63 =	vpop (erf)  }
0x51: {  	v54 =	vadd.f32 $1.000000000e+00, v63;
	_ =	sdelay $0x1  }
0x52: {  	(erf) = vrcp.f32 v54;
	_ =	sdelay $0x1  }
0x53: {  	s12 =	rddreg [dreg:$0x5]  }
0x54: {  	[tilespmem:s4], [sflag:$0x1] =	stream.linear.gather [hbm4b:s12+s4], $0x1000, $0x38;
	[tilespmem:$0x10080] =	vst v63  }
0x55: {  	s13 =	rddreg [dreg:$0x6]  }
0x56: {  	[tilespmem:s21], [sflag:$0x5] =	stream.linear.gather [hbm4b:s13+s4], $0x3000, $0x38;
	[tilespmem:$0x10080] =	vst v63  }
0x57: {  	s20 =	simm.s32 $0x1000;
	s18 =	rddreg [dreg:$0x7]  }
0x58: {  	[tilespmem:s20], [sflag:$0x2] =	stream.linear.gather [hbm4b:s18+s4], $0x1000, $0x38;
	[tilespmem:$0x10080] =	vst v63  }
0x59: {  	s22 =	rddreg [dreg:$0x8];
	s20 =	simm.s32 $0x0  }
0x5a: {  	[tilespmem:s23], [sflag:$0x6] =	stream.linear.gather [hbm4b:s22+s4], $0x3000, $0x38;
	v54 =	vpop (erf);
	[tilespmem:$0x10080] =	vst v63  }
.LBB2_2:
0x5b: {  	p0 =	seq.s32 s20, $0x0  }
0x5c: {  	s5 =	simm.s32 @!p0 $0xB  }
0x5d: {  	_ =	swait.ge @!p0 [sflag:s5], $0x1000  }
0x5e: {  	[sflag:s5] =	ssyncset.done @!p0 $0x0  }
0x5f: {  	[sflag:s5] =	ssyncadd.s32 @!p0 $0xFFFFF000;
	s5 =	simm.s32 @!p0 $0xF  }
0x60: {  	_ =	swait.ge @!p0 [sflag:s5], $0x3000  }
0x61: {  	s9 =	sshll.u32 s20, $0x10;
	s10 =	rddreg [dreg:$0x9]  }
0x62: {  	s10 =	sadd.s32 s10, s9  }
0x63: {  	[sflag:s5] =	ssyncset.done @!p0 $0x0;
	s10 =	sshrl.u32 s10, $0x3  }
0x64: {  	s11 =	simm.s32 $0x0;
	[sflag:s5] =	ssyncadd.s32 @!p0 $0xFFFFD000;
	s18 =	sadd.s32 s2, s10  }
0x65: {  	[tilespmem:s24], [sflag:$0x3] =	stream.linear.gather [hbm4b:s18+s11], $0x1000, $0x38;
	[tilespmem:$0x10080] =	vst v63  }
0x66: {  	s18 =	sor.u32 $0x200, s10  }
0x67: {  	s22 =	sadd.s32 s2, s18  }
0x68: {  	[tilespmem:s25], [sflag:$0x7] =	stream.linear.gather [hbm4b:s22+s11], $0x3000, $0x38;
	[tilespmem:$0x10080] =	vst v63  }
0x69: {  	_ =	swait.ge [sflag:s26], $0x1000  }
0x6a: {  	[sflag:s26] =	ssyncset.done $0x0  }
0x6b: {  	[sflag:s26] =	ssyncadd.s32 $0xFFFFF000  }
0x6c: {  	_ =	swait.ge [sflag:s28], $0x3000  }
0x6d: {  	[sflag:s28] =	ssyncset.done $0x0  }
0x6e: {  	p1 =	por $0x1, $0x1;
	v13 =	vmovc v56;
	v15 =	vmov v57;
	v24 =	vmov v58;
	v23 =	vmov v60;
	[sflag:s28] =	ssyncadd.s32 $0xFFFFD000  }
.LBB2_3:
0x6f: {  	v50 =	vld [tilespmem:$0x1FED0]  }
0x70: {  	v47 =	vld [tilespmem:$0x1FEE0]  }
0x71: {  	v33 =	vld [tilespmem:$0x1FFF0]  }
0x72: {  	v49 =	vld [tilespmem:$0x1FFD0]  }
0x73: {  	v44 =	vld [tilespmem:$0x1FCD0]  }
0x74: {  	s5 =	sshll.u32 s11, $0x7;
	v45 =	vld [tilespmem:$0x1FCE0]  }
0x75: {  	v22 =	vld [tilespmem:$0x1FD20];
	s5 =	sand.u32 $0x3FFFFF80, s5  }
0x76: {  	v56 =	vld [tilespmem:s5+$0x800]  }
0x77: {  	v57 =	vld [tilespmem:s5+$0x810]  }
0x78: {  	v58 =	vld [tilespmem:s5+$0x820]  }
0x79: {  	v59 =	vld [tilespmem:s5+$0x830]  }
0x7a: {  	v60 =	vld [tilespmem:s5+$0x840]  }
0x7b: {  	v61 =	vld [tilespmem:s5+$0x850]  }
0x7c: {  	v62 =	vld [tilespmem:s5+$0x860]  }
0x7d: {  	v55 =	vmov s11;
	v63 =	vld [tilespmem:s5+$0x870]  }
0x7e: {  	v55 =	vshll.u32 v55, $0x7;
	v0 =	vld [tilespmem:s5+$0xC00]  }
0x7f: {  	v55 =	vand.u32 $0x200, v55;
	v1 =	vld [tilespmem:s5+$0xC10]  }
0x80: {  	v2 =	vld [tilespmem:s5+$0xC20];
	v55 =	vbroadcast v55, $0x0  }
0x81: {  	v3 =	vld [tilespmem:s5+$0xC30]  }
0x82: {  	v5 =	vld [tilespmem:s5+$0xC40];
	v4 =	vor.u32 v13, v55  }
0x83: {  	v7 =	vld [tilespmem:s5+$0xC50];
	v6 =	vor.u32 v15, v55  }
0x84: {  	v9 =	vld [tilespmem:s5+$0xC60];
	v8 =	vor.u32 v24, v55  }
0x85: {  	v11 =	vld [tilespmem:s5+$0xC70];
	v10 =	vor.u32 v50, v55;
	v56 =	vmul.f32 v56, v52  }
0x86: {  	v12 =	vor.u32 v23, v55;
	v23 =	vld [tilespmem:$0x1FCC0];
	v57 =	vmul.f32 v57, v52  }
0x87: {  	v58 =	vmul.f32 v58, v52;
	[tilespmem:v4+s21+$0x0] =	vst.idx.add.f32.msk $0xffff, v56  }
0x88: {  	v40 =	vmul.f32 v59, v52;
	[tilespmem:v6+s21+$0x0] =	vst.idx.add.f32.msk $0xffff, v57  }
0x89: {  	v48 =	vmul.f32 v60, v52;
	[tilespmem:v8+s21+$0x0] =	vst.idx.add.f32.msk $0xffff, v58  }
0x8a: {  	[tilespmem:v10+s21+$0x0] =	vst.idx.add.f32.msk $0xffff, v40  }
0x8b: {  	v39 =	vor.u32 v47, v55;
	[tilespmem:v12+s21+$0x0] =	vst.idx.add.f32.msk $0xffff, v48  }
0x8c: {  	v41 =	vor.u32 v33, v55;
	v48 =	vld [tilespmem:$0x1FCF0]  }
0x8d: {  	v8 =	vor.u32 v49, v55;
	v49 =	vld [tilespmem:$0x1FD00]  }
0x8e: {  	v24 =	vld [tilespmem:$0x1FD10];
	v51 =	vmul.f32 v61, v52;
	v60 =	vor.u32 v23, v55  }
0x8f: {  	v30 =	vld [tilespmem:$0x1FD30];
	v61 =	vmul.f32 v62, v52;
	v12 =	vor.u32 v44, v55  }
0x90: {  	v62 =	vmul.f32 v63, v52;
	v63 =	vor.u32 v45, v55;
	[tilespmem:v39+s21+$0x0] =	vst.idx.add.f32.msk $0xffff, v51  }
0x91: {  	v0 =	vmul.f32 v0, v52;
	[tilespmem:v41+s21+$0x0] =	vst.idx.add.f32.msk $0xffff, v61;
	v18 =	vor.u32 v48, v55  }
0x92: {  	v1 =	vmul.f32 v1, v52;
	[tilespmem:v8+s21+$0x0] =	vst.idx.add.f32.msk $0xffff, v62;
	v19 =	vor.u32 v49, v55  }
0x93: {  	v2 =	vmul.f32 v2, v52;
	v28 =	vor.u32 v24, v55;
	[tilespmem:v60+s21+$0x0] =	vst.idx.add.f32.msk $0xffff, v0  }
0x94: {  	v29 =	vor.u32 v22, v55;
	v3 =	vmul.f32 v3, v52;
	[tilespmem:v12+s21+$0x0] =	vst.idx.add.f32.msk $0xffff, v1  }
0x95: {  	v5 =	vmul.f32 v5, v52;
	[tilespmem:v63+s21+$0x0] =	vst.idx.add.f32.msk $0xffff, v2;
	v2 =	vor.u32 v30, v55  }
0x96: {  	v31 =	vmul.f32 v7, v52;
	[tilespmem:v18+s21+$0x0] =	vst.idx.add.f32.msk $0xffff, v3  }
0x97: {  	v32 =	vmul.f32 v9, v52;
	[tilespmem:v19+s21+$0x0] =	vst.idx.add.f32.msk $0xffff, v5  }
0x98: {  	v34 =	vmul.f32 v11, v52;
	[tilespmem:v28+s21+$0x0] =	vst.idx.add.f32.msk $0xffff, v31  }
0x99: {  	[tilespmem:v29+s21+$0x0] =	vst.idx.add.f32.msk $0xffff, v32  }
0x9a: {  	[tilespmem:v2+s21+$0x0] =	vst.idx.add.f32.msk $0xffff, v34  }
0x9b: {  	v0 =	vld [tilespmem:s5+$0x400]  }
0x9c: {  	v1 =	vld [tilespmem:s5+$0x410]  }
0x9d: {  	v2 =	vld [tilespmem:s5+$0x420]  }
0x9e: {  	v35 =	vld [tilespmem:s5+$0x430]  }
0x9f: {  	v40 =	vld [tilespmem:s5+$0x440]  }
0xa0: {  	v41 =	vld [tilespmem:s5+$0x450]  }
0xa1: {  	v36 =	vld [tilespmem:s5+$0x460]  }
0xa2: {  	v37 =	vld [tilespmem:s5+$0x470]  }
0xa3: {  	v38 =	vld [tilespmem:s5+$0x800]  }
0xa4: {  	v39 =	vld [tilespmem:s5+$0x810]  }
0xa5: {  	v10 =	vld [tilespmem:s5+$0x820]  }
0xa6: {  	v11 =	vld [tilespmem:s5+$0x830]  }
0xa7: {  	v12 =	vld [tilespmem:s5+$0x840]  }
0xa8: {  	v56 =	vld [tilespmem:s5+$0x850]  }
0xa9: {  	v57 =	vld [tilespmem:s5+$0x860]  }
0xaa: {  	v58 =	vld [tilespmem:s5+$0x870]  }
0xab: {  	v59 =	vld [tilespmem:s5+$0xC00]  }
0xac: {  	v60 =	vld [tilespmem:s5+$0xC10]  }
0xad: {  	v61 =	vld [tilespmem:s5+$0xC20]  }
0xae: {  	v62 =	vld [tilespmem:s5+$0xC30]  }
0xaf: {  	v14 =	vld [tilespmem:$0x1FE70]  }
0xb0: {  	v13 =	vld [tilespmem:s5+$0xC40]  }
0xb1: {  	v27 =	vld [tilespmem:$0x1FD40]  }
0xb2: {  	v15 =	vld [tilespmem:s5+$0xC50]  }
0xb3: {  	v16 =	vld [tilespmem:$0x1FD50]  }
0xb4: {  	v17 =	vld [tilespmem:s5+$0xC60]  }
0xb5: {  	v51 =	vld [tilespmem:$0x1FD60]  }
0xb6: {  	v19 =	vld [tilespmem:s5+$0xC70]  }
0xb7: {  	v20 =	vld [tilespmem:$0x1FD70]  }
0xb8: {  	v43 =	vld [tilespmem:$0x1FF90]  }
0xb9: {  	v46 =	vld [tilespmem:$0x1FD80]  }
0xba: {  	v32 =	vld [tilespmem:$0x1FD90]  }
0xbb: {  	v31 =	vld [tilespmem:$0x1FDA0]  }
0xbc: {  	v34 =	vld [tilespmem:$0x1FDC0]  }
0xbd: {  	v26 =	vld [tilespmem:$0x1FD50]  }
0xbe: {  	v42 =	vor.u32 v14, v55;
	v4 =	vmul.f32 v40, v53;
	v40 =	vld [tilespmem:$0x1FDB0]  }
0xbf: {  	v3 =	vmul.f32 v35, v53;
	v35 =	vld [tilespmem:$0x1FDD0]  }
0xc0: {  	v14 =	vor.u32 v27, v55;
	v6 =	vmul.f32 v36, v53;
	v36 =	vld [tilespmem:$0x1FDE0]  }
0xc1: {  	v16 =	vor.u32 v16, v55;
	v0 =	vmul.f32 v0, v53;
	v7 =	vmul.f32 v37, v53;
	v37 =	vld [tilespmem:$0x1FDF0]  }
0xc2: {  	v9 =	vmul.f32 v12, v53;
	v12 =	vld [tilespmem:$0x1FEA0]  }
0xc3: {  	v18 =	vor.u32 v51, v55;
	v1 =	vmul.f32 v1, v53;
	[tilespmem:v42+s21+$0x0] =	vst.idx.add.f32.msk $0xffff, v0  }
0xc4: {  	v2 =	vmul.f32 v2, v53;
	v42 =	vmul.f32 v38, v53;
	v38 =	vld [tilespmem:$0x1FE00]  }
0xc5: {  	v20 =	vor.u32 v20, v55;
	[tilespmem:v14+s21+$0x0] =	vst.idx.add.f32.msk $0xffff, v1  }
0xc6: {  	[tilespmem:v16+s21+$0x0] =	vst.idx.add.f32.msk $0xffff, v2  }
0xc7: {  	v16 =	vld [tilespmem:$0x1FEC0]  }
0xc8: {  	v0 =	vor.u32 v43, v55;
	[tilespmem:v18+s21+$0x0] =	vst.idx.add.f32.msk $0xffff, v3  }
0xc9: {  	v1 =	vor.u32 v46, v55;
	v18 =	vmul.f32 v39, v53;
	v39 =	vld [tilespmem:$0x1FE10]  }
0xca: {  	v63 =	vor.u32 v32, v55;
	[tilespmem:v20+s21+$0x0] =	vst.idx.add.f32.msk $0xffff, v4  }
0xcb: {  	v5 =	vmul.f32 v41, v53;
	v30 =	vor.u32 v31, v55;
	v4 =	vor.u32 v40, v55;
	v40 =	vld [tilespmem:$0x1FE20]  }
0xcc: {  	v20 =	vld [tilespmem:$0x1FFE0]  }
0xcd: {  	[tilespmem:v0+s21+$0x0] =	vst.idx.add.f32.msk $0xffff, v5  }
0xce: {  	v41 =	vor.u32 v34, v55;
	[tilespmem:v1+s21+$0x0] =	vst.idx.add.f32.msk $0xffff, v6  }
0xcf: {  	[tilespmem:v63+s21+$0x0] =	vst.idx.add.f32.msk $0xffff, v7  }
0xd0: {  	v43 =	vor.u32 v35, v55;
	[tilespmem:v30+s21+$0x0] =	vst.idx.add.f32.msk $0xffff, v42  }
0xd1: {  	v28 =	vmul.f32 v10, v53;
	v42 =	vld [tilespmem:$0x1FE40]  }
0xd2: {  	v2 =	vor.u32 v36, v55;
	[tilespmem:v4+s21+$0x0] =	vst.idx.add.f32.msk $0xffff, v18  }
0xd3: {  	v29 =	vor.u32 v37, v55;
	v46 =	vmul.f32 v11, v53;
	[tilespmem:v41+s21+$0x0] =	vst.idx.add.f32.msk $0xffff, v28  }
0xd4: {  	v41 =	vld [tilespmem:$0x1FE30]  }
0xd5: {  	[tilespmem:v43+s21+$0x0] =	vst.idx.add.f32.msk $0xffff, v46  }
0xd6: {  	v11 =	vmul.f32 v56, v53;
	v63 =	vor.u32 v38, v55;
	v43 =	vld [tilespmem:$0x1FE50]  }
0xd7: {  	[tilespmem:v2+s21+$0x0] =	vst.idx.add.f32.msk $0xffff, v9  }
0xd8: {  	v10 =	vor.u32 v39, v55;
	[tilespmem:v29+s21+$0x0] =	vst.idx.add.f32.msk $0xffff, v11  }
0xd9: {  	v30 =	vmul.f32 v57, v53;
	v29 =	vld [tilespmem:$0x1FE60]  }
0xda: {  	v18 =	vor.u32 v40, v55;
	v11 =	vmul.f32 v62, v53;
	v62 =	vld [tilespmem:$0x1FF00]  }
0xdb: {  	v56 =	vmul.f32 v58, v53;
	[tilespmem:v63+s21+$0x0] =	vst.idx.add.f32.msk $0xffff, v30  }
0xdc: {  	v30 =	vld [tilespmem:$0x1FE80]  }
0xdd: {  	v58 =	vmul.f32 v59, v53;
	v46 =	vor.u32 v41, v55;
	[tilespmem:v10+s21+$0x0] =	vst.idx.add.f32.msk $0xffff, v56  }
0xde: {  	v10 =	vld [tilespmem:$0x1FF70]  }
0xdf: {  	v57 =	vor.u32 v42, v55;
	[tilespmem:v18+s21+$0x0] =	vst.idx.add.f32.msk $0xffff, v58  }
0xe0: {  	v60 =	vmul.f32 v60, v53;
	v18 =	vld [tilespmem:$0x1FF80]  }
0xe1: {  	v58 =	vld [tilespmem:$0x1FF60]  }
0xe2: {  	v9 =	vmul.f32 v61, v53;
	v59 =	vor.u32 v43, v55;
	[tilespmem:v46+s21+$0x0] =	vst.idx.add.f32.msk $0xffff, v60  }
0xe3: {  	v63 =	vor.u32 v29, v55;
	v1 =	vor.u32 v10, v55;
	v10 =	vld [tilespmem:$0x1FF40]  }
0xe4: {  	[tilespmem:v57+s21+$0x0] =	vst.idx.add.f32.msk $0xffff, v9  }
0xe5: {  	v2 =	vor.u32 v18, v55;
	v18 =	vld [tilespmem:$0x1FF50]  }
0xe6: {  	v28 =	vmul.f32 v13, v53;
	v57 =	vmul.f32 v19, v53;
	v19 =	vld [tilespmem:$0x1FEF0]  }
0xe7: {  	[tilespmem:v59+s21+$0x0] =	vst.idx.add.f32.msk $0xffff, v11  }
0xe8: {  	[tilespmem:v63+s21+$0x0] =	vst.idx.add.f32.msk $0xffff, v28  }
0xe9: {  	v46 =	vmul.f32 v15, v53;
	v28 =	vld [tilespmem:$0x1FEB0]  }
0xea: {  	v3 =	vor.u32 v30, v55;
	v63 =	vld [tilespmem:$0x1FF20]  }
0xeb: {  	v56 =	vmul.f32 v17, v53;
	[tilespmem:v1+s21+$0x0] =	vst.idx.add.f32.msk $0xffff, v46  }
0xec: {  	v46 =	vld [tilespmem:$0x1FE90]  }
0xed: {  	[tilespmem:v2+s21+$0x0] =	vst.idx.add.f32.msk $0xffff, v56  }
0xee: {  	v56 =	vld [tilespmem:$0x1FF10]  }
0xef: {  	[tilespmem:v3+s21+$0x0] =	vst.idx.add.f32.msk $0xffff, v57  }
0xf0: {  	v0 =	vld [tilespmem:s5+$0x40]  }
0xf1: {  	v1 =	vld [tilespmem:s5+$0x50]  }
0xf2: {  	v2 =	vld [tilespmem:s5+$0x60]  }
0xf3: {  	v3 =	vld [tilespmem:s5+$0x70]  }
0xf4: {  	v4 =	vld [tilespmem:s5+$0x400]  }
0xf5: {  	v5 =	vld [tilespmem:s5+$0x410]  }
0xf6: {  	v6 =	vld [tilespmem:s5+$0x420]  }
0xf7: {  	v7 =	vld [tilespmem:s5+$0x430]  }
0xf8: {  	v59 =	vld [tilespmem:s5+$0x440]  }
0xf9: {  	s12 =	sor.u32 $0x1, s11;
	v61 =	vld [tilespmem:s5+$0x450]  }
0xfa: {  	s22 =	sshll.u32 s12, $0x7;
	v13 =	vld [tilespmem:s5+$0x460]  }
0xfb: {  	v15 =	vld [tilespmem:s5+$0x470];
	s5 =	sand.u32 $0x3FFFFF80, s22  }
0xfc: {  	v8 =	vor.u32 v58, v55;
	v11 =	vld [tilespmem:s5+$0xC30]  }
0xfd: {  	v17 =	vld [tilespmem:s5+$0xC60]  }
0xfe: {  	v57 =	vmul.f32 v61, v54;
	v61 =	vld [tilespmem:s5+$0x820]  }
0xff: {  	v60 =	vor.u32 v46, v55;
	v0 =	vmul.f32 v0, v54;
	v58 =	vmul.f32 v13, v54;
	v13 =	vld [tilespmem:s5+$0xC40]  }
0x100: {  	v30 =	vmul.f32 v59, v54;
	v59 =	vmul.f32 v15, v54;
	v15 =	vld [tilespmem:s5+$0xC50]  }
0x101: {  	[tilespmem:v8+s21+$0x0] =	vst.idx.add.f32.msk $0xffff, v0  }
0x102: {  	v12 =	vor.u32 v12, v55;
	v1 =	vmul.f32 v1, v54;
	v8 =	vld [tilespmem:$0x1FF30]  }
0x103: {  	v0 =	vor.u32 v62, v55;
	v62 =	vld [tilespmem:s5+$0x830]  }
0x104: {  	v14 =	vor.u32 v28, v55;
	[tilespmem:v60+s21+$0x0] =	vst.idx.add.f32.msk $0xffff, v1  }
0x105: {  	v2 =	vmul.f32 v2, v54;
	v60 =	vld [tilespmem:s5+$0x800]  }
0x106: {  	v1 =	vor.u32 v63, v55;
	v63 =	vld [tilespmem:s5+$0x840]  }
0x107: {  	v16 =	vor.u32 v16, v55;
	v3 =	vmul.f32 v3, v54;
	[tilespmem:v12+s21+$0x0] =	vst.idx.add.f32.msk $0xffff, v2  }
0x108: {  	v12 =	vld [tilespmem:$0x1FFA0]  }
0x109: {  	[tilespmem:v14+s21+$0x0] =	vst.idx.add.f32.msk $0xffff, v3  }
0x10a: {  	v4 =	vmul.f32 v4, v54;
	v14 =	vld [tilespmem:$0x1FFB0]  }
0x10b: {  	v5 =	vmul.f32 v5, v54;
	v3 =	vor.u32 v10, v55;
	v10 =	vld [tilespmem:$0x1FD30]  }
0x10c: {  	v6 =	vmul.f32 v6, v54;
	[tilespmem:v16+s21+$0x0] =	vst.idx.add.f32.msk $0xffff, v4  }
0x10d: {  	v2 =	vor.u32 v8, v55;
	[tilespmem:v0+s21+$0x0] =	vst.idx.add.f32.msk $0xffff, v5  }
0x10e: {  	[tilespmem:v1+s21+$0x0] =	vst.idx.add.f32.msk $0xffff, v6;
	v1 =	vor.u32 v56, v55;
	v56 =	vmov s12  }
0x10f: {  	v7 =	vmul.f32 v7, v54;
	v16 =	vld [tilespmem:$0x1FFC0];
	v6 =	vshll.u32 v56, $0x7  }
0x110: {  	v4 =	vor.u32 v18, v55;
	v0 =	vor.u32 v19, v55;
	v19 =	vld [tilespmem:s5+$0xC70];
	v6 =	vand.u32 $0x280, v6  }
0x111: {  	v55 =	vbroadcast v6, $0x0;
	v6 =	vld [tilespmem:s5+$0xC20]  }
0x112: {  	[tilespmem:v2+s21+$0x0] =	vst.idx.add.f32.msk $0xffff, v7  }
0x113: {  	v7 =	vld [tilespmem:s5+$0x860]  }
0x114: {  	[tilespmem:v3+s21+$0x0] =	vst.idx.add.f32.msk $0xffff, v30  }
0x115: {  	[tilespmem:v4+s21+$0x0] =	vst.idx.add.f32.msk $0xffff, v57  }
0x116: {  	[tilespmem:v0+s21+$0x0] =	vst.idx.add.f32.msk $0xffff, v58  }
0x117: {  	[tilespmem:v1+s21+$0x0] =	vst.idx.add.f32.msk $0xffff, v59  }
0x118: {  	v1 =	vld [tilespmem:s5+$0x810]  }
0x119: {  	v30 =	vld [tilespmem:s5+$0x850];
	v12 =	vor.u32 v12, v55  }
0x11a: {  	v14 =	vor.u32 v14, v55;
	v57 =	vld [tilespmem:s5+$0x870]  }
0x11b: {  	v16 =	vor.u32 v16, v55;
	v4 =	vmul.f32 v63, v52;
	v63 =	vld [tilespmem:$0x1FFD0]  }
0x11c: {  	v58 =	vld [tilespmem:s5+$0xC00];
	v0 =	vmul.f32 v60, v52;
	v60 =	vor.u32 v50, v55  }
0x11d: {  	v20 =	vor.u32 v20, v55;
	v59 =	vld [tilespmem:s5+$0xC10];
	v1 =	vmul.f32 v1, v52  }
0x11e: {  	v2 =	vmul.f32 v61, v52;
	[tilespmem:v12+s21+$0x0] =	vst.idx.add.f32.msk $0xffff, v0  }
0x11f: {  	v61 =	vor.u32 v47, v55;
	v3 =	vmul.f32 v62, v52;
	[tilespmem:v14+s21+$0x0] =	vst.idx.add.f32.msk $0xffff, v1  }
0x120: {  	v62 =	vor.u32 v33, v55;
	[tilespmem:v16+s21+$0x0] =	vst.idx.add.f32.msk $0xffff, v2  }
0x121: {  	v2 =	vor.u32 v63, v55;
	[tilespmem:v60+s21+$0x0] =	vst.idx.add.f32.msk $0xffff, v3  }
0x122: {  	v5 =	vmul.f32 v30, v52;
	v30 =	vor.u32 v23, v55;
	[tilespmem:v20+s21+$0x0] =	vst.idx.add.f32.msk $0xffff, v4  }
0x123: {  	v33 =	vor.u32 v44, v55;
	v7 =	vmul.f32 v7, v52;
	v20 =	vld [tilespmem:$0x1FE70]  }
0x124: {  	v8 =	vmul.f32 v57, v52;
	[tilespmem:v61+s21+$0x0] =	vst.idx.add.f32.msk $0xffff, v5  }
0x125: {  	v57 =	vmul.f32 v58, v52;
	[tilespmem:v62+s21+$0x0] =	vst.idx.add.f32.msk $0xffff, v7  }
0x126: {  	v56 =	vor.u32 v45, v55;
	v59 =	vmul.f32 v59, v52;
	[tilespmem:v2+s21+$0x0] =	vst.idx.add.f32.msk $0xffff, v8  }
0x127: {  	v58 =	vor.u32 v48, v55;
	[tilespmem:v30+s21+$0x0] =	vst.idx.add.f32.msk $0xffff, v57  }
0x128: {  	v60 =	vor.u32 v49, v55;
	[tilespmem:v33+s21+$0x0] =	vst.idx.add.f32.msk $0xffff, v59  }
0x129: {  	v6 =	vmul.f32 v6, v52;
	v61 =	vor.u32 v24, v55;
	v59 =	vor.u32 v26, v55;
	v26 =	vld [tilespmem:$0x1FD70]  }
0x12a: {  	v63 =	vor.u32 v22, v55;
	v62 =	vmul.f32 v11, v52;
	v33 =	vld [tilespmem:$0x1FF90]  }
0x12b: {  	v9 =	vmul.f32 v13, v52;
	v0 =	vor.u32 v10, v55;
	[tilespmem:v56+s21+$0x0] =	vst.idx.add.f32.msk $0xffff, v6  }
0x12c: {  	v11 =	vmul.f32 v15, v52;
	[tilespmem:v58+s21+$0x0] =	vst.idx.add.f32.msk $0xffff, v62  }
0x12d: {  	v18 =	vmul.f32 v17, v52;
	[tilespmem:v60+s21+$0x0] =	vst.idx.add.f32.msk $0xffff, v9  }
0x12e: {  	v19 =	vmul.f32 v19, v52;
	[tilespmem:v61+s21+$0x0] =	vst.idx.add.f32.msk $0xffff, v11  }
0x12f: {  	[tilespmem:v63+s21+$0x0] =	vst.idx.add.f32.msk $0xffff, v18  }
0x130: {  	[tilespmem:v0+s21+$0x0] =	vst.idx.add.f32.msk $0xffff, v19  }
0x131: {  	v0 =	vld [tilespmem:s5+$0x400]  }
0x132: {  	v1 =	vld [tilespmem:s5+$0x410]  }
0x133: {  	v2 =	vld [tilespmem:s5+$0x420]  }
0x134: {  	v3 =	vld [tilespmem:s5+$0x430]  }
0x135: {  	v4 =	vld [tilespmem:s5+$0x440]  }
0x136: {  	v5 =	vld [tilespmem:s5+$0x450]  }
0x137: {  	v6 =	vld [tilespmem:s5+$0x460]  }
0x138: {  	v7 =	vld [tilespmem:s5+$0x470]  }
0x139: {  	v8 =	vld [tilespmem:s5+$0x800]  }
0x13a: {  	v9 =	vld [tilespmem:s5+$0x810]  }
0x13b: {  	v10 =	vld [tilespmem:s5+$0x820]  }
0x13c: {  	v11 =	vld [tilespmem:s5+$0x830]  }
0x13d: {  	v12 =	vld [tilespmem:s5+$0x840]  }
0x13e: {  	v13 =	vld [tilespmem:s5+$0x850]  }
0x13f: {  	v14 =	vld [tilespmem:s5+$0x860]  }
0x140: {  	v15 =	vld [tilespmem:s5+$0x870]  }
0x141: {  	v16 =	vld [tilespmem:s5+$0xC00]  }
0x142: {  	v17 =	vld [tilespmem:s5+$0xC10]  }
0x143: {  	v18 =	vld [tilespmem:s5+$0xC20]  }
0x144: {  	v20 =	vor.u32 v20, v55;
	v19 =	vld [tilespmem:s5+$0xC30]  }
0x145: {  	v57 =	vor.u32 v27, v55;
	v56 =	vld [tilespmem:s5+$0xC40]  }
0x146: {  	v58 =	vld [tilespmem:s5+$0xC50]  }
0x147: {  	v60 =	vld [tilespmem:s5+$0xC60];
	v0 =	vmul.f32 v0, v53  }
0x148: {  	v62 =	vld [tilespmem:s5+$0xC70];
	v1 =	vmul.f32 v1, v53  }
0x149: {  	[tilespmem:v20+s21+$0x0] =	vst.idx.add.f32.msk $0xffff, v0  }
0x14a: {  	[tilespmem:v57+s21+$0x0] =	vst.idx.add.f32.msk $0xffff, v1  }
0x14b: {  	v2 =	vmul.f32 v2, v53;
	v57 =	vld [tilespmem:$0x1FD80]  }
0x14c: {  	v25 =	vld [tilespmem:$0x1FEA0]  }
0x14d: {  	v61 =	vor.u32 v51, v55;
	[tilespmem:v59+s21+$0x0] =	vst.idx.add.f32.msk $0xffff, v2  }
0x14e: {  	v30 =	vor.u32 v26, v55;
	v0 =	vor.u32 v33, v55;
	v33 =	vmovc v32;
	v59 =	vor.u32 v32, v55;
	v32 =	vld [tilespmem:$0x1FDB0]  }
0x14f: {  	v44 =	vmov v24;
	v24 =	vmov v22;
	v22 =	vld [tilespmem:$0x1FE80]  }
0x150: {  	v26 =	vld [tilespmem:$0x1FD50];
	v3 =	vmul.f32 v3, v53;
	v1 =	vor.u32 v57, v55  }
0x151: {  	v4 =	vmul.f32 v4, v53;
	v20 =	vld [tilespmem:$0x1FFE0]  }
0x152: {  	v5 =	vmul.f32 v5, v53;
	[tilespmem:v61+s21+$0x0] =	vst.idx.add.f32.msk $0xffff, v3;
	v61 =	vor.u32 v31, v55  }
0x153: {  	v6 =	vmul.f32 v6, v53;
	[tilespmem:v30+s21+$0x0] =	vst.idx.add.f32.msk $0xffff, v4;
	v4 =	vor.u32 v32, v55  }
0x154: {  	v7 =	vmul.f32 v7, v53;
	[tilespmem:v0+s21+$0x0] =	vst.idx.add.f32.msk $0xffff, v5;
	v0 =	vor.u32 v34, v55  }
0x155: {  	v63 =	vmul.f32 v8, v53;
	[tilespmem:v1+s21+$0x0] =	vst.idx.add.f32.msk $0xffff, v6;
	v1 =	vor.u32 v35, v55  }
0x156: {  	v9 =	vmul.f32 v9, v53;
	[tilespmem:v59+s21+$0x0] =	vst.idx.add.f32.msk $0xffff, v7  }
0x157: {  	v30 =	vor.u32 v36, v55;
	v57 =	vmul.f32 v10, v53;
	[tilespmem:v61+s21+$0x0] =	vst.idx.add.f32.msk $0xffff, v63  }
0x158: {  	v59 =	vor.u32 v37, v55;
	v61 =	vmul.f32 v11, v53;
	[tilespmem:v4+s21+$0x0] =	vst.idx.add.f32.msk $0xffff, v9  }
0x159: {  	[tilespmem:v0+s21+$0x0] =	vst.idx.add.f32.msk $0xffff, v57  }
0x15a: {  	v63 =	vor.u32 v38, v55;
	v9 =	vmul.f32 v12, v53;
	[tilespmem:v1+s21+$0x0] =	vst.idx.add.f32.msk $0xffff, v61  }
0x15b: {  	v10 =	vmul.f32 v13, v53;
	v61 =	vmul.f32 v16, v53;
	v16 =	vld [tilespmem:$0x1FEC0]  }
0x15c: {  	v0 =	vor.u32 v39, v55;
	[tilespmem:v30+s21+$0x0] =	vst.idx.add.f32.msk $0xffff, v9  }
0x15d: {  	v11 =	vmul.f32 v14, v53;
	[tilespmem:v59+s21+$0x0] =	vst.idx.add.f32.msk $0xffff, v10  }
0x15e: {  	v21 =	vmov v29;
	v1 =	vor.u32 v40, v55;
	v10 =	vor.u32 v29, v55;
	v29 =	vld [tilespmem:$0x1FF80]  }
0x15f: {  	v57 =	vmul.f32 v15, v53;
	v30 =	vor.u32 v41, v55;
	[tilespmem:v63+s21+$0x0] =	vst.idx.add.f32.msk $0xffff, v11  }
0x160: {  	v59 =	vor.u32 v42, v55;
	v11 =	vmul.f32 v18, v53;
	v18 =	vld [tilespmem:$0x1FF70]  }
0x161: {  	v9 =	vmul.f32 v17, v53;
	[tilespmem:v0+s21+$0x0] =	vst.idx.add.f32.msk $0xffff, v57  }
0x162: {  	v63 =	vor.u32 v43, v55;
	v57 =	vmul.f32 v58, v53;
	v58 =	vmul.f32 v60, v53;
	v60 =	vld [tilespmem:$0x1FF60]  }
0x163: {  	[tilespmem:v1+s21+$0x0] =	vst.idx.add.f32.msk $0xffff, v61  }
0x164: {  	[tilespmem:v30+s21+$0x0] =	vst.idx.add.f32.msk $0xffff, v9  }
0x165: {  	v19 =	vmul.f32 v19, v53;
	[tilespmem:v59+s21+$0x0] =	vst.idx.add.f32.msk $0xffff, v11  }
0x166: {  	v14 =	vor.u32 v28, v55;
	v2 =	vor.u32 v29, v55;
	v29 =	vmov v28;
	v28 =	vld [tilespmem:$0x1FF40]  }
0x167: {  	v1 =	vor.u32 v18, v55;
	[tilespmem:v63+s21+$0x0] =	vst.idx.add.f32.msk $0xffff, v19  }
0x168: {  	v30 =	vmul.f32 v56, v53;
	v18 =	vld [tilespmem:$0x1FF20]  }
0x169: {  	v19 =	vld [tilespmem:$0x1FF30]  }
0x16a: {  	v56 =	vor.u32 v22, v55;
	[tilespmem:v10+s21+$0x0] =	vst.idx.add.f32.msk $0xffff, v30  }
0x16b: {  	v30 =	vld [tilespmem:$0x1FF50]  }
0x16c: {  	[tilespmem:v1+s21+$0x0] =	vst.idx.add.f32.msk $0xffff, v57  }
0x16d: {  	v59 =	vmul.f32 v62, v53;
	[tilespmem:v2+s21+$0x0] =	vst.idx.add.f32.msk $0xffff, v58  }
0x16e: {  	v58 =	vld [tilespmem:$0x1FF10]  }
0x16f: {  	[tilespmem:v56+s21+$0x0] =	vst.idx.add.f32.msk $0xffff, v59  }
0x170: {  	v56 =	vld [tilespmem:$0x1FEF0]  }
0x171: {  	v0 =	vld [tilespmem:s5+$0x40]  }
0x172: {  	v1 =	vld [tilespmem:s5+$0x50]  }
0x173: {  	v2 =	vld [tilespmem:s5+$0x60]  }
0x174: {  	v3 =	vld [tilespmem:s5+$0x70]  }
0x175: {  	v4 =	vld [tilespmem:s5+$0x400]  }
0x176: {  	v5 =	vld [tilespmem:s5+$0x410]  }
0x177: {  	v6 =	vld [tilespmem:s5+$0x420]  }
0x178: {  	v7 =	vld [tilespmem:s5+$0x430]  }
0x179: {  	v61 =	vld [tilespmem:s5+$0x440]  }
0x17a: {  	s13 =	sor.u32 $0x2, s11;
	v63 =	vld [tilespmem:s5+$0x450]  }
0x17b: {  	s22 =	sshll.u32 s13, $0x7;
	v13 =	vld [tilespmem:s5+$0x460]  }
0x17c: {  	v15 =	vld [tilespmem:s5+$0x470];
	s5 =	sand.u32 $0x3FFFFF80, s22  }
0x17d: {  	v8 =	vor.u32 v60, v55;
	v11 =	vld [tilespmem:s5+$0xC30]  }
0x17e: {  	v17 =	vld [tilespmem:s5+$0xC60]  }
0x17f: {  	v62 =	vor.u32 v46, v55;
	v59 =	vmul.f32 v63, v54;
	v63 =	vld [tilespmem:s5+$0x810]  }
0x180: {  	v0 =	vmul.f32 v0, v54;
	v60 =	vmul.f32 v13, v54;
	v13 =	vld [tilespmem:s5+$0xC40]  }
0x181: {  	v57 =	vmul.f32 v61, v54;
	v61 =	vmul.f32 v15, v54;
	v15 =	vld [tilespmem:s5+$0xC50]  }
0x182: {  	v12 =	vor.u32 v25, v55;
	v1 =	vmul.f32 v1, v54;
	[tilespmem:v8+s21+$0x0] =	vst.idx.add.f32.msk $0xffff, v0  }
0x183: {  	v8 =	vld [tilespmem:$0x1FF00]  }
0x184: {  	[tilespmem:v62+s21+$0x0] =	vst.idx.add.f32.msk $0xffff, v1  }
0x185: {  	v2 =	vmul.f32 v2, v54;
	v62 =	vld [tilespmem:s5+$0x800]  }
0x186: {  	v1 =	vor.u32 v18, v55;
	v18 =	vld [tilespmem:$0x1FD30]  }
0x187: {  	[tilespmem:v12+s21+$0x0] =	vst.idx.add.f32.msk $0xffff, v2  }
0x188: {  	v16 =	vor.u32 v16, v55;
	v3 =	vmul.f32 v3, v54;
	v12 =	vld [tilespmem:$0x1FFA0]  }
0x189: {  	v2 =	vor.u32 v19, v55;
	v19 =	vld [tilespmem:s5+$0xC70]  }
0x18a: {  	[tilespmem:v14+s21+$0x0] =	vst.idx.add.f32.msk $0xffff, v3  }
0x18b: {  	v4 =	vmul.f32 v4, v54;
	v3 =	vor.u32 v28, v55;
	v28 =	vld [tilespmem:s5+$0x820];
	v0 =	vor.u32 v8, v55  }
0x18c: {  	v14 =	vld [tilespmem:$0x1FFB0]  }
0x18d: {  	[tilespmem:v16+s21+$0x0] =	vst.idx.add.f32.msk $0xffff, v4  }
0x18e: {  	v5 =	vmul.f32 v5, v54;
	v4 =	vor.u32 v30, v55;
	v30 =	vld [tilespmem:s5+$0x830]  }
0x18f: {  	v16 =	vld [tilespmem:$0x1FFC0]  }
0x190: {  	v6 =	vmul.f32 v6, v54;
	[tilespmem:v0+s21+$0x0] =	vst.idx.add.f32.msk $0xffff, v5  }
0x191: {  	v5 =	vld [tilespmem:s5+$0x850]  }
0x192: {  	v7 =	vmul.f32 v7, v54;
	[tilespmem:v1+s21+$0x0] =	vst.idx.add.f32.msk $0xffff, v6  }
0x193: {  	v1 =	vor.u32 v58, v55;
	v58 =	vld [tilespmem:s5+$0x860]  }
0x194: {  	[tilespmem:v2+s21+$0x0] =	vst.idx.add.f32.msk $0xffff, v7  }
0x195: {  	v0 =	vor.u32 v56, v55;
	v2 =	vmul.f32 v28, v52;
	v28 =	vld [tilespmem:$0x1FFF0]  }
0x196: {  	[tilespmem:v3+s21+$0x0] =	vst.idx.add.f32.msk $0xffff, v57  }
0x197: {  	v57 =	vmov s13;
	[tilespmem:v4+s21+$0x0] =	vst.idx.add.f32.msk $0xffff, v59  }
0x198: {  	v4 =	vld [tilespmem:s5+$0x840];
	v6 =	vshll.u32 v57, $0x7  }
0x199: {  	v59 =	vld [tilespmem:s5+$0x870];
	v6 =	vand.u32 $0x300, v6  }
0x19a: {  	[tilespmem:v0+s21+$0x0] =	vst.idx.add.f32.msk $0xffff, v60;
	v55 =	vbroadcast v6, $0x0  }
0x19b: {  	v60 =	vld [tilespmem:s5+$0xC00]  }
0x19c: {  	[tilespmem:v1+s21+$0x0] =	vst.idx.add.f32.msk $0xffff, v61;
	v12 =	vor.u32 v12, v55  }
0x19d: {  	v61 =	vld [tilespmem:s5+$0xC10];
	v14 =	vor.u32 v14, v55  }
0x19e: {  	v6 =	vld [tilespmem:s5+$0xC20];
	v16 =	vor.u32 v16, v55  }
0x19f: {  	v0 =	vmul.f32 v62, v52;
	v62 =	vor.u32 v50, v55;
	v50 =	vld [tilespmem:$0x1FFD0]  }
0x1a0: {  	v1 =	vmul.f32 v63, v52;
	v20 =	vor.u32 v20, v55;
	v56 =	vor.u32 v23, v55;
	v23 =	vld [tilespmem:$0x1FCD0]  }
0x1a1: {  	[tilespmem:v12+s21+$0x0] =	vst.idx.add.f32.msk $0xffff, v0  }
0x1a2: {  	v3 =	vmul.f32 v30, v52;
	v63 =	vor.u32 v47, v55;
	[tilespmem:v14+s21+$0x0] =	vst.idx.add.f32.msk $0xffff, v1  }
0x1a3: {  	v30 =	vor.u32 v28, v55;
	v4 =	vmul.f32 v4, v52;
	[tilespmem:v16+s21+$0x0] =	vst.idx.add.f32.msk $0xffff, v2  }
0x1a4: {  	v2 =	vor.u32 v50, v55;
	[tilespmem:v62+s21+$0x0] =	vst.idx.add.f32.msk $0xffff, v3  }
0x1a5: {  	v5 =	vmul.f32 v5, v52;
	[tilespmem:v20+s21+$0x0] =	vst.idx.add.f32.msk $0xffff, v4  }
0x1a6: {  	v7 =	vmul.f32 v58, v52;
	v20 =	vld [tilespmem:$0x1FE70]  }
0x1a7: {  	v8 =	vmul.f32 v59, v52;
	v57 =	vor.u32 v23, v55;
	[tilespmem:v63+s21+$0x0] =	vst.idx.add.f32.msk $0xffff, v5  }
0x1a8: {  	v58 =	vor.u32 v45, v55;
	v59 =	vmul.f32 v60, v52;
	[tilespmem:v30+s21+$0x0] =	vst.idx.add.f32.msk $0xffff, v7  }
0x1a9: {  	v60 =	vor.u32 v48, v55;
	[tilespmem:v2+s21+$0x0] =	vst.idx.add.f32.msk $0xffff, v8  }
0x1aa: {  	v61 =	vmul.f32 v61, v52;
	v62 =	vor.u32 v49, v55;
	[tilespmem:v56+s21+$0x0] =	vst.idx.add.f32.msk $0xffff, v59  }
0x1ab: {  	v6 =	vmul.f32 v6, v52;
	v63 =	vor.u32 v44, v55;
	v59 =	vor.u32 v26, v55;
	v26 =	vld [tilespmem:$0x1FD70]  }
0x1ac: {  	v9 =	vmul.f32 v11, v52;
	v10 =	vor.u32 v24, v55;
	[tilespmem:v57+s21+$0x0] =	vst.idx.add.f32.msk $0xffff, v61  }
0x1ad: {  	v11 =	vmul.f32 v13, v52;
	v0 =	vor.u32 v18, v55;
	[tilespmem:v58+s21+$0x0] =	vst.idx.add.f32.msk $0xffff, v6  }
0x1ae: {  	v30 =	vmul.f32 v15, v52;
	[tilespmem:v60+s21+$0x0] =	vst.idx.add.f32.msk $0xffff, v9  }
0x1af: {  	v45 =	vmul.f32 v17, v52;
	[tilespmem:v62+s21+$0x0] =	vst.idx.add.f32.msk $0xffff, v11  }
0x1b0: {  	v48 =	vmul.f32 v19, v52;
	[tilespmem:v63+s21+$0x0] =	vst.idx.add.f32.msk $0xffff, v30  }
0x1b1: {  	[tilespmem:v10+s21+$0x0] =	vst.idx.add.f32.msk $0xffff, v45  }
0x1b2: {  	[tilespmem:v0+s21+$0x0] =	vst.idx.add.f32.msk $0xffff, v48  }
0x1b3: {  	v48 =	vld [tilespmem:$0x1FF90]  }
0x1b4: {  	v0 =	vld [tilespmem:s5+$0x400]  }
0x1b5: {  	v1 =	vld [tilespmem:s5+$0x410]  }
0x1b6: {  	v2 =	vld [tilespmem:s5+$0x420]  }
0x1b7: {  	v3 =	vld [tilespmem:s5+$0x430]  }
0x1b8: {  	v4 =	vld [tilespmem:s5+$0x440]  }
0x1b9: {  	v5 =	vld [tilespmem:s5+$0x450]  }
0x1ba: {  	v6 =	vld [tilespmem:s5+$0x460]  }
0x1bb: {  	v7 =	vld [tilespmem:s5+$0x470]  }
0x1bc: {  	v8 =	vld [tilespmem:s5+$0x800]  }
0x1bd: {  	v9 =	vld [tilespmem:s5+$0x810]  }
0x1be: {  	v10 =	vld [tilespmem:s5+$0x820]  }
0x1bf: {  	v11 =	vld [tilespmem:s5+$0x830]  }
0x1c0: {  	v12 =	vld [tilespmem:s5+$0x840]  }
0x1c1: {  	v13 =	vld [tilespmem:s5+$0x850]  }
0x1c2: {  	v14 =	vld [tilespmem:s5+$0x860]  }
0x1c3: {  	v15 =	vld [tilespmem:s5+$0x870]  }
0x1c4: {  	v16 =	vld [tilespmem:s5+$0xC00]  }
0x1c5: {  	v17 =	vld [tilespmem:s5+$0xC10]  }
0x1c6: {  	v18 =	vld [tilespmem:s5+$0xC20]  }
0x1c7: {  	v20 =	vor.u32 v20, v55;
	v19 =	vld [tilespmem:s5+$0xC30]  }
0x1c8: {  	v50 =	vor.u32 v27, v55;
	v56 =	vld [tilespmem:s5+$0xC40]  }
0x1c9: {  	v58 =	vld [tilespmem:s5+$0xC50]  }
0x1ca: {  	v60 =	vld [tilespmem:s5+$0xC60];
	v0 =	vmul.f32 v0, v53  }
0x1cb: {  	v62 =	vld [tilespmem:s5+$0xC70];
	v1 =	vmul.f32 v1, v53  }
0x1cc: {  	[tilespmem:v20+s21+$0x0] =	vst.idx.add.f32.msk $0xffff, v0  }
0x1cd: {  	[tilespmem:v50+s21+$0x0] =	vst.idx.add.f32.msk $0xffff, v1  }
0x1ce: {  	v50 =	vld [tilespmem:$0x1FD80];
	_ =	sdelay $0x1  }
0x1cf: {  	v61 =	vor.u32 v51, v55  }
0x1d0: {  	v30 =	vor.u32 v26, v55;
	v26 =	vld [tilespmem:$0x1FD50]  }
0x1d1: {  	v2 =	vmul.f32 v2, v53;
	v63 =	vmul.f32 v8, v53;
	v8 =	vld [tilespmem:$0x1FF70];
	v0 =	vor.u32 v48, v55  }
0x1d2: {  	v3 =	vmul.f32 v3, v53;
	v20 =	vld [tilespmem:$0x1FFE0];
	v1 =	vor.u32 v50, v55  }
0x1d3: {  	v57 =	vor.u32 v33, v55;
	v4 =	vmul.f32 v4, v53;
	[tilespmem:v59+s21+$0x0] =	vst.idx.add.f32.msk $0xffff, v2  }
0x1d4: {  	v5 =	vmul.f32 v5, v53;
	v59 =	vor.u32 v31, v55;
	[tilespmem:v61+s21+$0x0] =	vst.idx.add.f32.msk $0xffff, v3  }
0x1d5: {  	v6 =	vmul.f32 v6, v53;
	v61 =	vor.u32 v32, v55;
	[tilespmem:v30+s21+$0x0] =	vst.idx.add.f32.msk $0xffff, v4  }
0x1d6: {  	v7 =	vmul.f32 v7, v53;
	[tilespmem:v0+s21+$0x0] =	vst.idx.add.f32.msk $0xffff, v5;
	v0 =	vor.u32 v34, v55  }
0x1d7: {  	v30 =	vmul.f32 v9, v53;
	[tilespmem:v1+s21+$0x0] =	vst.idx.add.f32.msk $0xffff, v6;
	v1 =	vor.u32 v35, v55  }
0x1d8: {  	v50 =	vmov v33;
	v33 =	vmov v31;
	v31 =	vor.u32 v36, v55;
	[tilespmem:v57+s21+$0x0] =	vst.idx.add.f32.msk $0xffff, v7  }
0x1d9: {  	v48 =	vor.u32 v37, v55;
	v32 =	vmul.f32 v10, v53;
	[tilespmem:v59+s21+$0x0] =	vst.idx.add.f32.msk $0xffff, v63  }
0x1da: {  	v57 =	vmul.f32 v11, v53;
	[tilespmem:v61+s21+$0x0] =	vst.idx.add.f32.msk $0xffff, v30  }
0x1db: {  	v59 =	vor.u32 v38, v55;
	v61 =	vmul.f32 v12, v53;
	[tilespmem:v0+s21+$0x0] =	vst.idx.add.f32.msk $0xffff, v32  }
0x1dc: {  	v9 =	vmul.f32 v13, v53;
	v63 =	vor.u32 v39, v55;
	[tilespmem:v1+s21+$0x0] =	vst.idx.add.f32.msk $0xffff, v57  }
0x1dd: {  	[tilespmem:v31+s21+$0x0] =	vst.idx.add.f32.msk $0xffff, v61  }
0x1de: {  	v10 =	vor.u32 v40, v55;
	v11 =	vmul.f32 v14, v53;
	[tilespmem:v48+s21+$0x0] =	vst.idx.add.f32.msk $0xffff, v9  }
0x1df: {  	v31 =	vmul.f32 v15, v53;
	v48 =	vmul.f32 v16, v53;
	v16 =	vld [tilespmem:$0x1FEC0]  }
0x1e0: {  	[tilespmem:v59+s21+$0x0] =	vst.idx.add.f32.msk $0xffff, v11  }
0x1e1: {  	v30 =	vor.u32 v41, v55;
	[tilespmem:v63+s21+$0x0] =	vst.idx.add.f32.msk $0xffff, v31  }
0x1e2: {  	v31 =	vmul.f32 v60, v53;
	v60 =	vld [tilespmem:$0x1FF20]  }
0x1e3: {  	v32 =	vor.u32 v42, v55;
	[tilespmem:v10+s21+$0x0] =	vst.idx.add.f32.msk $0xffff, v48  }
0x1e4: {  	v59 =	vmul.f32 v17, v53;
	v10 =	vld [tilespmem:$0x1FF80]  }
0x1e5: {  	v48 =	vld [tilespmem:$0x1FF60]  }
0x1e6: {  	v57 =	vor.u32 v43, v55;
	v63 =	vmul.f32 v18, v53;
	[tilespmem:v30+s21+$0x0] =	vst.idx.add.f32.msk $0xffff, v59  }
0x1e7: {  	v61 =	vor.u32 v21, v55;
	v59 =	vld [tilespmem:$0x1FF00]  }
0x1e8: {  	[tilespmem:v32+s21+$0x0] =	vst.idx.add.f32.msk $0xffff, v63  }
0x1e9: {  	v1 =	vor.u32 v8, v55;
	v9 =	vmul.f32 v19, v53;
	v32 =	vmul.f32 v62, v53;
	v62 =	vld [tilespmem:$0x1FF40]  }
0x1ea: {  	v11 =	vmul.f32 v56, v53;
	v63 =	vld [tilespmem:$0x1FF50]  }
0x1eb: {  	[tilespmem:v57+s21+$0x0] =	vst.idx.add.f32.msk $0xffff, v9;
	v2 =	vor.u32 v10, v55  }
0x1ec: {  	v19 =	vmul.f32 v58, v53;
	v18 =	vor.u32 v22, v55;
	[tilespmem:v61+s21+$0x0] =	vst.idx.add.f32.msk $0xffff, v11  }
0x1ed: {  	v61 =	vld [tilespmem:$0x1FF30]  }
0x1ee: {  	[tilespmem:v1+s21+$0x0] =	vst.idx.add.f32.msk $0xffff, v19  }
0x1ef: {  	v10 =	vld [tilespmem:$0x1FF10]  }
0x1f0: {  	[tilespmem:v2+s21+$0x0] =	vst.idx.add.f32.msk $0xffff, v31  }
0x1f1: {  	[tilespmem:v18+s21+$0x0] =	vst.idx.add.f32.msk $0xffff, v32  }
0x1f2: {  	v12 =	vor.u32 v25, v55;
	v32 =	vmov v25;
	v25 =	vld [tilespmem:$0x1FFD0]  }
0x1f3: {  	v0 =	vld [tilespmem:s5+$0x40]  }
0x1f4: {  	v1 =	vld [tilespmem:s5+$0x50]  }
0x1f5: {  	v2 =	vld [tilespmem:s5+$0x60]  }
0x1f6: {  	v3 =	vld [tilespmem:s5+$0x70]  }
0x1f7: {  	v4 =	vld [tilespmem:s5+$0x400]  }
0x1f8: {  	v5 =	vld [tilespmem:s5+$0x410]  }
0x1f9: {  	v6 =	vld [tilespmem:s5+$0x420]  }
0x1fa: {  	v7 =	vld [tilespmem:s5+$0x430]  }
0x1fb: {  	v56 =	vld [tilespmem:s5+$0x440]  }
0x1fc: {  	s13 =	sor.u32 $0x3, s11;
	v58 =	vld [tilespmem:s5+$0x450]  }
0x1fd: {  	s22 =	sshll.u32 s13, $0x7;
	v13 =	vld [tilespmem:s5+$0x460]  }
0x1fe: {  	v15 =	vld [tilespmem:s5+$0x470];
	s5 =	sand.u32 $0x3FFFFF80, s22  }
0x1ff: {  	v31 =	vld [tilespmem:s5+$0x800]  }
0x200: {  	v8 =	vor.u32 v48, v55;
	v11 =	vld [tilespmem:s5+$0xC30]  }
0x201: {  	v17 =	vld [tilespmem:s5+$0xC60]  }
0x202: {  	v57 =	vor.u32 v46, v55;
	v18 =	vmul.f32 v58, v54;
	v58 =	vld [tilespmem:s5+$0x850]  }
0x203: {  	v0 =	vmul.f32 v0, v54;
	v19 =	vmul.f32 v13, v54;
	v13 =	vld [tilespmem:s5+$0xC40]  }
0x204: {  	v14 =	vor.u32 v29, v55;
	v48 =	vmovc v46;
	v46 =	vmov v29;
	v29 =	vmul.f32 v15, v54;
	v15 =	vld [tilespmem:s5+$0xC50]  }
0x205: {  	v1 =	vmul.f32 v1, v54;
	[tilespmem:v8+s21+$0x0] =	vst.idx.add.f32.msk $0xffff, v0  }
0x206: {  	v8 =	vld [tilespmem:$0x1FEF0]  }
0x207: {  	[tilespmem:v57+s21+$0x0] =	vst.idx.add.f32.msk $0xffff, v1  }
0x208: {  	v2 =	vmul.f32 v2, v54;
	v57 =	vld [tilespmem:s5+$0x840]  }
0x209: {  	v1 =	vor.u32 v60, v55;
	v60 =	vld [tilespmem:s5+$0x860]  }
0x20a: {  	[tilespmem:v12+s21+$0x0] =	vst.idx.add.f32.msk $0xffff, v2  }
0x20b: {  	v16 =	vor.u32 v16, v55;
	v3 =	vmul.f32 v3, v54;
	v2 =	vor.u32 v61, v55;
	v61 =	vld [tilespmem:s5+$0x870]  }
0x20c: {  	v12 =	vld [tilespmem:$0x1FFA0]  }
0x20d: {  	[tilespmem:v14+s21+$0x0] =	vst.idx.add.f32.msk $0xffff, v3  }
0x20e: {  	v4 =	vmul.f32 v4, v54;
	v0 =	vor.u32 v59, v55;
	v3 =	vor.u32 v62, v55;
	v62 =	vld [tilespmem:s5+$0xC00]  }
0x20f: {  	v14 =	vld [tilespmem:$0x1FFB0]  }
0x210: {  	[tilespmem:v16+s21+$0x0] =	vst.idx.add.f32.msk $0xffff, v4  }
0x211: {  	v5 =	vmul.f32 v5, v54;
	v4 =	vor.u32 v63, v55;
	v63 =	vld [tilespmem:s5+$0xC10]  }
0x212: {  	v6 =	vmul.f32 v6, v54;
	v16 =	vld [tilespmem:$0x1FFC0]  }
0x213: {  	[tilespmem:v0+s21+$0x0] =	vst.idx.add.f32.msk $0xffff, v5  }
0x214: {  	v7 =	vmul.f32 v7, v54;
	v59 =	vmov s13;
	[tilespmem:v1+s21+$0x0] =	vst.idx.add.f32.msk $0xffff, v6  }
0x215: {  	v0 =	vor.u32 v8, v55;
	v6 =	vshll.u32 v59, $0x7;
	v59 =	vld [tilespmem:$0x1FCE0]  }
0x216: {  	v9 =	vmul.f32 v56, v54;
	v1 =	vor.u32 v10, v55;
	[tilespmem:v2+s21+$0x0] =	vst.idx.add.f32.msk $0xffff, v7  }
0x217: {  	v2 =	vld [tilespmem:s5+$0x820]  }
0x218: {  	[tilespmem:v3+s21+$0x0] =	vst.idx.add.f32.msk $0xffff, v9  }
0x219: {  	[tilespmem:v4+s21+$0x0] =	vst.idx.add.f32.msk $0xffff, v18  }
0x21a: {  	[tilespmem:v0+s21+$0x0] =	vst.idx.add.f32.msk $0xffff, v19  }
0x21b: {  	v6 =	vand.u32 $0x380, v6;
	[tilespmem:v1+s21+$0x0] =	vst.idx.add.f32.msk $0xffff, v29  }
0x21c: {  	v55 =	vbroadcast v6, $0x0;
	v29 =	vld [tilespmem:$0x1FED0]  }
0x21d: {  	v1 =	vld [tilespmem:s5+$0x810]  }
0x21e: {  	v8 =	vmul.f32 v61, v52;
	v61 =	vld [tilespmem:$0x1FCF0];
	v12 =	vor.u32 v12, v55  }
0x21f: {  	v3 =	vld [tilespmem:s5+$0x830];
	v14 =	vor.u32 v14, v55  }
0x220: {  	v6 =	vld [tilespmem:s5+$0xC20];
	v16 =	vor.u32 v16, v55  }
0x221: {  	v4 =	vmul.f32 v57, v52;
	v57 =	vld [tilespmem:$0x1FCC0];
	v0 =	vmul.f32 v31, v52;
	v18 =	vor.u32 v29, v55  }
0x222: {  	v19 =	vld [tilespmem:s5+$0xC70];
	v20 =	vor.u32 v20, v55;
	v1 =	vmul.f32 v1, v52  }
0x223: {  	v31 =	vor.u32 v47, v55;
	v2 =	vmul.f32 v2, v52;
	[tilespmem:v12+s21+$0x0] =	vst.idx.add.f32.msk $0xffff, v0  }
0x224: {  	v47 =	vor.u32 v28, v55;
	v3 =	vmul.f32 v3, v52;
	[tilespmem:v14+s21+$0x0] =	vst.idx.add.f32.msk $0xffff, v1  }
0x225: {  	v56 =	vor.u32 v25, v55;
	[tilespmem:v16+s21+$0x0] =	vst.idx.add.f32.msk $0xffff, v2  }
0x226: {  	v5 =	vmul.f32 v58, v52;
	[tilespmem:v18+s21+$0x0] =	vst.idx.add.f32.msk $0xffff, v3  }
0x227: {  	v7 =	vmul.f32 v60, v52;
	[tilespmem:v20+s21+$0x0] =	vst.idx.add.f32.msk $0xffff, v4  }
0x228: {  	[tilespmem:v31+s21+$0x0] =	vst.idx.add.f32.msk $0xffff, v5  }
0x229: {  	[tilespmem:v47+s21+$0x0] =	vst.idx.add.f32.msk $0xffff, v7  }
0x22a: {  	[tilespmem:v56+s21+$0x0] =	vst.idx.add.f32.msk $0xffff, v8  }
0x22b: {  	v3 =	vor.u32 v57, v55;
	v8 =	vld [tilespmem:$0x1FD10]  }
0x22c: {  	v45 =	vmov v27;
	v27 =	vld [tilespmem:$0x1FD30];
	v58 =	vor.u32 v23, v55  }
0x22d: {  	v0 =	vor.u32 v59, v55;
	v59 =	vld [tilespmem:$0x1FDB0]  }
0x22e: {  	v60 =	vmul.f32 v62, v52;
	v29 =	vld [tilespmem:$0x1FE70];
	v1 =	vor.u32 v61, v55  }
0x22f: {  	v62 =	vmul.f32 v63, v52;
	v63 =	vor.u32 v49, v55;
	v61 =	vor.u32 v51, v55;
	v51 =	vld [tilespmem:$0x1FD70]  }
0x230: {  	v44 =	vmov v24;
	v6 =	vmul.f32 v6, v52;
	[tilespmem:v3+s21+$0x0] =	vst.idx.add.f32.msk $0xffff, v60;
	v3 =	vor.u32 v8, v55  }
0x231: {  	v9 =	vmul.f32 v11, v52;
	v10 =	vor.u32 v44, v55;
	[tilespmem:v58+s21+$0x0] =	vst.idx.add.f32.msk $0xffff, v62  }
0x232: {  	v11 =	vmul.f32 v13, v52;
	v18 =	vor.u32 v27, v55;
	[tilespmem:v0+s21+$0x0] =	vst.idx.add.f32.msk $0xffff, v6  }
0x233: {  	v28 =	vmul.f32 v15, v52;
	[tilespmem:v1+s21+$0x0] =	vst.idx.add.f32.msk $0xffff, v9  }
0x234: {  	v31 =	vmul.f32 v17, v52;
	[tilespmem:v63+s21+$0x0] =	vst.idx.add.f32.msk $0xffff, v11  }
0x235: {  	v44 =	vmul.f32 v19, v52;
	[tilespmem:v3+s21+$0x0] =	vst.idx.add.f32.msk $0xffff, v28  }
0x236: {  	[tilespmem:v10+s21+$0x0] =	vst.idx.add.f32.msk $0xffff, v31  }
0x237: {  	[tilespmem:v18+s21+$0x0] =	vst.idx.add.f32.msk $0xffff, v44  }
0x238: {  	v0 =	vld [tilespmem:s5+$0x400]  }
0x239: {  	v1 =	vld [tilespmem:s5+$0x410]  }
0x23a: {  	v2 =	vld [tilespmem:s5+$0x420]  }
0x23b: {  	v3 =	vld [tilespmem:s5+$0x430]  }
0x23c: {  	v4 =	vld [tilespmem:s5+$0x440]  }
0x23d: {  	v5 =	vld [tilespmem:s5+$0x450]  }
0x23e: {  	v6 =	vld [tilespmem:s5+$0x460]  }
0x23f: {  	v7 =	vld [tilespmem:s5+$0x470]  }
0x240: {  	v8 =	vld [tilespmem:s5+$0x800]  }
0x241: {  	v9 =	vld [tilespmem:s5+$0x810]  }
0x242: {  	v10 =	vld [tilespmem:s5+$0x820]  }
0x243: {  	v11 =	vld [tilespmem:s5+$0x830]  }
0x244: {  	v12 =	vld [tilespmem:s5+$0x840]  }
0x245: {  	v13 =	vld [tilespmem:s5+$0x850]  }
0x246: {  	v14 =	vld [tilespmem:s5+$0x860]  }
0x247: {  	v15 =	vld [tilespmem:s5+$0x870]  }
0x248: {  	v16 =	vld [tilespmem:s5+$0xC00]  }
0x249: {  	v17 =	vld [tilespmem:s5+$0xC10]  }
0x24a: {  	v18 =	vld [tilespmem:s5+$0xC20]  }
0x24b: {  	v20 =	vor.u32 v29, v55;
	v19 =	vld [tilespmem:s5+$0xC30]  }
0x24c: {  	v56 =	vld [tilespmem:s5+$0xC40]  }
0x24d: {  	v58 =	vld [tilespmem:s5+$0xC50]  }
0x24e: {  	v60 =	vld [tilespmem:s5+$0xC60];
	v0 =	vmul.f32 v0, v53  }
0x24f: {  	v62 =	vld [tilespmem:s5+$0xC70]  }
0x250: {  	[tilespmem:v20+s21+$0x0] =	vst.idx.add.f32.msk $0xffff, v0  }
0x251: {  	v47 =	vor.u32 v45, v55;
	v20 =	vld [tilespmem:$0x1FF90]  }
0x252: {  	v24 =	vld [tilespmem:$0x1FFC0];
	v49 =	vor.u32 v26, v55  }
0x253: {  	v30 =	vmov v22;
	v22 =	vld [tilespmem:$0x1FD80]  }
0x254: {  	v21 =	vld [tilespmem:$0x1FEC0];
	v28 =	vor.u32 v51, v55;
	v1 =	vmul.f32 v1, v53;
	v29 =	vmul.f32 v2, v53  }
0x255: {  	v57 =	vmul.f32 v6, v53;
	v6 =	vor.u32 v59, v55;
	v59 =	vmul.f32 v17, v53;
	v17 =	vld [tilespmem:$0x1FF60]  }
0x256: {  	v44 =	vmul.f32 v3, v53;
	[tilespmem:v47+s21+$0x0] =	vst.idx.add.f32.msk $0xffff, v1;
	v31 =	vor.u32 v20, v55  }
0x257: {  	v47 =	vmul.f32 v4, v53;
	[tilespmem:v49+s21+$0x0] =	vst.idx.add.f32.msk $0xffff, v29  }
0x258: {  	v45 =	vor.u32 v22, v55;
	[tilespmem:v61+s21+$0x0] =	vst.idx.add.f32.msk $0xffff, v44  }
0x259: {  	v49 =	vor.u32 v50, v55;
	v50 =	vmul.f32 v5, v53;
	[tilespmem:v28+s21+$0x0] =	vst.idx.add.f32.msk $0xffff, v47  }
0x25a: {  	v28 =	vor.u32 v35, v55;
	v35 =	vmul.f32 v11, v53;
	v11 =	vld [tilespmem:$0x1FF80]  }
0x25b: {  	v51 =	vor.u32 v33, v55;
	[tilespmem:v31+s21+$0x0] =	vst.idx.add.f32.msk $0xffff, v50  }
0x25c: {  	v61 =	vmul.f32 v7, v53;
	v50 =	vor.u32 v42, v55;
	v42 =	vld [tilespmem:$0x1FF20]  }
0x25d: {  	[tilespmem:v45+s21+$0x0] =	vst.idx.add.f32.msk $0xffff, v57  }
0x25e: {  	v63 =	vor.u32 v34, v55;
	v8 =	vmul.f32 v8, v53;
	[tilespmem:v49+s21+$0x0] =	vst.idx.add.f32.msk $0xffff, v61  }
0x25f: {  	v61 =	vld [tilespmem:$0x1FE60]  }
0x260: {  	v29 =	vmul.f32 v9, v53;
	v31 =	vor.u32 v36, v55;
	[tilespmem:v51+s21+$0x0] =	vst.idx.add.f32.msk $0xffff, v8  }
0x261: {  	v34 =	vor.u32 v37, v55;
	v33 =	vmul.f32 v10, v53;
	v8 =	vld [tilespmem:$0x1FF70]  }
0x262: {  	[tilespmem:v6+s21+$0x0] =	vst.idx.add.f32.msk $0xffff, v29  }
0x263: {  	v37 =	vmul.f32 v12, v53;
	v36 =	vor.u32 v38, v55;
	[tilespmem:v63+s21+$0x0] =	vst.idx.add.f32.msk $0xffff, v33  }
0x264: {  	v38 =	vor.u32 v39, v55;
	v39 =	vmul.f32 v13, v53;
	[tilespmem:v28+s21+$0x0] =	vst.idx.add.f32.msk $0xffff, v35  }
0x265: {  	v44 =	vor.u32 v40, v55;
	[tilespmem:v31+s21+$0x0] =	vst.idx.add.f32.msk $0xffff, v37  }
0x266: {  	v47 =	vor.u32 v41, v55;
	v45 =	vmul.f32 v14, v53;
	[tilespmem:v34+s21+$0x0] =	vst.idx.add.f32.msk $0xffff, v39  }
0x267: {  	v49 =	vmul.f32 v15, v53;
	v39 =	vld [tilespmem:$0x1FF00]  }
0x268: {  	v57 =	vor.u32 v43, v55;
	v51 =	vmul.f32 v16, v53;
	[tilespmem:v36+s21+$0x0] =	vst.idx.add.f32.msk $0xffff, v45  }
0x269: {  	v2 =	vor.u32 v61, v55;
	[tilespmem:v38+s21+$0x0] =	vst.idx.add.f32.msk $0xffff, v49  }
0x26a: {  	v63 =	vmul.f32 v18, v53;
	v9 =	vor.u32 v8, v55;
	[tilespmem:v44+s21+$0x0] =	vst.idx.add.f32.msk $0xffff, v51  }
0x26b: {  	v10 =	vmul.f32 v19, v53;
	v28 =	vor.u32 v11, v55;
	[tilespmem:v47+s21+$0x0] =	vst.idx.add.f32.msk $0xffff, v59  }
0x26c: {  	v30 =	vor.u32 v30, v55;
	v29 =	vmul.f32 v56, v53;
	[tilespmem:v50+s21+$0x0] =	vst.idx.add.f32.msk $0xffff, v63  }
0x26d: {  	v31 =	vmul.f32 v58, v53;
	[tilespmem:v57+s21+$0x0] =	vst.idx.add.f32.msk $0xffff, v10  }
0x26e: {  	v33 =	vmul.f32 v60, v53;
	[tilespmem:v2+s21+$0x0] =	vst.idx.add.f32.msk $0xffff, v29  }
0x26f: {  	v34 =	vmul.f32 v62, v53;
	[tilespmem:v9+s21+$0x0] =	vst.idx.add.f32.msk $0xffff, v31  }
0x270: {  	[tilespmem:v28+s21+$0x0] =	vst.idx.add.f32.msk $0xffff, v33  }
0x271: {  	[tilespmem:v30+s21+$0x0] =	vst.idx.add.f32.msk $0xffff, v34  }
0x272: {  	v0 =	vld [tilespmem:s5+$0x40]  }
0x273: {  	v1 =	vld [tilespmem:s5+$0x50]  }
0x274: {  	v2 =	vld [tilespmem:s5+$0x60]  }
0x275: {  	v3 =	vld [tilespmem:s5+$0x70]  }
0x276: {  	v4 =	vld [tilespmem:s5+$0x400]  }
0x277: {  	v5 =	vld [tilespmem:s5+$0x410]  }
0x278: {  	v6 =	vld [tilespmem:s5+$0x420]  }
0x279: {  	v35 =	vor.u32 v17, v55;
	v7 =	vld [tilespmem:s5+$0x430]  }
0x27a: {  	v37 =	vor.u32 v48, v55;
	v36 =	vld [tilespmem:s5+$0x440]  }
0x27b: {  	v12 =	vor.u32 v32, v55;
	v38 =	vld [tilespmem:s5+$0x450]  }
0x27c: {  	v13 =	vld [tilespmem:s5+$0x460];
	v0 =	vmul.f32 v0, v54  }
0x27d: {  	v14 =	vor.u32 v46, v55;
	v15 =	vld [tilespmem:s5+$0x470];
	v1 =	vmul.f32 v1, v54  }
0x27e: {  	v40 =	vmul.f32 v2, v54;
	[tilespmem:v35+s21+$0x0] =	vst.idx.add.f32.msk $0xffff, v0  }
0x27f: {  	v16 =	vor.u32 v21, v55;
	[tilespmem:v37+s21+$0x0] =	vst.idx.add.f32.msk $0xffff, v1  }
0x280: {  	v43 =	vmul.f32 v3, v54;
	[tilespmem:v12+s21+$0x0] =	vst.idx.add.f32.msk $0xffff, v40  }
0x281: {  	v12 =	vld [tilespmem:$0x1FF30]  }
0x282: {  	v45 =	vmul.f32 v4, v54;
	[tilespmem:v14+s21+$0x0] =	vst.idx.add.f32.msk $0xffff, v43  }
0x283: {  	v14 =	vld [tilespmem:$0x1FF40]  }
0x284: {  	[tilespmem:v16+s21+$0x0] =	vst.idx.add.f32.msk $0xffff, v45  }
0x285: {  	v16 =	vld [tilespmem:$0x1FF50]  }
0x286: {  	v56 =	vld [tilespmem:$0x1FEF0];
	v41 =	vor.u32 v39, v55  }
0x287: {  	v44 =	vor.u32 v42, v55;
	v59 =	vld [tilespmem:$0x1FF10]  }
0x288: {  	v23 =	vld [tilespmem:$0x1FFE0];
	v46 =	vor.u32 v12, v55  }
0x289: {  	v47 =	vmul.f32 v5, v54;
	v62 =	vmul.f32 v13, v54;
	v13 =	vld [tilespmem:$0x1FFA0];
	v48 =	vor.u32 v14, v55  }
0x28a: {  	v49 =	vmul.f32 v6, v54;
	v63 =	vmul.f32 v15, v54;
	v15 =	vld [tilespmem:$0x1FFB0];
	v50 =	vor.u32 v16, v55  }
0x28b: {  	v57 =	vor.u32 v56, v55;
	v51 =	vmul.f32 v7, v54;
	[tilespmem:v41+s21+$0x0] =	vst.idx.add.f32.msk $0xffff, v47  }
0x28c: {  	p2 =	por p1, p1;
	v60 =	vor.u32 v59, v55;
	v58 =	vmul.f32 v36, v54;
	[tilespmem:v44+s21+$0x0] =	vst.idx.add.f32.msk $0xffff, v49  }
.Ltmp0:
0x28d: {  	v61 =	vmul.f32 v38, v54;
	[tilespmem:v46+s21+$0x0] =	vst.idx.add.f32.msk $0xffff, v51;
	(pc) =	sbr.rel @p2 .LBB2_3-.Ltmp0, $4  }
0x28e: {  	[tilespmem:v48+s21+$0x0] =	vst.idx.add.f32.msk $0xffff, v58  }
0x28f: {  	[tilespmem:v50+s21+$0x0] =	vst.idx.add.f32.msk $0xffff, v61  }
0x290: {  	[tilespmem:v57+s21+$0x0] =	vst.idx.add.f32.msk $0xffff, v62  }
0x291: {  	p1 =	por $0x0, $0x0;
	s11 =	simm.s32 $0x4;
	[tilespmem:v60+s21+$0x0] =	vst.idx.add.f32.msk $0xffff, v63  }
0x292: {  	s5 =	sor.u32 s9, s14  }
0x293: {  	s5 =	sshrl.u32 s5, $0x3  }
0x294: {  	s11 =	sadd.s32 s3, s5  }
0x295: {  	[hbm4b:s11+s4] =	stream.linear.scatter [tilespmem:s4], [sflag:$0x9], $0x1000, $0x38;
	[tilespmem:$0x10080] =	vst v63  }
0x296: {  	s5 =	sadd.s32 s5, s15  }
0x297: {  	[hbm4b:s5+s4] =	stream.linear.scatter [tilespmem:s21], [sflag:$0xD], $0x3000, $0x38;
	[tilespmem:$0x10080] =	vst v63  }
0x298: {  	s5 =	simm.s32 @!p0 $0xC  }
0x299: {  	_ =	swait.ge @!p0 [sflag:s5], $0x1000  }
0x29a: {  	[sflag:s5] =	ssyncset.done @!p0 $0x0  }
0x29b: {  	[sflag:s5] =	ssyncadd.s32 @!p0 $0xFFFFF000;
	s5 =	simm.s32 @!p0 $0x10  }
0x29c: {  	_ =	swait.ge @!p0 [sflag:s5], $0x3000  }
0x29d: {  	s12 =	rddreg [dreg:$0xa]  }
0x29e: {  	[sflag:s5] =	ssyncset.done @!p0 $0x0;
	s11 =	sadd.s32 s12, s9  }
0x29f: {  	[sflag:s5] =	ssyncadd.s32 @!p0 $0xFFFFD000;
	s11 =	sshrl.u32 s11, $0x3  }
0x2a0: {  	s5 =	simm.s32 $0x0;
	s12 =	sadd.s32 s2, s11;
	s22 =	sor.u32 $0x200, s11  }
0x2a1: {  	[tilespmem:s29], [sflag:$0x4] =	stream.linear.gather [hbm4b:s12+s5], $0x1000, $0x38;
	[tilespmem:$0x10080] =	vst v63  }
0x2a2: {  	s13 =	sadd.s32 s2, s22  }
0x2a3: {  	[tilespmem:s30], [sflag:$0x8] =	stream.linear.gather [hbm4b:s13+s5], $0x3000, $0x38;
	[tilespmem:$0x10080] =	vst v63  }
0x2a4: {  	_ =	swait.ge [sflag:s31], $0x1000  }
0x2a5: {  	[sflag:s31] =	ssyncset.done $0x0  }
0x2a6: {  	[sflag:s31] =	ssyncadd.s32 $0xFFFFF000  }
0x2a7: {  	_ =	swait.ge [sflag:s0], $0x3000  }
0x2a8: {  	[sflag:s0] =	ssyncset.done $0x0  }
0x2a9: {  	p0 =	por $0x1, $0x1;
	[sflag:s0] =	ssyncadd.s32 $0xFFFFD000  }
.LBB2_5:
0x2aa: {  	v49 =	vld [tilespmem:$0x1FED0]  }
0x2ab: {  	v20 =	vld [tilespmem:$0x1FFE0]  }
0x2ac: {  	v29 =	vld [tilespmem:$0x1FEE0]  }
0x2ad: {  	v22 =	vld [tilespmem:$0x1FFF0]  }
0x2ae: {  	v21 =	vld [tilespmem:$0x1FCC0]  }
0x2af: {  	s12 =	sshll.u32 s5, $0x7;
	v40 =	vld [tilespmem:$0x1FCD0]  }
0x2b0: {  	v31 =	vld [tilespmem:$0x1FD00];
	s12 =	sand.u32 $0x3FFFFF80, s12  }
0x2b1: {  	v0 =	vld [tilespmem:s12+$0x1800]  }
0x2b2: {  	v1 =	vld [tilespmem:s12+$0x1810]  }
0x2b3: {  	v2 =	vld [tilespmem:s12+$0x1820]  }
0x2b4: {  	v3 =	vld [tilespmem:s12+$0x1830]  }
0x2b5: {  	v4 =	vld [tilespmem:s12+$0x1840]  }
0x2b6: {  	v5 =	vld [tilespmem:s12+$0x1850]  }
0x2b7: {  	v7 =	vld [tilespmem:s12+$0x1860]  }
0x2b8: {  	v8 =	vld [tilespmem:s12+$0x1870]  }
0x2b9: {  	v6 =	vmov s5;
	v9 =	vld [tilespmem:s12+$0x1C00]  }
0x2ba: {  	v6 =	vshll.u32 v6, $0x7;
	v10 =	vld [tilespmem:s12+$0x1C10]  }
0x2bb: {  	v6 =	vand.u32 $0x200, v6;
	v56 =	vld [tilespmem:s12+$0x1C20]  }
0x2bc: {  	v11 =	vld [tilespmem:s12+$0x1C30];
	v55 =	vbroadcast v6, $0x0  }
0x2bd: {  	v17 =	vld [tilespmem:s12+$0x1C60]  }
0x2be: {  	v19 =	vld [tilespmem:s12+$0x1C70];
	v12 =	vor.u32 v13, v55  }
0x2bf: {  	v13 =	vld [tilespmem:s12+$0x1C40];
	v14 =	vor.u32 v15, v55  }
0x2c0: {  	v15 =	vld [tilespmem:s12+$0x1C50];
	v16 =	vor.u32 v24, v55  }
0x2c1: {  	v18 =	vor.u32 v49, v55;
	v24 =	vld [tilespmem:$0x1FCE0];
	v0 =	vmul.f32 v0, v52  }
0x2c2: {  	v20 =	vor.u32 v20, v55;
	v59 =	vor.u32 v25, v55;
	v25 =	vld [tilespmem:$0x1FCF0];
	v1 =	vmul.f32 v1, v52  }
0x2c3: {  	v57 =	vor.u32 v29, v55;
	v2 =	vmul.f32 v2, v52;
	[tilespmem:v12+s23+$0x0] =	vst.idx.add.f32.msk $0xffff, v0  }
0x2c4: {  	v58 =	vor.u32 v22, v55;
	v3 =	vmul.f32 v3, v52;
	[tilespmem:v14+s23+$0x0] =	vst.idx.add.f32.msk $0xffff, v1  }
0x2c5: {  	v4 =	vmul.f32 v4, v52;
	[tilespmem:v16+s23+$0x0] =	vst.idx.add.f32.msk $0xffff, v2  }
0x2c6: {  	v60 =	vor.u32 v21, v55;
	v5 =	vmul.f32 v5, v52;
	[tilespmem:v18+s23+$0x0] =	vst.idx.add.f32.msk $0xffff, v3  }
0x2c7: {  	v7 =	vmul.f32 v7, v52;
	[tilespmem:v20+s23+$0x0] =	vst.idx.add.f32.msk $0xffff, v4  }
0x2c8: {  	v61 =	vor.u32 v40, v55;
	v8 =	vmul.f32 v8, v52;
	[tilespmem:v57+s23+$0x0] =	vst.idx.add.f32.msk $0xffff, v5  }
0x2c9: {  	v63 =	vmul.f32 v9, v52;
	[tilespmem:v58+s23+$0x0] =	vst.idx.add.f32.msk $0xffff, v7  }
0x2ca: {  	[tilespmem:v59+s23+$0x0] =	vst.idx.add.f32.msk $0xffff, v8  }
0x2cb: {  	v18 =	vmul.f32 v10, v52;
	[tilespmem:v60+s23+$0x0] =	vst.idx.add.f32.msk $0xffff, v63  }
0x2cc: {  	v35 =	vld [tilespmem:$0x1FD10]  }
0x2cd: {  	[tilespmem:v61+s23+$0x0] =	vst.idx.add.f32.msk $0xffff, v18  }
0x2ce: {  	v38 =	vld [tilespmem:$0x1FD20]  }
0x2cf: {  	v33 =	vld [tilespmem:$0x1FD30]  }
0x2d0: {  	v50 =	vld [tilespmem:$0x1FE70]  }
0x2d1: {  	v26 =	vld [tilespmem:$0x1FD50]  }
0x2d2: {  	v62 =	vor.u32 v24, v55;
	v51 =	vld [tilespmem:$0x1FF90]  }
0x2d3: {  	v9 =	vor.u32 v25, v55;
	v27 =	vld [tilespmem:$0x1FDA0]  }
0x2d4: {  	v20 =	vor.u32 v31, v55;
	v45 =	vld [tilespmem:$0x1FDB0]  }
0x2d5: {  	v6 =	vmul.f32 v56, v52;
	v44 =	vld [tilespmem:$0x1FDC0]  }
0x2d6: {  	v28 =	vmul.f32 v11, v52;
	v42 =	vld [tilespmem:$0x1FDF0]  }
0x2d7: {  	v32 =	vmul.f32 v13, v52;
	[tilespmem:v62+s23+$0x0] =	vst.idx.add.f32.msk $0xffff, v6  }
0x2d8: {  	[tilespmem:v9+s23+$0x0] =	vst.idx.add.f32.msk $0xffff, v28  }
0x2d9: {  	[tilespmem:v20+s23+$0x0] =	vst.idx.add.f32.msk $0xffff, v32;
	v23 =	vor.u32 v35, v55  }
0x2da: {  	v32 =	vld [tilespmem:$0x1FD40]  }
0x2db: {  	v59 =	vor.u32 v26, v55;
	v26 =	vld [tilespmem:$0x1FD70]  }
0x2dc: {  	v34 =	vmul.f32 v15, v52;
	v30 =	vor.u32 v38, v55;
	v0 =	vor.u32 v33, v55;
	v33 =	vld [tilespmem:$0x1FD60]  }
0x2dd: {  	v20 =	vor.u32 v50, v55;
	v50 =	vld [tilespmem:$0x1FE60]  }
0x2de: {  	[tilespmem:v23+s23+$0x0] =	vst.idx.add.f32.msk $0xffff, v34  }
0x2df: {  	v36 =	vmul.f32 v17, v52;
	v34 =	vld [tilespmem:$0x1FD90]  }
0x2e0: {  	v37 =	vmul.f32 v19, v52;
	v63 =	vor.u32 v26, v55;
	v26 =	vld [tilespmem:$0x1FE10]  }
0x2e1: {  	[tilespmem:v30+s23+$0x0] =	vst.idx.add.f32.msk $0xffff, v36  }
0x2e2: {  	[tilespmem:v0+s23+$0x0] =	vst.idx.add.f32.msk $0xffff, v37  }
0x2e3: {  	v0 =	vld [tilespmem:s12+$0x1400]  }
0x2e4: {  	v1 =	vld [tilespmem:s12+$0x1410]  }
0x2e5: {  	v2 =	vld [tilespmem:s12+$0x1420]  }
0x2e6: {  	v3 =	vld [tilespmem:s12+$0x1430]  }
0x2e7: {  	v4 =	vld [tilespmem:s12+$0x1440]  }
0x2e8: {  	v5 =	vld [tilespmem:s12+$0x1450]  }
0x2e9: {  	v6 =	vld [tilespmem:s12+$0x1460]  }
0x2ea: {  	v7 =	vld [tilespmem:s12+$0x1470]  }
0x2eb: {  	v39 =	vld [tilespmem:s12+$0x1800]  }
0x2ec: {  	v48 =	vld [tilespmem:s12+$0x1810]  }
0x2ed: {  	v41 =	vld [tilespmem:s12+$0x1820]  }
0x2ee: {  	v11 =	vld [tilespmem:s12+$0x1830]  }
0x2ef: {  	v12 =	vld [tilespmem:s12+$0x1840]  }
0x2f0: {  	v13 =	vld [tilespmem:s12+$0x1850]  }
0x2f1: {  	v14 =	vld [tilespmem:s12+$0x1860]  }
0x2f2: {  	v15 =	vld [tilespmem:s12+$0x1870]  }
0x2f3: {  	v16 =	vld [tilespmem:s12+$0x1C00]  }
0x2f4: {  	v17 =	vld [tilespmem:s12+$0x1C10]  }
0x2f5: {  	v18 =	vld [tilespmem:s12+$0x1C20]  }
0x2f6: {  	v19 =	vld [tilespmem:s12+$0x1C30]  }
0x2f7: {  	v57 =	vor.u32 v32, v55;
	v56 =	vld [tilespmem:s12+$0x1C40]  }
0x2f8: {  	v58 =	vld [tilespmem:s12+$0x1C50]  }
0x2f9: {  	v60 =	vld [tilespmem:s12+$0x1C60];
	v0 =	vmul.f32 v0, v53  }
0x2fa: {  	v62 =	vld [tilespmem:s12+$0x1C70];
	v1 =	vmul.f32 v1, v53  }
0x2fb: {  	[tilespmem:v20+s23+$0x0] =	vst.idx.add.f32.msk $0xffff, v0  }
0x2fc: {  	[tilespmem:v57+s23+$0x0] =	vst.idx.add.f32.msk $0xffff, v1  }
0x2fd: {  	v57 =	vld [tilespmem:$0x1FD80]  }
0x2fe: {  	v36 =	vld [tilespmem:$0x1FE00]  }
0x2ff: {  	v61 =	vor.u32 v33, v55;
	v37 =	vld [tilespmem:$0x1FDD0]  }
0x300: {  	v2 =	vmul.f32 v2, v53;
	v46 =	vmul.f32 v48, v53;
	v48 =	vld [tilespmem:$0x1FDE0]  }
0x301: {  	v3 =	vmul.f32 v3, v53;
	v28 =	vmul.f32 v39, v53;
	v39 =	vld [tilespmem:$0x1FE40];
	v0 =	vor.u32 v51, v55  }
0x302: {  	v51 =	vmul.f32 v41, v53;
	v41 =	vmul.f32 v60, v53;
	v60 =	vld [tilespmem:$0x1FF20];
	v1 =	vor.u32 v57, v55  }
0x303: {  	v4 =	vmul.f32 v4, v53;
	[tilespmem:v59+s23+$0x0] =	vst.idx.add.f32.msk $0xffff, v2;
	v59 =	vor.u32 v34, v55  }
0x304: {  	v5 =	vmul.f32 v5, v53;
	[tilespmem:v61+s23+$0x0] =	vst.idx.add.f32.msk $0xffff, v3;
	v61 =	vor.u32 v27, v55  }
0x305: {  	v6 =	vmul.f32 v6, v53;
	v20 =	vor.u32 v45, v55;
	[tilespmem:v63+s23+$0x0] =	vst.idx.add.f32.msk $0xffff, v4  }
0x306: {  	v7 =	vmul.f32 v7, v53;
	[tilespmem:v0+s23+$0x0] =	vst.idx.add.f32.msk $0xffff, v5  }
0x307: {  	v23 =	vor.u32 v44, v55;
	[tilespmem:v1+s23+$0x0] =	vst.idx.add.f32.msk $0xffff, v6  }
0x308: {  	[tilespmem:v59+s23+$0x0] =	vst.idx.add.f32.msk $0xffff, v7  }
0x309: {  	v30 =	vor.u32 v37, v55;
	[tilespmem:v61+s23+$0x0] =	vst.idx.add.f32.msk $0xffff, v28  }
0x30a: {  	[tilespmem:v20+s23+$0x0] =	vst.idx.add.f32.msk $0xffff, v46  }
0x30b: {  	v47 =	vor.u32 v48, v55;
	v46 =	vld [tilespmem:$0x1FE50]  }
0x30c: {  	v59 =	vmul.f32 v11, v53;
	[tilespmem:v23+s23+$0x0] =	vst.idx.add.f32.msk $0xffff, v51  }
0x30d: {  	v57 =	vor.u32 v42, v55;
	v51 =	vld [tilespmem:$0x1FE20]  }
0x30e: {  	v63 =	vmul.f32 v12, v53;
	[tilespmem:v30+s23+$0x0] =	vst.idx.add.f32.msk $0xffff, v59  }
0x30f: {  	v30 =	vld [tilespmem:$0x1FE30]  }
0x310: {  	v10 =	vmul.f32 v13, v53;
	v61 =	vor.u32 v36, v55;
	[tilespmem:v47+s23+$0x0] =	vst.idx.add.f32.msk $0xffff, v63  }
0x311: {  	v9 =	vor.u32 v26, v55;
	v47 =	vld [tilespmem:$0x1FF60]  }
0x312: {  	[tilespmem:v57+s23+$0x0] =	vst.idx.add.f32.msk $0xffff, v10  }
0x313: {  	v20 =	vmul.f32 v14, v53;
	v10 =	vld [tilespmem:$0x1FF70]  }
0x314: {  	v28 =	vmul.f32 v15, v53;
	v57 =	vmul.f32 v16, v53;
	v16 =	vld [tilespmem:$0x1FEC0];
	v11 =	vor.u32 v51, v55  }
0x315: {  	[tilespmem:v61+s23+$0x0] =	vst.idx.add.f32.msk $0xffff, v20;
	v23 =	vor.u32 v30, v55  }
0x316: {  	[tilespmem:v9+s23+$0x0] =	vst.idx.add.f32.msk $0xffff, v28  }
0x317: {  	v9 =	vmul.f32 v18, v53;
	v18 =	vld [tilespmem:$0x1FF80]  }
0x318: {  	v43 =	vor.u32 v39, v55;
	v61 =	vmul.f32 v17, v53;
	v1 =	vor.u32 v10, v55;
	v10 =	vld [tilespmem:$0x1FF10]  }
0x319: {  	[tilespmem:v11+s23+$0x0] =	vst.idx.add.f32.msk $0xffff, v57  }
0x31a: {  	v59 =	vor.u32 v46, v55;
	[tilespmem:v23+s23+$0x0] =	vst.idx.add.f32.msk $0xffff, v61  }
0x31b: {  	v23 =	vld [tilespmem:$0x1FE80]  }
0x31c: {  	v63 =	vor.u32 v50, v55;
	v61 =	vld [tilespmem:$0x1FF30]  }
0x31d: {  	v11 =	vmul.f32 v19, v53;
	[tilespmem:v43+s23+$0x0] =	vst.idx.add.f32.msk $0xffff, v9  }
0x31e: {  	v43 =	vmul.f32 v62, v53;
	v62 =	vld [tilespmem:$0x1FF40]  }
0x31f: {  	v19 =	vmul.f32 v56, v53;
	[tilespmem:v59+s23+$0x0] =	vst.idx.add.f32.msk $0xffff, v11  }
0x320: {  	v2 =	vor.u32 v18, v55;
	v59 =	vld [tilespmem:$0x1FF00]  }
0x321: {  	v28 =	vmul.f32 v58, v53;
	[tilespmem:v63+s23+$0x0] =	vst.idx.add.f32.msk $0xffff, v19  }
0x322: {  	v63 =	vld [tilespmem:$0x1FF50];
	v20 =	vor.u32 v23, v55  }
0x323: {  	[tilespmem:v1+s23+$0x0] =	vst.idx.add.f32.msk $0xffff, v28  }
0x324: {  	v28 =	vld [tilespmem:$0x1FE90]  }
0x325: {  	[tilespmem:v2+s23+$0x0] =	vst.idx.add.f32.msk $0xffff, v41  }
0x326: {  	v41 =	vld [tilespmem:$0x1FEA0]  }
0x327: {  	[tilespmem:v20+s23+$0x0] =	vst.idx.add.f32.msk $0xffff, v43  }
0x328: {  	v0 =	vld [tilespmem:s12+$0x1040]  }
0x329: {  	v1 =	vld [tilespmem:s12+$0x1050]  }
0x32a: {  	v2 =	vld [tilespmem:s12+$0x1060]  }
0x32b: {  	v3 =	vld [tilespmem:s12+$0x1070]  }
0x32c: {  	v4 =	vld [tilespmem:s12+$0x1400]  }
0x32d: {  	v5 =	vld [tilespmem:s12+$0x1410]  }
0x32e: {  	v6 =	vld [tilespmem:s12+$0x1420]  }
0x32f: {  	v7 =	vld [tilespmem:s12+$0x1430]  }
0x330: {  	v56 =	vld [tilespmem:s12+$0x1440]  }
0x331: {  	v58 =	vld [tilespmem:s12+$0x1450]  }
0x332: {  	s13 =	sor.u32 $0x1, s5;
	v13 =	vld [tilespmem:s12+$0x1460]  }
0x333: {  	v15 =	vld [tilespmem:s12+$0x1470];
	s12 =	sshll.u32 s13, $0x7  }
0x334: {  	v43 =	vld [tilespmem:$0x1FEB0];
	s12 =	sand.u32 $0x3FFFFF80, s12  }
0x335: {  	v8 =	vor.u32 v47, v55;
	v47 =	vld [tilespmem:s12+$0x1800]  }
0x336: {  	v11 =	vld [tilespmem:s12+$0x1C30]  }
0x337: {  	v17 =	vld [tilespmem:s12+$0x1C60]  }
0x338: {  	v18 =	vmul.f32 v58, v54;
	v58 =	vld [tilespmem:s12+$0x1830]  }
0x339: {  	v19 =	vmul.f32 v13, v54;
	v13 =	vld [tilespmem:s12+$0x1C40]  }
0x33a: {  	v57 =	vor.u32 v28, v55;
	v0 =	vmul.f32 v0, v54;
	v20 =	vmul.f32 v15, v54;
	v15 =	vld [tilespmem:s12+$0x1C50]  }
0x33b: {  	v9 =	vmul.f32 v56, v54;
	v56 =	vld [tilespmem:$0x1FFE0]  }
0x33c: {  	v12 =	vor.u32 v41, v55;
	[tilespmem:v8+s23+$0x0] =	vst.idx.add.f32.msk $0xffff, v0  }
0x33d: {  	v1 =	vmul.f32 v1, v54;
	v8 =	vld [tilespmem:$0x1FEF0]  }
0x33e: {  	v0 =	vor.u32 v59, v55;
	v59 =	vld [tilespmem:s12+$0x1840]  }
0x33f: {  	v14 =	vor.u32 v43, v55;
	v2 =	vmul.f32 v2, v54;
	[tilespmem:v57+s23+$0x0] =	vst.idx.add.f32.msk $0xffff, v1  }
0x340: {  	v57 =	vld [tilespmem:s12+$0x1820]  }
0x341: {  	[tilespmem:v12+s23+$0x0] =	vst.idx.add.f32.msk $0xffff, v2  }
0x342: {  	v16 =	vor.u32 v16, v55;
	v3 =	vmul.f32 v3, v54;
	v2 =	vor.u32 v61, v55;
	v61 =	vld [tilespmem:s12+$0x1860]  }
0x343: {  	v12 =	vld [tilespmem:$0x1FFA0]  }
0x344: {  	[tilespmem:v14+s23+$0x0] =	vst.idx.add.f32.msk $0xffff, v3  }
0x345: {  	v4 =	vmul.f32 v4, v54;
	v3 =	vor.u32 v62, v55;
	v62 =	vld [tilespmem:s12+$0x1870]  }
0x346: {  	v1 =	vor.u32 v60, v55;
	v14 =	vld [tilespmem:$0x1FFB0]  }
0x347: {  	[tilespmem:v16+s23+$0x0] =	vst.idx.add.f32.msk $0xffff, v4  }
0x348: {  	v5 =	vmul.f32 v5, v54;
	v4 =	vor.u32 v63, v55;
	v63 =	vld [tilespmem:s12+$0x1C00]  }
0x349: {  	v6 =	vmul.f32 v6, v54;
	v16 =	vld [tilespmem:$0x1FFC0]  }
0x34a: {  	v7 =	vmul.f32 v7, v54;
	[tilespmem:v0+s23+$0x0] =	vst.idx.add.f32.msk $0xffff, v5;
	v0 =	vor.u32 v8, v55  }
0x34b: {  	[tilespmem:v1+s23+$0x0] =	vst.idx.add.f32.msk $0xffff, v6;
	v1 =	vor.u32 v10, v55  }
0x34c: {  	[tilespmem:v2+s23+$0x0] =	vst.idx.add.f32.msk $0xffff, v7  }
0x34d: {  	v60 =	vmov s13;
	[tilespmem:v3+s23+$0x0] =	vst.idx.add.f32.msk $0xffff, v9  }
0x34e: {  	v6 =	vshll.u32 v60, $0x7;
	[tilespmem:v4+s23+$0x0] =	vst.idx.add.f32.msk $0xffff, v18  }
0x34f: {  	v6 =	vand.u32 $0x280, v6;
	[tilespmem:v0+s23+$0x0] =	vst.idx.add.f32.msk $0xffff, v19  }
0x350: {  	v55 =	vbroadcast v6, $0x0;
	[tilespmem:v1+s23+$0x0] =	vst.idx.add.f32.msk $0xffff, v20  }
0x351: {  	v1 =	vld [tilespmem:s12+$0x1810]  }
0x352: {  	v5 =	vld [tilespmem:s12+$0x1850];
	v12 =	vor.u32 v12, v55  }
0x353: {  	v10 =	vld [tilespmem:s12+$0x1C10];
	v14 =	vor.u32 v14, v55  }
0x354: {  	v6 =	vld [tilespmem:s12+$0x1C20];
	v16 =	vor.u32 v16, v55  }
0x355: {  	v4 =	vmul.f32 v59, v52;
	v59 =	vld [tilespmem:$0x1FFD0];
	v0 =	vmul.f32 v47, v52;
	v47 =	vor.u32 v49, v55  }
0x356: {  	v19 =	vld [tilespmem:s12+$0x1C70];
	v20 =	vor.u32 v56, v55;
	v1 =	vmul.f32 v1, v52  }
0x357: {  	v2 =	vmul.f32 v57, v52;
	v57 =	vor.u32 v29, v55;
	[tilespmem:v12+s23+$0x0] =	vst.idx.add.f32.msk $0xffff, v0  }
0x358: {  	v3 =	vmul.f32 v58, v52;
	v58 =	vor.u32 v22, v55;
	[tilespmem:v14+s23+$0x0] =	vst.idx.add.f32.msk $0xffff, v1  }
0x359: {  	[tilespmem:v16+s23+$0x0] =	vst.idx.add.f32.msk $0xffff, v2  }
0x35a: {  	v5 =	vmul.f32 v5, v52;
	v2 =	vor.u32 v59, v55;
	[tilespmem:v47+s23+$0x0] =	vst.idx.add.f32.msk $0xffff, v3  }
0x35b: {  	v7 =	vmul.f32 v61, v52;
	v60 =	vor.u32 v21, v55;
	[tilespmem:v20+s23+$0x0] =	vst.idx.add.f32.msk $0xffff, v4  }
0x35c: {  	[tilespmem:v57+s23+$0x0] =	vst.idx.add.f32.msk $0xffff, v5  }
0x35d: {  	v8 =	vmul.f32 v62, v52;
	v61 =	vor.u32 v40, v55;
	[tilespmem:v58+s23+$0x0] =	vst.idx.add.f32.msk $0xffff, v7  }
0x35e: {  	v63 =	vmul.f32 v63, v52;
	v62 =	vor.u32 v24, v55;
	v58 =	vld [tilespmem:$0x1FD30]  }
0x35f: {  	[tilespmem:v2+s23+$0x0] =	vst.idx.add.f32.msk $0xffff, v8  }
0x360: {  	v9 =	vor.u32 v25, v55;
	v10 =	vmul.f32 v10, v52;
	[tilespmem:v60+s23+$0x0] =	vst.idx.add.f32.msk $0xffff, v63  }
0x361: {  	v6 =	vmul.f32 v6, v52;
	v63 =	vld [tilespmem:$0x1FD50]  }
0x362: {  	v18 =	vor.u32 v31, v55;
	[tilespmem:v61+s23+$0x0] =	vst.idx.add.f32.msk $0xffff, v10  }
0x363: {  	v47 =	vmul.f32 v11, v52;
	v20 =	vor.u32 v35, v55;
	[tilespmem:v62+s23+$0x0] =	vst.idx.add.f32.msk $0xffff, v6  }
0x364: {  	v56 =	vor.u32 v38, v55;
	v62 =	vld [tilespmem:$0x1FE70]  }
0x365: {  	v57 =	vmul.f32 v13, v52;
	v0 =	vor.u32 v58, v55;
	[tilespmem:v9+s23+$0x0] =	vst.idx.add.f32.msk $0xffff, v47  }
0x366: {  	v59 =	vmul.f32 v15, v52;
	v47 =	vld [tilespmem:$0x1FD70]  }
0x367: {  	v60 =	vmul.f32 v17, v52;
	[tilespmem:v18+s23+$0x0] =	vst.idx.add.f32.msk $0xffff, v57  }
0x368: {  	v61 =	vmul.f32 v19, v52;
	[tilespmem:v20+s23+$0x0] =	vst.idx.add.f32.msk $0xffff, v59  }
0x369: {  	[tilespmem:v56+s23+$0x0] =	vst.idx.add.f32.msk $0xffff, v60  }
0x36a: {  	[tilespmem:v0+s23+$0x0] =	vst.idx.add.f32.msk $0xffff, v61  }
0x36b: {  	v59 =	vor.u32 v63, v55;
	v63 =	vor.u32 v47, v55;
	v47 =	vld [tilespmem:$0x1FF90]  }
0x36c: {  	v0 =	vld [tilespmem:s12+$0x1400]  }
0x36d: {  	v1 =	vld [tilespmem:s12+$0x1410]  }
0x36e: {  	v2 =	vld [tilespmem:s12+$0x1420]  }
0x36f: {  	v3 =	vld [tilespmem:s12+$0x1430]  }
0x370: {  	v4 =	vld [tilespmem:s12+$0x1440]  }
0x371: {  	v5 =	vld [tilespmem:s12+$0x1450]  }
0x372: {  	v6 =	vld [tilespmem:s12+$0x1460]  }
0x373: {  	v7 =	vld [tilespmem:s12+$0x1470]  }
0x374: {  	v8 =	vld [tilespmem:s12+$0x1800]  }
0x375: {  	v9 =	vld [tilespmem:s12+$0x1810]  }
0x376: {  	v10 =	vld [tilespmem:s12+$0x1820]  }
0x377: {  	v11 =	vld [tilespmem:s12+$0x1830]  }
0x378: {  	v12 =	vld [tilespmem:s12+$0x1840]  }
0x379: {  	v13 =	vld [tilespmem:s12+$0x1850]  }
0x37a: {  	v14 =	vld [tilespmem:s12+$0x1860]  }
0x37b: {  	v15 =	vld [tilespmem:s12+$0x1870]  }
0x37c: {  	v16 =	vld [tilespmem:s12+$0x1C00]  }
0x37d: {  	v17 =	vld [tilespmem:s12+$0x1C10]  }
0x37e: {  	v18 =	vld [tilespmem:s12+$0x1C20]  }
0x37f: {  	v20 =	vor.u32 v62, v55;
	v19 =	vld [tilespmem:s12+$0x1C30]  }
0x380: {  	v57 =	vor.u32 v32, v55;
	v56 =	vld [tilespmem:s12+$0x1C40]  }
0x381: {  	v58 =	vld [tilespmem:s12+$0x1C50]  }
0x382: {  	v60 =	vld [tilespmem:s12+$0x1C60];
	v0 =	vmul.f32 v0, v53  }
0x383: {  	v62 =	vld [tilespmem:s12+$0x1C70];
	v1 =	vmul.f32 v1, v53  }
0x384: {  	[tilespmem:v20+s23+$0x0] =	vst.idx.add.f32.msk $0xffff, v0  }
0x385: {  	[tilespmem:v57+s23+$0x0] =	vst.idx.add.f32.msk $0xffff, v1  }
0x386: {  	v57 =	vld [tilespmem:$0x1FD80];
	_ =	sdelay $0x1  }
0x387: {  	v61 =	vor.u32 v33, v55;
	_ =	sdelay $0x1  }
0x388: {  	v2 =	vmul.f32 v2, v53;
	v0 =	vor.u32 v47, v55  }
0x389: {  	v3 =	vmul.f32 v3, v53;
	v1 =	vor.u32 v57, v55  }
0x38a: {  	v4 =	vmul.f32 v4, v53;
	[tilespmem:v59+s23+$0x0] =	vst.idx.add.f32.msk $0xffff, v2;
	v2 =	vor.u32 v34, v55  }
0x38b: {  	v5 =	vmul.f32 v5, v53;
	v20 =	vor.u32 v27, v55;
	[tilespmem:v61+s23+$0x0] =	vst.idx.add.f32.msk $0xffff, v3  }
0x38c: {  	v6 =	vmul.f32 v6, v53;
	v47 =	vor.u32 v45, v55;
	[tilespmem:v63+s23+$0x0] =	vst.idx.add.f32.msk $0xffff, v4  }
0x38d: {  	v7 =	vmul.f32 v7, v53;
	[tilespmem:v0+s23+$0x0] =	vst.idx.add.f32.msk $0xffff, v5;
	v57 =	vor.u32 v44, v55  }
0x38e: {  	v59 =	vmul.f32 v8, v53;
	v61 =	vor.u32 v37, v55;
	[tilespmem:v1+s23+$0x0] =	vst.idx.add.f32.msk $0xffff, v6  }
0x38f: {  	v63 =	vmul.f32 v9, v53;
	[tilespmem:v2+s23+$0x0] =	vst.idx.add.f32.msk $0xffff, v7  }
0x390: {  	v10 =	vmul.f32 v10, v53;
	v9 =	vor.u32 v48, v55;
	[tilespmem:v20+s23+$0x0] =	vst.idx.add.f32.msk $0xffff, v59  }
0x391: {  	v11 =	vmul.f32 v11, v53;
	v3 =	vor.u32 v42, v55;
	[tilespmem:v47+s23+$0x0] =	vst.idx.add.f32.msk $0xffff, v63  }
0x392: {  	v20 =	vor.u32 v36, v55;
	[tilespmem:v57+s23+$0x0] =	vst.idx.add.f32.msk $0xffff, v10  }
0x393: {  	v47 =	vmul.f32 v12, v53;
	[tilespmem:v61+s23+$0x0] =	vst.idx.add.f32.msk $0xffff, v11  }
0x394: {  	v59 =	vmul.f32 v13, v53;
	v57 =	vor.u32 v26, v55;
	v11 =	vmul.f32 v16, v53;
	v16 =	vld [tilespmem:$0x1FEC0]  }
0x395: {  	v63 =	vmul.f32 v14, v53;
	v61 =	vor.u32 v51, v55;
	[tilespmem:v9+s23+$0x0] =	vst.idx.add.f32.msk $0xffff, v47  }
0x396: {  	[tilespmem:v3+s23+$0x0] =	vst.idx.add.f32.msk $0xffff, v59  }
0x397: {  	v10 =	vmul.f32 v15, v53;
	v9 =	vor.u32 v30, v55;
	[tilespmem:v20+s23+$0x0] =	vst.idx.add.f32.msk $0xffff, v63  }
0x398: {  	v63 =	vmul.f32 v19, v53;
	v19 =	vmul.f32 v60, v53;
	v60 =	vld [tilespmem:$0x1FF20]  }
0x399: {  	[tilespmem:v57+s23+$0x0] =	vst.idx.add.f32.msk $0xffff, v10  }
0x39a: {  	v47 =	vmul.f32 v17, v53;
	v3 =	vor.u32 v39, v55;
	[tilespmem:v61+s23+$0x0] =	vst.idx.add.f32.msk $0xffff, v11  }
0x39b: {  	v61 =	vld [tilespmem:$0x1FF70]  }
0x39c: {  	v20 =	vor.u32 v46, v55;
	[tilespmem:v9+s23+$0x0] =	vst.idx.add.f32.msk $0xffff, v47  }
0x39d: {  	v59 =	vmul.f32 v18, v53;
	v9 =	vld [tilespmem:$0x1FF80]  }
0x39e: {  	v47 =	vld [tilespmem:$0x1FF60]  }
0x39f: {  	v57 =	vor.u32 v50, v55;
	[tilespmem:v3+s23+$0x0] =	vst.idx.add.f32.msk $0xffff, v59  }
0x3a0: {  	v59 =	vld [tilespmem:$0x1FF00]  }
0x3a1: {  	[tilespmem:v20+s23+$0x0] =	vst.idx.add.f32.msk $0xffff, v63;
	v1 =	vor.u32 v61, v55  }
0x3a2: {  	v10 =	vmul.f32 v56, v53;
	v20 =	vmul.f32 v62, v53;
	v62 =	vld [tilespmem:$0x1FF40];
	v2 =	vor.u32 v9, v55  }
0x3a3: {  	v11 =	vor.u32 v23, v55;
	v63 =	vld [tilespmem:$0x1FF50]  }
0x3a4: {  	v18 =	vmul.f32 v58, v53;
	[tilespmem:v57+s23+$0x0] =	vst.idx.add.f32.msk $0xffff, v10  }
0x3a5: {  	v10 =	vld [tilespmem:$0x1FF10]  }
0x3a6: {  	[tilespmem:v1+s23+$0x0] =	vst.idx.add.f32.msk $0xffff, v18  }
0x3a7: {  	[tilespmem:v2+s23+$0x0] =	vst.idx.add.f32.msk $0xffff, v19  }
0x3a8: {  	[tilespmem:v11+s23+$0x0] =	vst.idx.add.f32.msk $0xffff, v20  }
0x3a9: {  	v0 =	vld [tilespmem:s12+$0x1040]  }
0x3aa: {  	v1 =	vld [tilespmem:s12+$0x1050]  }
0x3ab: {  	v2 =	vld [tilespmem:s12+$0x1060]  }
0x3ac: {  	v3 =	vld [tilespmem:s12+$0x1070]  }
0x3ad: {  	v4 =	vld [tilespmem:s12+$0x1400]  }
0x3ae: {  	v5 =	vld [tilespmem:s12+$0x1410]  }
0x3af: {  	v6 =	vld [tilespmem:s12+$0x1420]  }
0x3b0: {  	v7 =	vld [tilespmem:s12+$0x1430]  }
0x3b1: {  	v56 =	vld [tilespmem:s12+$0x1440]  }
0x3b2: {  	v58 =	vld [tilespmem:s12+$0x1450]  }
0x3b3: {  	s13 =	sor.u32 $0x2, s5;
	v13 =	vld [tilespmem:s12+$0x1460]  }
0x3b4: {  	v15 =	vld [tilespmem:s12+$0x1470];
	s12 =	sshll.u32 s13, $0x7  }
0x3b5: {  	v61 =	vld [tilespmem:$0x1FF30];
	s12 =	sand.u32 $0x3FFFFF80, s12  }
0x3b6: {  	v8 =	vor.u32 v47, v55;
	v47 =	vld [tilespmem:s12+$0x1800]  }
0x3b7: {  	v11 =	vld [tilespmem:s12+$0x1C30]  }
0x3b8: {  	v17 =	vld [tilespmem:s12+$0x1C60]  }
0x3b9: {  	v18 =	vmul.f32 v58, v54;
	v58 =	vld [tilespmem:s12+$0x1830]  }
0x3ba: {  	v19 =	vmul.f32 v13, v54;
	v13 =	vld [tilespmem:s12+$0x1C40]  }
0x3bb: {  	v57 =	vor.u32 v28, v55;
	v0 =	vmul.f32 v0, v54;
	v20 =	vmul.f32 v15, v54;
	v15 =	vld [tilespmem:s12+$0x1C50]  }
0x3bc: {  	v9 =	vmul.f32 v56, v54;
	v56 =	vld [tilespmem:$0x1FFE0]  }
0x3bd: {  	v12 =	vor.u32 v41, v55;
	[tilespmem:v8+s23+$0x0] =	vst.idx.add.f32.msk $0xffff, v0  }
0x3be: {  	v1 =	vmul.f32 v1, v54;
	v8 =	vld [tilespmem:$0x1FEF0]  }
0x3bf: {  	v0 =	vor.u32 v59, v55;
	v59 =	vld [tilespmem:s12+$0x1840]  }
0x3c0: {  	v14 =	vor.u32 v43, v55;
	v2 =	vmul.f32 v2, v54;
	[tilespmem:v57+s23+$0x0] =	vst.idx.add.f32.msk $0xffff, v1  }
0x3c1: {  	v57 =	vld [tilespmem:s12+$0x1820]  }
0x3c2: {  	[tilespmem:v12+s23+$0x0] =	vst.idx.add.f32.msk $0xffff, v2  }
0x3c3: {  	v16 =	vor.u32 v16, v55;
	v3 =	vmul.f32 v3, v54;
	v2 =	vor.u32 v61, v55;
	v61 =	vld [tilespmem:s12+$0x1860]  }
0x3c4: {  	v12 =	vld [tilespmem:$0x1FFA0]  }
0x3c5: {  	[tilespmem:v14+s23+$0x0] =	vst.idx.add.f32.msk $0xffff, v3  }
0x3c6: {  	v4 =	vmul.f32 v4, v54;
	v3 =	vor.u32 v62, v55;
	v62 =	vld [tilespmem:s12+$0x1870]  }
0x3c7: {  	v1 =	vor.u32 v60, v55;
	v14 =	vld [tilespmem:$0x1FFB0]  }
0x3c8: {  	[tilespmem:v16+s23+$0x0] =	vst.idx.add.f32.msk $0xffff, v4  }
0x3c9: {  	v5 =	vmul.f32 v5, v54;
	v4 =	vor.u32 v63, v55;
	v63 =	vld [tilespmem:s12+$0x1C00]  }
0x3ca: {  	v6 =	vmul.f32 v6, v54;
	v16 =	vld [tilespmem:$0x1FFC0]  }
0x3cb: {  	v7 =	vmul.f32 v7, v54;
	[tilespmem:v0+s23+$0x0] =	vst.idx.add.f32.msk $0xffff, v5;
	v0 =	vor.u32 v8, v55  }
0x3cc: {  	[tilespmem:v1+s23+$0x0] =	vst.idx.add.f32.msk $0xffff, v6;
	v1 =	vor.u32 v10, v55  }
0x3cd: {  	[tilespmem:v2+s23+$0x0] =	vst.idx.add.f32.msk $0xffff, v7  }
0x3ce: {  	v60 =	vmov s13;
	[tilespmem:v3+s23+$0x0] =	vst.idx.add.f32.msk $0xffff, v9  }
0x3cf: {  	v6 =	vshll.u32 v60, $0x7;
	[tilespmem:v4+s23+$0x0] =	vst.idx.add.f32.msk $0xffff, v18  }
0x3d0: {  	v6 =	vand.u32 $0x300, v6;
	[tilespmem:v0+s23+$0x0] =	vst.idx.add.f32.msk $0xffff, v19  }
0x3d1: {  	v55 =	vbroadcast v6, $0x0;
	[tilespmem:v1+s23+$0x0] =	vst.idx.add.f32.msk $0xffff, v20  }
0x3d2: {  	v1 =	vld [tilespmem:s12+$0x1810]  }
0x3d3: {  	v5 =	vld [tilespmem:s12+$0x1850];
	v12 =	vor.u32 v12, v55  }
0x3d4: {  	v10 =	vld [tilespmem:s12+$0x1C10];
	v14 =	vor.u32 v14, v55  }
0x3d5: {  	v6 =	vld [tilespmem:s12+$0x1C20];
	v16 =	vor.u32 v16, v55  }
0x3d6: {  	v4 =	vmul.f32 v59, v52;
	v59 =	vld [tilespmem:$0x1FFD0];
	v0 =	vmul.f32 v47, v52;
	v47 =	vor.u32 v49, v55  }
0x3d7: {  	v19 =	vld [tilespmem:s12+$0x1C70];
	v20 =	vor.u32 v56, v55;
	v1 =	vmul.f32 v1, v52  }
0x3d8: {  	v2 =	vmul.f32 v57, v52;
	v57 =	vor.u32 v29, v55;
	[tilespmem:v12+s23+$0x0] =	vst.idx.add.f32.msk $0xffff, v0  }
0x3d9: {  	v3 =	vmul.f32 v58, v52;
	v58 =	vor.u32 v22, v55;
	[tilespmem:v14+s23+$0x0] =	vst.idx.add.f32.msk $0xffff, v1  }
0x3da: {  	[tilespmem:v16+s23+$0x0] =	vst.idx.add.f32.msk $0xffff, v2  }
0x3db: {  	v5 =	vmul.f32 v5, v52;
	v2 =	vor.u32 v59, v55;
	[tilespmem:v47+s23+$0x0] =	vst.idx.add.f32.msk $0xffff, v3  }
0x3dc: {  	v7 =	vmul.f32 v61, v52;
	v60 =	vor.u32 v21, v55;
	[tilespmem:v20+s23+$0x0] =	vst.idx.add.f32.msk $0xffff, v4  }
0x3dd: {  	[tilespmem:v57+s23+$0x0] =	vst.idx.add.f32.msk $0xffff, v5  }
0x3de: {  	v8 =	vmul.f32 v62, v52;
	v61 =	vor.u32 v40, v55;
	[tilespmem:v58+s23+$0x0] =	vst.idx.add.f32.msk $0xffff, v7  }
0x3df: {  	v63 =	vmul.f32 v63, v52;
	v62 =	vor.u32 v24, v55;
	v58 =	vld [tilespmem:$0x1FD30]  }
0x3e0: {  	[tilespmem:v2+s23+$0x0] =	vst.idx.add.f32.msk $0xffff, v8  }
0x3e1: {  	v9 =	vor.u32 v25, v55;
	v10 =	vmul.f32 v10, v52;
	[tilespmem:v60+s23+$0x0] =	vst.idx.add.f32.msk $0xffff, v63  }
0x3e2: {  	v6 =	vmul.f32 v6, v52;
	v63 =	vld [tilespmem:$0x1FD50]  }
0x3e3: {  	v18 =	vor.u32 v31, v55;
	[tilespmem:v61+s23+$0x0] =	vst.idx.add.f32.msk $0xffff, v10  }
0x3e4: {  	v47 =	vmul.f32 v11, v52;
	v20 =	vor.u32 v35, v55;
	[tilespmem:v62+s23+$0x0] =	vst.idx.add.f32.msk $0xffff, v6  }
0x3e5: {  	v56 =	vor.u32 v38, v55;
	v62 =	vld [tilespmem:$0x1FE70]  }
0x3e6: {  	v57 =	vmul.f32 v13, v52;
	v0 =	vor.u32 v58, v55;
	[tilespmem:v9+s23+$0x0] =	vst.idx.add.f32.msk $0xffff, v47  }
0x3e7: {  	v59 =	vmul.f32 v15, v52;
	v47 =	vld [tilespmem:$0x1FD70]  }
0x3e8: {  	v60 =	vmul.f32 v17, v52;
	[tilespmem:v18+s23+$0x0] =	vst.idx.add.f32.msk $0xffff, v57  }
0x3e9: {  	v61 =	vmul.f32 v19, v52;
	[tilespmem:v20+s23+$0x0] =	vst.idx.add.f32.msk $0xffff, v59  }
0x3ea: {  	[tilespmem:v56+s23+$0x0] =	vst.idx.add.f32.msk $0xffff, v60  }
0x3eb: {  	[tilespmem:v0+s23+$0x0] =	vst.idx.add.f32.msk $0xffff, v61  }
0x3ec: {  	v0 =	vld [tilespmem:s12+$0x1400]  }
0x3ed: {  	v1 =	vld [tilespmem:s12+$0x1410]  }
0x3ee: {  	v2 =	vld [tilespmem:s12+$0x1420]  }
0x3ef: {  	v3 =	vld [tilespmem:s12+$0x1430]  }
0x3f0: {  	v4 =	vld [tilespmem:s12+$0x1440]  }
0x3f1: {  	v5 =	vld [tilespmem:s12+$0x1450]  }
0x3f2: {  	v6 =	vld [tilespmem:s12+$0x1460]  }
0x3f3: {  	v7 =	vld [tilespmem:s12+$0x1470]  }
0x3f4: {  	v8 =	vld [tilespmem:s12+$0x1800]  }
0x3f5: {  	v9 =	vld [tilespmem:s12+$0x1810]  }
0x3f6: {  	v10 =	vld [tilespmem:s12+$0x1820]  }
0x3f7: {  	v11 =	vld [tilespmem:s12+$0x1830]  }
0x3f8: {  	v12 =	vld [tilespmem:s12+$0x1840]  }
0x3f9: {  	v13 =	vld [tilespmem:s12+$0x1850]  }
0x3fa: {  	v14 =	vld [tilespmem:s12+$0x1860]  }
0x3fb: {  	v15 =	vld [tilespmem:s12+$0x1870]  }
0x3fc: {  	v16 =	vld [tilespmem:s12+$0x1C00]  }
0x3fd: {  	v17 =	vld [tilespmem:s12+$0x1C10]  }
0x3fe: {  	v18 =	vld [tilespmem:s12+$0x1C20]  }
0x3ff: {  	v20 =	vor.u32 v62, v55;
	v19 =	vld [tilespmem:s12+$0x1C30]  }
0x400: {  	v56 =	vld [tilespmem:s12+$0x1C40]  }
0x401: {  	v58 =	vld [tilespmem:s12+$0x1C50]  }
0x402: {  	v60 =	vld [tilespmem:s12+$0x1C60];
	v0 =	vmul.f32 v0, v53  }
0x403: {  	v62 =	vld [tilespmem:s12+$0x1C70]  }
0x404: {  	[tilespmem:v20+s23+$0x0] =	vst.idx.add.f32.msk $0xffff, v0  }
0x405: {  	v20 =	vld [tilespmem:$0x1FF90]  }
0x406: {  	v57 =	vor.u32 v32, v55;
	v59 =	vor.u32 v63, v55;
	v63 =	vor.u32 v47, v55;
	v47 =	vld [tilespmem:$0x1FD80];
	_ =	sdelay $0x1  }
0x407: {  	v61 =	vor.u32 v33, v55  }
0x408: {  	v1 =	vmul.f32 v1, v53  }
0x409: {  	v2 =	vmul.f32 v2, v53;
	v0 =	vor.u32 v20, v55  }
0x40a: {  	v3 =	vmul.f32 v3, v53;
	[tilespmem:v57+s23+$0x0] =	vst.idx.add.f32.msk $0xffff, v1;
	v1 =	vor.u32 v47, v55  }
0x40b: {  	v4 =	vmul.f32 v4, v53;
	v57 =	vor.u32 v34, v55;
	[tilespmem:v59+s23+$0x0] =	vst.idx.add.f32.msk $0xffff, v2  }
0x40c: {  	v5 =	vmul.f32 v5, v53;
	v59 =	vor.u32 v27, v55;
	[tilespmem:v61+s23+$0x0] =	vst.idx.add.f32.msk $0xffff, v3  }
0x40d: {  	v6 =	vmul.f32 v6, v53;
	v61 =	vor.u32 v45, v55;
	[tilespmem:v63+s23+$0x0] =	vst.idx.add.f32.msk $0xffff, v4  }
0x40e: {  	v7 =	vmul.f32 v7, v53;
	[tilespmem:v0+s23+$0x0] =	vst.idx.add.f32.msk $0xffff, v5;
	v0 =	vor.u32 v44, v55  }
0x40f: {  	v63 =	vmul.f32 v8, v53;
	[tilespmem:v1+s23+$0x0] =	vst.idx.add.f32.msk $0xffff, v6;
	v1 =	vor.u32 v37, v55  }
0x410: {  	v9 =	vmul.f32 v9, v53;
	[tilespmem:v57+s23+$0x0] =	vst.idx.add.f32.msk $0xffff, v7  }
0x411: {  	v2 =	vor.u32 v48, v55;
	v20 =	vmul.f32 v10, v53;
	[tilespmem:v59+s23+$0x0] =	vst.idx.add.f32.msk $0xffff, v63  }
0x412: {  	v57 =	vmul.f32 v11, v53;
	[tilespmem:v61+s23+$0x0] =	vst.idx.add.f32.msk $0xffff, v9  }
0x413: {  	v47 =	vor.u32 v42, v55;
	[tilespmem:v0+s23+$0x0] =	vst.idx.add.f32.msk $0xffff, v20  }
0x414: {  	s13 =	sor.u32 $0x3, s5;
	v61 =	vmul.f32 v12, v53;
	[tilespmem:v1+s23+$0x0] =	vst.idx.add.f32.msk $0xffff, v57  }
0x415: {  	s5 =	sshll.u32 s13, $0x7;
	v59 =	vor.u32 v36, v55;
	v57 =	vmul.f32 v16, v53;
	v16 =	vld [tilespmem:$0x1FEC0]  }
0x416: {  	s5 =	sand.u32 $0x3FFFFF80, s5;
	v63 =	vor.u32 v26, v55;
	v9 =	vmul.f32 v13, v53;
	[tilespmem:v2+s23+$0x0] =	vst.idx.add.f32.msk $0xffff, v61  }
0x417: {  	v10 =	vor.u32 v51, v55;
	v61 =	vmul.f32 v17, v53;
	v17 =	vld [tilespmem:s5+$0x1C60]  }
0x418: {  	v11 =	vmul.f32 v14, v53;
	[tilespmem:v47+s23+$0x0] =	vst.idx.add.f32.msk $0xffff, v9  }
0x419: {  	v20 =	vmul.f32 v15, v53;
	v9 =	vmul.f32 v18, v53;
	v18 =	vld [tilespmem:$0x1FF80]  }
0x41a: {  	v2 =	vor.u32 v30, v55;
	[tilespmem:v59+s23+$0x0] =	vst.idx.add.f32.msk $0xffff, v11  }
0x41b: {  	v47 =	vor.u32 v39, v55;
	[tilespmem:v63+s23+$0x0] =	vst.idx.add.f32.msk $0xffff, v20  }
0x41c: {  	[tilespmem:v10+s23+$0x0] =	vst.idx.add.f32.msk $0xffff, v57  }
0x41d: {  	v10 =	vld [tilespmem:$0x1FF70]  }
0x41e: {  	v59 =	vor.u32 v46, v55;
	v57 =	vmul.f32 v62, v53;
	v62 =	vld [tilespmem:$0x1FF00]  }
0x41f: {  	[tilespmem:v2+s23+$0x0] =	vst.idx.add.f32.msk $0xffff, v61  }
0x420: {  	v63 =	vor.u32 v50, v55;
	[tilespmem:v47+s23+$0x0] =	vst.idx.add.f32.msk $0xffff, v9  }
0x421: {  	v11 =	vmul.f32 v19, v53;
	v47 =	vmul.f32 v58, v53;
	v58 =	vld [tilespmem:$0x1FF60]  }
0x422: {  	v2 =	vor.u32 v18, v55;
	v18 =	vld [tilespmem:$0x1FF50]  }
0x423: {  	v19 =	vmul.f32 v56, v53;
	[tilespmem:v59+s23+$0x0] =	vst.idx.add.f32.msk $0xffff, v11  }
0x424: {  	v11 =	vld [tilespmem:s5+$0x1C30]  }
0x425: {  	[tilespmem:v63+s23+$0x0] =	vst.idx.add.f32.msk $0xffff, v19;
	v1 =	vor.u32 v10, v55  }
0x426: {  	v63 =	vld [tilespmem:$0x1FF20]  }
0x427: {  	v19 =	vld [tilespmem:$0x1FEF0]  }
0x428: {  	v20 =	vor.u32 v23, v55;
	v10 =	vld [tilespmem:$0x1FF40]  }
0x429: {  	v8 =	vor.u32 v58, v55;
	v58 =	vld [tilespmem:s5+$0x1800]  }
0x42a: {  	v56 =	vmul.f32 v60, v53;
	[tilespmem:v1+s23+$0x0] =	vst.idx.add.f32.msk $0xffff, v47  }
0x42b: {  	v47 =	vld [tilespmem:$0x1FF10]  }
0x42c: {  	[tilespmem:v2+s23+$0x0] =	vst.idx.add.f32.msk $0xffff, v56  }
0x42d: {  	[tilespmem:v20+s23+$0x0] =	vst.idx.add.f32.msk $0xffff, v57  }
0x42e: {  	v0 =	vld [tilespmem:s12+$0x1040]  }
0x42f: {  	v1 =	vld [tilespmem:s12+$0x1050]  }
0x430: {  	v2 =	vld [tilespmem:s12+$0x1060]  }
0x431: {  	v3 =	vld [tilespmem:s12+$0x1070]  }
0x432: {  	v4 =	vld [tilespmem:s12+$0x1400]  }
0x433: {  	v5 =	vld [tilespmem:s12+$0x1410]  }
0x434: {  	v6 =	vld [tilespmem:s12+$0x1420]  }
0x435: {  	v59 =	vld [tilespmem:s12+$0x1440]  }
0x436: {  	v13 =	vld [tilespmem:s12+$0x1460]  }
0x437: {  	v15 =	vld [tilespmem:s12+$0x1470]  }
0x438: {  	v7 =	vld [tilespmem:s12+$0x1430]  }
0x439: {  	v61 =	vld [tilespmem:s12+$0x1450]  }
0x43a: {  	v20 =	vmul.f32 v59, v54;
	v59 =	vld [tilespmem:s5+$0x1810]  }
0x43b: {  	v60 =	vor.u32 v28, v55;
	v0 =	vmul.f32 v0, v54;
	v56 =	vmul.f32 v13, v54;
	v13 =	vld [tilespmem:s5+$0x1C40]  }
0x43c: {  	v57 =	vmul.f32 v15, v54;
	v15 =	vld [tilespmem:s5+$0x1C50]  }
0x43d: {  	[tilespmem:v8+s23+$0x0] =	vst.idx.add.f32.msk $0xffff, v0  }
0x43e: {  	v12 =	vor.u32 v41, v55;
	v1 =	vmul.f32 v1, v54;
	v8 =	vld [tilespmem:$0x1FF30]  }
0x43f: {  	v0 =	vor.u32 v62, v55;
	v62 =	vld [tilespmem:s5+$0x1840]  }
0x440: {  	v14 =	vor.u32 v43, v55;
	[tilespmem:v60+s23+$0x0] =	vst.idx.add.f32.msk $0xffff, v1  }
0x441: {  	v2 =	vmul.f32 v2, v54;
	v60 =	vld [tilespmem:s5+$0x1820]  }
0x442: {  	v16 =	vor.u32 v16, v55;
	v1 =	vor.u32 v63, v55;
	v63 =	vld [tilespmem:s5+$0x1850]  }
0x443: {  	v3 =	vmul.f32 v3, v54;
	[tilespmem:v12+s23+$0x0] =	vst.idx.add.f32.msk $0xffff, v2  }
0x444: {  	v12 =	vld [tilespmem:$0x1FFA0]  }
0x445: {  	v4 =	vmul.f32 v4, v54;
	[tilespmem:v14+s23+$0x0] =	vst.idx.add.f32.msk $0xffff, v3  }
0x446: {  	v14 =	vld [tilespmem:$0x1FFB0]  }
0x447: {  	v5 =	vmul.f32 v5, v54;
	[tilespmem:v16+s23+$0x0] =	vst.idx.add.f32.msk $0xffff, v4  }
0x448: {  	v16 =	vld [tilespmem:$0x1FFC0]  }
0x449: {  	[tilespmem:v0+s23+$0x0] =	vst.idx.add.f32.msk $0xffff, v5  }
0x44a: {  	v6 =	vmul.f32 v6, v54;
	v2 =	vor.u32 v8, v55;
	v8 =	vld [tilespmem:s5+$0x1870]  }
0x44b: {  	v0 =	vor.u32 v19, v55;
	v19 =	vld [tilespmem:s5+$0x1C70]  }
0x44c: {  	v7 =	vmul.f32 v7, v54;
	v3 =	vor.u32 v10, v55;
	[tilespmem:v1+s23+$0x0] =	vst.idx.add.f32.msk $0xffff, v6  }
0x44d: {  	v4 =	vor.u32 v18, v55;
	v1 =	vor.u32 v47, v55;
	v55 =	vmul.f32 v61, v54;
	v61 =	vld [tilespmem:s5+$0x1830]  }
0x44e: {  	v47 =	vld [tilespmem:s5+$0x1C00]  }
0x44f: {  	[tilespmem:v2+s23+$0x0] =	vst.idx.add.f32.msk $0xffff, v7  }
0x450: {  	v7 =	vld [tilespmem:s5+$0x1860]  }
0x451: {  	[tilespmem:v3+s23+$0x0] =	vst.idx.add.f32.msk $0xffff, v20;
	v20 =	vmov s13  }
0x452: {  	[tilespmem:v4+s23+$0x0] =	vst.idx.add.f32.msk $0xffff, v55;
	v6 =	vshll.u32 v20, $0x7  }
0x453: {  	v4 =	vmul.f32 v62, v52;
	v62 =	vld [tilespmem:$0x1FFD0];
	v6 =	vand.u32 $0x380, v6  }
0x454: {  	[tilespmem:v0+s23+$0x0] =	vst.idx.add.f32.msk $0xffff, v56;
	v55 =	vbroadcast v6, $0x0  }
0x455: {  	[tilespmem:v1+s23+$0x0] =	vst.idx.add.f32.msk $0xffff, v57  }
0x456: {  	v0 =	vmul.f32 v58, v52;
	v58 =	vor.u32 v49, v55;
	v49 =	vld [tilespmem:$0x1FFE0]  }
0x457: {  	v57 =	vld [tilespmem:s5+$0x1C10];
	v12 =	vor.u32 v12, v55  }
0x458: {  	v6 =	vld [tilespmem:s5+$0x1C20];
	v14 =	vor.u32 v14, v55  }
0x459: {  	v2 =	vmul.f32 v60, v52;
	v16 =	vor.u32 v16, v55;
	v60 =	vor.u32 v29, v55;
	v29 =	vld [tilespmem:$0x1FE70]  }
0x45a: {  	v18 =	vor.u32 v40, v55;
	v40 =	vor.u32 v24, v55;
	v24 =	vld [tilespmem:$0x1FFC0]  }
0x45b: {  	v1 =	vmul.f32 v59, v52;
	v56 =	vor.u32 v25, v55;
	v25 =	vld [tilespmem:$0x1FFD0];
	v59 =	vor.u32 v49, v55  }
0x45c: {  	[tilespmem:v12+s23+$0x0] =	vst.idx.add.f32.msk $0xffff, v0  }
0x45d: {  	v3 =	vmul.f32 v61, v52;
	[tilespmem:v14+s23+$0x0] =	vst.idx.add.f32.msk $0xffff, v1  }
0x45e: {  	[tilespmem:v16+s23+$0x0] =	vst.idx.add.f32.msk $0xffff, v2  }
0x45f: {  	v61 =	vor.u32 v22, v55;
	[tilespmem:v58+s23+$0x0] =	vst.idx.add.f32.msk $0xffff, v3  }
0x460: {  	v5 =	vmul.f32 v63, v52;
	v2 =	vor.u32 v62, v55;
	[tilespmem:v59+s23+$0x0] =	vst.idx.add.f32.msk $0xffff, v4  }
0x461: {  	v63 =	vor.u32 v21, v55;
	v59 =	vor.u32 v35, v55;
	v35 =	vld [tilespmem:$0x1FF90]  }
0x462: {  	v7 =	vmul.f32 v7, v52;
	[tilespmem:v60+s23+$0x0] =	vst.idx.add.f32.msk $0xffff, v5  }
0x463: {  	v8 =	vmul.f32 v8, v52;
	v60 =	vld [tilespmem:$0x1FD30]  }
0x464: {  	v47 =	vmul.f32 v47, v52;
	[tilespmem:v61+s23+$0x0] =	vst.idx.add.f32.msk $0xffff, v7  }
0x465: {  	[tilespmem:v2+s23+$0x0] =	vst.idx.add.f32.msk $0xffff, v8  }
0x466: {  	v57 =	vmul.f32 v57, v52;
	v58 =	vor.u32 v31, v55;
	[tilespmem:v63+s23+$0x0] =	vst.idx.add.f32.msk $0xffff, v47  }
0x467: {  	v6 =	vmul.f32 v6, v52;
	v63 =	vld [tilespmem:$0x1FD50]  }
0x468: {  	v61 =	vmul.f32 v11, v52;
	[tilespmem:v18+s23+$0x0] =	vst.idx.add.f32.msk $0xffff, v57  }
0x469: {  	v20 =	vmul.f32 v13, v52;
	v62 =	vor.u32 v38, v55;
	[tilespmem:v40+s23+$0x0] =	vst.idx.add.f32.msk $0xffff, v6  }
0x46a: {  	v22 =	vmul.f32 v15, v52;
	v21 =	vor.u32 v60, v55;
	[tilespmem:v56+s23+$0x0] =	vst.idx.add.f32.msk $0xffff, v61  }
0x46b: {  	[tilespmem:v58+s23+$0x0] =	vst.idx.add.f32.msk $0xffff, v20  }
0x46c: {  	v31 =	vmul.f32 v17, v52;
	[tilespmem:v59+s23+$0x0] =	vst.idx.add.f32.msk $0xffff, v22  }
0x46d: {  	v38 =	vmul.f32 v19, v52;
	v22 =	vld [tilespmem:$0x1FD70]  }
0x46e: {  	[tilespmem:v62+s23+$0x0] =	vst.idx.add.f32.msk $0xffff, v31  }
0x46f: {  	[tilespmem:v21+s23+$0x0] =	vst.idx.add.f32.msk $0xffff, v38  }
0x470: {  	v38 =	vld [tilespmem:$0x1FD80]  }
0x471: {  	v0 =	vld [tilespmem:s5+$0x1400]  }
0x472: {  	v1 =	vld [tilespmem:s5+$0x1410]  }
0x473: {  	v2 =	vld [tilespmem:s5+$0x1420]  }
0x474: {  	v3 =	vld [tilespmem:s5+$0x1430]  }
0x475: {  	v4 =	vld [tilespmem:s5+$0x1440]  }
0x476: {  	v5 =	vld [tilespmem:s5+$0x1450]  }
0x477: {  	v6 =	vld [tilespmem:s5+$0x1460]  }
0x478: {  	v7 =	vld [tilespmem:s5+$0x1470]  }
0x479: {  	v8 =	vld [tilespmem:s5+$0x1800]  }
0x47a: {  	v9 =	vld [tilespmem:s5+$0x1810]  }
0x47b: {  	v10 =	vld [tilespmem:s5+$0x1820]  }
0x47c: {  	v11 =	vld [tilespmem:s5+$0x1830]  }
0x47d: {  	v12 =	vld [tilespmem:s5+$0x1840]  }
0x47e: {  	v13 =	vld [tilespmem:s5+$0x1850]  }
0x47f: {  	v14 =	vld [tilespmem:s5+$0x1860]  }
0x480: {  	v15 =	vld [tilespmem:s5+$0x1870]  }
0x481: {  	v16 =	vld [tilespmem:s5+$0x1C00]  }
0x482: {  	v17 =	vld [tilespmem:s5+$0x1C10]  }
0x483: {  	v18 =	vld [tilespmem:s5+$0x1C20]  }
0x484: {  	v40 =	vor.u32 v29, v55;
	v19 =	vld [tilespmem:s5+$0x1C30]  }
0x485: {  	v47 =	vor.u32 v32, v55;
	v56 =	vld [tilespmem:s5+$0x1C40]  }
0x486: {  	v29 =	vor.u32 v63, v55;
	v58 =	vld [tilespmem:s5+$0x1C50]  }
0x487: {  	v31 =	vor.u32 v33, v55;
	v60 =	vld [tilespmem:s5+$0x1C60];
	v0 =	vmul.f32 v0, v53  }
0x488: {  	v62 =	vld [tilespmem:s5+$0x1C70];
	v32 =	vor.u32 v22, v55;
	v1 =	vmul.f32 v1, v53  }
0x489: {  	v33 =	vmul.f32 v2, v53;
	v2 =	vor.u32 v35, v55;
	[tilespmem:v40+s23+$0x0] =	vst.idx.add.f32.msk $0xffff, v0  }
0x48a: {  	v40 =	vmul.f32 v3, v53;
	[tilespmem:v47+s23+$0x0] =	vst.idx.add.f32.msk $0xffff, v1  }
0x48b: {  	v57 =	vmul.f32 v4, v53;
	v47 =	vor.u32 v38, v55;
	[tilespmem:v29+s23+$0x0] =	vst.idx.add.f32.msk $0xffff, v33  }
0x48c: {  	v59 =	vor.u32 v34, v55;
	v20 =	vmul.f32 v5, v53;
	[tilespmem:v31+s23+$0x0] =	vst.idx.add.f32.msk $0xffff, v40  }
0x48d: {  	[tilespmem:v32+s23+$0x0] =	vst.idx.add.f32.msk $0xffff, v57  }
0x48e: {  	v22 =	vmul.f32 v6, v53;
	[tilespmem:v2+s23+$0x0] =	vst.idx.add.f32.msk $0xffff, v20  }
0x48f: {  	v21 =	vor.u32 v27, v55;
	v31 =	vmul.f32 v7, v53;
	v20 =	vmul.f32 v17, v53;
	v17 =	vld [tilespmem:$0x1FEC0]  }
0x490: {  	[tilespmem:v47+s23+$0x0] =	vst.idx.add.f32.msk $0xffff, v22  }
0x491: {  	v29 =	vor.u32 v45, v55;
	[tilespmem:v59+s23+$0x0] =	vst.idx.add.f32.msk $0xffff, v31  }
0x492: {  	v33 =	vmul.f32 v8, v53;
	v31 =	vld [tilespmem:$0x1FF80]  }
0x493: {  	v59 =	vmul.f32 v14, v53;
	v14 =	vor.u32 v43, v55;
	v43 =	vld [tilespmem:$0x1FF00]  }
0x494: {  	v35 =	vmul.f32 v9, v53;
	v32 =	vor.u32 v44, v55;
	[tilespmem:v21+s23+$0x0] =	vst.idx.add.f32.msk $0xffff, v33  }
0x495: {  	v21 =	vor.u32 v50, v55;
	v50 =	vld [tilespmem:$0x1FF40]  }
0x496: {  	v34 =	vor.u32 v37, v55;
	[tilespmem:v29+s23+$0x0] =	vst.idx.add.f32.msk $0xffff, v35  }
0x497: {  	v38 =	vmul.f32 v10, v53;
	v29 =	vld [tilespmem:$0x1FF70]  }
0x498: {  	v37 =	vor.u32 v48, v55;
	v35 =	vmul.f32 v60, v53;
	v60 =	vld [tilespmem:$0x1FF10]  }
0x499: {  	v40 =	vor.u32 v42, v55;
	v42 =	vmul.f32 v11, v53;
	[tilespmem:v32+s23+$0x0] =	vst.idx.add.f32.msk $0xffff, v38  }
0x49a: {  	v32 =	vmul.f32 v56, v53;
	v56 =	vld [tilespmem:$0x1FF50]  }
0x49b: {  	v45 =	vmul.f32 v12, v53;
	[tilespmem:v34+s23+$0x0] =	vst.idx.add.f32.msk $0xffff, v42  }
0x49c: {  	v44 =	vor.u32 v36, v55;
	v34 =	vmul.f32 v58, v53;
	v58 =	vld [tilespmem:$0x1FEF0]  }
0x49d: {  	v47 =	vor.u32 v26, v55;
	[tilespmem:v37+s23+$0x0] =	vst.idx.add.f32.msk $0xffff, v45  }
0x49e: {  	v48 =	vmul.f32 v13, v53;
	v37 =	vld [tilespmem:$0x1FF60]  }
0x49f: {  	v57 =	vor.u32 v51, v55;
	v45 =	vld [tilespmem:$0x1FF20]  }
0x4a0: {  	v61 =	vor.u32 v30, v55;
	v63 =	vmul.f32 v15, v53;
	[tilespmem:v40+s23+$0x0] =	vst.idx.add.f32.msk $0xffff, v48  }
0x4a1: {  	v9 =	vor.u32 v39, v55;
	[tilespmem:v44+s23+$0x0] =	vst.idx.add.f32.msk $0xffff, v59  }
0x4a2: {  	v10 =	vmul.f32 v16, v53;
	v11 =	vor.u32 v46, v55;
	[tilespmem:v47+s23+$0x0] =	vst.idx.add.f32.msk $0xffff, v63  }
0x4a3: {  	v47 =	vld [tilespmem:$0x1FF30]  }
0x4a4: {  	v22 =	vmul.f32 v18, v53;
	v3 =	vor.u32 v29, v55;
	[tilespmem:v57+s23+$0x0] =	vst.idx.add.f32.msk $0xffff, v10  }
0x4a5: {  	v30 =	vmul.f32 v19, v53;
	v0 =	vor.u32 v31, v55;
	[tilespmem:v61+s23+$0x0] =	vst.idx.add.f32.msk $0xffff, v20  }
0x4a6: {  	v33 =	vor.u32 v23, v55;
	[tilespmem:v9+s23+$0x0] =	vst.idx.add.f32.msk $0xffff, v22  }
0x4a7: {  	[tilespmem:v11+s23+$0x0] =	vst.idx.add.f32.msk $0xffff, v30  }
0x4a8: {  	[tilespmem:v21+s23+$0x0] =	vst.idx.add.f32.msk $0xffff, v32  }
0x4a9: {  	v36 =	vmul.f32 v62, v53;
	[tilespmem:v3+s23+$0x0] =	vst.idx.add.f32.msk $0xffff, v34  }
0x4aa: {  	[tilespmem:v0+s23+$0x0] =	vst.idx.add.f32.msk $0xffff, v35  }
0x4ab: {  	[tilespmem:v33+s23+$0x0] =	vst.idx.add.f32.msk $0xffff, v36  }
0x4ac: {  	v0 =	vld [tilespmem:s5+$0x1040]  }
0x4ad: {  	v1 =	vld [tilespmem:s5+$0x1050]  }
0x4ae: {  	v2 =	vld [tilespmem:s5+$0x1060]  }
0x4af: {  	v3 =	vld [tilespmem:s5+$0x1070]  }
0x4b0: {  	v4 =	vld [tilespmem:s5+$0x1400]  }
0x4b1: {  	v5 =	vld [tilespmem:s5+$0x1410]  }
0x4b2: {  	v6 =	vld [tilespmem:s5+$0x1420]  }
0x4b3: {  	v13 =	vld [tilespmem:s5+$0x1460]  }
0x4b4: {  	v15 =	vld [tilespmem:s5+$0x1470]  }
0x4b5: {  	v8 =	vor.u32 v37, v55;
	v7 =	vld [tilespmem:s5+$0x1430]  }
0x4b6: {  	v39 =	vor.u32 v28, v55;
	v38 =	vld [tilespmem:s5+$0x1440]  }
0x4b7: {  	v12 =	vor.u32 v41, v55;
	v40 =	vld [tilespmem:s5+$0x1450]  }
0x4b8: {  	v0 =	vmul.f32 v0, v54;
	v62 =	vmul.f32 v13, v54;
	v13 =	vld [tilespmem:$0x1FFA0]  }
0x4b9: {  	v16 =	vor.u32 v17, v55;
	v1 =	vmul.f32 v1, v54;
	v63 =	vmul.f32 v15, v54;
	v15 =	vld [tilespmem:$0x1FFB0]  }
0x4ba: {  	v42 =	vmul.f32 v2, v54;
	v2 =	vor.u32 v43, v55;
	[tilespmem:v8+s23+$0x0] =	vst.idx.add.f32.msk $0xffff, v0  }
0x4bb: {  	v44 =	vmul.f32 v3, v54;
	v3 =	vor.u32 v45, v55;
	[tilespmem:v39+s23+$0x0] =	vst.idx.add.f32.msk $0xffff, v1  }
0x4bc: {  	v46 =	vmul.f32 v4, v54;
	v4 =	vor.u32 v47, v55;
	[tilespmem:v12+s23+$0x0] =	vst.idx.add.f32.msk $0xffff, v42  }
0x4bd: {  	v48 =	vmul.f32 v5, v54;
	v5 =	vor.u32 v50, v55;
	[tilespmem:v14+s23+$0x0] =	vst.idx.add.f32.msk $0xffff, v44  }
0x4be: {  	v51 =	vmul.f32 v6, v54;
	v6 =	vor.u32 v56, v55;
	[tilespmem:v16+s23+$0x0] =	vst.idx.add.f32.msk $0xffff, v46  }
0x4bf: {  	v57 =	vmul.f32 v7, v54;
	[tilespmem:v2+s23+$0x0] =	vst.idx.add.f32.msk $0xffff, v48;
	v2 =	vor.u32 v58, v55  }
0x4c0: {  	p1 =	por p0, p0;
	v59 =	vmul.f32 v38, v54;
	[tilespmem:v3+s23+$0x0] =	vst.idx.add.f32.msk $0xffff, v51;
	v3 =	vor.u32 v60, v55  }
.Ltmp1:
0x4c1: {  	v61 =	vmul.f32 v40, v54;
	[tilespmem:v4+s23+$0x0] =	vst.idx.add.f32.msk $0xffff, v57;
	(pc) =	sbr.rel @p1 .LBB2_5-.Ltmp1, $4  }
0x4c2: {  	[tilespmem:v5+s23+$0x0] =	vst.idx.add.f32.msk $0xffff, v59  }
0x4c3: {  	[tilespmem:v6+s23+$0x0] =	vst.idx.add.f32.msk $0xffff, v61  }
0x4c4: {  	[tilespmem:v2+s23+$0x0] =	vst.idx.add.f32.msk $0xffff, v62  }
0x4c5: {  	p0 =	por $0x0, $0x0;
	s5 =	simm.s32 $0x4;
	[tilespmem:v3+s23+$0x0] =	vst.idx.add.f32.msk $0xffff, v63  }
0x4c6: {  	s5 =	rddreg [dreg:$0xb]  }
0x4c7: {  	s5 =	sadd.s32 s5, s9  }
0x4c8: {  	s5 =	sshrl.u32 s5, $0x3  }
0x4c9: {  	s13 =	simm.s32 $0x1000;
	s12 =	sadd.s32 s3, s5  }
0x4ca: {  	[hbm4b:s12+s4] =	stream.linear.scatter [tilespmem:s13], [sflag:$0xA], $0x1000, $0x38;
	[tilespmem:$0x10080] =	vst v63  }
0x4cb: {  	p0 =	seq.s32 s20, $0x7;
	s5 =	sadd.s32 s5, s15  }
0x4cc: {  	[hbm4b:s5+s4] =	stream.linear.scatter [tilespmem:s23], [sflag:$0xE], $0x3000, $0x38;
	[tilespmem:$0x10080] =	vst v63  }
0x4cd: {  	s5 =	simm.s32 @!p0 $0x9  }
0x4ce: {  	_ =	swait.ge @!p0 [sflag:s5], $0x1000  }
0x4cf: {  	[sflag:s5] =	ssyncset.done @!p0 $0x0  }
0x4d0: {  	[sflag:s5] =	ssyncadd.s32 @!p0 $0xFFFFF000;
	s5 =	simm.s32 @!p0 $0xD  }
0x4d1: {  	s12 =	sadd.s32 @!p0 s9, s16;
	_ =	swait.ge @!p0 [sflag:s5], $0x3000  }
0x4d2: {  	s12 =	sshrl.u32 @!p0 s12, $0x3;
	[sflag:s5] =	ssyncset.done @!p0 $0x0  }
0x4d3: {  	s13 =	simm.s32 @!p0 $0x0;
	[sflag:s5] =	ssyncadd.s32 @!p0 $0xFFFFD000;
	s5 =	sadd.s32 @!p0 s2, s12  }
0x4d4: {  	[tilespmem:s13], [sflag:$0x1] =	stream.linear.gather @!p0 [hbm4b:s5+s13], $0x1000, $0x38;
	[tilespmem:$0x10080] =	vst v63  }
0x4d5: {  	s5 =	sadd.s32 @!p0 s12, s8;
	s12 =	simm.s32 @!p0 $0x4000  }
0x4d6: {  	[tilespmem:s12], [sflag:$0x5] =	stream.linear.gather @!p0 [hbm4b:s5+s13], $0x3000, $0x38;
	[tilespmem:$0x10080] =	vst v63  }
0x4d7: {  	_ =	swait.ge [sflag:s1], $0x1000  }
0x4d8: {  	[sflag:s1] =	ssyncset.done $0x0  }
0x4d9: {  	[sflag:s1] =	ssyncadd.s32 $0xFFFFF000  }
0x4da: {  	_ =	swait.ge [sflag:s19], $0x3000  }
0x4db: {  	v58 =	vmov v24;
	v24 =	vld [tilespmem:$0x1FED0]  }
0x4dc: {  	v61 =	vld [tilespmem:$0x1FEE0]  }
0x4dd: {  	v62 =	vld [tilespmem:$0x1FFF0]  }
0x4de: {  	v31 =	vld [tilespmem:$0x1FD10]  }
0x4df: {  	v33 =	vld [tilespmem:$0x1FCF0]  }
0x4e0: {  	v50 =	vld [tilespmem:$0x1FDA0]  }
0x4e1: {  	v46 =	vld [tilespmem:$0x1FDB0]  }
0x4e2: {  	v48 =	vld [tilespmem:$0x1FEB0]  }
0x4e3: {  	v42 =	vld [tilespmem:$0x1FE40]  }
0x4e4: {  	v36 =	vld [tilespmem:$0x1FDD0]  }
0x4e5: {  	v44 =	vld [tilespmem:$0x1FDE0]  }
0x4e6: {  	[sflag:s19] =	ssyncset.done $0x0;
	v43 =	vld [tilespmem:$0x1FDF0]  }
0x4e7: {  	p1 =	por $0x1, $0x1;
	v56 =	vmovc v13;
	v57 =	vmov v15;
	v60 =	vmov v49;
	v63 =	vmov v25;
	s5 =	simm.s32 $0x0;
	v21 =	vld [tilespmem:$0x1FE80];
	[sflag:s19] =	ssyncadd.s32 $0xFFFFD000  }
.LBB2_7:
0x4e8: {  	s12 =	sshll.u32 s5, $0x7  }
0x4e9: {  	v51 =	vld [tilespmem:$0x1FCC0];
	s12 =	sand.u32 $0x3FFFFF80, s12  }
0x4ea: {  	v0 =	vld [tilespmem:s12+$0x2800]  }
0x4eb: {  	v1 =	vld [tilespmem:s12+$0x2810]  }
0x4ec: {  	v2 =	vld [tilespmem:s12+$0x2820]  }
0x4ed: {  	v3 =	vld [tilespmem:s12+$0x2830]  }
0x4ee: {  	v4 =	vld [tilespmem:s12+$0x2840]  }
0x4ef: {  	v5 =	vld [tilespmem:s12+$0x2850]  }
0x4f0: {  	v6 =	vmov s5;
	v7 =	vld [tilespmem:s12+$0x2860]  }
0x4f1: {  	v6 =	vshll.u32 v6, $0x7;
	v8 =	vld [tilespmem:s12+$0x2870]  }
0x4f2: {  	v9 =	vld [tilespmem:s12+$0x2C00];
	v6 =	vand.u32 $0x200, v6  }
0x4f3: {  	v10 =	vld [tilespmem:s12+$0x2C10];
	v55 =	vbroadcast v6, $0x0  }
0x4f4: {  	v35 =	vld [tilespmem:s12+$0x2C20]  }
0x4f5: {  	v11 =	vld [tilespmem:s12+$0x2C30];
	v12 =	vor.u32 v56, v55  }
0x4f6: {  	v13 =	vld [tilespmem:s12+$0x2C40];
	v14 =	vor.u32 v57, v55  }
0x4f7: {  	v15 =	vld [tilespmem:s12+$0x2C50];
	v16 =	vor.u32 v58, v55  }
0x4f8: {  	v17 =	vld [tilespmem:s12+$0x2C60];
	v18 =	vor.u32 v24, v55;
	v0 =	vmul.f32 v0, v52  }
0x4f9: {  	v19 =	vld [tilespmem:s12+$0x2C70];
	v20 =	vor.u32 v60, v55;
	v1 =	vmul.f32 v1, v52  }
0x4fa: {  	v2 =	vmul.f32 v2, v52;
	[tilespmem:v12+s25+$0x0] =	vst.idx.add.f32.msk $0xffff, v0  }
0x4fb: {  	v45 =	vor.u32 v61, v55;
	v3 =	vmul.f32 v3, v52;
	[tilespmem:v14+s25+$0x0] =	vst.idx.add.f32.msk $0xffff, v1  }
0x4fc: {  	v4 =	vmul.f32 v4, v52;
	[tilespmem:v16+s25+$0x0] =	vst.idx.add.f32.msk $0xffff, v2  }
0x4fd: {  	[tilespmem:v18+s25+$0x0] =	vst.idx.add.f32.msk $0xffff, v3  }
0x4fe: {  	v5 =	vmul.f32 v5, v52;
	[tilespmem:v20+s25+$0x0] =	vst.idx.add.f32.msk $0xffff, v4  }
0x4ff: {  	v4 =	vld [tilespmem:$0x1FCD0]  }
0x500: {  	[tilespmem:v45+s25+$0x0] =	vst.idx.add.f32.msk $0xffff, v5  }
0x501: {  	v38 =	vld [tilespmem:$0x1FCE0]  }
0x502: {  	v40 =	vld [tilespmem:$0x1FD00]  }
0x503: {  	v34 =	vld [tilespmem:$0x1FD20]  }
0x504: {  	v47 =	vor.u32 v62, v55;
	v30 =	vld [tilespmem:$0x1FD30]  }
0x505: {  	v56 =	vor.u32 v63, v55;
	v16 =	vor.u32 v31, v55;
	v31 =	vld [tilespmem:$0x1FE70]  }
0x506: {  	v57 =	vor.u32 v51, v55;
	v23 =	vld [tilespmem:$0x1FD40]  }
0x507: {  	v7 =	vmul.f32 v7, v52;
	v22 =	vld [tilespmem:$0x1FD60]  }
0x508: {  	v8 =	vmul.f32 v8, v52;
	v24 =	vld [tilespmem:$0x1FD80];
	v4 =	vor.u32 v4, v55  }
0x509: {  	v59 =	vmul.f32 v9, v52;
	[tilespmem:v47+s25+$0x0] =	vst.idx.add.f32.msk $0xffff, v7  }
0x50a: {  	[tilespmem:v56+s25+$0x0] =	vst.idx.add.f32.msk $0xffff, v8;
	v58 =	vor.u32 v38, v55  }
0x50b: {  	v9 =	vor.u32 v33, v55;
	v12 =	vmul.f32 v10, v52;
	[tilespmem:v57+s25+$0x0] =	vst.idx.add.f32.msk $0xffff, v59  }
0x50c: {  	v14 =	vor.u32 v40, v55;
	v47 =	vor.u32 v23, v55;
	v23 =	vld [tilespmem:$0x1FE00]  }
0x50d: {  	v6 =	vmul.f32 v35, v52;
	[tilespmem:v4+s25+$0x0] =	vst.idx.add.f32.msk $0xffff, v12  }
0x50e: {  	v35 =	vmul.f32 v13, v52;
	v18 =	vmul.f32 v11, v52;
	v4 =	vor.u32 v34, v55;
	v34 =	vld [tilespmem:$0x1FF90]  }
0x50f: {  	[tilespmem:v58+s25+$0x0] =	vst.idx.add.f32.msk $0xffff, v6  }
0x510: {  	[tilespmem:v9+s25+$0x0] =	vst.idx.add.f32.msk $0xffff, v18  }
0x511: {  	v39 =	vmul.f32 v15, v52;
	[tilespmem:v14+s25+$0x0] =	vst.idx.add.f32.msk $0xffff, v35  }
0x512: {  	v37 =	vor.u32 v30, v55;
	v35 =	vmov v33;
	v33 =	vld [tilespmem:$0x1FD70]  }
0x513: {  	v41 =	vmul.f32 v17, v52;
	[tilespmem:v16+s25+$0x0] =	vst.idx.add.f32.msk $0xffff, v39  }
0x514: {  	v39 =	vld [tilespmem:$0x1FD50]  }
0x515: {  	v45 =	vmul.f32 v19, v52;
	[tilespmem:v4+s25+$0x0] =	vst.idx.add.f32.msk $0xffff, v41  }
0x516: {  	v41 =	vld [tilespmem:$0x1FD90]  }
0x517: {  	[tilespmem:v37+s25+$0x0] =	vst.idx.add.f32.msk $0xffff, v45  }
0x518: {  	v0 =	vld [tilespmem:s12+$0x2400]  }
0x519: {  	v1 =	vld [tilespmem:s12+$0x2410]  }
0x51a: {  	v2 =	vld [tilespmem:s12+$0x2420]  }
0x51b: {  	v3 =	vld [tilespmem:s12+$0x2430]  }
0x51c: {  	v4 =	vld [tilespmem:s12+$0x2440]  }
0x51d: {  	v5 =	vld [tilespmem:s12+$0x2450]  }
0x51e: {  	v6 =	vld [tilespmem:s12+$0x2460]  }
0x51f: {  	v7 =	vld [tilespmem:s12+$0x2470]  }
0x520: {  	v8 =	vld [tilespmem:s12+$0x2800]  }
0x521: {  	v9 =	vld [tilespmem:s12+$0x2810]  }
0x522: {  	v10 =	vld [tilespmem:s12+$0x2820]  }
0x523: {  	v11 =	vld [tilespmem:s12+$0x2830]  }
0x524: {  	v12 =	vld [tilespmem:s12+$0x2840]  }
0x525: {  	v13 =	vld [tilespmem:s12+$0x2850]  }
0x526: {  	v14 =	vld [tilespmem:s12+$0x2860]  }
0x527: {  	v15 =	vld [tilespmem:s12+$0x2870]  }
0x528: {  	v16 =	vld [tilespmem:s12+$0x2C00]  }
0x529: {  	v17 =	vld [tilespmem:s12+$0x2C10]  }
0x52a: {  	v18 =	vld [tilespmem:s12+$0x2C20]  }
0x52b: {  	v20 =	vor.u32 v31, v55;
	v19 =	vld [tilespmem:s12+$0x2C30]  }
0x52c: {  	v56 =	vld [tilespmem:s12+$0x2C40]  }
0x52d: {  	v58 =	vld [tilespmem:s12+$0x2C50]  }
0x52e: {  	v25 =	vmov v60;
	v60 =	vld [tilespmem:s12+$0x2C60];
	v59 =	vor.u32 v39, v55;
	v0 =	vmul.f32 v0, v53  }
0x52f: {  	v27 =	vmov v62;
	v49 =	vor.u32 v22, v55;
	v62 =	vld [tilespmem:s12+$0x2C70]  }
0x530: {  	v32 =	vor.u32 v33, v55;
	v1 =	vmul.f32 v1, v53;
	[tilespmem:v20+s25+$0x0] =	vst.idx.add.f32.msk $0xffff, v0  }
0x531: {  	v2 =	vmul.f32 v2, v53;
	v0 =	vor.u32 v34, v55;
	v34 =	vmov v48;
	v48 =	vld [tilespmem:$0x1FDC0]  }
0x532: {  	v37 =	vor.u32 v24, v55;
	v3 =	vmul.f32 v3, v53;
	[tilespmem:v47+s25+$0x0] =	vst.idx.add.f32.msk $0xffff, v1  }
0x533: {  	v4 =	vmul.f32 v4, v53;
	[tilespmem:v59+s25+$0x0] =	vst.idx.add.f32.msk $0xffff, v2;
	v2 =	vor.u32 v41, v55  }
0x534: {  	v45 =	vor.u32 v50, v55;
	v5 =	vmul.f32 v5, v53;
	[tilespmem:v49+s25+$0x0] =	vst.idx.add.f32.msk $0xffff, v3  }
0x535: {  	v6 =	vmul.f32 v6, v53;
	[tilespmem:v32+s25+$0x0] =	vst.idx.add.f32.msk $0xffff, v4  }
0x536: {  	v7 =	vmul.f32 v7, v53;
	v47 =	vor.u32 v46, v55;
	[tilespmem:v0+s25+$0x0] =	vst.idx.add.f32.msk $0xffff, v5  }
0x537: {  	v28 =	vmov v63;
	v63 =	vmul.f32 v8, v53;
	[tilespmem:v37+s25+$0x0] =	vst.idx.add.f32.msk $0xffff, v6  }
0x538: {  	v32 =	vmul.f32 v9, v53;
	v49 =	vor.u32 v48, v55;
	[tilespmem:v2+s25+$0x0] =	vst.idx.add.f32.msk $0xffff, v7  }
0x539: {  	v41 =	vor.u32 v36, v55;
	[tilespmem:v45+s25+$0x0] =	vst.idx.add.f32.msk $0xffff, v63  }
0x53a: {  	v45 =	vmov v50;
	v50 =	vld [tilespmem:$0x1FE10]  }
0x53b: {  	v57 =	vmul.f32 v10, v53;
	v37 =	vor.u32 v44, v55;
	[tilespmem:v47+s25+$0x0] =	vst.idx.add.f32.msk $0xffff, v32  }
0x53c: {  	v26 =	vmov v61;
	v61 =	vmul.f32 v11, v53;
	v32 =	vmov v44;
	v44 =	vld [tilespmem:$0x1FE50]  }
0x53d: {  	[tilespmem:v49+s25+$0x0] =	vst.idx.add.f32.msk $0xffff, v57  }
0x53e: {  	v9 =	vmul.f32 v12, v53;
	[tilespmem:v41+s25+$0x0] =	vst.idx.add.f32.msk $0xffff, v61  }
0x53f: {  	v41 =	vmov v46;
	v46 =	vld [tilespmem:$0x1FE20]  }
0x540: {  	v59 =	vor.u32 v43, v55;
	[tilespmem:v37+s25+$0x0] =	vst.idx.add.f32.msk $0xffff, v9  }
0x541: {  	v37 =	vmov v36;
	v36 =	vld [tilespmem:$0x1FE30]  }
0x542: {  	v63 =	vor.u32 v23, v55;
	v47 =	vld [tilespmem:$0x1FF60]  }
0x543: {  	v11 =	vmul.f32 v13, v53;
	v49 =	vmov v43;
	v43 =	vld [tilespmem:$0x1FE60];
	v10 =	vor.u32 v50, v55  }
0x544: {  	v22 =	vmovc v21;
	v61 =	vmul.f32 v16, v53;
	v16 =	vor.u32 v21, v55;
	v21 =	vld [tilespmem:$0x1FEA0];
	v12 =	vor.u32 v46, v55  }
0x545: {  	v13 =	vmul.f32 v14, v53;
	[tilespmem:v59+s25+$0x0] =	vst.idx.add.f32.msk $0xffff, v11  }
0x546: {  	v29 =	vmovc v42;
	v57 =	vmul.f32 v15, v53;
	v59 =	vor.u32 v42, v55;
	v42 =	vld [tilespmem:$0x1FE90];
	v14 =	vor.u32 v36, v55  }
0x547: {  	[tilespmem:v63+s25+$0x0] =	vst.idx.add.f32.msk $0xffff, v13  }
0x548: {  	[tilespmem:v10+s25+$0x0] =	vst.idx.add.f32.msk $0xffff, v57  }
0x549: {  	v9 =	vmul.f32 v17, v53;
	v63 =	vor.u32 v44, v55;
	[tilespmem:v12+s25+$0x0] =	vst.idx.add.f32.msk $0xffff, v61  }
0x54a: {  	v12 =	vld [tilespmem:$0x1FF70]  }
0x54b: {  	v11 =	vmul.f32 v18, v53;
	v10 =	vor.u32 v43, v55;
	[tilespmem:v14+s25+$0x0] =	vst.idx.add.f32.msk $0xffff, v9  }
0x54c: {  	v13 =	vmul.f32 v19, v53;
	v14 =	vld [tilespmem:$0x1FF80]  }
0x54d: {  	[tilespmem:v59+s25+$0x0] =	vst.idx.add.f32.msk $0xffff, v11  }
0x54e: {  	v15 =	vmul.f32 v56, v53;
	[tilespmem:v63+s25+$0x0] =	vst.idx.add.f32.msk $0xffff, v13  }
0x54f: {  	v63 =	vld [tilespmem:$0x1FEC0];
	v1 =	vor.u32 v12, v55  }
0x550: {  	[tilespmem:v10+s25+$0x0] =	vst.idx.add.f32.msk $0xffff, v15  }
0x551: {  	v10 =	vld [tilespmem:$0x1FF20];
	v2 =	vor.u32 v14, v55  }
0x552: {  	v17 =	vmul.f32 v58, v53;
	v12 =	vld [tilespmem:$0x1FF30]  }
0x553: {  	v14 =	vld [tilespmem:$0x1FF40]  }
0x554: {  	v18 =	vmul.f32 v60, v53;
	[tilespmem:v1+s25+$0x0] =	vst.idx.add.f32.msk $0xffff, v17  }
0x555: {  	v19 =	vmul.f32 v62, v53;
	v17 =	vld [tilespmem:$0x1FEF0]  }
0x556: {  	[tilespmem:v2+s25+$0x0] =	vst.idx.add.f32.msk $0xffff, v18  }
0x557: {  	[tilespmem:v16+s25+$0x0] =	vst.idx.add.f32.msk $0xffff, v19  }
0x558: {  	v0 =	vld [tilespmem:s12+$0x2040]  }
0x559: {  	v1 =	vld [tilespmem:s12+$0x2050]  }
0x55a: {  	v2 =	vld [tilespmem:s12+$0x2060]  }
0x55b: {  	v3 =	vld [tilespmem:s12+$0x2070]  }
0x55c: {  	v4 =	vld [tilespmem:s12+$0x2400]  }
0x55d: {  	v5 =	vld [tilespmem:s12+$0x2410]  }
0x55e: {  	v6 =	vld [tilespmem:s12+$0x2420]  }
0x55f: {  	v7 =	vld [tilespmem:s12+$0x2430]  }
0x560: {  	v56 =	vld [tilespmem:s12+$0x2440]  }
0x561: {  	v58 =	vld [tilespmem:s12+$0x2450]  }
0x562: {  	s13 =	sor.u32 $0x1, s5;
	v60 =	vld [tilespmem:s12+$0x2460]  }
0x563: {  	v62 =	vld [tilespmem:s12+$0x2470];
	s12 =	sshll.u32 s13, $0x7  }
0x564: {  	v19 =	vld [tilespmem:$0x1FF10];
	s12 =	sand.u32 $0x3FFFFF80, s12  }
0x565: {  	v16 =	vor.u32 v63, v55;
	v63 =	vld [tilespmem:s12+$0x2870]  }
0x566: {  	v8 =	vor.u32 v47, v55;
	v9 =	vld [tilespmem:s12+$0x2C00]  }
0x567: {  	v11 =	vld [tilespmem:s12+$0x2C30]  }
0x568: {  	v13 =	vld [tilespmem:s12+$0x2C40]  }
0x569: {  	v57 =	vor.u32 v42, v55;
	v15 =	vld [tilespmem:s12+$0x2C50];
	v0 =	vmul.f32 v0, v54  }
0x56a: {  	v47 =	vmul.f32 v58, v54;
	v58 =	vld [tilespmem:s12+$0x2820]  }
0x56b: {  	[tilespmem:v8+s25+$0x0] =	vst.idx.add.f32.msk $0xffff, v0  }
0x56c: {  	v59 =	vor.u32 v21, v55;
	v1 =	vmul.f32 v1, v54;
	v8 =	vld [tilespmem:$0x1FF00]  }
0x56d: {  	v61 =	vor.u32 v34, v55;
	v18 =	vmul.f32 v56, v54;
	v56 =	vmul.f32 v62, v54;
	v62 =	vld [tilespmem:s12+$0x2860]  }
0x56e: {  	[tilespmem:v57+s25+$0x0] =	vst.idx.add.f32.msk $0xffff, v1  }
0x56f: {  	v2 =	vmul.f32 v2, v54;
	v57 =	vld [tilespmem:s12+$0x2800]  }
0x570: {  	v3 =	vmul.f32 v3, v54;
	v1 =	vor.u32 v10, v55;
	v10 =	vld [tilespmem:s12+$0x2C10]  }
0x571: {  	v4 =	vmul.f32 v4, v54;
	[tilespmem:v59+s25+$0x0] =	vst.idx.add.f32.msk $0xffff, v2;
	v0 =	vor.u32 v8, v55  }
0x572: {  	[tilespmem:v61+s25+$0x0] =	vst.idx.add.f32.msk $0xffff, v3  }
0x573: {  	[tilespmem:v16+s25+$0x0] =	vst.idx.add.f32.msk $0xffff, v4  }
0x574: {  	v5 =	vmul.f32 v5, v54;
	v16 =	vld [tilespmem:$0x1FF50]  }
0x575: {  	v59 =	vld [tilespmem:s12+$0x2830]  }
0x576: {  	[tilespmem:v0+s25+$0x0] =	vst.idx.add.f32.msk $0xffff, v5  }
0x577: {  	v6 =	vmul.f32 v6, v54;
	v2 =	vor.u32 v12, v55;
	v5 =	vld [tilespmem:s12+$0x2850]  }
0x578: {  	v3 =	vor.u32 v14, v55;
	v0 =	vor.u32 v17, v55;
	v17 =	vld [tilespmem:s12+$0x2C60]  }
0x579: {  	v4 =	vor.u32 v16, v55;
	[tilespmem:v1+s25+$0x0] =	vst.idx.add.f32.msk $0xffff, v6  }
0x57a: {  	v7 =	vmul.f32 v7, v54;
	v1 =	vor.u32 v19, v55;
	v55 =	vmul.f32 v60, v54;
	v60 =	vld [tilespmem:s12+$0x2840]  }
0x57b: {  	v19 =	vld [tilespmem:$0x1FFA0]  }
0x57c: {  	[tilespmem:v2+s25+$0x0] =	vst.idx.add.f32.msk $0xffff, v7  }
0x57d: {  	[tilespmem:v3+s25+$0x0] =	vst.idx.add.f32.msk $0xffff, v18  }
0x57e: {  	[tilespmem:v4+s25+$0x0] =	vst.idx.add.f32.msk $0xffff, v47  }
0x57f: {  	v47 =	vld [tilespmem:$0x1FFB0]  }
0x580: {  	v61 =	vmov s13;
	[tilespmem:v0+s25+$0x0] =	vst.idx.add.f32.msk $0xffff, v55  }
0x581: {  	v6 =	vshll.u32 v61, $0x7;
	[tilespmem:v1+s25+$0x0] =	vst.idx.add.f32.msk $0xffff, v56  }
0x582: {  	v6 =	vand.u32 $0x280, v6;
	v56 =	vld [tilespmem:$0x1FFC0]  }
0x583: {  	v55 =	vbroadcast v6, $0x0;
	v0 =	vmul.f32 v57, v52;
	v57 =	vld [tilespmem:$0x1FED0]  }
0x584: {  	v1 =	vld [tilespmem:s12+$0x2810]  }
0x585: {  	v7 =	vmul.f32 v62, v52;
	v62 =	vld [tilespmem:$0x1FCD0];
	v12 =	vor.u32 v19, v55  }
0x586: {  	v6 =	vld [tilespmem:s12+$0x2C20];
	v14 =	vor.u32 v47, v55  }
0x587: {  	v19 =	vld [tilespmem:s12+$0x2C70];
	v16 =	vor.u32 v56, v55  }
0x588: {  	v47 =	vld [tilespmem:$0x1FD10];
	v18 =	vor.u32 v57, v55  }
0x589: {  	v57 =	vld [tilespmem:$0x1FD20];
	v1 =	vmul.f32 v1, v52  }
0x58a: {  	v2 =	vmul.f32 v58, v52;
	v20 =	vor.u32 v25, v55;
	[tilespmem:v12+s25+$0x0] =	vst.idx.add.f32.msk $0xffff, v0  }
0x58b: {  	v3 =	vmul.f32 v59, v52;
	v58 =	vor.u32 v26, v55;
	[tilespmem:v14+s25+$0x0] =	vst.idx.add.f32.msk $0xffff, v1  }
0x58c: {  	v59 =	vor.u32 v27, v55;
	[tilespmem:v16+s25+$0x0] =	vst.idx.add.f32.msk $0xffff, v2  }
0x58d: {  	v4 =	vmul.f32 v60, v52;
	v60 =	vor.u32 v28, v55;
	[tilespmem:v18+s25+$0x0] =	vst.idx.add.f32.msk $0xffff, v3  }
0x58e: {  	v5 =	vmul.f32 v5, v52;
	v61 =	vor.u32 v51, v55;
	v3 =	vor.u32 v47, v55;
	v47 =	vld [tilespmem:$0x1FD60]  }
0x58f: {  	[tilespmem:v20+s25+$0x0] =	vst.idx.add.f32.msk $0xffff, v4;
	v4 =	vor.u32 v62, v55  }
0x590: {  	v8 =	vmul.f32 v63, v52;
	v63 =	vor.u32 v38, v55;
	[tilespmem:v58+s25+$0x0] =	vst.idx.add.f32.msk $0xffff, v5  }
0x591: {  	v12 =	vmul.f32 v9, v52;
	[tilespmem:v59+s25+$0x0] =	vst.idx.add.f32.msk $0xffff, v7  }
0x592: {  	v14 =	vor.u32 v35, v55;
	v16 =	vmul.f32 v10, v52;
	[tilespmem:v60+s25+$0x0] =	vst.idx.add.f32.msk $0xffff, v8  }
0x593: {  	v6 =	vmul.f32 v6, v52;
	v18 =	vor.u32 v40, v55;
	[tilespmem:v61+s25+$0x0] =	vst.idx.add.f32.msk $0xffff, v12  }
0x594: {  	[tilespmem:v4+s25+$0x0] =	vst.idx.add.f32.msk $0xffff, v16  }
0x595: {  	v56 =	vmul.f32 v11, v52;
	v4 =	vor.u32 v57, v55;
	[tilespmem:v63+s25+$0x0] =	vst.idx.add.f32.msk $0xffff, v6  }
0x596: {  	v58 =	vmul.f32 v13, v52;
	v63 =	vld [tilespmem:$0x1FD40]  }
0x597: {  	v59 =	vor.u32 v30, v55;
	v60 =	vmul.f32 v15, v52;
	[tilespmem:v14+s25+$0x0] =	vst.idx.add.f32.msk $0xffff, v56  }
0x598: {  	v61 =	vmul.f32 v17, v52;
	[tilespmem:v18+s25+$0x0] =	vst.idx.add.f32.msk $0xffff, v58  }
0x599: {  	[tilespmem:v3+s25+$0x0] =	vst.idx.add.f32.msk $0xffff, v60  }
0x59a: {  	v62 =	vmul.f32 v19, v52;
	[tilespmem:v4+s25+$0x0] =	vst.idx.add.f32.msk $0xffff, v61  }
0x59b: {  	v61 =	vor.u32 v47, v55;
	v47 =	vld [tilespmem:$0x1FF90]  }
0x59c: {  	[tilespmem:v59+s25+$0x0] =	vst.idx.add.f32.msk $0xffff, v62  }
0x59d: {  	v0 =	vld [tilespmem:s12+$0x2400]  }
0x59e: {  	v1 =	vld [tilespmem:s12+$0x2410]  }
0x59f: {  	v2 =	vld [tilespmem:s12+$0x2420]  }
0x5a0: {  	v3 =	vld [tilespmem:s12+$0x2430]  }
0x5a1: {  	v4 =	vld [tilespmem:s12+$0x2440]  }
0x5a2: {  	v5 =	vld [tilespmem:s12+$0x2450]  }
0x5a3: {  	v6 =	vld [tilespmem:s12+$0x2460]  }
0x5a4: {  	v7 =	vld [tilespmem:s12+$0x2470]  }
0x5a5: {  	v8 =	vld [tilespmem:s12+$0x2800]  }
0x5a6: {  	v9 =	vld [tilespmem:s12+$0x2810]  }
0x5a7: {  	v10 =	vld [tilespmem:s12+$0x2820]  }
0x5a8: {  	v11 =	vld [tilespmem:s12+$0x2830]  }
0x5a9: {  	v12 =	vld [tilespmem:s12+$0x2840]  }
0x5aa: {  	v13 =	vld [tilespmem:s12+$0x2850]  }
0x5ab: {  	v14 =	vld [tilespmem:s12+$0x2860]  }
0x5ac: {  	v15 =	vld [tilespmem:s12+$0x2870]  }
0x5ad: {  	v16 =	vld [tilespmem:s12+$0x2C00]  }
0x5ae: {  	v17 =	vld [tilespmem:s12+$0x2C10]  }
0x5af: {  	v18 =	vld [tilespmem:s12+$0x2C20]  }
0x5b0: {  	v20 =	vor.u32 v31, v55;
	v19 =	vld [tilespmem:s12+$0x2C30]  }
0x5b1: {  	v57 =	vor.u32 v63, v55;
	v56 =	vld [tilespmem:s12+$0x2C40]  }
0x5b2: {  	v59 =	vor.u32 v39, v55;
	v58 =	vld [tilespmem:s12+$0x2C50]  }
0x5b3: {  	v60 =	vld [tilespmem:s12+$0x2C60];
	v0 =	vmul.f32 v0, v53  }
0x5b4: {  	v62 =	vld [tilespmem:s12+$0x2C70];
	v1 =	vmul.f32 v1, v53  }
0x5b5: {  	v2 =	vmul.f32 v2, v53;
	[tilespmem:v20+s25+$0x0] =	vst.idx.add.f32.msk $0xffff, v0  }
0x5b6: {  	[tilespmem:v57+s25+$0x0] =	vst.idx.add.f32.msk $0xffff, v1  }
0x5b7: {  	[tilespmem:v59+s25+$0x0] =	vst.idx.add.f32.msk $0xffff, v2  }
0x5b8: {  	v59 =	vld [tilespmem:$0x1FD90];
	_ =	sdelay $0x1  }
0x5b9: {  	v63 =	vor.u32 v33, v55  }
0x5ba: {  	v0 =	vor.u32 v47, v55  }
0x5bb: {  	v3 =	vmul.f32 v3, v53;
	v57 =	vor.u32 v24, v55  }
0x5bc: {  	v4 =	vmul.f32 v4, v53;
	v2 =	vor.u32 v59, v55  }
0x5bd: {  	v5 =	vmul.f32 v5, v53;
	[tilespmem:v61+s25+$0x0] =	vst.idx.add.f32.msk $0xffff, v3;
	v61 =	vor.u32 v45, v55  }
0x5be: {  	v6 =	vmul.f32 v6, v53;
	[tilespmem:v63+s25+$0x0] =	vst.idx.add.f32.msk $0xffff, v4;
	v4 =	vor.u32 v41, v55  }
0x5bf: {  	v7 =	vmul.f32 v7, v53;
	[tilespmem:v0+s25+$0x0] =	vst.idx.add.f32.msk $0xffff, v5;
	v0 =	vor.u32 v48, v55  }
0x5c0: {  	v1 =	vor.u32 v37, v55;
	v63 =	vmul.f32 v8, v53;
	[tilespmem:v57+s25+$0x0] =	vst.idx.add.f32.msk $0xffff, v6  }
0x5c1: {  	v47 =	vmul.f32 v9, v53;
	v57 =	vor.u32 v32, v55;
	[tilespmem:v2+s25+$0x0] =	vst.idx.add.f32.msk $0xffff, v7  }
0x5c2: {  	v59 =	vmul.f32 v10, v53;
	[tilespmem:v61+s25+$0x0] =	vst.idx.add.f32.msk $0xffff, v63;
	v61 =	vor.u32 v49, v55  }
0x5c3: {  	v63 =	vmul.f32 v11, v53;
	[tilespmem:v4+s25+$0x0] =	vst.idx.add.f32.msk $0xffff, v47  }
0x5c4: {  	v9 =	vor.u32 v23, v55;
	v10 =	vmul.f32 v12, v53;
	[tilespmem:v0+s25+$0x0] =	vst.idx.add.f32.msk $0xffff, v59  }
0x5c5: {  	v12 =	vmul.f32 v13, v53;
	[tilespmem:v1+s25+$0x0] =	vst.idx.add.f32.msk $0xffff, v63  }
0x5c6: {  	v11 =	vor.u32 v50, v55;
	[tilespmem:v57+s25+$0x0] =	vst.idx.add.f32.msk $0xffff, v10  }
0x5c7: {  	v14 =	vmul.f32 v14, v53;
	v13 =	vor.u32 v46, v55;
	[tilespmem:v61+s25+$0x0] =	vst.idx.add.f32.msk $0xffff, v12  }
0x5c8: {  	v47 =	vor.u32 v36, v55;
	v12 =	vld [tilespmem:$0x1FF70]  }
0x5c9: {  	v57 =	vmul.f32 v15, v53;
	[tilespmem:v9+s25+$0x0] =	vst.idx.add.f32.msk $0xffff, v14  }
0x5ca: {  	v59 =	vor.u32 v29, v55;
	v61 =	vmul.f32 v16, v53;
	v14 =	vld [tilespmem:$0x1FF80]  }
0x5cb: {  	v9 =	vmul.f32 v17, v53;
	[tilespmem:v11+s25+$0x0] =	vst.idx.add.f32.msk $0xffff, v57  }
0x5cc: {  	v63 =	vor.u32 v44, v55;
	[tilespmem:v13+s25+$0x0] =	vst.idx.add.f32.msk $0xffff, v61  }
0x5cd: {  	v11 =	vmul.f32 v18, v53;
	[tilespmem:v47+s25+$0x0] =	vst.idx.add.f32.msk $0xffff, v9  }
0x5ce: {  	v47 =	vld [tilespmem:$0x1FF60]  }
0x5cf: {  	v10 =	vor.u32 v43, v55;
	v13 =	vmul.f32 v19, v53;
	[tilespmem:v59+s25+$0x0] =	vst.idx.add.f32.msk $0xffff, v11  }
0x5d0: {  	v1 =	vor.u32 v12, v55;
	v12 =	vld [tilespmem:$0x1FF30]  }
0x5d1: {  	[tilespmem:v63+s25+$0x0] =	vst.idx.add.f32.msk $0xffff, v13  }
0x5d2: {  	v15 =	vmul.f32 v56, v53;
	v63 =	vld [tilespmem:$0x1FEC0]  }
0x5d3: {  	v2 =	vor.u32 v14, v55;
	v14 =	vld [tilespmem:$0x1FF40]  }
0x5d4: {  	v16 =	vor.u32 v22, v55;
	v17 =	vmul.f32 v58, v53;
	[tilespmem:v10+s25+$0x0] =	vst.idx.add.f32.msk $0xffff, v15  }
0x5d5: {  	v10 =	vld [tilespmem:$0x1FF20]  }
0x5d6: {  	v18 =	vmul.f32 v60, v53;
	[tilespmem:v1+s25+$0x0] =	vst.idx.add.f32.msk $0xffff, v17  }
0x5d7: {  	v19 =	vmul.f32 v62, v53;
	v17 =	vld [tilespmem:$0x1FEF0]  }
0x5d8: {  	[tilespmem:v2+s25+$0x0] =	vst.idx.add.f32.msk $0xffff, v18  }
0x5d9: {  	[tilespmem:v16+s25+$0x0] =	vst.idx.add.f32.msk $0xffff, v19  }
0x5da: {  	v0 =	vld [tilespmem:s12+$0x2040]  }
0x5db: {  	v1 =	vld [tilespmem:s12+$0x2050]  }
0x5dc: {  	v2 =	vld [tilespmem:s12+$0x2060]  }
0x5dd: {  	v3 =	vld [tilespmem:s12+$0x2070]  }
0x5de: {  	v4 =	vld [tilespmem:s12+$0x2400]  }
0x5df: {  	v5 =	vld [tilespmem:s12+$0x2410]  }
0x5e0: {  	v6 =	vld [tilespmem:s12+$0x2420]  }
0x5e1: {  	v7 =	vld [tilespmem:s12+$0x2430]  }
0x5e2: {  	v56 =	vld [tilespmem:s12+$0x2440]  }
0x5e3: {  	v58 =	vld [tilespmem:s12+$0x2450]  }
0x5e4: {  	s13 =	sor.u32 $0x2, s5;
	v60 =	vld [tilespmem:s12+$0x2460]  }
0x5e5: {  	v62 =	vld [tilespmem:s12+$0x2470];
	s12 =	sshll.u32 s13, $0x7  }
0x5e6: {  	v19 =	vld [tilespmem:$0x1FF10];
	s12 =	sand.u32 $0x3FFFFF80, s12  }
0x5e7: {  	v16 =	vor.u32 v63, v55;
	v63 =	vld [tilespmem:s12+$0x2870]  }
0x5e8: {  	v8 =	vor.u32 v47, v55;
	v9 =	vld [tilespmem:s12+$0x2C00]  }
0x5e9: {  	v11 =	vld [tilespmem:s12+$0x2C30]  }
0x5ea: {  	v13 =	vld [tilespmem:s12+$0x2C40]  }
0x5eb: {  	v57 =	vor.u32 v42, v55;
	v15 =	vld [tilespmem:s12+$0x2C50];
	v0 =	vmul.f32 v0, v54  }
0x5ec: {  	v47 =	vmul.f32 v58, v54;
	v58 =	vld [tilespmem:s12+$0x2820]  }
0x5ed: {  	v59 =	vor.u32 v21, v55;
	[tilespmem:v8+s25+$0x0] =	vst.idx.add.f32.msk $0xffff, v0  }
0x5ee: {  	v61 =	vor.u32 v34, v55;
	v1 =	vmul.f32 v1, v54;
	v8 =	vld [tilespmem:$0x1FF00]  }
0x5ef: {  	v18 =	vmul.f32 v56, v54;
	v56 =	vmul.f32 v62, v54;
	v62 =	vld [tilespmem:s12+$0x2860]  }
0x5f0: {  	v2 =	vmul.f32 v2, v54;
	[tilespmem:v57+s25+$0x0] =	vst.idx.add.f32.msk $0xffff, v1  }
0x5f1: {  	v3 =	vmul.f32 v3, v54;
	v57 =	vld [tilespmem:s12+$0x2800]  }
0x5f2: {  	v4 =	vmul.f32 v4, v54;
	[tilespmem:v59+s25+$0x0] =	vst.idx.add.f32.msk $0xffff, v2  }
0x5f3: {  	[tilespmem:v61+s25+$0x0] =	vst.idx.add.f32.msk $0xffff, v3;
	v0 =	vor.u32 v8, v55  }
0x5f4: {  	[tilespmem:v16+s25+$0x0] =	vst.idx.add.f32.msk $0xffff, v4  }
0x5f5: {  	v16 =	vld [tilespmem:$0x1FF50]  }
0x5f6: {  	v5 =	vmul.f32 v5, v54;
	v1 =	vor.u32 v10, v55;
	v10 =	vld [tilespmem:s12+$0x2C10]  }
0x5f7: {  	v59 =	vld [tilespmem:s12+$0x2830]  }
0x5f8: {  	v2 =	vor.u32 v12, v55;
	[tilespmem:v0+s25+$0x0] =	vst.idx.add.f32.msk $0xffff, v5  }
0x5f9: {  	v6 =	vmul.f32 v6, v54;
	v3 =	vor.u32 v14, v55;
	v5 =	vld [tilespmem:s12+$0x2850]  }
0x5fa: {  	v4 =	vor.u32 v16, v55;
	v0 =	vor.u32 v17, v55;
	v17 =	vld [tilespmem:s12+$0x2C60]  }
0x5fb: {  	v7 =	vmul.f32 v7, v54;
	[tilespmem:v1+s25+$0x0] =	vst.idx.add.f32.msk $0xffff, v6  }
0x5fc: {  	v1 =	vor.u32 v19, v55;
	v19 =	vld [tilespmem:$0x1FFA0]  }
0x5fd: {  	[tilespmem:v2+s25+$0x0] =	vst.idx.add.f32.msk $0xffff, v7  }
0x5fe: {  	[tilespmem:v3+s25+$0x0] =	vst.idx.add.f32.msk $0xffff, v18  }
0x5ff: {  	v55 =	vmul.f32 v60, v54;
	[tilespmem:v4+s25+$0x0] =	vst.idx.add.f32.msk $0xffff, v47  }
0x600: {  	v47 =	vld [tilespmem:$0x1FFB0]  }
0x601: {  	v61 =	vmov s13;
	[tilespmem:v0+s25+$0x0] =	vst.idx.add.f32.msk $0xffff, v55  }
0x602: {  	v6 =	vshll.u32 v61, $0x7;
	[tilespmem:v1+s25+$0x0] =	vst.idx.add.f32.msk $0xffff, v56  }
0x603: {  	v6 =	vand.u32 $0x300, v6;
	v56 =	vld [tilespmem:$0x1FFC0]  }
0x604: {  	v55 =	vbroadcast v6, $0x0;
	v0 =	vmul.f32 v57, v52;
	v57 =	vld [tilespmem:$0x1FED0]  }
0x605: {  	v1 =	vld [tilespmem:s12+$0x2810]  }
0x606: {  	v60 =	vld [tilespmem:s12+$0x2840];
	v12 =	vor.u32 v19, v55  }
0x607: {  	v7 =	vmul.f32 v62, v52;
	v62 =	vld [tilespmem:$0x1FCD0];
	v14 =	vor.u32 v47, v55  }
0x608: {  	v6 =	vld [tilespmem:s12+$0x2C20];
	v16 =	vor.u32 v56, v55  }
0x609: {  	v19 =	vld [tilespmem:s12+$0x2C70];
	v18 =	vor.u32 v57, v55  }
0x60a: {  	v1 =	vmul.f32 v1, v52;
	v56 =	vld [tilespmem:$0x1FD20]  }
0x60b: {  	v2 =	vmul.f32 v58, v52;
	v20 =	vor.u32 v25, v55;
	[tilespmem:v12+s25+$0x0] =	vst.idx.add.f32.msk $0xffff, v0  }
0x60c: {  	v3 =	vmul.f32 v59, v52;
	[tilespmem:v14+s25+$0x0] =	vst.idx.add.f32.msk $0xffff, v1  }
0x60d: {  	v58 =	vor.u32 v26, v55;
	[tilespmem:v16+s25+$0x0] =	vst.idx.add.f32.msk $0xffff, v2  }
0x60e: {  	v4 =	vmul.f32 v60, v52;
	v59 =	vor.u32 v27, v55;
	[tilespmem:v18+s25+$0x0] =	vst.idx.add.f32.msk $0xffff, v3  }
0x60f: {  	v60 =	vor.u32 v28, v55;
	v18 =	vld [tilespmem:$0x1FD10]  }
0x610: {  	v5 =	vmul.f32 v5, v52;
	v61 =	vor.u32 v51, v55;
	[tilespmem:v20+s25+$0x0] =	vst.idx.add.f32.msk $0xffff, v4  }
0x611: {  	v4 =	vor.u32 v62, v55;
	v62 =	vld [tilespmem:$0x1FD40]  }
0x612: {  	v8 =	vmul.f32 v63, v52;
	v63 =	vor.u32 v38, v55;
	[tilespmem:v58+s25+$0x0] =	vst.idx.add.f32.msk $0xffff, v5  }
0x613: {  	v9 =	vmul.f32 v9, v52;
	[tilespmem:v59+s25+$0x0] =	vst.idx.add.f32.msk $0xffff, v7  }
0x614: {  	v12 =	vor.u32 v35, v55;
	v14 =	vmul.f32 v10, v52;
	[tilespmem:v60+s25+$0x0] =	vst.idx.add.f32.msk $0xffff, v8  }
0x615: {  	v6 =	vmul.f32 v6, v52;
	[tilespmem:v61+s25+$0x0] =	vst.idx.add.f32.msk $0xffff, v9  }
0x616: {  	v16 =	vor.u32 v40, v55;
	[tilespmem:v4+s25+$0x0] =	vst.idx.add.f32.msk $0xffff, v14  }
0x617: {  	v47 =	vmul.f32 v11, v52;
	v3 =	vor.u32 v18, v55;
	[tilespmem:v63+s25+$0x0] =	vst.idx.add.f32.msk $0xffff, v6  }
0x618: {  	v4 =	vor.u32 v56, v55;
	v63 =	vld [tilespmem:$0x1FD60]  }
0x619: {  	v57 =	vmul.f32 v13, v52;
	v58 =	vor.u32 v30, v55;
	[tilespmem:v12+s25+$0x0] =	vst.idx.add.f32.msk $0xffff, v47  }
0x61a: {  	v59 =	vmul.f32 v15, v52;
	v47 =	vld [tilespmem:$0x1FF90]  }
0x61b: {  	v60 =	vmul.f32 v17, v52;
	[tilespmem:v16+s25+$0x0] =	vst.idx.add.f32.msk $0xffff, v57  }
0x61c: {  	v61 =	vmul.f32 v19, v52;
	[tilespmem:v3+s25+$0x0] =	vst.idx.add.f32.msk $0xffff, v59  }
0x61d: {  	[tilespmem:v4+s25+$0x0] =	vst.idx.add.f32.msk $0xffff, v60  }
0x61e: {  	[tilespmem:v58+s25+$0x0] =	vst.idx.add.f32.msk $0xffff, v61  }
0x61f: {  	v0 =	vld [tilespmem:s12+$0x2400]  }
0x620: {  	v1 =	vld [tilespmem:s12+$0x2410]  }
0x621: {  	v2 =	vld [tilespmem:s12+$0x2420]  }
0x622: {  	v3 =	vld [tilespmem:s12+$0x2430]  }
0x623: {  	v4 =	vld [tilespmem:s12+$0x2440]  }
0x624: {  	v5 =	vld [tilespmem:s12+$0x2450]  }
0x625: {  	v6 =	vld [tilespmem:s12+$0x2460]  }
0x626: {  	v7 =	vld [tilespmem:s12+$0x2470]  }
0x627: {  	v8 =	vld [tilespmem:s12+$0x2800]  }
0x628: {  	v9 =	vld [tilespmem:s12+$0x2810]  }
0x629: {  	v10 =	vld [tilespmem:s12+$0x2820]  }
0x62a: {  	v11 =	vld [tilespmem:s12+$0x2830]  }
0x62b: {  	v12 =	vld [tilespmem:s12+$0x2840]  }
0x62c: {  	v13 =	vld [tilespmem:s12+$0x2850]  }
0x62d: {  	v14 =	vld [tilespmem:s12+$0x2860]  }
0x62e: {  	v15 =	vld [tilespmem:s12+$0x2870]  }
0x62f: {  	v16 =	vld [tilespmem:s12+$0x2C00]  }
0x630: {  	v17 =	vld [tilespmem:s12+$0x2C10]  }
0x631: {  	v18 =	vld [tilespmem:s12+$0x2C20]  }
0x632: {  	v20 =	vor.u32 v31, v55;
	v19 =	vld [tilespmem:s12+$0x2C30]  }
0x633: {  	v57 =	vor.u32 v62, v55;
	v56 =	vld [tilespmem:s12+$0x2C40]  }
0x634: {  	v59 =	vor.u32 v39, v55;
	v58 =	vld [tilespmem:s12+$0x2C50]  }
0x635: {  	v60 =	vld [tilespmem:s12+$0x2C60];
	v0 =	vmul.f32 v0, v53  }
0x636: {  	v62 =	vld [tilespmem:s12+$0x2C70];
	v1 =	vmul.f32 v1, v53  }
0x637: {  	v2 =	vmul.f32 v2, v53;
	[tilespmem:v20+s25+$0x0] =	vst.idx.add.f32.msk $0xffff, v0  }
0x638: {  	[tilespmem:v57+s25+$0x0] =	vst.idx.add.f32.msk $0xffff, v1  }
0x639: {  	[tilespmem:v59+s25+$0x0] =	vst.idx.add.f32.msk $0xffff, v2  }
0x63a: {  	v59 =	vld [tilespmem:$0x1FD90]  }
0x63b: {  	v61 =	vor.u32 v63, v55  }
0x63c: {  	v63 =	vor.u32 v33, v55  }
0x63d: {  	v0 =	vor.u32 v47, v55  }
0x63e: {  	v3 =	vmul.f32 v3, v53;
	v57 =	vor.u32 v24, v55  }
0x63f: {  	v4 =	vmul.f32 v4, v53;
	v2 =	vor.u32 v59, v55  }
0x640: {  	v5 =	vmul.f32 v5, v53;
	[tilespmem:v61+s25+$0x0] =	vst.idx.add.f32.msk $0xffff, v3;
	v61 =	vor.u32 v45, v55  }
0x641: {  	v6 =	vmul.f32 v6, v53;
	[tilespmem:v63+s25+$0x0] =	vst.idx.add.f32.msk $0xffff, v4;
	v4 =	vor.u32 v41, v55  }
0x642: {  	v7 =	vmul.f32 v7, v53;
	[tilespmem:v0+s25+$0x0] =	vst.idx.add.f32.msk $0xffff, v5;
	v0 =	vor.u32 v48, v55  }
0x643: {  	v1 =	vor.u32 v37, v55;
	v63 =	vmul.f32 v8, v53;
	[tilespmem:v57+s25+$0x0] =	vst.idx.add.f32.msk $0xffff, v6  }
0x644: {  	v47 =	vmul.f32 v9, v53;
	v57 =	vor.u32 v32, v55;
	[tilespmem:v2+s25+$0x0] =	vst.idx.add.f32.msk $0xffff, v7  }
0x645: {  	v59 =	vmul.f32 v10, v53;
	[tilespmem:v61+s25+$0x0] =	vst.idx.add.f32.msk $0xffff, v63;
	v61 =	vor.u32 v49, v55  }
0x646: {  	v63 =	vmul.f32 v11, v53;
	[tilespmem:v4+s25+$0x0] =	vst.idx.add.f32.msk $0xffff, v47  }
0x647: {  	v9 =	vor.u32 v23, v55;
	v10 =	vmul.f32 v12, v53;
	[tilespmem:v0+s25+$0x0] =	vst.idx.add.f32.msk $0xffff, v59  }
0x648: {  	v12 =	vmul.f32 v13, v53;
	[tilespmem:v1+s25+$0x0] =	vst.idx.add.f32.msk $0xffff, v63  }
0x649: {  	v11 =	vor.u32 v50, v55;
	[tilespmem:v57+s25+$0x0] =	vst.idx.add.f32.msk $0xffff, v10  }
0x64a: {  	v14 =	vmul.f32 v14, v53;
	v13 =	vor.u32 v46, v55;
	[tilespmem:v61+s25+$0x0] =	vst.idx.add.f32.msk $0xffff, v12  }
0x64b: {  	v47 =	vor.u32 v36, v55;
	v12 =	vld [tilespmem:$0x1FF70]  }
0x64c: {  	v57 =	vmul.f32 v15, v53;
	[tilespmem:v9+s25+$0x0] =	vst.idx.add.f32.msk $0xffff, v14  }
0x64d: {  	v61 =	vmul.f32 v16, v53;
	v14 =	vld [tilespmem:$0x1FF80]  }
0x64e: {  	v59 =	vor.u32 v29, v55;
	v9 =	vmul.f32 v17, v53;
	[tilespmem:v11+s25+$0x0] =	vst.idx.add.f32.msk $0xffff, v57  }
0x64f: {  	s13 =	sor.u32 $0x3, s5;
	[tilespmem:v13+s25+$0x0] =	vst.idx.add.f32.msk $0xffff, v61  }
0x650: {  	s5 =	sshll.u32 s13, $0x7;
	v63 =	vor.u32 v44, v55;
	[tilespmem:v47+s25+$0x0] =	vst.idx.add.f32.msk $0xffff, v9  }
0x651: {  	s5 =	sand.u32 $0x3FFFFF80, s5;
	v11 =	vmul.f32 v18, v53;
	v47 =	vld [tilespmem:$0x1FF60]  }
0x652: {  	v9 =	vld [tilespmem:s5+$0x2C00]  }
0x653: {  	v10 =	vor.u32 v43, v55;
	v13 =	vmul.f32 v19, v53;
	[tilespmem:v59+s25+$0x0] =	vst.idx.add.f32.msk $0xffff, v11  }
0x654: {  	v11 =	vld [tilespmem:s5+$0x2C30]  }
0x655: {  	[tilespmem:v63+s25+$0x0] =	vst.idx.add.f32.msk $0xffff, v13  }
0x656: {  	v15 =	vmul.f32 v56, v53;
	v63 =	vld [tilespmem:$0x1FEC0]  }
0x657: {  	v1 =	vor.u32 v12, v55;
	v13 =	vld [tilespmem:s5+$0x2C40]  }
0x658: {  	[tilespmem:v10+s25+$0x0] =	vst.idx.add.f32.msk $0xffff, v15  }
0x659: {  	v2 =	vor.u32 v14, v55;
	v10 =	vld [tilespmem:$0x1FF20]  }
0x65a: {  	v17 =	vmul.f32 v58, v53;
	v15 =	vld [tilespmem:s5+$0x2C50]  }
0x65b: {  	v16 =	vor.u32 v22, v55;
	v8 =	vor.u32 v47, v55;
	v47 =	vld [tilespmem:$0x1FEF0]  }
0x65c: {  	v18 =	vmul.f32 v60, v53;
	[tilespmem:v1+s25+$0x0] =	vst.idx.add.f32.msk $0xffff, v17  }
0x65d: {  	v17 =	vld [tilespmem:$0x1FF30]  }
0x65e: {  	v19 =	vmul.f32 v62, v53;
	[tilespmem:v2+s25+$0x0] =	vst.idx.add.f32.msk $0xffff, v18  }
0x65f: {  	v18 =	vld [tilespmem:$0x1FF40]  }
0x660: {  	[tilespmem:v16+s25+$0x0] =	vst.idx.add.f32.msk $0xffff, v19  }
0x661: {  	v19 =	vld [tilespmem:$0x1FF50]  }
0x662: {  	v16 =	vor.u32 v63, v55;
	v63 =	vld [tilespmem:s5+$0x2830]  }
0x663: {  	v0 =	vld [tilespmem:s12+$0x2040]  }
0x664: {  	v1 =	vld [tilespmem:s12+$0x2050]  }
0x665: {  	v2 =	vld [tilespmem:s12+$0x2060]  }
0x666: {  	v3 =	vld [tilespmem:s12+$0x2070]  }
0x667: {  	v4 =	vld [tilespmem:s12+$0x2400]  }
0x668: {  	v5 =	vld [tilespmem:s12+$0x2410]  }
0x669: {  	v6 =	vld [tilespmem:s12+$0x2420]  }
0x66a: {  	v7 =	vld [tilespmem:s12+$0x2430]  }
0x66b: {  	v56 =	vld [tilespmem:s12+$0x2440]  }
0x66c: {  	v57 =	vor.u32 v42, v55;
	v58 =	vld [tilespmem:s12+$0x2450]  }
0x66d: {  	v60 =	vld [tilespmem:s12+$0x2460];
	v0 =	vmul.f32 v0, v54  }
0x66e: {  	v62 =	vld [tilespmem:s12+$0x2470]  }
0x66f: {  	v59 =	vor.u32 v21, v55;
	v1 =	vmul.f32 v1, v54;
	[tilespmem:v8+s25+$0x0] =	vst.idx.add.f32.msk $0xffff, v0  }
0x670: {  	v8 =	vld [tilespmem:$0x1FF00]  }
0x671: {  	[tilespmem:v57+s25+$0x0] =	vst.idx.add.f32.msk $0xffff, v1  }
0x672: {  	v61 =	vor.u32 v34, v55;
	v2 =	vmul.f32 v2, v54;
	v57 =	vld [tilespmem:$0x1FF10]  }
0x673: {  	v1 =	vor.u32 v10, v55;
	v10 =	vld [tilespmem:s5+$0x2C10]  }
0x674: {  	v3 =	vmul.f32 v3, v54;
	[tilespmem:v59+s25+$0x0] =	vst.idx.add.f32.msk $0xffff, v2  }
0x675: {  	v59 =	vmul.f32 v60, v54;
	v60 =	vmul.f32 v62, v54;
	v62 =	vld [tilespmem:s5+$0x2820]  }
0x676: {  	v2 =	vor.u32 v17, v55;
	v17 =	vld [tilespmem:s5+$0x2C60]  }
0x677: {  	v4 =	vmul.f32 v4, v54;
	[tilespmem:v61+s25+$0x0] =	vst.idx.add.f32.msk $0xffff, v3;
	v0 =	vor.u32 v8, v55  }
0x678: {  	v61 =	vld [tilespmem:s5+$0x2800]  }
0x679: {  	[tilespmem:v16+s25+$0x0] =	vst.idx.add.f32.msk $0xffff, v4  }
0x67a: {  	v5 =	vmul.f32 v5, v54;
	v4 =	vor.u32 v19, v55;
	v19 =	vld [tilespmem:s5+$0x2C70]  }
0x67b: {  	v8 =	vld [tilespmem:s5+$0x2870]  }
0x67c: {  	[tilespmem:v0+s25+$0x0] =	vst.idx.add.f32.msk $0xffff, v5  }
0x67d: {  	v6 =	vmul.f32 v6, v54;
	v3 =	vor.u32 v18, v55;
	v0 =	vor.u32 v47, v55;
	v47 =	vld [tilespmem:s5+$0x2840]  }
0x67e: {  	v7 =	vmul.f32 v7, v54;
	v5 =	vld [tilespmem:s5+$0x2850]  }
0x67f: {  	[tilespmem:v1+s25+$0x0] =	vst.idx.add.f32.msk $0xffff, v6  }
0x680: {  	v56 =	vmul.f32 v56, v54;
	[tilespmem:v2+s25+$0x0] =	vst.idx.add.f32.msk $0xffff, v7  }
0x681: {  	v58 =	vmul.f32 v58, v54;
	v7 =	vld [tilespmem:s5+$0x2860]  }
0x682: {  	v1 =	vor.u32 v57, v55;
	[tilespmem:v3+s25+$0x0] =	vst.idx.add.f32.msk $0xffff, v56  }
0x683: {  	[tilespmem:v4+s25+$0x0] =	vst.idx.add.f32.msk $0xffff, v58  }
0x684: {  	v58 =	vld [tilespmem:$0x1FFA0]  }
0x685: {  	[tilespmem:v0+s25+$0x0] =	vst.idx.add.f32.msk $0xffff, v59  }
0x686: {  	v57 =	vmov s13;
	v59 =	vld [tilespmem:$0x1FFB0]  }
0x687: {  	v6 =	vshll.u32 v57, $0x7;
	[tilespmem:v1+s25+$0x0] =	vst.idx.add.f32.msk $0xffff, v60  }
0x688: {  	v6 =	vand.u32 $0x380, v6;
	v60 =	vld [tilespmem:$0x1FFC0]  }
0x689: {  	v55 =	vbroadcast v6, $0x0;
	v0 =	vmul.f32 v61, v52;
	v61 =	vld [tilespmem:$0x1FED0]  }
0x68a: {  	v1 =	vld [tilespmem:s5+$0x2810]  }
0x68b: {  	v57 =	vld [tilespmem:$0x1FCD0];
	v12 =	vor.u32 v58, v55  }
0x68c: {  	v6 =	vld [tilespmem:s5+$0x2C20];
	v14 =	vor.u32 v59, v55  }
0x68d: {  	v56 =	vor.u32 v51, v55;
	v51 =	vld [tilespmem:$0x1FD60];
	v16 =	vor.u32 v60, v55  }
0x68e: {  	v59 =	vor.u32 v38, v55;
	v38 =	vld [tilespmem:$0x1FD90]  }
0x68f: {  	v18 =	vor.u32 v61, v55;
	v1 =	vmul.f32 v1, v52;
	v60 =	vmul.f32 v9, v52;
	v9 =	vld [tilespmem:$0x1FD20]  }
0x690: {  	v2 =	vmul.f32 v62, v52;
	v20 =	vor.u32 v25, v55;
	[tilespmem:v12+s25+$0x0] =	vst.idx.add.f32.msk $0xffff, v0  }
0x691: {  	v62 =	vor.u32 v26, v55;
	[tilespmem:v14+s25+$0x0] =	vst.idx.add.f32.msk $0xffff, v1  }
0x692: {  	v3 =	vmul.f32 v63, v52;
	[tilespmem:v16+s25+$0x0] =	vst.idx.add.f32.msk $0xffff, v2  }
0x693: {  	v4 =	vmul.f32 v47, v52;
	v16 =	vor.u32 v30, v55;
	v30 =	vld [tilespmem:$0x1FD40]  }
0x694: {  	v5 =	vmul.f32 v5, v52;
	v63 =	vor.u32 v27, v55;
	[tilespmem:v18+s25+$0x0] =	vst.idx.add.f32.msk $0xffff, v3  }
0x695: {  	v47 =	vor.u32 v28, v55;
	[tilespmem:v20+s25+$0x0] =	vst.idx.add.f32.msk $0xffff, v4  }
0x696: {  	[tilespmem:v62+s25+$0x0] =	vst.idx.add.f32.msk $0xffff, v5  }
0x697: {  	v7 =	vmul.f32 v7, v52;
	v58 =	vor.u32 v57, v55;
	v62 =	vmul.f32 v10, v52;
	v10 =	vld [tilespmem:$0x1FD10]  }
0x698: {  	v8 =	vmul.f32 v8, v52;
	v20 =	vor.u32 v31, v55;
	v31 =	vld [tilespmem:$0x1FD10]  }
0x699: {  	v61 =	vor.u32 v35, v55;
	[tilespmem:v63+s25+$0x0] =	vst.idx.add.f32.msk $0xffff, v7  }
0x69a: {  	[tilespmem:v47+s25+$0x0] =	vst.idx.add.f32.msk $0xffff, v8  }
0x69b: {  	v6 =	vmul.f32 v6, v52;
	v63 =	vor.u32 v40, v55;
	[tilespmem:v56+s25+$0x0] =	vst.idx.add.f32.msk $0xffff, v60  }
0x69c: {  	v11 =	vmul.f32 v11, v52;
	[tilespmem:v58+s25+$0x0] =	vst.idx.add.f32.msk $0xffff, v62;
	v3 =	vor.u32 v10, v55  }
0x69d: {  	v12 =	vor.u32 v9, v55;
	[tilespmem:v59+s25+$0x0] =	vst.idx.add.f32.msk $0xffff, v6  }
0x69e: {  	v14 =	vmul.f32 v13, v52;
	[tilespmem:v61+s25+$0x0] =	vst.idx.add.f32.msk $0xffff, v11  }
0x69f: {  	v18 =	vmul.f32 v15, v52;
	v61 =	vor.u32 v51, v55;
	v51 =	vld [tilespmem:$0x1FF90]  }
0x6a0: {  	v40 =	vmul.f32 v17, v52;
	[tilespmem:v63+s25+$0x0] =	vst.idx.add.f32.msk $0xffff, v14  }
0x6a1: {  	[tilespmem:v3+s25+$0x0] =	vst.idx.add.f32.msk $0xffff, v18  }
0x6a2: {  	v47 =	vmul.f32 v19, v52;
	[tilespmem:v12+s25+$0x0] =	vst.idx.add.f32.msk $0xffff, v40  }
0x6a3: {  	v40 =	vor.u32 v24, v55;
	v24 =	vld [tilespmem:$0x1FED0]  }
0x6a4: {  	[tilespmem:v16+s25+$0x0] =	vst.idx.add.f32.msk $0xffff, v47  }
0x6a5: {  	v0 =	vld [tilespmem:s5+$0x2400]  }
0x6a6: {  	v1 =	vld [tilespmem:s5+$0x2410]  }
0x6a7: {  	v2 =	vld [tilespmem:s5+$0x2420]  }
0x6a8: {  	v3 =	vld [tilespmem:s5+$0x2430]  }
0x6a9: {  	v4 =	vld [tilespmem:s5+$0x2440]  }
0x6aa: {  	v5 =	vld [tilespmem:s5+$0x2450]  }
0x6ab: {  	v6 =	vld [tilespmem:s5+$0x2460]  }
0x6ac: {  	v7 =	vld [tilespmem:s5+$0x2470]  }
0x6ad: {  	v8 =	vld [tilespmem:s5+$0x2800]  }
0x6ae: {  	v9 =	vld [tilespmem:s5+$0x2810]  }
0x6af: {  	v10 =	vld [tilespmem:s5+$0x2820]  }
0x6b0: {  	v11 =	vld [tilespmem:s5+$0x2830]  }
0x6b1: {  	v12 =	vld [tilespmem:s5+$0x2840]  }
0x6b2: {  	v13 =	vld [tilespmem:s5+$0x2850]  }
0x6b3: {  	v14 =	vld [tilespmem:s5+$0x2860]  }
0x6b4: {  	v15 =	vld [tilespmem:s5+$0x2870]  }
0x6b5: {  	v16 =	vld [tilespmem:s5+$0x2C00]  }
0x6b6: {  	v17 =	vld [tilespmem:s5+$0x2C10]  }
0x6b7: {  	v18 =	vld [tilespmem:s5+$0x2C20]  }
0x6b8: {  	v19 =	vld [tilespmem:s5+$0x2C30]  }
0x6b9: {  	v57 =	vor.u32 v30, v55;
	v56 =	vld [tilespmem:s5+$0x2C40]  }
0x6ba: {  	v58 =	vld [tilespmem:s5+$0x2C50]  }
0x6bb: {  	v59 =	vor.u32 v39, v55;
	v60 =	vld [tilespmem:s5+$0x2C60];
	v0 =	vmul.f32 v0, v53  }
0x6bc: {  	v62 =	vld [tilespmem:s5+$0x2C70];
	v1 =	vmul.f32 v1, v53  }
0x6bd: {  	v63 =	vor.u32 v33, v55;
	[tilespmem:v20+s25+$0x0] =	vst.idx.add.f32.msk $0xffff, v0  }
0x6be: {  	v47 =	vmul.f32 v2, v53;
	v2 =	vor.u32 v51, v55;
	[tilespmem:v57+s25+$0x0] =	vst.idx.add.f32.msk $0xffff, v1  }
0x6bf: {  	v39 =	vmul.f32 v3, v53;
	v57 =	vld [tilespmem:$0x1FFB0]  }
0x6c0: {  	[tilespmem:v59+s25+$0x0] =	vst.idx.add.f32.msk $0xffff, v47;
	v47 =	vmul.f32 v4, v53;
	v4 =	vor.u32 v38, v55  }
0x6c1: {  	v51 =	vmul.f32 v5, v53;
	[tilespmem:v61+s25+$0x0] =	vst.idx.add.f32.msk $0xffff, v39  }
0x6c2: {  	v5 =	vor.u32 v45, v55;
	v59 =	vmul.f32 v6, v53;
	[tilespmem:v63+s25+$0x0] =	vst.idx.add.f32.msk $0xffff, v47  }
0x6c3: {  	v6 =	vor.u32 v41, v55;
	v38 =	vmul.f32 v7, v53;
	[tilespmem:v2+s25+$0x0] =	vst.idx.add.f32.msk $0xffff, v51  }
0x6c4: {  	v39 =	vor.u32 v48, v55;
	[tilespmem:v40+s25+$0x0] =	vst.idx.add.f32.msk $0xffff, v59  }
0x6c5: {  	v51 =	vmul.f32 v9, v53;
	v40 =	vmul.f32 v8, v53;
	[tilespmem:v4+s25+$0x0] =	vst.idx.add.f32.msk $0xffff, v38  }
0x6c6: {  	v38 =	vmul.f32 v11, v53;
	v11 =	vmul.f32 v16, v53;
	v16 =	vld [tilespmem:$0x1FF70]  }
0x6c7: {  	v47 =	vor.u32 v37, v55;
	[tilespmem:v5+s25+$0x0] =	vst.idx.add.f32.msk $0xffff, v40  }
0x6c8: {  	v9 =	vmul.f32 v10, v53;
	v59 =	vor.u32 v32, v55;
	[tilespmem:v6+s25+$0x0] =	vst.idx.add.f32.msk $0xffff, v51  }
0x6c9: {  	v10 =	vor.u32 v49, v55;
	v6 =	vor.u32 v23, v55;
	v23 =	vld [tilespmem:$0x1FEC0]  }
0x6ca: {  	[tilespmem:v39+s25+$0x0] =	vst.idx.add.f32.msk $0xffff, v9;
	v39 =	vmul.f32 v12, v53  }
0x6cb: {  	v9 =	vmul.f32 v15, v53;
	v15 =	vmul.f32 v18, v53;
	v18 =	vld [tilespmem:$0x1FF80]  }
0x6cc: {  	v2 =	vor.u32 v50, v55;
	v40 =	vmul.f32 v13, v53;
	[tilespmem:v47+s25+$0x0] =	vst.idx.add.f32.msk $0xffff, v38  }
0x6cd: {  	v3 =	vor.u32 v46, v55;
	v51 =	vmul.f32 v14, v53;
	[tilespmem:v59+s25+$0x0] =	vst.idx.add.f32.msk $0xffff, v39  }
0x6ce: {  	v59 =	vor.u32 v36, v55;
	[tilespmem:v10+s25+$0x0] =	vst.idx.add.f32.msk $0xffff, v40  }
0x6cf: {  	v10 =	vor.u32 v29, v55;
	[tilespmem:v6+s25+$0x0] =	vst.idx.add.f32.msk $0xffff, v51  }
0x6d0: {  	v12 =	vor.u32 v44, v55;
	v51 =	vld [tilespmem:$0x1FF60]  }
0x6d1: {  	v13 =	vmul.f32 v17, v53;
	[tilespmem:v2+s25+$0x0] =	vst.idx.add.f32.msk $0xffff, v9  }
0x6d2: {  	[tilespmem:v3+s25+$0x0] =	vst.idx.add.f32.msk $0xffff, v11  }
0x6d3: {  	v17 =	vmul.f32 v19, v53;
	[tilespmem:v59+s25+$0x0] =	vst.idx.add.f32.msk $0xffff, v13  }
0x6d4: {  	v14 =	vor.u32 v43, v55;
	[tilespmem:v10+s25+$0x0] =	vst.idx.add.f32.msk $0xffff, v15  }
0x6d5: {  	[tilespmem:v12+s25+$0x0] =	vst.idx.add.f32.msk $0xffff, v17  }
0x6d6: {  	v3 =	vor.u32 v16, v55;
	v8 =	vor.u32 v51, v55;
	v51 =	vld [tilespmem:$0x1FF00]  }
0x6d7: {  	v19 =	vmul.f32 v56, v53;
	v0 =	vor.u32 v18, v55;
	v12 =	vld [tilespmem:$0x1FF30]  }
0x6d8: {  	v38 =	vor.u32 v22, v55;
	v17 =	vld [tilespmem:$0x1FF40]  }
0x6d9: {  	v39 =	vmul.f32 v58, v53;
	[tilespmem:v14+s25+$0x0] =	vst.idx.add.f32.msk $0xffff, v19  }
0x6da: {  	v40 =	vmul.f32 v60, v53;
	v19 =	vld [tilespmem:$0x1FF50]  }
0x6db: {  	v47 =	vmul.f32 v62, v53;
	[tilespmem:v3+s25+$0x0] =	vst.idx.add.f32.msk $0xffff, v39  }
0x6dc: {  	[tilespmem:v0+s25+$0x0] =	vst.idx.add.f32.msk $0xffff, v40  }
0x6dd: {  	[tilespmem:v38+s25+$0x0] =	vst.idx.add.f32.msk $0xffff, v47  }
0x6de: {  	v0 =	vld [tilespmem:s5+$0x2040]  }
0x6df: {  	v1 =	vld [tilespmem:s5+$0x2050]  }
0x6e0: {  	v2 =	vld [tilespmem:s5+$0x2060]  }
0x6e1: {  	v3 =	vld [tilespmem:s5+$0x2070]  }
0x6e2: {  	v4 =	vld [tilespmem:s5+$0x2400]  }
0x6e3: {  	v5 =	vld [tilespmem:s5+$0x2410]  }
0x6e4: {  	v6 =	vld [tilespmem:s5+$0x2420]  }
0x6e5: {  	v7 =	vld [tilespmem:s5+$0x2430]  }
0x6e6: {  	v9 =	vld [tilespmem:s5+$0x2440]  }
0x6e7: {  	v59 =	vor.u32 v42, v55;
	v11 =	vld [tilespmem:s5+$0x2450]  }
0x6e8: {  	v38 =	vor.u32 v21, v55;
	v13 =	vld [tilespmem:s5+$0x2460];
	v0 =	vmul.f32 v0, v54  }
0x6e9: {  	v39 =	vor.u32 v34, v55;
	v15 =	vld [tilespmem:s5+$0x2470]  }
0x6ea: {  	v1 =	vmul.f32 v1, v54;
	[tilespmem:v8+s25+$0x0] =	vst.idx.add.f32.msk $0xffff, v0  }
0x6eb: {  	v47 =	vmul.f32 v2, v54;
	v8 =	vld [tilespmem:$0x1FF20]  }
0x6ec: {  	[tilespmem:v59+s25+$0x0] =	vst.idx.add.f32.msk $0xffff, v1;
	v59 =	vmul.f32 v3, v54  }
0x6ed: {  	[tilespmem:v38+s25+$0x0] =	vst.idx.add.f32.msk $0xffff, v47  }
0x6ee: {  	v40 =	vor.u32 v23, v55;
	[tilespmem:v39+s25+$0x0] =	vst.idx.add.f32.msk $0xffff, v59  }
0x6ef: {  	v2 =	vor.u32 v51, v55;
	v39 =	vld [tilespmem:$0x1FEF0]  }
0x6f0: {  	v47 =	vld [tilespmem:$0x1FF10];
	v3 =	vor.u32 v8, v55  }
0x6f1: {  	v56 =	vld [tilespmem:$0x1FFA0];
	v10 =	vmul.f32 v4, v54;
	v4 =	vor.u32 v12, v55  }
0x6f2: {  	v58 =	vld [tilespmem:$0x1FFC0];
	v14 =	vmul.f32 v5, v54;
	v5 =	vor.u32 v17, v55  }
0x6f3: {  	v18 =	vmul.f32 v6, v54;
	v6 =	vor.u32 v19, v55;
	[tilespmem:v40+s25+$0x0] =	vst.idx.add.f32.msk $0xffff, v10  }
0x6f4: {  	v38 =	vmul.f32 v7, v54;
	[tilespmem:v2+s25+$0x0] =	vst.idx.add.f32.msk $0xffff, v14;
	v2 =	vor.u32 v39, v55  }
0x6f5: {  	p2 =	por p1, p1;
	v40 =	vmul.f32 v9, v54;
	[tilespmem:v3+s25+$0x0] =	vst.idx.add.f32.msk $0xffff, v18;
	v3 =	vor.u32 v47, v55  }
.Ltmp2:
0x6f6: {  	v51 =	vmul.f32 v11, v54;
	[tilespmem:v4+s25+$0x0] =	vst.idx.add.f32.msk $0xffff, v38;
	(pc) =	sbr.rel @p2 .LBB2_7-.Ltmp2, $4  }
0x6f7: {  	v55 =	vmul.f32 v13, v54;
	[tilespmem:v5+s25+$0x0] =	vst.idx.add.f32.msk $0xffff, v40  }
0x6f8: {  	v33 =	vmovc v35;
	v46 =	vmov v41;
	v61 =	vmov v26;
	v59 =	vmul.f32 v15, v54;
	[tilespmem:v6+s25+$0x0] =	vst.idx.add.f32.msk $0xffff, v51  }
0x6f9: {  	v48 =	vmovc v34;
	v63 =	vmovc v28;
	v50 =	vmov v45;
	v43 =	vmov v49;
	v44 =	vmov v32;
	[tilespmem:v2+s25+$0x0] =	vst.idx.add.f32.msk $0xffff, v55  }
0x6fa: {  	p1 =	por $0x0, $0x0;
	v62 =	vmovc v27;
	v36 =	vmovc v37;
	v60 =	vmov v25;
	v42 =	vmov v29;
	v21 =	vmov v22;
	s5 =	simm.s32 $0x4;
	[tilespmem:v3+s25+$0x0] =	vst.idx.add.f32.msk $0xffff, v59  }
0x6fb: {  	s5 =	sadd.s32 s3, s10  }
0x6fc: {  	[hbm4b:s5+s4] =	stream.linear.scatter [tilespmem:s24], [sflag:$0xB], $0x1000, $0x38;
	[tilespmem:$0x10080] =	vst v63  }
0x6fd: {  	s18 =	sadd.s32 s3, s18;
	s5 =	simm.s32 @!p0 $0xA  }
0x6fe: {  	[hbm4b:s18+s4] =	stream.linear.scatter [tilespmem:s25], [sflag:$0xF], $0x3000, $0x38;
	[tilespmem:$0x10080] =	vst v63  }
0x6ff: {  	_ =	swait.ge @!p0 [sflag:s5], $0x1000  }
0x700: {  	[sflag:s5] =	ssyncset.done @!p0 $0x0  }
0x701: {  	[sflag:s5] =	ssyncadd.s32 @!p0 $0xFFFFF000;
	s5 =	simm.s32 @!p0 $0xE  }
0x702: {  	_ =	swait.ge @!p0 [sflag:s5], $0x3000  }
0x703: {  	s9 =	sadd.s32 @!p0 s9, s17;
	[sflag:s5] =	ssyncset.done @!p0 $0x0  }
0x704: {  	[sflag:s5] =	ssyncadd.s32 @!p0 $0xFFFFD000;
	s5 =	sshrl.u32 @!p0 s9, $0x3  }
0x705: {  	s10 =	simm.s32 @!p0 $0x0;
	s12 =	simm.s32 @!p0 $0x1000;
	s9 =	sadd.s32 @!p0 s2, s5  }
0x706: {  	[tilespmem:s12], [sflag:$0x2] =	stream.linear.gather @!p0 [hbm4b:s9+s10], $0x1000, $0x38;
	[tilespmem:$0x10080] =	vst v63  }
0x707: {  	s5 =	sadd.s32 @!p0 s5, s8;
	s9 =	simm.s32 @!p0 $0x7000  }
0x708: {  	[tilespmem:s9], [sflag:$0x6] =	stream.linear.gather @!p0 [hbm4b:s5+s10], $0x3000, $0x38;
	[tilespmem:$0x10080] =	vst v63  }
0x709: {  	_ =	swait.ge [sflag:s6], $0x1000  }
0x70a: {  	[sflag:s6] =	ssyncset.done $0x0  }
0x70b: {  	[sflag:s6] =	ssyncadd.s32 $0xFFFFF000  }
0x70c: {  	_ =	swait.ge [sflag:s7], $0x3000  }
0x70d: {  	[sflag:s7] =	ssyncset.done $0x0  }
0x70e: {  	s5 =	simm.s32 $0x0;
	p0 =	por $0x1, $0x1;
	[sflag:s7] =	ssyncadd.s32 $0xFFFFD000  }
.LBB2_9:
0x70f: {  	s9 =	sshll.u32 s5, $0x7  }
0x710: {  	v51 =	vld [tilespmem:$0x1FCC0];
	s9 =	sand.u32 $0x3FFFFF80, s9  }
0x711: {  	v0 =	vld [tilespmem:s9+$0x3800]  }
0x712: {  	v1 =	vld [tilespmem:s9+$0x3810]  }
0x713: {  	v2 =	vld [tilespmem:s9+$0x3820]  }
0x714: {  	v3 =	vld [tilespmem:s9+$0x3830]  }
0x715: {  	v4 =	vld [tilespmem:s9+$0x3840]  }
0x716: {  	v5 =	vld [tilespmem:s9+$0x3850]  }
0x717: {  	v6 =	vmov s5;
	v7 =	vld [tilespmem:s9+$0x3860]  }
0x718: {  	v6 =	vshll.u32 v6, $0x7;
	v8 =	vld [tilespmem:s9+$0x3870]  }
0x719: {  	v9 =	vld [tilespmem:s9+$0x3C00];
	v6 =	vand.u32 $0x200, v6  }
0x71a: {  	v10 =	vld [tilespmem:s9+$0x3C10];
	v55 =	vbroadcast v6, $0x0  }
0x71b: {  	v47 =	vld [tilespmem:s9+$0x3C20]  }
0x71c: {  	v11 =	vld [tilespmem:s9+$0x3C30];
	v12 =	vor.u32 v56, v55  }
0x71d: {  	v13 =	vld [tilespmem:s9+$0x3C40];
	v14 =	vor.u32 v57, v55  }
0x71e: {  	v15 =	vld [tilespmem:s9+$0x3C50];
	v16 =	vor.u32 v58, v55  }
0x71f: {  	v17 =	vld [tilespmem:s9+$0x3C60];
	v18 =	vor.u32 v24, v55;
	v0 =	vmul.f32 v0, v52  }
0x720: {  	v19 =	vld [tilespmem:s9+$0x3C70];
	v20 =	vor.u32 v60, v55;
	v1 =	vmul.f32 v1, v52  }
0x721: {  	v2 =	vmul.f32 v2, v52;
	[tilespmem:v12+s30+$0x0] =	vst.idx.add.f32.msk $0xffff, v0  }
0x722: {  	v56 =	vor.u32 v61, v55;
	v3 =	vmul.f32 v3, v52;
	[tilespmem:v14+s30+$0x0] =	vst.idx.add.f32.msk $0xffff, v1  }
0x723: {  	v4 =	vmul.f32 v4, v52;
	[tilespmem:v16+s30+$0x0] =	vst.idx.add.f32.msk $0xffff, v2  }
0x724: {  	[tilespmem:v18+s30+$0x0] =	vst.idx.add.f32.msk $0xffff, v3  }
0x725: {  	v5 =	vmul.f32 v5, v52;
	[tilespmem:v20+s30+$0x0] =	vst.idx.add.f32.msk $0xffff, v4  }
0x726: {  	v4 =	vld [tilespmem:$0x1FCD0]  }
0x727: {  	[tilespmem:v56+s30+$0x0] =	vst.idx.add.f32.msk $0xffff, v5  }
0x728: {  	v38 =	vld [tilespmem:$0x1FCE0]  }
0x729: {  	v40 =	vld [tilespmem:$0x1FD00]  }
0x72a: {  	v12 =	vld [tilespmem:$0x1FD20]  }
0x72b: {  	v57 =	vor.u32 v62, v55;
	v30 =	vld [tilespmem:$0x1FD30]  }
0x72c: {  	v58 =	vor.u32 v63, v55;
	v63 =	vmul.f32 v10, v52;
	v10 =	vor.u32 v31, v55;
	v31 =	vld [tilespmem:$0x1FE70]  }
0x72d: {  	v39 =	vld [tilespmem:$0x1FD40]  }
0x72e: {  	v59 =	vor.u32 v51, v55;
	v23 =	vld [tilespmem:$0x1FD60]  }
0x72f: {  	v7 =	vmul.f32 v7, v52;
	v48 =	vld [tilespmem:$0x1FF90]  }
0x730: {  	v8 =	vmul.f32 v8, v52;
	v24 =	vld [tilespmem:$0x1FD80];
	v4 =	vor.u32 v4, v55  }
0x731: {  	v61 =	vmul.f32 v9, v52;
	[tilespmem:v57+s30+$0x0] =	vst.idx.add.f32.msk $0xffff, v7;
	v60 =	vor.u32 v38, v55  }
0x732: {  	v62 =	vor.u32 v33, v55;
	[tilespmem:v58+s30+$0x0] =	vst.idx.add.f32.msk $0xffff, v8  }
0x733: {  	[tilespmem:v59+s30+$0x0] =	vst.idx.add.f32.msk $0xffff, v61;
	v9 =	vor.u32 v40, v55  }
0x734: {  	v6 =	vmul.f32 v47, v52;
	v57 =	vor.u32 v39, v55;
	v39 =	vld [tilespmem:$0x1FD50]  }
0x735: {  	v11 =	vmul.f32 v11, v52;
	[tilespmem:v4+s30+$0x0] =	vst.idx.add.f32.msk $0xffff, v63;
	v4 =	vor.u32 v12, v55  }
0x736: {  	v13 =	vmul.f32 v13, v52;
	v14 =	vor.u32 v30, v55;
	[tilespmem:v60+s30+$0x0] =	vst.idx.add.f32.msk $0xffff, v6  }
0x737: {  	v16 =	vmul.f32 v15, v52;
	[tilespmem:v62+s30+$0x0] =	vst.idx.add.f32.msk $0xffff, v11  }
0x738: {  	v18 =	vmul.f32 v17, v52;
	[tilespmem:v9+s30+$0x0] =	vst.idx.add.f32.msk $0xffff, v13  }
0x739: {  	v33 =	vmul.f32 v19, v52;
	[tilespmem:v10+s30+$0x0] =	vst.idx.add.f32.msk $0xffff, v16  }
0x73a: {  	[tilespmem:v4+s30+$0x0] =	vst.idx.add.f32.msk $0xffff, v18  }
0x73b: {  	[tilespmem:v14+s30+$0x0] =	vst.idx.add.f32.msk $0xffff, v33  }
0x73c: {  	v33 =	vld [tilespmem:$0x1FD70]  }
0x73d: {  	v0 =	vld [tilespmem:s9+$0x3400]  }
0x73e: {  	v1 =	vld [tilespmem:s9+$0x3410]  }
0x73f: {  	v2 =	vld [tilespmem:s9+$0x3420]  }
0x740: {  	v3 =	vld [tilespmem:s9+$0x3430]  }
0x741: {  	v4 =	vld [tilespmem:s9+$0x3440]  }
0x742: {  	v5 =	vld [tilespmem:s9+$0x3450]  }
0x743: {  	v6 =	vld [tilespmem:s9+$0x3460]  }
0x744: {  	v7 =	vld [tilespmem:s9+$0x3470]  }
0x745: {  	v8 =	vld [tilespmem:s9+$0x3800]  }
0x746: {  	v9 =	vld [tilespmem:s9+$0x3810]  }
0x747: {  	v10 =	vld [tilespmem:s9+$0x3820]  }
0x748: {  	v11 =	vld [tilespmem:s9+$0x3830]  }
0x749: {  	v12 =	vld [tilespmem:s9+$0x3840]  }
0x74a: {  	v13 =	vld [tilespmem:s9+$0x3850]  }
0x74b: {  	v14 =	vld [tilespmem:s9+$0x3860]  }
0x74c: {  	v15 =	vld [tilespmem:s9+$0x3870]  }
0x74d: {  	v16 =	vld [tilespmem:s9+$0x3C00]  }
0x74e: {  	v17 =	vld [tilespmem:s9+$0x3C10]  }
0x74f: {  	v18 =	vld [tilespmem:s9+$0x3C20]  }
0x750: {  	v20 =	vor.u32 v31, v55;
	v19 =	vld [tilespmem:s9+$0x3C30]  }
0x751: {  	v56 =	vld [tilespmem:s9+$0x3C40]  }
0x752: {  	v59 =	vor.u32 v39, v55;
	v58 =	vld [tilespmem:s9+$0x3C50]  }
0x753: {  	v60 =	vld [tilespmem:s9+$0x3C60];
	v0 =	vmul.f32 v0, v53  }
0x754: {  	v62 =	vld [tilespmem:s9+$0x3C70];
	v1 =	vmul.f32 v1, v53  }
0x755: {  	v2 =	vmul.f32 v2, v53;
	[tilespmem:v20+s30+$0x0] =	vst.idx.add.f32.msk $0xffff, v0  }
0x756: {  	[tilespmem:v57+s30+$0x0] =	vst.idx.add.f32.msk $0xffff, v1  }
0x757: {  	v61 =	vor.u32 v23, v55;
	[tilespmem:v59+s30+$0x0] =	vst.idx.add.f32.msk $0xffff, v2  }
0x758: {  	v47 =	vor.u32 v33, v55;
	v59 =	vld [tilespmem:$0x1FD90];
	_ =	sdelay $0x1  }
0x759: {  	v23 =	vld [tilespmem:$0x1FE00];
	v3 =	vmul.f32 v3, v53;
	v0 =	vor.u32 v48, v55  }
0x75a: {  	v4 =	vmul.f32 v4, v53;
	v48 =	vld [tilespmem:$0x1FDC0];
	v57 =	vor.u32 v24, v55  }
0x75b: {  	[tilespmem:v61+s30+$0x0] =	vst.idx.add.f32.msk $0xffff, v3  }
0x75c: {  	v5 =	vmul.f32 v5, v53;
	[tilespmem:v47+s30+$0x0] =	vst.idx.add.f32.msk $0xffff, v4;
	v2 =	vor.u32 v59, v55  }
0x75d: {  	v6 =	vmul.f32 v6, v53;
	v61 =	vor.u32 v50, v55;
	v47 =	vor.u32 v36, v55;
	v36 =	vld [tilespmem:$0x1FE30]  }
0x75e: {  	v4 =	vor.u32 v46, v55;
	[tilespmem:v0+s30+$0x0] =	vst.idx.add.f32.msk $0xffff, v5  }
0x75f: {  	v7 =	vmul.f32 v7, v53;
	[tilespmem:v57+s30+$0x0] =	vst.idx.add.f32.msk $0xffff, v6  }
0x760: {  	v46 =	vmul.f32 v8, v53;
	v57 =	vor.u32 v44, v55;
	v44 =	vld [tilespmem:$0x1FE50]  }
0x761: {  	v50 =	vmul.f32 v9, v53;
	[tilespmem:v2+s30+$0x0] =	vst.idx.add.f32.msk $0xffff, v7  }
0x762: {  	v0 =	vor.u32 v48, v55;
	[tilespmem:v61+s30+$0x0] =	vst.idx.add.f32.msk $0xffff, v46  }
0x763: {  	[tilespmem:v4+s30+$0x0] =	vst.idx.add.f32.msk $0xffff, v50  }
0x764: {  	v50 =	vld [tilespmem:$0x1FE10]  }
0x765: {  	v59 =	vmul.f32 v10, v53;
	v46 =	vld [tilespmem:$0x1FE20]  }
0x766: {  	v61 =	vor.u32 v43, v55;
	v43 =	vld [tilespmem:$0x1FE60]  }
0x767: {  	v63 =	vmul.f32 v11, v53;
	[tilespmem:v0+s30+$0x0] =	vst.idx.add.f32.msk $0xffff, v59  }
0x768: {  	v9 =	vor.u32 v23, v55;
	v10 =	vmul.f32 v12, v53;
	v59 =	vmul.f32 v15, v53;
	v15 =	vld [tilespmem:$0x1FF80]  }
0x769: {  	[tilespmem:v47+s30+$0x0] =	vst.idx.add.f32.msk $0xffff, v63;
	v11 =	vor.u32 v50, v55  }
0x76a: {  	v12 =	vmul.f32 v13, v53;
	[tilespmem:v57+s30+$0x0] =	vst.idx.add.f32.msk $0xffff, v10;
	v13 =	vor.u32 v46, v55  }
0x76b: {  	v47 =	vmul.f32 v14, v53;
	v10 =	vmul.f32 v17, v53;
	v17 =	vor.u32 v21, v55;
	v21 =	vld [tilespmem:$0x1FEA0]  }
0x76c: {  	[tilespmem:v61+s30+$0x0] =	vst.idx.add.f32.msk $0xffff, v12  }
0x76d: {  	v63 =	vmul.f32 v16, v53;
	[tilespmem:v9+s30+$0x0] =	vst.idx.add.f32.msk $0xffff, v47  }
0x76e: {  	v57 =	vor.u32 v36, v55;
	[tilespmem:v11+s30+$0x0] =	vst.idx.add.f32.msk $0xffff, v59  }
0x76f: {  	[tilespmem:v13+s30+$0x0] =	vst.idx.add.f32.msk $0xffff, v63  }
0x770: {  	v61 =	vor.u32 v42, v55;
	v13 =	vld [tilespmem:$0x1FF70]  }
0x771: {  	v47 =	vld [tilespmem:$0x1FF60]  }
0x772: {  	v9 =	vor.u32 v44, v55;
	v63 =	vld [tilespmem:$0x1FEC0]  }
0x773: {  	v12 =	vmul.f32 v18, v53;
	[tilespmem:v57+s30+$0x0] =	vst.idx.add.f32.msk $0xffff, v10  }
0x774: {  	v11 =	vor.u32 v43, v55;
	v10 =	vld [tilespmem:$0x1FF20]  }
0x775: {  	v14 =	vmul.f32 v19, v53;
	[tilespmem:v61+s30+$0x0] =	vst.idx.add.f32.msk $0xffff, v12;
	v1 =	vor.u32 v13, v55  }
0x776: {  	v2 =	vor.u32 v15, v55;
	v12 =	vld [tilespmem:$0x1FF30]  }
0x777: {  	v16 =	vmul.f32 v56, v53;
	[tilespmem:v9+s30+$0x0] =	vst.idx.add.f32.msk $0xffff, v14  }
0x778: {  	v18 =	vmul.f32 v58, v53;
	v14 =	vld [tilespmem:$0x1FF40]  }
0x779: {  	v19 =	vmul.f32 v60, v53;
	[tilespmem:v11+s30+$0x0] =	vst.idx.add.f32.msk $0xffff, v16  }
0x77a: {  	[tilespmem:v1+s30+$0x0] =	vst.idx.add.f32.msk $0xffff, v18  }
0x77b: {  	v42 =	vmul.f32 v62, v53;
	[tilespmem:v2+s30+$0x0] =	vst.idx.add.f32.msk $0xffff, v19  }
0x77c: {  	v19 =	vld [tilespmem:$0x1FF10]  }
0x77d: {  	[tilespmem:v17+s30+$0x0] =	vst.idx.add.f32.msk $0xffff, v42  }
0x77e: {  	v42 =	vld [tilespmem:$0x1FE90]  }
0x77f: {  	v17 =	vld [tilespmem:$0x1FEF0]  }
0x780: {  	v0 =	vld [tilespmem:s9+$0x3040]  }
0x781: {  	v1 =	vld [tilespmem:s9+$0x3050]  }
0x782: {  	v2 =	vld [tilespmem:s9+$0x3060]  }
0x783: {  	v3 =	vld [tilespmem:s9+$0x3070]  }
0x784: {  	v4 =	vld [tilespmem:s9+$0x3400]  }
0x785: {  	v5 =	vld [tilespmem:s9+$0x3410]  }
0x786: {  	v6 =	vld [tilespmem:s9+$0x3420]  }
0x787: {  	v7 =	vld [tilespmem:s9+$0x3430]  }
0x788: {  	v56 =	vld [tilespmem:s9+$0x3440]  }
0x789: {  	s10 =	sor.u32 $0x1, s5;
	v58 =	vld [tilespmem:s9+$0x3450]  }
0x78a: {  	s18 =	sshll.u32 s10, $0x7;
	v60 =	vld [tilespmem:s9+$0x3460]  }
0x78b: {  	v62 =	vld [tilespmem:s9+$0x3470];
	s9 =	sand.u32 $0x3FFFFF80, s18  }
0x78c: {  	v16 =	vor.u32 v63, v55;
	v63 =	vld [tilespmem:s9+$0x3870]  }
0x78d: {  	v8 =	vor.u32 v47, v55;
	v9 =	vld [tilespmem:s9+$0x3C00]  }
0x78e: {  	v11 =	vld [tilespmem:s9+$0x3C30]  }
0x78f: {  	v13 =	vld [tilespmem:s9+$0x3C40]  }
0x790: {  	v15 =	vld [tilespmem:s9+$0x3C50];
	v57 =	vor.u32 v42, v55;
	v0 =	vmul.f32 v0, v54  }
0x791: {  	v47 =	vmul.f32 v58, v54;
	v58 =	vld [tilespmem:s9+$0x3820]  }
0x792: {  	[tilespmem:v8+s30+$0x0] =	vst.idx.add.f32.msk $0xffff, v0  }
0x793: {  	v59 =	vor.u32 v21, v55;
	v1 =	vmul.f32 v1, v54;
	v8 =	vld [tilespmem:$0x1FF00]  }
0x794: {  	v61 =	vor.u32 v34, v55;
	v18 =	vmul.f32 v56, v54;
	v56 =	vmul.f32 v62, v54;
	v62 =	vld [tilespmem:s9+$0x3860]  }
0x795: {  	[tilespmem:v57+s30+$0x0] =	vst.idx.add.f32.msk $0xffff, v1  }
0x796: {  	v2 =	vmul.f32 v2, v54;
	v57 =	vld [tilespmem:s9+$0x3800]  }
0x797: {  	v3 =	vmul.f32 v3, v54;
	v1 =	vor.u32 v10, v55;
	v10 =	vld [tilespmem:s9+$0x3C10]  }
0x798: {  	v4 =	vmul.f32 v4, v54;
	[tilespmem:v59+s30+$0x0] =	vst.idx.add.f32.msk $0xffff, v2;
	v0 =	vor.u32 v8, v55  }
0x799: {  	[tilespmem:v61+s30+$0x0] =	vst.idx.add.f32.msk $0xffff, v3  }
0x79a: {  	[tilespmem:v16+s30+$0x0] =	vst.idx.add.f32.msk $0xffff, v4  }
0x79b: {  	v5 =	vmul.f32 v5, v54;
	v16 =	vld [tilespmem:$0x1FF50]  }
0x79c: {  	v59 =	vld [tilespmem:s9+$0x3830]  }
0x79d: {  	[tilespmem:v0+s30+$0x0] =	vst.idx.add.f32.msk $0xffff, v5  }
0x79e: {  	v6 =	vmul.f32 v6, v54;
	v2 =	vor.u32 v12, v55;
	v5 =	vld [tilespmem:s9+$0x3850]  }
0x79f: {  	v3 =	vor.u32 v14, v55;
	v0 =	vor.u32 v17, v55;
	v17 =	vld [tilespmem:s9+$0x3C60]  }
0x7a0: {  	v4 =	vor.u32 v16, v55;
	[tilespmem:v1+s30+$0x0] =	vst.idx.add.f32.msk $0xffff, v6  }
0x7a1: {  	v7 =	vmul.f32 v7, v54;
	v1 =	vor.u32 v19, v55;
	v55 =	vmul.f32 v60, v54;
	v60 =	vld [tilespmem:s9+$0x3840]  }
0x7a2: {  	v19 =	vld [tilespmem:$0x1FFA0]  }
0x7a3: {  	[tilespmem:v2+s30+$0x0] =	vst.idx.add.f32.msk $0xffff, v7  }
0x7a4: {  	[tilespmem:v3+s30+$0x0] =	vst.idx.add.f32.msk $0xffff, v18  }
0x7a5: {  	[tilespmem:v4+s30+$0x0] =	vst.idx.add.f32.msk $0xffff, v47  }
0x7a6: {  	v47 =	vld [tilespmem:$0x1FFB0]  }
0x7a7: {  	v61 =	vmov s10;
	[tilespmem:v0+s30+$0x0] =	vst.idx.add.f32.msk $0xffff, v55  }
0x7a8: {  	v6 =	vshll.u32 v61, $0x7;
	[tilespmem:v1+s30+$0x0] =	vst.idx.add.f32.msk $0xffff, v56  }
0x7a9: {  	v6 =	vand.u32 $0x280, v6;
	v56 =	vld [tilespmem:$0x1FFC0]  }
0x7aa: {  	v55 =	vbroadcast v6, $0x0;
	v0 =	vmul.f32 v57, v52;
	v57 =	vld [tilespmem:$0x1FED0]  }
0x7ab: {  	v1 =	vld [tilespmem:s9+$0x3810]  }
0x7ac: {  	v7 =	vmul.f32 v62, v52;
	v62 =	vld [tilespmem:$0x1FCD0];
	v12 =	vor.u32 v19, v55  }
0x7ad: {  	v6 =	vld [tilespmem:s9+$0x3C20];
	v14 =	vor.u32 v47, v55  }
0x7ae: {  	v19 =	vld [tilespmem:s9+$0x3C70];
	v16 =	vor.u32 v56, v55  }
0x7af: {  	v47 =	vld [tilespmem:$0x1FD10];
	v18 =	vor.u32 v57, v55  }
0x7b0: {  	v57 =	vld [tilespmem:$0x1FD20];
	v1 =	vmul.f32 v1, v52  }
0x7b1: {  	v2 =	vmul.f32 v58, v52;
	v20 =	vor.u32 v25, v55;
	[tilespmem:v12+s30+$0x0] =	vst.idx.add.f32.msk $0xffff, v0  }
0x7b2: {  	v3 =	vmul.f32 v59, v52;
	v58 =	vor.u32 v26, v55;
	[tilespmem:v14+s30+$0x0] =	vst.idx.add.f32.msk $0xffff, v1  }
0x7b3: {  	v59 =	vor.u32 v27, v55;
	[tilespmem:v16+s30+$0x0] =	vst.idx.add.f32.msk $0xffff, v2  }
0x7b4: {  	v4 =	vmul.f32 v60, v52;
	v60 =	vor.u32 v28, v55;
	[tilespmem:v18+s30+$0x0] =	vst.idx.add.f32.msk $0xffff, v3  }
0x7b5: {  	v5 =	vmul.f32 v5, v52;
	v61 =	vor.u32 v51, v55;
	v3 =	vor.u32 v47, v55;
	v47 =	vld [tilespmem:$0x1FD60]  }
0x7b6: {  	[tilespmem:v20+s30+$0x0] =	vst.idx.add.f32.msk $0xffff, v4;
	v4 =	vor.u32 v62, v55  }
0x7b7: {  	v8 =	vmul.f32 v63, v52;
	v63 =	vor.u32 v38, v55;
	[tilespmem:v58+s30+$0x0] =	vst.idx.add.f32.msk $0xffff, v5  }
0x7b8: {  	v12 =	vmul.f32 v9, v52;
	[tilespmem:v59+s30+$0x0] =	vst.idx.add.f32.msk $0xffff, v7  }
0x7b9: {  	v14 =	vor.u32 v35, v55;
	v16 =	vmul.f32 v10, v52;
	[tilespmem:v60+s30+$0x0] =	vst.idx.add.f32.msk $0xffff, v8  }
0x7ba: {  	v6 =	vmul.f32 v6, v52;
	v18 =	vor.u32 v40, v55;
	[tilespmem:v61+s30+$0x0] =	vst.idx.add.f32.msk $0xffff, v12  }
0x7bb: {  	[tilespmem:v4+s30+$0x0] =	vst.idx.add.f32.msk $0xffff, v16  }
0x7bc: {  	v56 =	vmul.f32 v11, v52;
	v4 =	vor.u32 v57, v55;
	[tilespmem:v63+s30+$0x0] =	vst.idx.add.f32.msk $0xffff, v6  }
0x7bd: {  	v58 =	vmul.f32 v13, v52;
	v63 =	vld [tilespmem:$0x1FD40]  }
0x7be: {  	v59 =	vor.u32 v30, v55;
	v60 =	vmul.f32 v15, v52;
	[tilespmem:v14+s30+$0x0] =	vst.idx.add.f32.msk $0xffff, v56  }
0x7bf: {  	v61 =	vmul.f32 v17, v52;
	[tilespmem:v18+s30+$0x0] =	vst.idx.add.f32.msk $0xffff, v58  }
0x7c0: {  	[tilespmem:v3+s30+$0x0] =	vst.idx.add.f32.msk $0xffff, v60  }
0x7c1: {  	v62 =	vmul.f32 v19, v52;
	[tilespmem:v4+s30+$0x0] =	vst.idx.add.f32.msk $0xffff, v61  }
0x7c2: {  	v61 =	vor.u32 v47, v55;
	v47 =	vld [tilespmem:$0x1FF90]  }
0x7c3: {  	[tilespmem:v59+s30+$0x0] =	vst.idx.add.f32.msk $0xffff, v62  }
0x7c4: {  	v0 =	vld [tilespmem:s9+$0x3400]  }
0x7c5: {  	v1 =	vld [tilespmem:s9+$0x3410]  }
0x7c6: {  	v2 =	vld [tilespmem:s9+$0x3420]  }
0x7c7: {  	v3 =	vld [tilespmem:s9+$0x3430]  }
0x7c8: {  	v4 =	vld [tilespmem:s9+$0x3440]  }
0x7c9: {  	v5 =	vld [tilespmem:s9+$0x3450]  }
0x7ca: {  	v6 =	vld [tilespmem:s9+$0x3460]  }
0x7cb: {  	v7 =	vld [tilespmem:s9+$0x3470]  }
0x7cc: {  	v8 =	vld [tilespmem:s9+$0x3800]  }
0x7cd: {  	v9 =	vld [tilespmem:s9+$0x3810]  }
0x7ce: {  	v10 =	vld [tilespmem:s9+$0x3820]  }
0x7cf: {  	v11 =	vld [tilespmem:s9+$0x3830]  }
0x7d0: {  	v12 =	vld [tilespmem:s9+$0x3840]  }
0x7d1: {  	v13 =	vld [tilespmem:s9+$0x3850]  }
0x7d2: {  	v14 =	vld [tilespmem:s9+$0x3860]  }
0x7d3: {  	v15 =	vld [tilespmem:s9+$0x3870]  }
0x7d4: {  	v16 =	vld [tilespmem:s9+$0x3C00]  }
0x7d5: {  	v17 =	vld [tilespmem:s9+$0x3C10]  }
0x7d6: {  	v18 =	vld [tilespmem:s9+$0x3C20]  }
0x7d7: {  	v20 =	vor.u32 v31, v55;
	v19 =	vld [tilespmem:s9+$0x3C30]  }
0x7d8: {  	v57 =	vor.u32 v63, v55;
	v56 =	vld [tilespmem:s9+$0x3C40]  }
0x7d9: {  	v59 =	vor.u32 v39, v55;
	v58 =	vld [tilespmem:s9+$0x3C50]  }
0x7da: {  	v60 =	vld [tilespmem:s9+$0x3C60];
	v0 =	vmul.f32 v0, v53  }
0x7db: {  	v62 =	vld [tilespmem:s9+$0x3C70];
	v1 =	vmul.f32 v1, v53  }
0x7dc: {  	v2 =	vmul.f32 v2, v53;
	[tilespmem:v20+s30+$0x0] =	vst.idx.add.f32.msk $0xffff, v0  }
0x7dd: {  	[tilespmem:v57+s30+$0x0] =	vst.idx.add.f32.msk $0xffff, v1  }
0x7de: {  	[tilespmem:v59+s30+$0x0] =	vst.idx.add.f32.msk $0xffff, v2  }
0x7df: {  	v59 =	vld [tilespmem:$0x1FD90];
	_ =	sdelay $0x1  }
0x7e0: {  	v63 =	vor.u32 v33, v55  }
0x7e1: {  	v0 =	vor.u32 v47, v55  }
0x7e2: {  	v3 =	vmul.f32 v3, v53;
	v57 =	vor.u32 v24, v55  }
0x7e3: {  	v4 =	vmul.f32 v4, v53;
	v2 =	vor.u32 v59, v55  }
0x7e4: {  	v5 =	vmul.f32 v5, v53;
	[tilespmem:v61+s30+$0x0] =	vst.idx.add.f32.msk $0xffff, v3;
	v61 =	vor.u32 v45, v55  }
0x7e5: {  	v6 =	vmul.f32 v6, v53;
	[tilespmem:v63+s30+$0x0] =	vst.idx.add.f32.msk $0xffff, v4;
	v4 =	vor.u32 v41, v55  }
0x7e6: {  	v7 =	vmul.f32 v7, v53;
	[tilespmem:v0+s30+$0x0] =	vst.idx.add.f32.msk $0xffff, v5;
	v0 =	vor.u32 v48, v55  }
0x7e7: {  	v1 =	vor.u32 v37, v55;
	v63 =	vmul.f32 v8, v53;
	[tilespmem:v57+s30+$0x0] =	vst.idx.add.f32.msk $0xffff, v6  }
0x7e8: {  	v47 =	vmul.f32 v9, v53;
	v57 =	vor.u32 v32, v55;
	[tilespmem:v2+s30+$0x0] =	vst.idx.add.f32.msk $0xffff, v7  }
0x7e9: {  	v59 =	vmul.f32 v10, v53;
	[tilespmem:v61+s30+$0x0] =	vst.idx.add.f32.msk $0xffff, v63;
	v61 =	vor.u32 v49, v55  }
0x7ea: {  	v63 =	vmul.f32 v11, v53;
	[tilespmem:v4+s30+$0x0] =	vst.idx.add.f32.msk $0xffff, v47  }
0x7eb: {  	v9 =	vor.u32 v23, v55;
	v10 =	vmul.f32 v12, v53;
	[tilespmem:v0+s30+$0x0] =	vst.idx.add.f32.msk $0xffff, v59  }
0x7ec: {  	v12 =	vmul.f32 v13, v53;
	[tilespmem:v1+s30+$0x0] =	vst.idx.add.f32.msk $0xffff, v63  }
0x7ed: {  	v11 =	vor.u32 v50, v55;
	[tilespmem:v57+s30+$0x0] =	vst.idx.add.f32.msk $0xffff, v10  }
0x7ee: {  	v14 =	vmul.f32 v14, v53;
	v13 =	vor.u32 v46, v55;
	[tilespmem:v61+s30+$0x0] =	vst.idx.add.f32.msk $0xffff, v12  }
0x7ef: {  	v47 =	vor.u32 v36, v55;
	v12 =	vld [tilespmem:$0x1FF70]  }
0x7f0: {  	v57 =	vmul.f32 v15, v53;
	[tilespmem:v9+s30+$0x0] =	vst.idx.add.f32.msk $0xffff, v14  }
0x7f1: {  	v59 =	vor.u32 v29, v55;
	v61 =	vmul.f32 v16, v53;
	v14 =	vld [tilespmem:$0x1FF80]  }
0x7f2: {  	v9 =	vmul.f32 v17, v53;
	[tilespmem:v11+s30+$0x0] =	vst.idx.add.f32.msk $0xffff, v57  }
0x7f3: {  	v63 =	vor.u32 v44, v55;
	[tilespmem:v13+s30+$0x0] =	vst.idx.add.f32.msk $0xffff, v61  }
0x7f4: {  	v11 =	vmul.f32 v18, v53;
	[tilespmem:v47+s30+$0x0] =	vst.idx.add.f32.msk $0xffff, v9  }
0x7f5: {  	v47 =	vld [tilespmem:$0x1FF60]  }
0x7f6: {  	v10 =	vor.u32 v43, v55;
	v13 =	vmul.f32 v19, v53;
	[tilespmem:v59+s30+$0x0] =	vst.idx.add.f32.msk $0xffff, v11  }
0x7f7: {  	v1 =	vor.u32 v12, v55;
	v12 =	vld [tilespmem:$0x1FF30]  }
0x7f8: {  	[tilespmem:v63+s30+$0x0] =	vst.idx.add.f32.msk $0xffff, v13  }
0x7f9: {  	v15 =	vmul.f32 v56, v53;
	v63 =	vld [tilespmem:$0x1FEC0]  }
0x7fa: {  	v2 =	vor.u32 v14, v55;
	v14 =	vld [tilespmem:$0x1FF40]  }
0x7fb: {  	v16 =	vor.u32 v22, v55;
	v17 =	vmul.f32 v58, v53;
	[tilespmem:v10+s30+$0x0] =	vst.idx.add.f32.msk $0xffff, v15  }
0x7fc: {  	v10 =	vld [tilespmem:$0x1FF20]  }
0x7fd: {  	v18 =	vmul.f32 v60, v53;
	[tilespmem:v1+s30+$0x0] =	vst.idx.add.f32.msk $0xffff, v17  }
0x7fe: {  	v19 =	vmul.f32 v62, v53;
	v17 =	vld [tilespmem:$0x1FEF0]  }
0x7ff: {  	[tilespmem:v2+s30+$0x0] =	vst.idx.add.f32.msk $0xffff, v18  }
0x800: {  	[tilespmem:v16+s30+$0x0] =	vst.idx.add.f32.msk $0xffff, v19  }
0x801: {  	v19 =	vld [tilespmem:$0x1FF10]  }
0x802: {  	v0 =	vld [tilespmem:s9+$0x3040]  }
0x803: {  	v1 =	vld [tilespmem:s9+$0x3050]  }
0x804: {  	v2 =	vld [tilespmem:s9+$0x3060]  }
0x805: {  	v3 =	vld [tilespmem:s9+$0x3070]  }
0x806: {  	v4 =	vld [tilespmem:s9+$0x3400]  }
0x807: {  	v5 =	vld [tilespmem:s9+$0x3410]  }
0x808: {  	v6 =	vld [tilespmem:s9+$0x3420]  }
0x809: {  	v7 =	vld [tilespmem:s9+$0x3430]  }
0x80a: {  	v56 =	vld [tilespmem:s9+$0x3440]  }
0x80b: {  	s12 =	sor.u32 $0x2, s5;
	v58 =	vld [tilespmem:s9+$0x3450]  }
0x80c: {  	s13 =	sshll.u32 s12, $0x7;
	v60 =	vld [tilespmem:s9+$0x3460]  }
0x80d: {  	v62 =	vld [tilespmem:s9+$0x3470];
	s9 =	sand.u32 $0x3FFFFF80, s13  }
0x80e: {  	v16 =	vor.u32 v63, v55;
	v63 =	vld [tilespmem:s9+$0x3870]  }
0x80f: {  	v8 =	vor.u32 v47, v55;
	v9 =	vld [tilespmem:s9+$0x3C00]  }
0x810: {  	v11 =	vld [tilespmem:s9+$0x3C30]  }
0x811: {  	v13 =	vld [tilespmem:s9+$0x3C40]  }
0x812: {  	v57 =	vor.u32 v42, v55;
	v15 =	vld [tilespmem:s9+$0x3C50];
	v0 =	vmul.f32 v0, v54  }
0x813: {  	v47 =	vmul.f32 v58, v54;
	v58 =	vld [tilespmem:s9+$0x3820]  }
0x814: {  	v59 =	vor.u32 v21, v55;
	[tilespmem:v8+s30+$0x0] =	vst.idx.add.f32.msk $0xffff, v0  }
0x815: {  	v61 =	vor.u32 v34, v55;
	v1 =	vmul.f32 v1, v54;
	v8 =	vld [tilespmem:$0x1FF00]  }
0x816: {  	v18 =	vmul.f32 v56, v54;
	v56 =	vmul.f32 v62, v54;
	v62 =	vld [tilespmem:s9+$0x3860]  }
0x817: {  	v2 =	vmul.f32 v2, v54;
	[tilespmem:v57+s30+$0x0] =	vst.idx.add.f32.msk $0xffff, v1  }
0x818: {  	v3 =	vmul.f32 v3, v54;
	v57 =	vld [tilespmem:s9+$0x3800]  }
0x819: {  	v4 =	vmul.f32 v4, v54;
	[tilespmem:v59+s30+$0x0] =	vst.idx.add.f32.msk $0xffff, v2  }
0x81a: {  	[tilespmem:v61+s30+$0x0] =	vst.idx.add.f32.msk $0xffff, v3;
	v0 =	vor.u32 v8, v55  }
0x81b: {  	[tilespmem:v16+s30+$0x0] =	vst.idx.add.f32.msk $0xffff, v4  }
0x81c: {  	v16 =	vld [tilespmem:$0x1FF50]  }
0x81d: {  	v5 =	vmul.f32 v5, v54;
	v1 =	vor.u32 v10, v55;
	v10 =	vld [tilespmem:s9+$0x3C10]  }
0x81e: {  	v59 =	vld [tilespmem:s9+$0x3830]  }
0x81f: {  	v2 =	vor.u32 v12, v55;
	[tilespmem:v0+s30+$0x0] =	vst.idx.add.f32.msk $0xffff, v5  }
0x820: {  	v6 =	vmul.f32 v6, v54;
	v3 =	vor.u32 v14, v55;
	v5 =	vld [tilespmem:s9+$0x3850]  }
0x821: {  	v4 =	vor.u32 v16, v55;
	v0 =	vor.u32 v17, v55;
	v17 =	vld [tilespmem:s9+$0x3C60]  }
0x822: {  	v7 =	vmul.f32 v7, v54;
	[tilespmem:v1+s30+$0x0] =	vst.idx.add.f32.msk $0xffff, v6  }
0x823: {  	v1 =	vor.u32 v19, v55;
	v19 =	vld [tilespmem:$0x1FFA0]  }
0x824: {  	[tilespmem:v2+s30+$0x0] =	vst.idx.add.f32.msk $0xffff, v7  }
0x825: {  	[tilespmem:v3+s30+$0x0] =	vst.idx.add.f32.msk $0xffff, v18  }
0x826: {  	v55 =	vmul.f32 v60, v54;
	[tilespmem:v4+s30+$0x0] =	vst.idx.add.f32.msk $0xffff, v47  }
0x827: {  	v47 =	vld [tilespmem:$0x1FFB0]  }
0x828: {  	v61 =	vmov s12;
	[tilespmem:v0+s30+$0x0] =	vst.idx.add.f32.msk $0xffff, v55  }
0x829: {  	v6 =	vshll.u32 v61, $0x7;
	[tilespmem:v1+s30+$0x0] =	vst.idx.add.f32.msk $0xffff, v56  }
0x82a: {  	v6 =	vand.u32 $0x300, v6;
	v56 =	vld [tilespmem:$0x1FFC0]  }
0x82b: {  	v55 =	vbroadcast v6, $0x0;
	v0 =	vmul.f32 v57, v52;
	v57 =	vld [tilespmem:$0x1FED0]  }
0x82c: {  	v1 =	vld [tilespmem:s9+$0x3810]  }
0x82d: {  	v60 =	vld [tilespmem:s9+$0x3840];
	v12 =	vor.u32 v19, v55  }
0x82e: {  	v7 =	vmul.f32 v62, v52;
	v62 =	vld [tilespmem:$0x1FCD0];
	v14 =	vor.u32 v47, v55  }
0x82f: {  	v6 =	vld [tilespmem:s9+$0x3C20];
	v16 =	vor.u32 v56, v55  }
0x830: {  	v19 =	vld [tilespmem:s9+$0x3C70];
	v18 =	vor.u32 v57, v55  }
0x831: {  	v1 =	vmul.f32 v1, v52;
	v56 =	vld [tilespmem:$0x1FD20]  }
0x832: {  	v2 =	vmul.f32 v58, v52;
	v20 =	vor.u32 v25, v55;
	[tilespmem:v12+s30+$0x0] =	vst.idx.add.f32.msk $0xffff, v0  }
0x833: {  	v3 =	vmul.f32 v59, v52;
	[tilespmem:v14+s30+$0x0] =	vst.idx.add.f32.msk $0xffff, v1  }
0x834: {  	v58 =	vor.u32 v26, v55;
	[tilespmem:v16+s30+$0x0] =	vst.idx.add.f32.msk $0xffff, v2  }
0x835: {  	v4 =	vmul.f32 v60, v52;
	v59 =	vor.u32 v27, v55;
	[tilespmem:v18+s30+$0x0] =	vst.idx.add.f32.msk $0xffff, v3  }
0x836: {  	v60 =	vor.u32 v28, v55;
	v18 =	vld [tilespmem:$0x1FD10]  }
0x837: {  	v5 =	vmul.f32 v5, v52;
	v61 =	vor.u32 v51, v55;
	[tilespmem:v20+s30+$0x0] =	vst.idx.add.f32.msk $0xffff, v4  }
0x838: {  	v4 =	vor.u32 v62, v55;
	v62 =	vld [tilespmem:$0x1FD40]  }
0x839: {  	v8 =	vmul.f32 v63, v52;
	v63 =	vor.u32 v38, v55;
	[tilespmem:v58+s30+$0x0] =	vst.idx.add.f32.msk $0xffff, v5  }
0x83a: {  	v9 =	vmul.f32 v9, v52;
	[tilespmem:v59+s30+$0x0] =	vst.idx.add.f32.msk $0xffff, v7  }
0x83b: {  	v12 =	vor.u32 v35, v55;
	v14 =	vmul.f32 v10, v52;
	[tilespmem:v60+s30+$0x0] =	vst.idx.add.f32.msk $0xffff, v8  }
0x83c: {  	v6 =	vmul.f32 v6, v52;
	[tilespmem:v61+s30+$0x0] =	vst.idx.add.f32.msk $0xffff, v9  }
0x83d: {  	v16 =	vor.u32 v40, v55;
	[tilespmem:v4+s30+$0x0] =	vst.idx.add.f32.msk $0xffff, v14  }
0x83e: {  	v47 =	vmul.f32 v11, v52;
	v3 =	vor.u32 v18, v55;
	[tilespmem:v63+s30+$0x0] =	vst.idx.add.f32.msk $0xffff, v6  }
0x83f: {  	v4 =	vor.u32 v56, v55;
	v63 =	vld [tilespmem:$0x1FD60]  }
0x840: {  	v57 =	vmul.f32 v13, v52;
	v58 =	vor.u32 v30, v55;
	[tilespmem:v12+s30+$0x0] =	vst.idx.add.f32.msk $0xffff, v47  }
0x841: {  	v59 =	vmul.f32 v15, v52;
	v47 =	vld [tilespmem:$0x1FF90]  }
0x842: {  	v60 =	vmul.f32 v17, v52;
	[tilespmem:v16+s30+$0x0] =	vst.idx.add.f32.msk $0xffff, v57  }
0x843: {  	v61 =	vmul.f32 v19, v52;
	[tilespmem:v3+s30+$0x0] =	vst.idx.add.f32.msk $0xffff, v59  }
0x844: {  	[tilespmem:v4+s30+$0x0] =	vst.idx.add.f32.msk $0xffff, v60  }
0x845: {  	[tilespmem:v58+s30+$0x0] =	vst.idx.add.f32.msk $0xffff, v61  }
0x846: {  	v0 =	vld [tilespmem:s9+$0x3400]  }
0x847: {  	v1 =	vld [tilespmem:s9+$0x3410]  }
0x848: {  	v2 =	vld [tilespmem:s9+$0x3420]  }
0x849: {  	v3 =	vld [tilespmem:s9+$0x3430]  }
0x84a: {  	v4 =	vld [tilespmem:s9+$0x3440]  }
0x84b: {  	v5 =	vld [tilespmem:s9+$0x3450]  }
0x84c: {  	v6 =	vld [tilespmem:s9+$0x3460]  }
0x84d: {  	v7 =	vld [tilespmem:s9+$0x3470]  }
0x84e: {  	v8 =	vld [tilespmem:s9+$0x3800]  }
0x84f: {  	v9 =	vld [tilespmem:s9+$0x3810]  }
0x850: {  	v10 =	vld [tilespmem:s9+$0x3820]  }
0x851: {  	v11 =	vld [tilespmem:s9+$0x3830]  }
0x852: {  	v12 =	vld [tilespmem:s9+$0x3840]  }
0x853: {  	v13 =	vld [tilespmem:s9+$0x3850]  }
0x854: {  	v14 =	vld [tilespmem:s9+$0x3860]  }
0x855: {  	v15 =	vld [tilespmem:s9+$0x3870]  }
0x856: {  	v16 =	vld [tilespmem:s9+$0x3C00]  }
0x857: {  	v17 =	vld [tilespmem:s9+$0x3C10]  }
0x858: {  	v18 =	vld [tilespmem:s9+$0x3C20]  }
0x859: {  	v20 =	vor.u32 v31, v55;
	v19 =	vld [tilespmem:s9+$0x3C30]  }
0x85a: {  	v57 =	vor.u32 v62, v55;
	v56 =	vld [tilespmem:s9+$0x3C40]  }
0x85b: {  	v59 =	vor.u32 v39, v55;
	v58 =	vld [tilespmem:s9+$0x3C50]  }
0x85c: {  	v60 =	vld [tilespmem:s9+$0x3C60];
	v0 =	vmul.f32 v0, v53  }
0x85d: {  	v62 =	vld [tilespmem:s9+$0x3C70];
	v1 =	vmul.f32 v1, v53  }
0x85e: {  	v2 =	vmul.f32 v2, v53;
	[tilespmem:v20+s30+$0x0] =	vst.idx.add.f32.msk $0xffff, v0  }
0x85f: {  	[tilespmem:v57+s30+$0x0] =	vst.idx.add.f32.msk $0xffff, v1  }
0x860: {  	[tilespmem:v59+s30+$0x0] =	vst.idx.add.f32.msk $0xffff, v2  }
0x861: {  	v59 =	vld [tilespmem:$0x1FD90]  }
0x862: {  	v61 =	vor.u32 v63, v55  }
0x863: {  	v63 =	vor.u32 v33, v55  }
0x864: {  	v0 =	vor.u32 v47, v55  }
0x865: {  	v3 =	vmul.f32 v3, v53;
	v57 =	vor.u32 v24, v55  }
0x866: {  	v4 =	vmul.f32 v4, v53;
	v2 =	vor.u32 v59, v55  }
0x867: {  	v5 =	vmul.f32 v5, v53;
	[tilespmem:v61+s30+$0x0] =	vst.idx.add.f32.msk $0xffff, v3;
	v3 =	vor.u32 v45, v55  }
0x868: {  	v6 =	vmul.f32 v6, v53;
	[tilespmem:v63+s30+$0x0] =	vst.idx.add.f32.msk $0xffff, v4;
	v4 =	vor.u32 v41, v55  }
0x869: {  	v7 =	vmul.f32 v7, v53;
	[tilespmem:v0+s30+$0x0] =	vst.idx.add.f32.msk $0xffff, v5  }
0x86a: {  	v63 =	vmul.f32 v8, v53;
	v0 =	vor.u32 v48, v55;
	[tilespmem:v57+s30+$0x0] =	vst.idx.add.f32.msk $0xffff, v6  }
0x86b: {  	v47 =	vor.u32 v37, v55;
	v57 =	vmul.f32 v9, v53;
	[tilespmem:v2+s30+$0x0] =	vst.idx.add.f32.msk $0xffff, v7  }
0x86c: {  	[tilespmem:v3+s30+$0x0] =	vst.idx.add.f32.msk $0xffff, v63  }
0x86d: {  	v61 =	vmul.f32 v10, v53;
	v59 =	vor.u32 v32, v55;
	[tilespmem:v4+s30+$0x0] =	vst.idx.add.f32.msk $0xffff, v57  }
0x86e: {  	v9 =	vmul.f32 v11, v53;
	v63 =	vor.u32 v49, v55;
	v57 =	vmul.f32 v14, v53;
	v14 =	vld [tilespmem:$0x1FF70]  }
0x86f: {  	v10 =	vor.u32 v23, v55;
	[tilespmem:v0+s30+$0x0] =	vst.idx.add.f32.msk $0xffff, v61  }
0x870: {  	v11 =	vmul.f32 v12, v53;
	[tilespmem:v47+s30+$0x0] =	vst.idx.add.f32.msk $0xffff, v9  }
0x871: {  	v13 =	vmul.f32 v13, v53;
	v12 =	vor.u32 v50, v55;
	v9 =	vmul.f32 v16, v53;
	v16 =	vld [tilespmem:$0x1FF80]  }
0x872: {  	v47 =	vor.u32 v46, v55;
	[tilespmem:v59+s30+$0x0] =	vst.idx.add.f32.msk $0xffff, v11  }
0x873: {  	[tilespmem:v63+s30+$0x0] =	vst.idx.add.f32.msk $0xffff, v13  }
0x874: {  	v61 =	vmul.f32 v15, v53;
	v59 =	vor.u32 v36, v55;
	[tilespmem:v10+s30+$0x0] =	vst.idx.add.f32.msk $0xffff, v57  }
0x875: {  	s18 =	sor.u32 $0x3, s5;
	v63 =	vor.u32 v29, v55;
	v57 =	vld [tilespmem:$0x1FF60]  }
0x876: {  	s5 =	sshll.u32 s18, $0x7;
	[tilespmem:v12+s30+$0x0] =	vst.idx.add.f32.msk $0xffff, v61  }
0x877: {  	s5 =	sand.u32 $0x3FFFFF80, s5;
	v11 =	vmul.f32 v17, v53;
	v10 =	vor.u32 v44, v55;
	[tilespmem:v47+s30+$0x0] =	vst.idx.add.f32.msk $0xffff, v9  }
0x878: {  	v13 =	vmul.f32 v18, v53;
	v9 =	vld [tilespmem:s5+$0x3C00]  }
0x879: {  	[tilespmem:v59+s30+$0x0] =	vst.idx.add.f32.msk $0xffff, v11  }
0x87a: {  	v15 =	vmul.f32 v19, v53;
	[tilespmem:v63+s30+$0x0] =	vst.idx.add.f32.msk $0xffff, v13  }
0x87b: {  	v12 =	vor.u32 v43, v55;
	v63 =	vld [tilespmem:$0x1FEC0]  }
0x87c: {  	[tilespmem:v10+s30+$0x0] =	vst.idx.add.f32.msk $0xffff, v15  }
0x87d: {  	v1 =	vor.u32 v14, v55;
	v8 =	vor.u32 v57, v55;
	v57 =	vld [tilespmem:$0x1FEF0]  }
0x87e: {  	v17 =	vmul.f32 v56, v53;
	v10 =	vld [tilespmem:s5+$0x3C10]  }
0x87f: {  	v2 =	vor.u32 v16, v55;
	v15 =	vld [tilespmem:s5+$0x3C50]  }
0x880: {  	v19 =	vmul.f32 v58, v53;
	[tilespmem:v12+s30+$0x0] =	vst.idx.add.f32.msk $0xffff, v17  }
0x881: {  	v18 =	vor.u32 v22, v55;
	v17 =	vld [tilespmem:$0x1FF00]  }
0x882: {  	v47 =	vmul.f32 v60, v53;
	[tilespmem:v1+s30+$0x0] =	vst.idx.add.f32.msk $0xffff, v19  }
0x883: {  	v19 =	vld [tilespmem:$0x1FF30]  }
0x884: {  	v56 =	vmul.f32 v62, v53;
	[tilespmem:v2+s30+$0x0] =	vst.idx.add.f32.msk $0xffff, v47  }
0x885: {  	v47 =	vld [tilespmem:$0x1FF40]  }
0x886: {  	[tilespmem:v18+s30+$0x0] =	vst.idx.add.f32.msk $0xffff, v56  }
0x887: {  	v18 =	vld [tilespmem:$0x1FF20]  }
0x888: {  	v56 =	vld [tilespmem:$0x1FF50]  }
0x889: {  	v16 =	vor.u32 v63, v55;
	v63 =	vld [tilespmem:s5+$0x3800]  }
0x88a: {  	v0 =	vld [tilespmem:s9+$0x3040]  }
0x88b: {  	v1 =	vld [tilespmem:s9+$0x3050]  }
0x88c: {  	v2 =	vld [tilespmem:s9+$0x3060]  }
0x88d: {  	v3 =	vld [tilespmem:s9+$0x3070]  }
0x88e: {  	v4 =	vld [tilespmem:s9+$0x3400]  }
0x88f: {  	v5 =	vld [tilespmem:s9+$0x3410]  }
0x890: {  	v6 =	vld [tilespmem:s9+$0x3420]  }
0x891: {  	v7 =	vld [tilespmem:s9+$0x3430]  }
0x892: {  	v58 =	vld [tilespmem:s9+$0x3440]  }
0x893: {  	v11 =	vld [tilespmem:s9+$0x3450]  }
0x894: {  	v59 =	vor.u32 v42, v55;
	v13 =	vld [tilespmem:s9+$0x3460];
	v0 =	vmul.f32 v0, v54  }
0x895: {  	v62 =	vld [tilespmem:s9+$0x3470]  }
0x896: {  	v60 =	vor.u32 v21, v55;
	[tilespmem:v8+s30+$0x0] =	vst.idx.add.f32.msk $0xffff, v0  }
0x897: {  	v1 =	vmul.f32 v1, v54;
	v8 =	vld [tilespmem:s5+$0x3870]  }
0x898: {  	v0 =	vor.u32 v17, v55;
	v17 =	vld [tilespmem:s5+$0x3C60]  }
0x899: {  	v61 =	vor.u32 v34, v55;
	v2 =	vmul.f32 v2, v54;
	[tilespmem:v59+s30+$0x0] =	vst.idx.add.f32.msk $0xffff, v1  }
0x89a: {  	v59 =	vld [tilespmem:$0x1FF10]  }
0x89b: {  	[tilespmem:v60+s30+$0x0] =	vst.idx.add.f32.msk $0xffff, v2  }
0x89c: {  	v3 =	vmul.f32 v3, v54;
	v60 =	vmul.f32 v11, v54;
	v11 =	vld [tilespmem:s5+$0x3C30]  }
0x89d: {  	v2 =	vor.u32 v19, v55;
	v19 =	vld [tilespmem:s5+$0x3C70]  }
0x89e: {  	[tilespmem:v61+s30+$0x0] =	vst.idx.add.f32.msk $0xffff, v3  }
0x89f: {  	v4 =	vmul.f32 v4, v54;
	v3 =	vor.u32 v47, v55;
	v47 =	vld [tilespmem:s5+$0x3820]  }
0x8a0: {  	v5 =	vmul.f32 v5, v54;
	v1 =	vor.u32 v18, v55;
	v61 =	vmul.f32 v13, v54;
	v13 =	vld [tilespmem:s5+$0x3C40]  }
0x8a1: {  	[tilespmem:v16+s30+$0x0] =	vst.idx.add.f32.msk $0xffff, v4  }
0x8a2: {  	[tilespmem:v0+s30+$0x0] =	vst.idx.add.f32.msk $0xffff, v5  }
0x8a3: {  	v6 =	vmul.f32 v6, v54;
	v0 =	vor.u32 v57, v55;
	v57 =	vld [tilespmem:s5+$0x3840]  }
0x8a4: {  	v4 =	vor.u32 v56, v55;
	v5 =	vld [tilespmem:s5+$0x3850]  }
0x8a5: {  	v7 =	vmul.f32 v7, v54;
	[tilespmem:v1+s30+$0x0] =	vst.idx.add.f32.msk $0xffff, v6  }
0x8a6: {  	v58 =	vmul.f32 v58, v54;
	v1 =	vor.u32 v59, v55;
	v59 =	vld [tilespmem:s5+$0x3860]  }
0x8a7: {  	[tilespmem:v2+s30+$0x0] =	vst.idx.add.f32.msk $0xffff, v7  }
0x8a8: {  	[tilespmem:v3+s30+$0x0] =	vst.idx.add.f32.msk $0xffff, v58  }
0x8a9: {  	[tilespmem:v4+s30+$0x0] =	vst.idx.add.f32.msk $0xffff, v60  }
0x8aa: {  	v60 =	vld [tilespmem:$0x1FFA0]  }
0x8ab: {  	v58 =	vmov s18;
	[tilespmem:v0+s30+$0x0] =	vst.idx.add.f32.msk $0xffff, v61  }
0x8ac: {  	v62 =	vmul.f32 v62, v54;
	v6 =	vshll.u32 v58, $0x7;
	v61 =	vld [tilespmem:$0x1FFB0]  }
0x8ad: {  	v6 =	vand.u32 $0x380, v6;
	v0 =	vmul.f32 v63, v52;
	v63 =	vld [tilespmem:$0x1FED0]  }
0x8ae: {  	[tilespmem:v1+s30+$0x0] =	vst.idx.add.f32.msk $0xffff, v62;
	v55 =	vbroadcast v6, $0x0  }
0x8af: {  	v62 =	vld [tilespmem:$0x1FFC0]  }
0x8b0: {  	v1 =	vld [tilespmem:s5+$0x3810];
	v12 =	vor.u32 v60, v55  }
0x8b1: {  	v3 =	vld [tilespmem:s5+$0x3830]  }
0x8b2: {  	v6 =	vld [tilespmem:s5+$0x3C20];
	v14 =	vor.u32 v61, v55  }
0x8b3: {  	v7 =	vmul.f32 v59, v52;
	v59 =	vld [tilespmem:$0x1FCD0]  }
0x8b4: {  	v18 =	vor.u32 v63, v55;
	v63 =	vmul.f32 v10, v52;
	v10 =	vld [tilespmem:$0x1FD10];
	v16 =	vor.u32 v62, v55  }
0x8b5: {  	v1 =	vmul.f32 v1, v52;
	[tilespmem:v12+s30+$0x0] =	vst.idx.add.f32.msk $0xffff, v0  }
0x8b6: {  	v20 =	vor.u32 v25, v55;
	v12 =	vld [tilespmem:$0x1FD20]  }
0x8b7: {  	v2 =	vmul.f32 v47, v52;
	v47 =	vor.u32 v26, v55;
	[tilespmem:v14+s30+$0x0] =	vst.idx.add.f32.msk $0xffff, v1  }
0x8b8: {  	v3 =	vmul.f32 v3, v52;
	v56 =	vor.u32 v27, v55;
	v14 =	vor.u32 v30, v55;
	v30 =	vld [tilespmem:$0x1FD40]  }
0x8b9: {  	v4 =	vmul.f32 v57, v52;
	[tilespmem:v16+s30+$0x0] =	vst.idx.add.f32.msk $0xffff, v2  }
0x8ba: {  	v5 =	vmul.f32 v5, v52;
	v57 =	vor.u32 v28, v55;
	[tilespmem:v18+s30+$0x0] =	vst.idx.add.f32.msk $0xffff, v3  }
0x8bb: {  	v58 =	vor.u32 v51, v55;
	[tilespmem:v20+s30+$0x0] =	vst.idx.add.f32.msk $0xffff, v4  }
0x8bc: {  	v4 =	vor.u32 v59, v55;
	[tilespmem:v47+s30+$0x0] =	vst.idx.add.f32.msk $0xffff, v5  }
0x8bd: {  	v8 =	vmul.f32 v8, v52;
	v60 =	vor.u32 v38, v55;
	[tilespmem:v56+s30+$0x0] =	vst.idx.add.f32.msk $0xffff, v7  }
0x8be: {  	v61 =	vmul.f32 v9, v52;
	v62 =	vor.u32 v35, v55;
	v38 =	vor.u32 v30, v55;
	v30 =	vld [tilespmem:$0x1FD60]  }
0x8bf: {  	v9 =	vor.u32 v40, v55;
	[tilespmem:v57+s30+$0x0] =	vst.idx.add.f32.msk $0xffff, v8  }
0x8c0: {  	v6 =	vmul.f32 v6, v52;
	v3 =	vor.u32 v10, v55;
	[tilespmem:v58+s30+$0x0] =	vst.idx.add.f32.msk $0xffff, v61  }
0x8c1: {  	v11 =	vmul.f32 v11, v52;
	[tilespmem:v4+s30+$0x0] =	vst.idx.add.f32.msk $0xffff, v63;
	v4 =	vor.u32 v12, v55  }
0x8c2: {  	v13 =	vmul.f32 v13, v52;
	[tilespmem:v60+s30+$0x0] =	vst.idx.add.f32.msk $0xffff, v6  }
0x8c3: {  	v16 =	vmul.f32 v15, v52;
	[tilespmem:v62+s30+$0x0] =	vst.idx.add.f32.msk $0xffff, v11  }
0x8c4: {  	v18 =	vmul.f32 v17, v52;
	[tilespmem:v9+s30+$0x0] =	vst.idx.add.f32.msk $0xffff, v13  }
0x8c5: {  	v19 =	vmul.f32 v19, v52;
	[tilespmem:v3+s30+$0x0] =	vst.idx.add.f32.msk $0xffff, v16  }
0x8c6: {  	[tilespmem:v4+s30+$0x0] =	vst.idx.add.f32.msk $0xffff, v18  }
0x8c7: {  	[tilespmem:v14+s30+$0x0] =	vst.idx.add.f32.msk $0xffff, v19  }
0x8c8: {  	v0 =	vld [tilespmem:s5+$0x3400]  }
0x8c9: {  	v1 =	vld [tilespmem:s5+$0x3410]  }
0x8ca: {  	v2 =	vld [tilespmem:s5+$0x3420]  }
0x8cb: {  	v3 =	vld [tilespmem:s5+$0x3430]  }
0x8cc: {  	v4 =	vld [tilespmem:s5+$0x3440]  }
0x8cd: {  	v5 =	vld [tilespmem:s5+$0x3450]  }
0x8ce: {  	v6 =	vld [tilespmem:s5+$0x3460]  }
0x8cf: {  	v7 =	vld [tilespmem:s5+$0x3470]  }
0x8d0: {  	v8 =	vld [tilespmem:s5+$0x3800]  }
0x8d1: {  	v9 =	vld [tilespmem:s5+$0x3810]  }
0x8d2: {  	v10 =	vld [tilespmem:s5+$0x3820]  }
0x8d3: {  	v11 =	vld [tilespmem:s5+$0x3830]  }
0x8d4: {  	v12 =	vld [tilespmem:s5+$0x3840]  }
0x8d5: {  	v13 =	vld [tilespmem:s5+$0x3850]  }
0x8d6: {  	v14 =	vld [tilespmem:s5+$0x3860]  }
0x8d7: {  	v15 =	vld [tilespmem:s5+$0x3870]  }
0x8d8: {  	v16 =	vld [tilespmem:s5+$0x3C00]  }
0x8d9: {  	v17 =	vld [tilespmem:s5+$0x3C10]  }
0x8da: {  	v18 =	vld [tilespmem:s5+$0x3C20]  }
0x8db: {  	v20 =	vor.u32 v31, v55;
	v19 =	vld [tilespmem:s5+$0x3C30]  }
0x8dc: {  	v56 =	vld [tilespmem:s5+$0x3C40]  }
0x8dd: {  	v58 =	vld [tilespmem:s5+$0x3C50]  }
0x8de: {  	v39 =	vor.u32 v39, v55;
	v60 =	vld [tilespmem:s5+$0x3C60];
	v0 =	vmul.f32 v0, v53  }
0x8df: {  	v62 =	vld [tilespmem:s5+$0x3C70]  }
0x8e0: {  	v1 =	vmul.f32 v1, v53;
	[tilespmem:v20+s30+$0x0] =	vst.idx.add.f32.msk $0xffff, v0  }
0x8e1: {  	v47 =	vmul.f32 v2, v53;
	v20 =	vld [tilespmem:$0x1FF90]  }
0x8e2: {  	[tilespmem:v38+s30+$0x0] =	vst.idx.add.f32.msk $0xffff, v1  }
0x8e3: {  	[tilespmem:v39+s30+$0x0] =	vst.idx.add.f32.msk $0xffff, v47  }
0x8e4: {  	v40 =	vor.u32 v30, v55;
	v39 =	vld [tilespmem:$0x1FD90]  }
0x8e5: {  	v63 =	vor.u32 v33, v55  }
0x8e6: {  	v2 =	vor.u32 v20, v55  }
0x8e7: {  	v51 =	vmul.f32 v3, v53  }
0x8e8: {  	v3 =	vor.u32 v24, v55;
	v38 =	vmul.f32 v4, v53  }
0x8e9: {  	[tilespmem:v40+s30+$0x0] =	vst.idx.add.f32.msk $0xffff, v51;
	v40 =	vmul.f32 v5, v53;
	v4 =	vor.u32 v39, v55  }
0x8ea: {  	v5 =	vor.u32 v45, v55;
	[tilespmem:v63+s30+$0x0] =	vst.idx.add.f32.msk $0xffff, v38  }
0x8eb: {  	v59 =	vor.u32 v41, v55;
	v47 =	vmul.f32 v6, v53;
	[tilespmem:v2+s30+$0x0] =	vst.idx.add.f32.msk $0xffff, v40  }
0x8ec: {  	v51 =	vor.u32 v48, v55;
	v39 =	vmul.f32 v7, v53;
	v40 =	vmul.f32 v8, v53;
	v8 =	vld [tilespmem:$0x1FF40]  }
0x8ed: {  	[tilespmem:v3+s30+$0x0] =	vst.idx.add.f32.msk $0xffff, v47;
	v47 =	vor.u32 v37, v55  }
0x8ee: {  	v9 =	vmul.f32 v9, v53;
	v38 =	vor.u32 v32, v55;
	[tilespmem:v4+s30+$0x0] =	vst.idx.add.f32.msk $0xffff, v39  }
0x8ef: {  	v39 =	vmul.f32 v10, v53;
	[tilespmem:v5+s30+$0x0] =	vst.idx.add.f32.msk $0xffff, v40  }
0x8f0: {  	v40 =	vor.u32 v49, v55;
	[tilespmem:v59+s30+$0x0] =	vst.idx.add.f32.msk $0xffff, v9;
	v59 =	vmul.f32 v11, v53  }
0x8f1: {  	v10 =	vmul.f32 v12, v53;
	[tilespmem:v51+s30+$0x0] =	vst.idx.add.f32.msk $0xffff, v39  }
0x8f2: {  	v9 =	vor.u32 v23, v55;
	[tilespmem:v47+s30+$0x0] =	vst.idx.add.f32.msk $0xffff, v59  }
0x8f3: {  	v12 =	vmul.f32 v13, v53;
	[tilespmem:v38+s30+$0x0] =	vst.idx.add.f32.msk $0xffff, v10  }
0x8f4: {  	v11 =	vor.u32 v50, v55;
	v38 =	vmul.f32 v15, v53;
	v15 =	vld [tilespmem:$0x1FF80]  }
0x8f5: {  	v14 =	vmul.f32 v14, v53;
	v13 =	vor.u32 v46, v55;
	[tilespmem:v40+s30+$0x0] =	vst.idx.add.f32.msk $0xffff, v12  }
0x8f6: {  	v0 =	vor.u32 v36, v55;
	v12 =	vld [tilespmem:$0x1FF70]  }
0x8f7: {  	[tilespmem:v9+s30+$0x0] =	vst.idx.add.f32.msk $0xffff, v14  }
0x8f8: {  	v48 =	vmul.f32 v16, v53;
	v39 =	vor.u32 v29, v55;
	v9 =	vld [tilespmem:$0x1FF60]  }
0x8f9: {  	v51 =	vor.u32 v44, v55;
	v59 =	vmul.f32 v17, v53;
	[tilespmem:v11+s30+$0x0] =	vst.idx.add.f32.msk $0xffff, v38  }
0x8fa: {  	v10 =	vor.u32 v43, v55;
	[tilespmem:v13+s30+$0x0] =	vst.idx.add.f32.msk $0xffff, v48  }
0x8fb: {  	v11 =	vmul.f32 v18, v53;
	[tilespmem:v0+s30+$0x0] =	vst.idx.add.f32.msk $0xffff, v59  }
0x8fc: {  	v14 =	vmul.f32 v19, v53;
	v59 =	vld [tilespmem:$0x1FEC0];
	v13 =	vor.u32 v12, v55  }
0x8fd: {  	v18 =	vmul.f32 v56, v53;
	v16 =	vor.u32 v15, v55;
	[tilespmem:v39+s30+$0x0] =	vst.idx.add.f32.msk $0xffff, v11  }
0x8fe: {  	[tilespmem:v51+s30+$0x0] =	vst.idx.add.f32.msk $0xffff, v14  }
0x8ff: {  	v19 =	vor.u32 v22, v55;
	v38 =	vmul.f32 v58, v53;
	[tilespmem:v10+s30+$0x0] =	vst.idx.add.f32.msk $0xffff, v18  }
0x900: {  	v39 =	vmul.f32 v60, v53;
	v18 =	vld [tilespmem:$0x1FF00]  }
0x901: {  	[tilespmem:v13+s30+$0x0] =	vst.idx.add.f32.msk $0xffff, v38  }
0x902: {  	v40 =	vmul.f32 v62, v53;
	[tilespmem:v16+s30+$0x0] =	vst.idx.add.f32.msk $0xffff, v39  }
0x903: {  	v39 =	vld [tilespmem:$0x1FF20]  }
0x904: {  	[tilespmem:v19+s30+$0x0] =	vst.idx.add.f32.msk $0xffff, v40  }
0x905: {  	v0 =	vld [tilespmem:s5+$0x3040]  }
0x906: {  	v1 =	vld [tilespmem:s5+$0x3050]  }
0x907: {  	v2 =	vld [tilespmem:s5+$0x3060]  }
0x908: {  	v3 =	vld [tilespmem:s5+$0x3070]  }
0x909: {  	v4 =	vld [tilespmem:s5+$0x3400]  }
0x90a: {  	v5 =	vld [tilespmem:s5+$0x3410]  }
0x90b: {  	v6 =	vld [tilespmem:s5+$0x3420]  }
0x90c: {  	v47 =	vor.u32 v9, v55;
	v7 =	vld [tilespmem:s5+$0x3430]  }
0x90d: {  	v48 =	vor.u32 v42, v55;
	v9 =	vld [tilespmem:s5+$0x3440]  }
0x90e: {  	v11 =	vld [tilespmem:s5+$0x3450]  }
0x90f: {  	v51 =	vor.u32 v21, v55;
	v13 =	vld [tilespmem:s5+$0x3460];
	v0 =	vmul.f32 v0, v54  }
0x910: {  	v14 =	vor.u32 v34, v55;
	v15 =	vld [tilespmem:s5+$0x3470];
	v1 =	vmul.f32 v1, v54  }
0x911: {  	[tilespmem:v47+s30+$0x0] =	vst.idx.add.f32.msk $0xffff, v0  }
0x912: {  	v16 =	vor.u32 v59, v55;
	v19 =	vmul.f32 v2, v54;
	[tilespmem:v48+s30+$0x0] =	vst.idx.add.f32.msk $0xffff, v1  }
0x913: {  	v38 =	vor.u32 v18, v55;
	v40 =	vmul.f32 v3, v54;
	v48 =	vld [tilespmem:$0x1FF30]  }
0x914: {  	[tilespmem:v51+s30+$0x0] =	vst.idx.add.f32.msk $0xffff, v19  }
0x915: {  	v47 =	vor.u32 v39, v55;
	v51 =	vmul.f32 v4, v54;
	[tilespmem:v14+s30+$0x0] =	vst.idx.add.f32.msk $0xffff, v40  }
0x916: {  	v10 =	vmul.f32 v5, v54;
	v14 =	vld [tilespmem:$0x1FF50]  }
0x917: {  	[tilespmem:v16+s30+$0x0] =	vst.idx.add.f32.msk $0xffff, v51  }
0x918: {  	v17 =	vmul.f32 v6, v54;
	[tilespmem:v38+s30+$0x0] =	vst.idx.add.f32.msk $0xffff, v10  }
0x919: {  	v38 =	vld [tilespmem:$0x1FEF0]  }
0x91a: {  	[tilespmem:v47+s30+$0x0] =	vst.idx.add.f32.msk $0xffff, v17  }
0x91b: {  	v47 =	vld [tilespmem:$0x1FF10]  }
0x91c: {  	v31 =	vld [tilespmem:$0x1FD10];
	v59 =	vor.u32 v48, v55  }
0x91d: {  	v57 =	vld [tilespmem:$0x1FFB0];
	v12 =	vor.u32 v8, v55  }
0x91e: {  	v24 =	vld [tilespmem:$0x1FED0];
	v18 =	vor.u32 v14, v55  }
0x91f: {  	v56 =	vld [tilespmem:$0x1FFA0];
	v19 =	vmul.f32 v7, v54;
	v39 =	vor.u32 v38, v55  }
0x920: {  	p1 =	por p0, p0;
	v58 =	vld [tilespmem:$0x1FFC0];
	v40 =	vmul.f32 v9, v54;
	v48 =	vor.u32 v47, v55  }
.Ltmp3:
0x921: {  	v51 =	vmul.f32 v11, v54;
	[tilespmem:v59+s30+$0x0] =	vst.idx.add.f32.msk $0xffff, v19;
	(pc) =	sbr.rel @p1 .LBB2_9-.Ltmp3, $4  }
0x922: {  	v55 =	vmul.f32 v13, v54;
	[tilespmem:v12+s30+$0x0] =	vst.idx.add.f32.msk $0xffff, v40  }
0x923: {  	v61 =	vmov v26;
	v33 =	vmov v35;
	v59 =	vmul.f32 v15, v54;
	[tilespmem:v18+s30+$0x0] =	vst.idx.add.f32.msk $0xffff, v51  }
0x924: {  	v36 =	vmovc v37;
	v63 =	vmovc v28;
	v46 =	vmov v41;
	v50 =	vmov v45;
	v44 =	vmov v32;
	[tilespmem:v39+s30+$0x0] =	vst.idx.add.f32.msk $0xffff, v55  }
0x925: {  	p0 =	por $0x0, $0x0;
	v43 =	vmovc v49;
	v62 =	vmovc v27;
	v42 =	vmov v29;
	v60 =	vmov v25;
	v21 =	vmov v22;
	s5 =	simm.s32 $0x4;
	[tilespmem:v48+s30+$0x0] =	vst.idx.add.f32.msk $0xffff, v59  }
0x926: {  	s20 =	sadd.s32 $0x1, s20  }
0x927: {  	p0 =	sne.s32 s20, $0x8  }
.Ltmp4:
0x928: {  	_ = 	snop;
	(pc) =	sbr.rel @p0 .LBB2_2-.Ltmp4, $4  }
0x929: {  	s5 =	sadd.s32 s3, s11  }
0x92a: {  	[hbm4b:s5+s4] =	stream.linear.scatter [tilespmem:s29], [sflag:$0xC], $0x1000, $0x38;
	[tilespmem:$0x10080] =	vst v63  }
0x92b: {  	s22 =	sadd.s32 s3, s22  }
0x92c: {  	[hbm4b:s22+s4] =	stream.linear.scatter [tilespmem:s30], [sflag:$0x10], $0x3000, $0x38;
	[tilespmem:$0x10080] =	vst v63  }
0x92d: {  	s5 =	simm.s32 $0x9  }
0x92e: {  	_ =	swait.ge [sflag:s5], $0x1000  }
0x92f: {  	[sflag:s5] =	ssyncset.done $0x0  }
0x930: {  	s10 =	simm.s32 $0xD;
	[sflag:s5] =	ssyncadd.s32 $0xFFFFF000  }
0x931: {  	_ =	swait.ge [sflag:s10], $0x3000  }
0x932: {  	[sflag:s10] =	ssyncset.done $0x0  }
0x933: {  	s11 =	simm.s32 $0xA;
	[sflag:s10] =	ssyncadd.s32 $0xFFFFD000  }
0x934: {  	_ =	swait.ge [sflag:s11], $0x1000  }
0x935: {  	[sflag:s11] =	ssyncset.done $0x0  }
0x936: {  	s12 =	simm.s32 $0xE;
	[sflag:s11] =	ssyncadd.s32 $0xFFFFF000  }
0x937: {  	_ =	swait.ge [sflag:s12], $0x3000  }
0x938: {  	[sflag:s12] =	ssyncset.done $0x0  }
0x939: {  	s13 =	simm.s32 $0xB;
	[sflag:s12] =	ssyncadd.s32 $0xFFFFD000  }
0x93a: {  	_ =	swait.ge [sflag:s13], $0x1000  }
0x93b: {  	[sflag:s13] =	ssyncset.done $0x0  }
0x93c: {  	s18 =	simm.s32 $0xF;
	[sflag:s13] =	ssyncadd.s32 $0xFFFFF000  }
0x93d: {  	_ =	swait.ge [sflag:s18], $0x3000  }
0x93e: {  	[sflag:s18] =	ssyncset.done $0x0  }
0x93f: {  	s20 =	simm.s32 $0xC;
	[sflag:s18] =	ssyncadd.s32 $0xFFFFD000  }
0x940: {  	_ =	swait.ge [sflag:s20], $0x1000  }
0x941: {  	[sflag:s20] =	ssyncset.done $0x0  }
0x942: {  	s9 =	simm.s32 $0x10;
	[sflag:s20] =	ssyncadd.s32 $0xFFFFF000  }
0x943: {  	_ =	swait.ge [sflag:s9], $0x3000  }
0x944: {  	s10 =	rddreg [dreg:$0xd]  }
0x945: {  	s22 =	rddreg [dreg:$0xc];
	s10 =	sadd.s32 $0x1, s10  }
0x946: {  	p0 =	sne.s32 s10, s22  }
.Ltmp5:
0x947: {  	_ = 	snop;
	(pc) =	sbr.rel @p0 .LBB2_1-.Ltmp5, $3  }
0x948: {  	_ =	sdelay $0x1  }
0x949: {  	[sflag:s9] =	ssyncset.done $0x0  }
0x94a: {  	[sflag:s9] =	ssyncadd.s32 $0xFFFFD000  }
0x94b: {  	_ =	sfence.sel $0x180000  }
0x94c: {  	[bflag:$0x0] =	sbarrier.arrive $0xFFFF  }
0x94d: {  	_ =	strace $0x90000047  }
0x94e: {  	s0 =	stileid.u32;
	[bflag:$0x2] =	sbarrier.arrive $0xFFFF  }
0x94f: {  	p0 =	sne.s32 s0, $0x0;
	s0 =	rddreg [dreg:$0x3]  }
0x950: {  	s0 =	sadd.s32 @!p0 $0x100000, s0  }
0x951: {  	[sflag:s0] =	ssyncadd.tile.s32 @!p0 $0x1;
	_ =	shalt  }
.Lfunc_end2:
_tile_overlayer_lowered:
.L_overlay_start_2:
0x952: {  	(tag) =	ssettag $0x2  }
0x953: {  	s0 =	rddreg [dreg:$0x0];
	s2 =	stileid.u32  }
0x954: {  	s1 =	rddreg [dreg:$0x1];
	p0 =	sne.s32 s2, $0x0  }
0x955: {  	s3 =	rddreg [dreg:$0x2];
	[bflag:$0x3] =	sbarrier.arrive $0xFFFF;
	s2 =	simm.s32 @!p0 $0x1C11  }
0x956: {  	[timem:s3], [sflag:s2] =	dma.local @!p0 [hbm:s0], s1  }
0x957: {  	s0 =	simm.s32 @!p0 $0x11  }
0x958: {  	_ =	swait.ge @!p0 [sflag:s0], s1  }
0x959: {  	s1 =	ssub.s32 @!p0 $0x0, s1;
	[sflag:s0] =	ssyncset.done @!p0 $0x0  }
0x95a: {  	[sflag:s0] =	ssyncadd.s32 @!p0 s1  }
0x95b: {  	[bflag:$0x3] =	sbarrier.arrive $0xFFFF  }
0x95c: {  	_ =	shalt  }

</sc_bundles>
